<compile_context>
chip_gen: v7x
topology: tpu7x:2x2x1
jax: 0.10.2.dev20260603
libtpu: 0.0.44.dev20260713+nightly
codegen_flags: <defaults>
</compile_context>

<pallas_src>
import functools

import jax
import jax.numpy as jnp
from jax import lax
from jax.experimental import pallas as pl
from jax.experimental.pallas import tpu as pltpu
from jax.experimental.pallas import tpu_sc as plsc

_C = 128
_NW = 32


def _leaky(v):
    return jnp.where(v >= 0, v, 0.01 * v)


def _ceil_to(v, m):
    return -(-v // m) * m


def _sc_gather(table, idx, width):
    nchunks = idx.shape[1]
    ep = _NW * nchunks * _C
    mesh = plsc.VectorSubcoreMesh(core_axis_name="c", subcore_axis_name="s")

    @functools.partial(
        pl.kernel,
        mesh=mesh,
        out_type=jax.ShapeDtypeStruct((ep, width), jnp.float32),
        scratch_types=[
            pltpu.VMEM((nchunks, _C), jnp.int32),
            pltpu.VMEM((_C, width), jnp.float32),
            pltpu.SemaphoreType.DMA,
        ],
    )
    def k(table_hbm, idx_hbm, out_hbm, idx_v, rows_v, sem):
        cid = lax.axis_index("c")
        sid = lax.axis_index("s")
        wid = sid * 2 + cid
        base0 = wid * nchunks * _C
        pltpu.sync_copy(idx_hbm.at[wid], idx_v)

        def body(j, _):
            pltpu.async_copy(table_hbm.at[idx_v.at[j]], rows_v, sem).wait()
            pltpu.sync_copy(rows_v, out_hbm.at[pl.ds(base0 + j * _C, _C)])
            return 0

        lax.fori_loop(0, nchunks, body, 0)

    return k(table, idx)


def _sc_scatter(msg, dst, zeros_acc, nrows):
    nchunks = dst.shape[1]
    rows_pt = nrows // 16
    mesh = plsc.VectorSubcoreMesh(core_axis_name="c", subcore_axis_name="s")

    nstripes = rows_pt // _C
    tail = rows_pt % _C

    @functools.partial(
        pl.kernel,
        mesh=mesh,
        out_type=jax.ShapeDtypeStruct((2 * nrows, 128), jnp.float32),
        scratch_types=[
            pltpu.VMEM((nchunks, _C), jnp.int32),
            pltpu.VMEM((_C, 128), jnp.float32),
            pltpu.VMEM_SHARED((nrows, 128), jnp.float32),
            pltpu.SemaphoreType.DMA,
        ],
    )
    def k(msg_hbm, dst_hbm, z_hbm, out_hbm, idx_v, mbuf, acc_sh, sem):
        cid = lax.axis_index("c")
        sid = lax.axis_index("s")
        wid = sid * 2 + cid
        r0 = sid * rows_pt
        pltpu.sync_copy(z_hbm, mbuf)

        def zbody(j, _):
            pltpu.async_copy(mbuf, acc_sh.at[pl.ds(r0 + j * _C, _C)], sem).wait()
            return 0

        lax.fori_loop(0, nstripes, zbody, 0)
        if tail:
            pltpu.async_copy(mbuf.at[pl.ds(0, tail)],
                             acc_sh.at[pl.ds(r0 + nstripes * _C, tail)],
                             sem).wait()
        base0 = wid * nchunks * _C
        pltpu.sync_copy(dst_hbm.at[wid], idx_v)
        plsc.subcore_barrier()

        def body(j, _):
            pltpu.sync_copy(msg_hbm.at[pl.ds(base0 + j * _C, _C)], mbuf)
            pltpu.sync_copy(mbuf, acc_sh.at[idx_v.at[j]], add=True)
            return 0

        lax.fori_loop(0, nchunks, body, 0)
        plsc.subcore_barrier()

        def obody(j, _):
            pltpu.async_copy(acc_sh.at[pl.ds(r0 + j * _C, _C)], mbuf, sem).wait()
            pltpu.sync_copy(mbuf,
                            out_hbm.at[pl.ds(cid * nrows + r0 + j * _C, _C)])
            return 0

        lax.fori_loop(0, nstripes, obody, 0)
        if tail:
            pltpu.async_copy(acc_sh.at[pl.ds(r0 + nstripes * _C, tail)],
                             mbuf.at[pl.ds(0, tail)], sem).wait()
            pltpu.sync_copy(
                mbuf.at[pl.ds(0, tail)],
                out_hbm.at[pl.ds(cid * nrows + r0 + nstripes * _C, tail)])

    return k(msg, dst, zeros_acc)


def _tc_msg(ea_b, xj, win, wa_b, ba, wb_b, bb, out_w, mask, mimic_bf16,
            be=256):
    ep, ed = ea_b.shape
    wx = xj.shape[1]
    kk = wa_b.shape[1]
    grid = ep // be
    bf = jnp.bfloat16
    f32 = jnp.float32

    def body(ea_ref, xj_ref, wa_ref, ba_ref, wb_ref, bb_ref, m_ref, out_ref):
        h = _leaky(jnp.dot(ea_ref[...], wa_ref[...],
                           preferred_element_type=f32) + ba_ref[...])
        w = jnp.dot(h.astype(bf), wb_ref[...],
                    preferred_element_type=f32) + bb_ref[...]
        xq = xj_ref[...]
        if mimic_bf16:
            w = w.astype(bf).astype(f32)
            xq = xq.astype(bf).astype(f32)
        msg = jnp.zeros((be, out_w), f32)
        for i in range(win):
            msg = msg + xq[:, i:i + 1] * w[:, i * out_w:(i + 1) * out_w]
        out_ref[...] = jnp.tile(msg, (1, 128 // out_w)) * m_ref[...]

    return pl.pallas_call(
        body,
        grid=(grid,),
        in_specs=[
            pl.BlockSpec((be, ed), lambda i: (i, 0)),
            pl.BlockSpec((be, wx), lambda i: (i, 0)),
            pl.BlockSpec((ed, kk), lambda i: (0, 0)),
            pl.BlockSpec((1, kk), lambda i: (0, 0)),
            pl.BlockSpec((kk, win * out_w), lambda i: (0, 0)),
            pl.BlockSpec((1, win * out_w), lambda i: (0, 0)),
            pl.BlockSpec((be, 128), lambda i: (i, 0)),
        ],
        out_specs=pl.BlockSpec((be, 128), lambda i: (i, 0)),
        out_shape=jax.ShapeDtypeStruct((ep, 128), jnp.float32),
    )(ea_b, xj, wa_b, ba, wb_b, bb, mask)


def _tc_combine(agg0, agg1, cnt0, cnt1, xprev, p, xf, root, bias):
    nt, w = agg0.shape
    wx = xprev.shape[1]
    nd = xf.shape[1]
    bn = 256
    grid = nt // bn

    def body(a0, a1, c0, c1, x_ref, xf_ref, root_ref, bias_ref, out_ref):
        agg = a0[...] + a1[...]
        cnt = c0[:, :1] + c1[:, :1]
        d = _leaky(agg / jnp.maximum(cnt, 1.0)
                   + jnp.dot(x_ref[:, :p].astype(jnp.bfloat16), root_ref[...],
                             preferred_element_type=jnp.float32)
                   + bias_ref[...])
        pad = jnp.zeros((bn, 128 - w - nd), jnp.float32)
        out_ref[...] = jnp.concatenate([d, xf_ref[...], pad], axis=-1)

    return pl.pallas_call(
        body,
        grid=(grid,),
        in_specs=[
            pl.BlockSpec((bn, w), lambda i: (i, 0)),
            pl.BlockSpec((bn, w), lambda i: (i, 0)),
            pl.BlockSpec((bn, 16), lambda i: (i, 0)),
            pl.BlockSpec((bn, 16), lambda i: (i, 0)),
            pl.BlockSpec((bn, wx), lambda i: (i, 0)),
            pl.BlockSpec((bn, nd), lambda i: (i, 0)),
            pl.BlockSpec((p, w), lambda i: (0, 0)),
            pl.BlockSpec((1, w), lambda i: (0, 0)),
        ],
        out_specs=pl.BlockSpec((bn, 128), lambda i: (i, 0)),
        out_shape=jax.ShapeDtypeStruct((nt, 128), jnp.float32),
    )(agg0, agg1, cnt0, cnt1, xprev, xf, root, bias)


def _tc_final(agg0, agg1, cnt0, cnt1, xprev, p, gum, root, bias):
    nt, w = agg0.shape
    wx = xprev.shape[1]
    bn = 256
    grid = nt // bn

    def body(a0, a1, c0, c1, x_ref, g_ref, root_ref, bias_ref, out_ref):
        agg = a0[...] + a1[...]
        cnt = c0[:, :1] + c1[:, :1]
        d = _leaky(agg / jnp.maximum(cnt, 1.0)
                   + jnp.dot(x_ref[:, :p].astype(jnp.bfloat16), root_ref[...],
                             preferred_element_type=jnp.float32)
                   + bias_ref[...])
        y = d + g_ref[...]
        m = jnp.min(y, axis=-1, keepdims=True)
        col = lax.broadcasted_iota(jnp.int32, (bn, w), 1)
        jm = jnp.min(jnp.where(y <= m, col, w), axis=-1, keepdims=True)
        out_ref[...] = (col == jm).astype(jnp.float32)

    return pl.pallas_call(
        body,
        grid=(grid,),
        in_specs=[
            pl.BlockSpec((bn, w), lambda i: (i, 0)),
            pl.BlockSpec((bn, w), lambda i: (i, 0)),
            pl.BlockSpec((bn, 16), lambda i: (i, 0)),
            pl.BlockSpec((bn, 16), lambda i: (i, 0)),
            pl.BlockSpec((bn, wx), lambda i: (i, 0)),
            pl.BlockSpec((bn, w), lambda i: (i, 0)),
            pl.BlockSpec((p, w), lambda i: (0, 0)),
            pl.BlockSpec((1, w), lambda i: (0, 0)),
        ],
        out_specs=pl.BlockSpec((bn, w), lambda i: (i, 0)),
        out_shape=jax.ShapeDtypeStruct((nt, w), jnp.float32),
    )(agg0, agg1, cnt0, cnt1, xprev, gum, root, bias)


def kernel(x, edge_index, edge_attr, w1a, b1a, w1b, b1b, root1, bias1,
           w2a, b2a, w2b, b2b, root2, bias2, w3a, b3a, w3b, b3b, root3, bias3):
    n, nd = x.shape
    e = edge_index.shape[1]
    ep = _ceil_to(e, _NW * _C)
    nt = _ceil_to(n + 1, 2048)

    xf = jnp.zeros((nt, nd), jnp.float32).at[:n].set(x.astype(jnp.float32))
    xf128 = jnp.zeros((nt, 128), jnp.float32).at[:, :nd].set(xf)
    nch = ep // (_NW * _C)
    src = jnp.zeros((ep,), jnp.int32).at[:e].set(
        edge_index[0].astype(jnp.int32)).reshape(_NW, nch, _C)
    dst = jnp.full((ep,), n, jnp.int32).at[:e].set(
        edge_index[1].astype(jnp.int32))
    ea = jnp.zeros((ep, edge_attr.shape[1]), jnp.float32).at[:e].set(edge_attr)

    dst2 = (dst // 2).reshape(_NW, nch, _C)
    dst8 = (dst // 8).reshape(_NW, nch, _C)
    mask2 = jnp.repeat(jax.nn.one_hot(dst % 2, 2, dtype=jnp.float32), 64, axis=1)
    mask8 = jnp.repeat(jax.nn.one_hot(dst % 8, 8, dtype=jnp.float32), 16, axis=1)
    z128 = jnp.zeros((_C, 128), jnp.float32)

    u = jax.random.uniform(jax.random.key(42), (n, nd), minval=1e-10, maxval=1.0)
    gum = jnp.zeros((nt, nd), jnp.float32).at[:n].set(-jnp.log(-jnp.log(u)))

    bf = jnp.bfloat16
    ea_b = ea.astype(bf)
    r2 = nt // 2
    r8 = nt // 8

    cntp = _sc_scatter(mask8, dst8, z128, r8)
    cnt0 = cntp[:r8].reshape(nt, 16)
    cnt1 = cntp[r8:].reshape(nt, 16)

    xj = _sc_gather(xf128, src, 128)
    msg = _tc_msg(ea_b, xj, nd, w1a.astype(bf), b1a[None, :],
                  w1b.astype(bf), b1b[None, :], 64, mask2, True)
    agg = _sc_scatter(msg, dst2, z128, r2)
    x2 = _tc_combine(agg[:r2].reshape(nt, 64), agg[r2:].reshape(nt, 64),
                     cnt0, cnt1, xf, nd, xf,
                     root1.astype(bf), bias1[None, :])

    xj = _sc_gather(x2, src, 128)
    msg = _tc_msg(ea_b, xj, 64 + nd, w2a.astype(bf), b2a[None, :],
                  w2b.astype(bf), b2b[None, :], 64, mask2, True)
    agg = _sc_scatter(msg, dst2, z128, r2)
    x3 = _tc_combine(agg[:r2].reshape(nt, 64), agg[r2:].reshape(nt, 64),
                     cnt0, cnt1, x2, 64 + nd, xf,
                     root2.astype(bf), bias2[None, :])

    xj = _sc_gather(x3, src, 128)
    msg = _tc_msg(ea_b, xj, 64 + nd, w3a.astype(bf), b3a[None, :],
                  w3b.astype(bf), b3b[None, :], nd, mask8, True)
    agg = _sc_scatter(msg, dst8, z128, r8)
    out = _tc_final(agg[:r8].reshape(nt, 16), agg[r8:].reshape(nt, 16),
                    cnt0, cnt1, x3, 64 + nd, gum,
                    root3.astype(bf), bias3[None, :])
    return out[:n]

# --- scband reference (transcript-rebuilt; emitter-appended) ---
"""Pipeline reference for scband-graph-ecc-71811853189357 (READ-ONLY COPY).

The authoritative reference and input builder live on the scoring server;
editing this copy changes nothing except your own understanding.
"""

import jax, jax.numpy as jnp
import numpy as np

N = 20000
E = 60000
ND = 16
ED = 16


def _leaky(x, slope=0.01):
    return jnp.where(x >= 0, x, slope * x)


def setup_inputs(seed: int = 0):
    key = jax.random.key(seed)
    ks = jax.random.split(key, 24)
    s = 0.1
    inp = {}
    inp["x"] = jax.random.normal(ks[0], (N, ND), dtype=jnp.float32)
    inp["edge_index"] = jax.random.randint(ks[1], (2, E), 0, N)
    inp["edge_attr"] = jax.random.normal(ks[2], (E, ED), dtype=jnp.float32)
    inp["w1a"] = jax.random.normal(ks[3], (ED, 32), dtype=jnp.float32) * s
    inp["b1a"] = jnp.zeros((32,), jnp.float32)
    inp["w1b"] = jax.random.normal(ks[4], (32, ND * 64), dtype=jnp.float32) * s
    inp["b1b"] = jnp.zeros((ND * 64,), jnp.float32)
    inp["root1"] = jax.random.normal(ks[5], (ND, 64), dtype=jnp.float32) * s
    inp["bias1"] = jnp.zeros((64,), jnp.float32)
    inp["w2a"] = jax.random.normal(ks[6], (ED, 48), dtype=jnp.float32) * s
    inp["b2a"] = jnp.zeros((48,), jnp.float32)
    inp["w2b"] = jax.random.normal(ks[7], (48, (64 + ND) * 64), dtype=jnp.float32) * s
    inp["b2b"] = jnp.zeros(((64 + ND) * 64,), jnp.float32)
    inp["root2"] = jax.random.normal(ks[8], (64 + ND, 64), dtype=jnp.float32) * s
    inp["bias2"] = jnp.zeros((64,), jnp.float32)
    inp["w3a"] = jax.random.normal(ks[9], (ED, 64), dtype=jnp.float32) * s
    inp["b3a"] = jnp.zeros((64,), jnp.float32)
    inp["w3b"] = jax.random.normal(ks[10], (64, (64 + ND) * ND), dtype=jnp.float32) * s
    inp["b3b"] = jnp.zeros(((64 + ND) * ND,), jnp.float32)
    inp["root3"] = jax.random.normal(ks[11], (64 + ND, ND), dtype=jnp.float32) * s
    inp["bias3"] = jnp.zeros((ND,), jnp.float32)
    return inp


def _nnconv(x, edge_index, edge_attr, wa, ba, wb, bb, root, bias, in_ch, out_ch):
    # edge-conditioned conv (PyG NNConv, aggr='mean', root_weight=True)
    h = _leaky(edge_attr @ wa + ba)
    W = (h @ wb + bb).reshape(-1, in_ch, out_ch)
    src = edge_index[0]
    dst = edge_index[1]
    xj = jnp.take(x, src, axis=0)
    msg = jnp.einsum('ei,eio->eo', xj, W)
    n = x.shape[0]
    agg = jax.ops.segment_sum(msg, dst, num_segments=n)
    cnt = jax.ops.segment_sum(jnp.ones((msg.shape[0], 1), msg.dtype), dst, num_segments=n)
    agg = agg / jnp.maximum(cnt, 1.0)
    return agg + x @ root + bias


def _gumbel_softmax(logits, tau, key):
    # faithful to F.gumbel_softmax(data3, -1, hard=True): tau=-1.0, hard=True, dim=-1
    u = jax.random.uniform(key, logits.shape, minval=1e-10, maxval=1.0)
    gumbels = -jnp.log(-jnp.log(u))
    y = (logits + gumbels) / tau
    y_soft = jax.nn.softmax(y, axis=-1)
    idx = jnp.argmax(y_soft, axis=-1)
    y_hard = jax.nn.one_hot(idx, logits.shape[-1], dtype=logits.dtype)
    return jax.lax.stop_gradient(y_hard - y_soft) + y_soft


def reference(x, edge_index, edge_attr, w1a, b1a, w1b, b1b, root1, bias1, w2a, b2a, w2b, b2b, root2, bias2, w3a, b3a, w3b, b3b, root3, bias3):
    xf = x.astype(jnp.float32)
    d1 = _leaky(_nnconv(xf, edge_index, edge_attr, w1a, b1a, w1b, b1b, root1, bias1, ND, 64))
    d1 = jnp.concatenate([d1, xf], axis=-1)
    d2 = _leaky(_nnconv(d1, edge_index, edge_attr, w2a, b2a, w2b, b2b, root2, bias2, 64 + ND, 64))
    d2 = jnp.concatenate([d2, xf], axis=-1)
    d3 = _leaky(_nnconv(d2, edge_index, edge_attr, w3a, b3a, w3b, b3b, root3, bias3, 64 + ND, ND))
    return _gumbel_softmax(d3, -1.0, jax.random.key(42))

if __name__ == "__main__":
    import jax
    _d = setup_inputs()
    print(jax.jit(kernel)(*tuple(_d.values())))

</pallas_src>

<mosaic_0001>
#map = affine_map<(d0, d1) -> (0, 0)>
#map1 = affine_map<(d0, d1) -> (0, 0, 0)>
module attributes {stable_mosaic.version = 14 : i64} {
  func.func @k(%arg0: i32, %arg1: i32, %arg2: memref<20480x128xf32, #tpu.memory_space<hbm>>, %arg3: memref<32x15x128xi32, #tpu.memory_space<hbm>>, %arg4: memref<61440x128xf32, #tpu.memory_space<hbm>>, %arg5: memref<15x128xi32, #tpu.memory_space<vmem>>, %arg6: memref<128x128xf32, #tpu.memory_space<vmem>>, %arg7: memref<!tpu.dma_semaphore, #tpu.memory_space<semaphore_mem>>) attributes {dimension_semantics = [#tpu.dimension_semantics<core_parallel>, #tpu.dimension_semantics<subcore_parallel>], iteration_bounds = array<i64: 2, 16>, scalar_prefetch = 0 : i64, scratch_operands = 3 : i64, tpu.core_type = #tpu.core_type<sc_vector_subcore>, window_params = [{transform_indices = #map}, {transform_indices = #map1}, {transform_indices = #map}]} {
    %mul3A = arith.constant 2 : i32
    %mul3A_0 = arith.muli %arg1, %mul3A : i32
    %add3A = arith.addi %mul3A_0, %arg0 : i32
    %mul3A_1 = arith.constant 15 : i32
    %mul3A_2 = arith.muli %add3A, %mul3A_1 : i32
    %mul3A_3 = arith.constant 128 : i32
    %mul3A_4 = arith.muli %mul3A_2, %mul3A_3 : i32
    "tpu.region"() ({
      %run_scoped3A = tpu.sem_alloc : memref<!tpu.dma_semaphore, #tpu.memory_space<semaphore_mem>>
      %dma_start3A = arith.constant 0 : i32
      %dma_start3A_11 = arith.constant 0 : i32
      %dma_start3A_12 = tpu.memref_slice %arg3[%add3A, %dma_start3A, %dma_start3A_11] : memref<32x15x128xi32, #tpu.memory_space<hbm>> -> memref<1x15x128xi32, #tpu.memory_space<hbm>>
      %dma_start3A_13 = tpu.memref_squeeze %dma_start3A_12 : memref<1x15x128xi32, #tpu.memory_space<hbm>> -> memref<15x128xi32, #tpu.memory_space<hbm>>
      %dma_start3A_14 = arith.constant 0 : i32
      %dma_start3A_15 = arith.constant 0 : i32
      %dma_start3A_16 = tpu.memref_slice %arg3[%add3A, %dma_start3A_14, %dma_start3A_15] : memref<32x15x128xi32, #tpu.memory_space<hbm>> -> memref<1x15x128xi32, #tpu.memory_space<hbm>>
      %dma_start3A_17 = tpu.memref_squeeze %dma_start3A_16 : memref<1x15x128xi32, #tpu.memory_space<hbm>> -> memref<15x128xi32, #tpu.memory_space<hbm>>
      tpu.enqueue_dma source(%dma_start3A_17 : memref<15x128xi32, #tpu.memory_space<hbm>>) target(%arg5 : memref<15x128xi32, #tpu.memory_space<vmem>>) target_semaphore(%run_scoped3A : memref<!tpu.dma_semaphore, #tpu.memory_space<semaphore_mem>>)
      %dma_wait3A = arith.constant 0 : i32
      %dma_wait3A_18 = arith.constant 0 : i32
      %dma_wait3A_19 = tpu.memref_slice %arg3[%add3A, %dma_wait3A, %dma_wait3A_18] : memref<32x15x128xi32, #tpu.memory_space<hbm>> -> memref<1x15x128xi32, #tpu.memory_space<hbm>>
      %dma_wait3A_20 = tpu.memref_squeeze %dma_wait3A_19 : memref<1x15x128xi32, #tpu.memory_space<hbm>> -> memref<15x128xi32, #tpu.memory_space<hbm>>
      %dma_wait3A_21 = arith.constant 0 : i32
      %dma_wait3A_22 = arith.constant 0 : i32
      %dma_wait3A_23 = tpu.memref_slice %arg3[%add3A, %dma_wait3A_21, %dma_wait3A_22] : memref<32x15x128xi32, #tpu.memory_space<hbm>> -> memref<1x15x128xi32, #tpu.memory_space<hbm>>
      %dma_wait3A_24 = tpu.memref_squeeze %dma_wait3A_23 : memref<1x15x128xi32, #tpu.memory_space<hbm>> -> memref<15x128xi32, #tpu.memory_space<hbm>>
      tpu.wait_dma2 semaphore(%run_scoped3A : memref<!tpu.dma_semaphore, #tpu.memory_space<semaphore_mem>>) src(%dma_wait3A_24 : memref<15x128xi32, #tpu.memory_space<hbm>>) dst(%arg5 : memref<15x128xi32, #tpu.memory_space<vmem>>)
      tpu.yield
    }) : () -> ()
    %scan3A = arith.constant 0 : i32
    %scan3A_5 = arith.constant 0 : i32
    %scan3A_6 = arith.constant 15 : i32
    %scan3A_7 = arith.addi %scan3A_5, %scan3A_6 : i32
    %scan3A_8 = arith.constant 1 : i32
    %scan3A_9 = scf.for %scan3A_11 = %scan3A_5 to %scan3A_7 step %scan3A_8 iter_args(%scan3A_12 = %scan3A) -> (i32)  : i32 {
      %dma_start3A = arith.constant 0 : i32
      %dma_start3A_13 = tpu.memref_slice %arg5[%scan3A_11, %dma_start3A] : memref<15x128xi32, #tpu.memory_space<vmem>> -> memref<1x128xi32, #tpu.memory_space<vmem>>
      %dma_start3A_14 = tpu.memref_squeeze %dma_start3A_13 : memref<1x128xi32, #tpu.memory_space<vmem>> -> memref<128xi32, #tpu.memory_space<vmem>>
      %dma_start3A_15 = arith.constant 0 : i32
      %dma_start3A_16 = arith.constant 0 : i32
      %dma_start3A_17 = tpu.memref_slice %arg2[%dma_start3A_15, %dma_start3A_16] : memref<20480x128xf32, #tpu.memory_space<hbm>> -> memref<20480x128xf32, #tpu.memory_space<hbm>>
      tpu.enqueue_indirect_dma source(%dma_start3A_17 : memref<20480x128xf32, #tpu.memory_space<hbm>>) target(%arg6 : memref<128x128xf32, #tpu.memory_space<vmem>>) offsets(%dma_start3A_14 : memref<128xi32, #tpu.memory_space<vmem>>) semaphore(%arg7 : memref<!tpu.dma_semaphore, #tpu.memory_space<semaphore_mem>>)
      %dma_wait3A = arith.constant 0 : i32
      %dma_wait3A_18 = tpu.memref_slice %arg5[%scan3A_11, %dma_wait3A] : memref<15x128xi32, #tpu.memory_space<vmem>> -> memref<1x128xi32, #tpu.memory_space<vmem>>
      %dma_wait3A_19 = tpu.memref_squeeze %dma_wait3A_18 : memref<1x128xi32, #tpu.memory_space<vmem>> -> memref<128xi32, #tpu.memory_space<vmem>>
      %dma_wait3A_20 = arith.constant 0 : i32
      %dma_wait3A_21 = arith.constant 0 : i32
      %dma_wait3A_22 = tpu.memref_slice %arg2[%dma_wait3A_20, %dma_wait3A_21] : memref<20480x128xf32, #tpu.memory_space<hbm>> -> memref<20480x128xf32, #tpu.memory_space<hbm>>
      tpu.wait_indirect_dma semaphore(%arg7 : memref<!tpu.dma_semaphore, #tpu.memory_space<semaphore_mem>>) src(%dma_wait3A_22 : memref<20480x128xf32, #tpu.memory_space<hbm>>) dst(%arg6 : memref<128x128xf32, #tpu.memory_space<vmem>>)
      %mul3A_23 = arith.constant 128 : i32
      %mul3A_24 = arith.muli %scan3A_11, %mul3A_23 : i32
      %add3A_25 = arith.addi %mul3A_4, %mul3A_24 : i32
      "tpu.region"() ({
        %run_scoped3A = tpu.sem_alloc : memref<!tpu.dma_semaphore, #tpu.memory_space<semaphore_mem>>
        %dma_start3A_27 = arith.constant 0 : i32
        %dma_start3A_28 = tpu.memref_slice %arg4[%add3A_25, %dma_start3A_27] : memref<61440x128xf32, #tpu.memory_space<hbm>> -> memref<128x128xf32, #tpu.memory_space<hbm>>
        %dma_start3A_29 = arith.constant 0 : i32
        %dma_start3A_30 = tpu.memref_slice %arg4[%add3A_25, %dma_start3A_29] : memref<61440x128xf32, #tpu.memory_space<hbm>> -> memref<128x128xf32, #tpu.memory_space<hbm>>
        tpu.enqueue_dma source(%arg6 : memref<128x128xf32, #tpu.memory_space<vmem>>) target(%dma_start3A_30 : memref<128x128xf32, #tpu.memory_space<hbm>>) target_semaphore(%run_scoped3A : memref<!tpu.dma_semaphore, #tpu.memory_space<semaphore_mem>>)
        %dma_wait3A_31 = arith.constant 0 : i32
        %dma_wait3A_32 = tpu.memref_slice %arg4[%add3A_25, %dma_wait3A_31] : memref<61440x128xf32, #tpu.memory_space<hbm>> -> memref<128x128xf32, #tpu.memory_space<hbm>>
        %dma_wait3A_33 = arith.constant 0 : i32
        %dma_wait3A_34 = tpu.memref_slice %arg4[%add3A_25, %dma_wait3A_33] : memref<61440x128xf32, #tpu.memory_space<hbm>> -> memref<128x128xf32, #tpu.memory_space<hbm>>
        tpu.wait_dma2 semaphore(%run_scoped3A : memref<!tpu.dma_semaphore, #tpu.memory_space<semaphore_mem>>) src(%arg6 : memref<128x128xf32, #tpu.memory_space<vmem>>) dst(%dma_wait3A_34 : memref<128x128xf32, #tpu.memory_space<hbm>>)
        tpu.yield
      }) : () -> ()
      %scan3A_26 = arith.constant 0 : i32
      scf.yield %scan3A_26 : i32
    }
    %scan3A_10 = arith.constant 15 : i32
    return
  }
}

#map = affine_map<(d0, d1) -> (0, 0)>
#map1 = affine_map<(d0, d1) -> (0, 0, 0)>
module attributes {stable_mosaic.version = 14 : i64} {
  func.func @k(%arg0: i32, %arg1: i32, %arg2: memref<20480x128xf32, #tpu.memory_space<hbm>>, %arg3: memref<32x15x128xi32, #tpu.memory_space<hbm>>, %arg4: memref<61440x128xf32, #tpu.memory_space<hbm>>, %arg5: memref<15x128xi32, #tpu.memory_space<vmem>>, %arg6: memref<128x128xf32, #tpu.memory_space<vmem>>, %arg7: memref<!tpu.dma_semaphore, #tpu.memory_space<semaphore_mem>>) attributes {dimension_semantics = [#tpu.dimension_semantics<core_parallel>, #tpu.dimension_semantics<subcore_parallel>], iteration_bounds = array<i64: 2, 16>, scalar_prefetch = 0 : i64, scratch_operands = 3 : i64, tpu.core_type = #tpu.core_type<sc_vector_subcore>, window_params = [{transform_indices = #map}, {transform_indices = #map1}, {transform_indices = #map}]} {
    %mul3A = arith.constant 2 : i32
    %mul3A_0 = arith.muli %arg1, %mul3A : i32
    %add3A = arith.addi %mul3A_0, %arg0 : i32
    %mul3A_1 = arith.constant 15 : i32
    %mul3A_2 = arith.muli %add3A, %mul3A_1 : i32
    %mul3A_3 = arith.constant 128 : i32
    %mul3A_4 = arith.muli %mul3A_2, %mul3A_3 : i32
    "tpu.region"() ({
      %run_scoped3A = tpu.sem_alloc : memref<!tpu.dma_semaphore, #tpu.memory_space<semaphore_mem>>
      %dma_start3A = arith.constant 0 : i32
      %dma_start3A_11 = arith.constant 0 : i32
      %dma_start3A_12 = tpu.memref_slice %arg3[%add3A, %dma_start3A, %dma_start3A_11] : memref<32x15x128xi32, #tpu.memory_space<hbm>> -> memref<1x15x128xi32, #tpu.memory_space<hbm>>
      %dma_start3A_13 = tpu.memref_squeeze %dma_start3A_12 : memref<1x15x128xi32, #tpu.memory_space<hbm>> -> memref<15x128xi32, #tpu.memory_space<hbm>>
      %dma_start3A_14 = arith.constant 0 : i32
      %dma_start3A_15 = arith.constant 0 : i32
      %dma_start3A_16 = tpu.memref_slice %arg3[%add3A, %dma_start3A_14, %dma_start3A_15] : memref<32x15x128xi32, #tpu.memory_space<hbm>> -> memref<1x15x128xi32, #tpu.memory_space<hbm>>
      %dma_start3A_17 = tpu.memref_squeeze %dma_start3A_16 : memref<1x15x128xi32, #tpu.memory_space<hbm>> -> memref<15x128xi32, #tpu.memory_space<hbm>>
      tpu.enqueue_dma source(%dma_start3A_17 : memref<15x128xi32, #tpu.memory_space<hbm>>) target(%arg5 : memref<15x128xi32, #tpu.memory_space<vmem>>) target_semaphore(%run_scoped3A : memref<!tpu.dma_semaphore, #tpu.memory_space<semaphore_mem>>)
      %dma_wait3A = arith.constant 0 : i32
      %dma_wait3A_18 = arith.constant 0 : i32
      %dma_wait3A_19 = tpu.memref_slice %arg3[%add3A, %dma_wait3A, %dma_wait3A_18] : memref<32x15x128xi32, #tpu.memory_space<hbm>> -> memref<1x15x128xi32, #tpu.memory_space<hbm>>
      %dma_wait3A_20 = tpu.memref_squeeze %dma_wait3A_19 : memref<1x15x128xi32, #tpu.memory_space<hbm>> -> memref<15x128xi32, #tpu.memory_space<hbm>>
      %dma_wait3A_21 = arith.constant 0 : i32
      %dma_wait3A_22 = arith.constant 0 : i32
      %dma_wait3A_23 = tpu.memref_slice %arg3[%add3A, %dma_wait3A_21, %dma_wait3A_22] : memref<32x15x128xi32, #tpu.memory_space<hbm>> -> memref<1x15x128xi32, #tpu.memory_space<hbm>>
      %dma_wait3A_24 = tpu.memref_squeeze %dma_wait3A_23 : memref<1x15x128xi32, #tpu.memory_space<hbm>> -> memref<15x128xi32, #tpu.memory_space<hbm>>
      tpu.wait_dma2 semaphore(%run_scoped3A : memref<!tpu.dma_semaphore, #tpu.memory_space<semaphore_mem>>) src(%dma_wait3A_24 : memref<15x128xi32, #tpu.memory_space<hbm>>) dst(%arg5 : memref<15x128xi32, #tpu.memory_space<vmem>>)
      tpu.yield
    }) : () -> ()
    %scan3A = arith.constant 0 : i32
    %scan3A_5 = arith.constant 0 : i32
    %scan3A_6 = arith.constant 15 : i32
    %scan3A_7 = arith.addi %scan3A_5, %scan3A_6 : i32
    %scan3A_8 = arith.constant 1 : i32
    %scan3A_9 = scf.for %scan3A_11 = %scan3A_5 to %scan3A_7 step %scan3A_8 iter_args(%scan3A_12 = %scan3A) -> (i32)  : i32 {
      %dma_start3A = arith.constant 0 : i32
      %dma_start3A_13 = tpu.memref_slice %arg5[%scan3A_11, %dma_start3A] : memref<15x128xi32, #tpu.memory_space<vmem>> -> memref<1x128xi32, #tpu.memory_space<vmem>>
      %dma_start3A_14 = tpu.memref_squeeze %dma_start3A_13 : memref<1x128xi32, #tpu.memory_space<vmem>> -> memref<128xi32, #tpu.memory_space<vmem>>
      %dma_start3A_15 = arith.constant 0 : i32
      %dma_start3A_16 = arith.constant 0 : i32
      %dma_start3A_17 = tpu.memref_slice %arg2[%dma_start3A_15, %dma_start3A_16] : memref<20480x128xf32, #tpu.memory_space<hbm>> -> memref<20480x128xf32, #tpu.memory_space<hbm>>
      tpu.enqueue_indirect_dma source(%dma_start3A_17 : memref<20480x128xf32, #tpu.memory_space<hbm>>) target(%arg6 : memref<128x128xf32, #tpu.memory_space<vmem>>) offsets(%dma_start3A_14 : memref<128xi32, #tpu.memory_space<vmem>>) semaphore(%arg7 : memref<!tpu.dma_semaphore, #tpu.memory_space<semaphore_mem>>)
      %dma_wait3A = arith.constant 0 : i32
      %dma_wait3A_18 = tpu.memref_slice %arg5[%scan3A_11, %dma_wait3A] : memref<15x128xi32, #tpu.memory_space<vmem>> -> memref<1x128xi32, #tpu.memory_space<vmem>>
      %dma_wait3A_19 = tpu.memref_squeeze %dma_wait3A_18 : memref<1x128xi32, #tpu.memory_space<vmem>> -> memref<128xi32, #tpu.memory_space<vmem>>
      %dma_wait3A_20 = arith.constant 0 : i32
      %dma_wait3A_21 = arith.constant 0 : i32
      %dma_wait3A_22 = tpu.memref_slice %arg2[%dma_wait3A_20, %dma_wait3A_21] : memref<20480x128xf32, #tpu.memory_space<hbm>> -> memref<20480x128xf32, #tpu.memory_space<hbm>>
      tpu.wait_indirect_dma semaphore(%arg7 : memref<!tpu.dma_semaphore, #tpu.memory_space<semaphore_mem>>) src(%dma_wait3A_22 : memref<20480x128xf32, #tpu.memory_space<hbm>>) dst(%arg6 : memref<128x128xf32, #tpu.memory_space<vmem>>)
      %mul3A_23 = arith.constant 128 : i32
      %mul3A_24 = arith.muli %scan3A_11, %mul3A_23 : i32
      %add3A_25 = arith.addi %mul3A_4, %mul3A_24 : i32
      "tpu.region"() ({
        %run_scoped3A = tpu.sem_alloc : memref<!tpu.dma_semaphore, #tpu.memory_space<semaphore_mem>>
        %dma_start3A_27 = arith.constant 0 : i32
        %dma_start3A_28 = tpu.memref_slice %arg4[%add3A_25, %dma_start3A_27] : memref<61440x128xf32, #tpu.memory_space<hbm>> -> memref<128x128xf32, #tpu.memory_space<hbm>>
        %dma_start3A_29 = arith.constant 0 : i32
        %dma_start3A_30 = tpu.memref_slice %arg4[%add3A_25, %dma_start3A_29] : memref<61440x128xf32, #tpu.memory_space<hbm>> -> memref<128x128xf32, #tpu.memory_space<hbm>>
        tpu.enqueue_dma source(%arg6 : memref<128x128xf32, #tpu.memory_space<vmem>>) target(%dma_start3A_30 : memref<128x128xf32, #tpu.memory_space<hbm>>) target_semaphore(%run_scoped3A : memref<!tpu.dma_semaphore, #tpu.memory_space<semaphore_mem>>)
        %dma_wait3A_31 = arith.constant 0 : i32
        %dma_wait3A_32 = tpu.memref_slice %arg4[%add3A_25, %dma_wait3A_31] : memref<61440x128xf32, #tpu.memory_space<hbm>> -> memref<128x128xf32, #tpu.memory_space<hbm>>
        %dma_wait3A_33 = arith.constant 0 : i32
        %dma_wait3A_34 = tpu.memref_slice %arg4[%add3A_25, %dma_wait3A_33] : memref<61440x128xf32, #tpu.memory_space<hbm>> -> memref<128x128xf32, #tpu.memory_space<hbm>>
        tpu.wait_dma2 semaphore(%run_scoped3A : memref<!tpu.dma_semaphore, #tpu.memory_space<semaphore_mem>>) src(%arg6 : memref<128x128xf32, #tpu.memory_space<vmem>>) dst(%dma_wait3A_34 : memref<128x128xf32, #tpu.memory_space<hbm>>)
        tpu.yield
      }) : () -> ()
      %scan3A_26 = arith.constant 0 : i32
      scf.yield %scan3A_26 : i32
    }
    %scan3A_10 = arith.constant 15 : i32
    return
  }
}

#map = affine_map<(d0, d1) -> (0, 0)>
#map1 = affine_map<(d0, d1) -> (0, 0, 0)>
module attributes {stable_mosaic.version = 14 : i64} {
  func.func @k(%arg0: i32, %arg1: i32, %arg2: memref<61440x128xf32, #tpu.memory_space<hbm>>, %arg3: memref<32x15x128xi32, #tpu.memory_space<hbm>>, %arg4: memref<128x128xf32, #tpu.memory_space<hbm>>, %arg5: memref<5120x128xf32, #tpu.memory_space<hbm>>, %arg6: memref<15x128xi32, #tpu.memory_space<vmem>>, %arg7: memref<128x128xf32, #tpu.memory_space<vmem>>, %arg8: memref<2560x128xf32, #tpu.memory_space<vmem_shared>>, %arg9: memref<!tpu.dma_semaphore, #tpu.memory_space<semaphore_mem>>) attributes {dimension_semantics = [#tpu.dimension_semantics<core_parallel>, #tpu.dimension_semantics<subcore_parallel>], iteration_bounds = array<i64: 2, 16>, scalar_prefetch = 0 : i64, scratch_operands = 4 : i64, tpu.core_type = #tpu.core_type<sc_vector_subcore>, window_params = [{transform_indices = #map}, {transform_indices = #map1}, {transform_indices = #map}, {transform_indices = #map}]} {
    %mul3A = arith.constant 2 : i32
    %mul3A_0 = arith.muli %arg1, %mul3A : i32
    %add3A = arith.addi %mul3A_0, %arg0 : i32
    %mul3A_1 = arith.constant 160 : i32
    %mul3A_2 = arith.muli %arg1, %mul3A_1 : i32
    "tpu.region"() ({
      %run_scoped3A = tpu.sem_alloc : memref<!tpu.dma_semaphore, #tpu.memory_space<semaphore_mem>>
      tpu.enqueue_dma source(%arg4 : memref<128x128xf32, #tpu.memory_space<hbm>>) target(%arg7 : memref<128x128xf32, #tpu.memory_space<vmem>>) target_semaphore(%run_scoped3A : memref<!tpu.dma_semaphore, #tpu.memory_space<semaphore_mem>>)
      tpu.wait_dma2 semaphore(%run_scoped3A : memref<!tpu.dma_semaphore, #tpu.memory_space<semaphore_mem>>) src(%arg4 : memref<128x128xf32, #tpu.memory_space<hbm>>) dst(%arg7 : memref<128x128xf32, #tpu.memory_space<vmem>>)
      tpu.yield
    }) : () -> ()
    %scan3A = arith.constant 0 : i32
    %scan3A_3 = arith.constant 0 : i32
    %mul3A_4 = arith.constant 128 : i32
    %mul3A_5 = arith.muli %scan3A_3, %mul3A_4 : i32
    %add3A_6 = arith.addi %mul3A_2, %mul3A_5 : i32
    %dma_start3A = arith.constant 0 : i32
    %dma_start3A_7 = tpu.memref_slice %arg8[%add3A_6, %dma_start3A] : memref<2560x128xf32, #tpu.memory_space<vmem_shared>> -> memref<128x128xf32, #tpu.memory_space<vmem_shared>>
    %dma_start3A_8 = arith.constant 0 : i32
    %dma_start3A_9 = tpu.memref_slice %arg8[%add3A_6, %dma_start3A_8] : memref<2560x128xf32, #tpu.memory_space<vmem_shared>> -> memref<128x128xf32, #tpu.memory_space<vmem_shared>>
    tpu.enqueue_dma source(%arg7 : memref<128x128xf32, #tpu.memory_space<vmem>>) target(%dma_start3A_9 : memref<128x128xf32, #tpu.memory_space<vmem_shared>>) target_semaphore(%arg9 : memref<!tpu.dma_semaphore, #tpu.memory_space<semaphore_mem>>)
    %dma_wait3A = arith.constant 0 : i32
    %dma_wait3A_10 = tpu.memref_slice %arg8[%add3A_6, %dma_wait3A] : memref<2560x128xf32, #tpu.memory_space<vmem_shared>> -> memref<128x128xf32, #tpu.memory_space<vmem_shared>>
    %dma_wait3A_11 = arith.constant 0 : i32
    %dma_wait3A_12 = tpu.memref_slice %arg8[%add3A_6, %dma_wait3A_11] : memref<2560x128xf32, #tpu.memory_space<vmem_shared>> -> memref<128x128xf32, #tpu.memory_space<vmem_shared>>
    tpu.wait_dma2 semaphore(%arg9 : memref<!tpu.dma_semaphore, #tpu.memory_space<semaphore_mem>>) src(%arg7 : memref<128x128xf32, #tpu.memory_space<vmem>>) dst(%dma_wait3A_12 : memref<128x128xf32, #tpu.memory_space<vmem_shared>>)
    %scan3A_13 = arith.constant 0 : i32
    %scan3A_14 = arith.constant 1 : i32
    %add3A_15 = arith.constant 128 : i32
    %add3A_16 = arith.addi %mul3A_2, %add3A_15 : i32
    %dma_start3A_17 = arith.constant 0 : i32
    %dma_start3A_18 = arith.constant 0 : i32
    %dma_start3A_19 = tpu.memref_slice %arg7[%dma_start3A_17, %dma_start3A_18] : memref<128x128xf32, #tpu.memory_space<vmem>> -> memref<32x128xf32, #tpu.memory_space<vmem>>
    %dma_start3A_20 = arith.constant 0 : i32
    %dma_start3A_21 = tpu.memref_slice %arg8[%add3A_16, %dma_start3A_20] : memref<2560x128xf32, #tpu.memory_space<vmem_shared>> -> memref<32x128xf32, #tpu.memory_space<vmem_shared>>
    %dma_start3A_22 = arith.constant 0 : i32
    %dma_start3A_23 = tpu.memref_slice %arg8[%add3A_16, %dma_start3A_22] : memref<2560x128xf32, #tpu.memory_space<vmem_shared>> -> memref<32x128xf32, #tpu.memory_space<vmem_shared>>
    %dma_start3A_24 = arith.constant 0 : i32
    %dma_start3A_25 = arith.constant 0 : i32
    %dma_start3A_26 = tpu.memref_slice %arg7[%dma_start3A_24, %dma_start3A_25] : memref<128x128xf32, #tpu.memory_space<vmem>> -> memref<32x128xf32, #tpu.memory_space<vmem>>
    tpu.enqueue_dma source(%dma_start3A_26 : memref<32x128xf32, #tpu.memory_space<vmem>>) target(%dma_start3A_23 : memref<32x128xf32, #tpu.memory_space<vmem_shared>>) target_semaphore(%arg9 : memref<!tpu.dma_semaphore, #tpu.memory_space<semaphore_mem>>)
    %dma_wait3A_27 = arith.constant 0 : i32
    %dma_wait3A_28 = arith.constant 0 : i32
    %dma_wait3A_29 = tpu.memref_slice %arg7[%dma_wait3A_27, %dma_wait3A_28] : memref<128x128xf32, #tpu.memory_space<vmem>> -> memref<32x128xf32, #tpu.memory_space<vmem>>
    %dma_wait3A_30 = arith.constant 0 : i32
    %dma_wait3A_31 = tpu.memref_slice %arg8[%add3A_16, %dma_wait3A_30] : memref<2560x128xf32, #tpu.memory_space<vmem_shared>> -> memref<32x128xf32, #tpu.memory_space<vmem_shared>>
    %dma_wait3A_32 = arith.constant 0 : i32
    %dma_wait3A_33 = tpu.memref_slice %arg8[%add3A_16, %dma_wait3A_32] : memref<2560x128xf32, #tpu.memory_space<vmem_shared>> -> memref<32x128xf32, #tpu.memory_space<vmem_shared>>
    %dma_wait3A_34 = arith.constant 0 : i32
    %dma_wait3A_35 = arith.constant 0 : i32
    %dma_wait3A_36 = tpu.memref_slice %arg7[%dma_wait3A_34, %dma_wait3A_35] : memref<128x128xf32, #tpu.memory_space<vmem>> -> memref<32x128xf32, #tpu.memory_space<vmem>>
    tpu.wait_dma2 semaphore(%arg9 : memref<!tpu.dma_semaphore, #tpu.memory_space<semaphore_mem>>) src(%dma_wait3A_36 : memref<32x128xf32, #tpu.memory_space<vmem>>) dst(%dma_wait3A_33 : memref<32x128xf32, #tpu.memory_space<vmem_shared>>)
    %mul3A_37 = arith.constant 15 : i32
    %mul3A_38 = arith.muli %add3A, %mul3A_37 : i32
    %mul3A_39 = arith.constant 128 : i32
    %mul3A_40 = arith.muli %mul3A_38, %mul3A_39 : i32
    "tpu.region"() ({
      %run_scoped3A = tpu.sem_alloc : memref<!tpu.dma_semaphore, #tpu.memory_space<semaphore_mem>>
      %dma_start3A_97 = arith.constant 0 : i32
      %dma_start3A_98 = arith.constant 0 : i32
      %dma_start3A_99 = tpu.memref_slice %arg3[%add3A, %dma_start3A_97, %dma_start3A_98] : memref<32x15x128xi32, #tpu.memory_space<hbm>> -> memref<1x15x128xi32, #tpu.memory_space<hbm>>
      %dma_start3A_100 = tpu.memref_squeeze %dma_start3A_99 : memref<1x15x128xi32, #tpu.memory_space<hbm>> -> memref<15x128xi32, #tpu.memory_space<hbm>>
      %dma_start3A_101 = arith.constant 0 : i32
      %dma_start3A_102 = arith.constant 0 : i32
      %dma_start3A_103 = tpu.memref_slice %arg3[%add3A, %dma_start3A_101, %dma_start3A_102] : memref<32x15x128xi32, #tpu.memory_space<hbm>> -> memref<1x15x128xi32, #tpu.memory_space<hbm>>
      %dma_start3A_104 = tpu.memref_squeeze %dma_start3A_103 : memref<1x15x128xi32, #tpu.memory_space<hbm>> -> memref<15x128xi32, #tpu.memory_space<hbm>>
      tpu.enqueue_dma source(%dma_start3A_104 : memref<15x128xi32, #tpu.memory_space<hbm>>) target(%arg6 : memref<15x128xi32, #tpu.memory_space<vmem>>) target_semaphore(%run_scoped3A : memref<!tpu.dma_semaphore, #tpu.memory_space<semaphore_mem>>)
      %dma_wait3A_105 = arith.constant 0 : i32
      %dma_wait3A_106 = arith.constant 0 : i32
      %dma_wait3A_107 = tpu.memref_slice %arg3[%add3A, %dma_wait3A_105, %dma_wait3A_106] : memref<32x15x128xi32, #tpu.memory_space<hbm>> -> memref<1x15x128xi32, #tpu.memory_space<hbm>>
      %dma_wait3A_108 = tpu.memref_squeeze %dma_wait3A_107 : memref<1x15x128xi32, #tpu.memory_space<hbm>> -> memref<15x128xi32, #tpu.memory_space<hbm>>
      %dma_wait3A_109 = arith.constant 0 : i32
      %dma_wait3A_110 = arith.constant 0 : i32
      %dma_wait3A_111 = tpu.memref_slice %arg3[%add3A, %dma_wait3A_109, %dma_wait3A_110] : memref<32x15x128xi32, #tpu.memory_space<hbm>> -> memref<1x15x128xi32, #tpu.memory_space<hbm>>
      %dma_wait3A_112 = tpu.memref_squeeze %dma_wait3A_111 : memref<1x15x128xi32, #tpu.memory_space<hbm>> -> memref<15x128xi32, #tpu.memory_space<hbm>>
      tpu.wait_dma2 semaphore(%run_scoped3A : memref<!tpu.dma_semaphore, #tpu.memory_space<semaphore_mem>>) src(%dma_wait3A_112 : memref<15x128xi32, #tpu.memory_space<hbm>>) dst(%arg6 : memref<15x128xi32, #tpu.memory_space<vmem>>)
      tpu.yield
    }) : () -> ()
    %barrier3A = arith.constant 0 : index
    tpu.barrier barrier_id(%barrier3A)
    %scan3A_41 = arith.constant 0 : i32
    %scan3A_42 = arith.constant 0 : i32
    %scan3A_43 = arith.constant 15 : i32
    %scan3A_44 = arith.addi %scan3A_42, %scan3A_43 : i32
    %scan3A_45 = arith.constant 1 : i32
    %scan3A_46 = scf.for %scan3A_97 = %scan3A_42 to %scan3A_44 step %scan3A_45 iter_args(%scan3A_98 = %scan3A_41) -> (i32)  : i32 {
      %mul3A_99 = arith.constant 128 : i32
      %mul3A_100 = arith.muli %scan3A_97, %mul3A_99 : i32
      %add3A_101 = arith.addi %mul3A_40, %mul3A_100 : i32
      "tpu.region"() ({
        %run_scoped3A = tpu.sem_alloc : memref<!tpu.dma_semaphore, #tpu.memory_space<semaphore_mem>>
        %dma_start3A_103 = arith.constant 0 : i32
        %dma_start3A_104 = tpu.memref_slice %arg2[%add3A_101, %dma_start3A_103] : memref<61440x128xf32, #tpu.memory_space<hbm>> -> memref<128x128xf32, #tpu.memory_space<hbm>>
        %dma_start3A_105 = arith.constant 0 : i32
        %dma_start3A_106 = tpu.memref_slice %arg2[%add3A_101, %dma_start3A_105] : memref<61440x128xf32, #tpu.memory_space<hbm>> -> memref<128x128xf32, #tpu.memory_space<hbm>>
        tpu.enqueue_dma source(%dma_start3A_106 : memref<128x128xf32, #tpu.memory_space<hbm>>) target(%arg7 : memref<128x128xf32, #tpu.memory_space<vmem>>) target_semaphore(%run_scoped3A : memref<!tpu.dma_semaphore, #tpu.memory_space<semaphore_mem>>)
        %dma_wait3A_107 = arith.constant 0 : i32
        %dma_wait3A_108 = tpu.memref_slice %arg2[%add3A_101, %dma_wait3A_107] : memref<61440x128xf32, #tpu.memory_space<hbm>> -> memref<128x128xf32, #tpu.memory_space<hbm>>
        %dma_wait3A_109 = arith.constant 0 : i32
        %dma_wait3A_110 = tpu.memref_slice %arg2[%add3A_101, %dma_wait3A_109] : memref<61440x128xf32, #tpu.memory_space<hbm>> -> memref<128x128xf32, #tpu.memory_space<hbm>>
        tpu.wait_dma2 semaphore(%run_scoped3A : memref<!tpu.dma_semaphore, #tpu.memory_space<semaphore_mem>>) src(%dma_wait3A_110 : memref<128x128xf32, #tpu.memory_space<hbm>>) dst(%arg7 : memref<128x128xf32, #tpu.memory_space<vmem>>)
        tpu.yield
      }) : () -> ()
      "tpu.region"() ({
        %run_scoped3A = tpu.sem_alloc : memref<!tpu.dma_semaphore, #tpu.memory_space<semaphore_mem>>
        %dma_start3A_103 = arith.constant 0 : i32
        %dma_start3A_104 = tpu.memref_slice %arg6[%scan3A_97, %dma_start3A_103] : memref<15x128xi32, #tpu.memory_space<vmem>> -> memref<1x128xi32, #tpu.memory_space<vmem>>
        %dma_start3A_105 = tpu.memref_squeeze %dma_start3A_104 : memref<1x128xi32, #tpu.memory_space<vmem>> -> memref<128xi32, #tpu.memory_space<vmem>>
        %dma_start3A_106 = arith.constant 0 : i32
        %dma_start3A_107 = arith.constant 0 : i32
        %dma_start3A_108 = tpu.memref_slice %arg8[%dma_start3A_106, %dma_start3A_107] : memref<2560x128xf32, #tpu.memory_space<vmem_shared>> -> memref<2560x128xf32, #tpu.memory_space<vmem_shared>>
        tpu.enqueue_indirect_dma source(%arg7 : memref<128x128xf32, #tpu.memory_space<vmem>>) target(%dma_start3A_108 : memref<2560x128xf32, #tpu.memory_space<vmem_shared>>) offsets(%dma_start3A_105 : memref<128xi32, #tpu.memory_space<vmem>>) semaphore(%run_scoped3A : memref<!tpu.dma_semaphore, #tpu.memory_space<semaphore_mem>>) {add = true}
        %dma_wait3A_109 = arith.constant 0 : i32
        %dma_wait3A_110 = tpu.memref_slice %arg6[%scan3A_97, %dma_wait3A_109] : memref<15x128xi32, #tpu.memory_space<vmem>> -> memref<1x128xi32, #tpu.memory_space<vmem>>
        %dma_wait3A_111 = tpu.memref_squeeze %dma_wait3A_110 : memref<1x128xi32, #tpu.memory_space<vmem>> -> memref<128xi32, #tpu.memory_space<vmem>>
        %dma_wait3A_112 = arith.constant 0 : i32
        %dma_wait3A_113 = arith.constant 0 : i32
        %dma_wait3A_114 = tpu.memref_slice %arg8[%dma_wait3A_112, %dma_wait3A_113] : memref<2560x128xf32, #tpu.memory_space<vmem_shared>> -> memref<2560x128xf32, #tpu.memory_space<vmem_shared>>
        tpu.wait_indirect_dma semaphore(%run_scoped3A : memref<!tpu.dma_semaphore, #tpu.memory_space<semaphore_mem>>) src(%arg7 : memref<128x128xf32, #tpu.memory_space<vmem>>) dst(%dma_wait3A_114 : memref<2560x128xf32, #tpu.memory_space<vmem_shared>>)
        tpu.yield
      }) : () -> ()
      %scan3A_102 = arith.constant 0 : i32
      scf.yield %scan3A_102 : i32
    }
    %scan3A_47 = arith.constant 15 : i32
    %barrier3A_48 = arith.constant 0 : index
    tpu.barrier barrier_id(%barrier3A_48)
    %scan3A_49 = arith.constant 0 : i32
    %scan3A_50 = arith.constant 0 : i32
    %mul3A_51 = arith.constant 128 : i32
    %mul3A_52 = arith.muli %scan3A_50, %mul3A_51 : i32
    %add3A_53 = arith.addi %mul3A_2, %mul3A_52 : i32
    %dma_start3A_54 = arith.constant 0 : i32
    %dma_start3A_55 = tpu.memref_slice %arg8[%add3A_53, %dma_start3A_54] : memref<2560x128xf32, #tpu.memory_space<vmem_shared>> -> memref<128x128xf32, #tpu.memory_space<vmem_shared>>
    %dma_start3A_56 = arith.constant 0 : i32
    %dma_start3A_57 = tpu.memref_slice %arg8[%add3A_53, %dma_start3A_56] : memref<2560x128xf32, #tpu.memory_space<vmem_shared>> -> memref<128x128xf32, #tpu.memory_space<vmem_shared>>
    tpu.enqueue_dma source(%dma_start3A_57 : memref<128x128xf32, #tpu.memory_space<vmem_shared>>) target(%arg7 : memref<128x128xf32, #tpu.memory_space<vmem>>) target_semaphore(%arg9 : memref<!tpu.dma_semaphore, #tpu.memory_space<semaphore_mem>>)
    %dma_wait3A_58 = arith.constant 0 : i32
    %dma_wait3A_59 = tpu.memref_slice %arg8[%add3A_53, %dma_wait3A_58] : memref<2560x128xf32, #tpu.memory_space<vmem_shared>> -> memref<128x128xf32, #tpu.memory_space<vmem_shared>>
    %dma_wait3A_60 = arith.constant 0 : i32
    %dma_wait3A_61 = tpu.memref_slice %arg8[%add3A_53, %dma_wait3A_60] : memref<2560x128xf32, #tpu.memory_space<vmem_shared>> -> memref<128x128xf32, #tpu.memory_space<vmem_shared>>
    tpu.wait_dma2 semaphore(%arg9 : memref<!tpu.dma_semaphore, #tpu.memory_space<semaphore_mem>>) src(%dma_wait3A_61 : memref<128x128xf32, #tpu.memory_space<vmem_shared>>) dst(%arg7 : memref<128x128xf32, #tpu.memory_space<vmem>>)
    %mul3A_62 = arith.constant 2560 : i32
    %mul3A_63 = arith.muli %arg0, %mul3A_62 : i32
    %add3A_64 = arith.addi %mul3A_63, %mul3A_2 : i32
    %mul3A_65 = arith.constant 128 : i32
    %mul3A_66 = arith.muli %scan3A_50, %mul3A_65 : i32
    %add3A_67 = arith.addi %add3A_64, %mul3A_66 : i32
    "tpu.region"() ({
      %run_scoped3A = tpu.sem_alloc : memref<!tpu.dma_semaphore, #tpu.memory_space<semaphore_mem>>
      %dma_start3A_97 = arith.constant 0 : i32
      %dma_start3A_98 = tpu.memref_slice %arg5[%add3A_67, %dma_start3A_97] : memref<5120x128xf32, #tpu.memory_space<hbm>> -> memref<128x128xf32, #tpu.memory_space<hbm>>
      %dma_start3A_99 = arith.constant 0 : i32
      %dma_start3A_100 = tpu.memref_slice %arg5[%add3A_67, %dma_start3A_99] : memref<5120x128xf32, #tpu.memory_space<hbm>> -> memref<128x128xf32, #tpu.memory_space<hbm>>
      tpu.enqueue_dma source(%arg7 : memref<128x128xf32, #tpu.memory_space<vmem>>) target(%dma_start3A_100 : memref<128x128xf32, #tpu.memory_space<hbm>>) target_semaphore(%run_scoped3A : memref<!tpu.dma_semaphore, #tpu.memory_space<semaphore_mem>>)
      %dma_wait3A_101 = arith.constant 0 : i32
      %dma_wait3A_102 = tpu.memref_slice %arg5[%add3A_67, %dma_wait3A_101] : memref<5120x128xf32, #tpu.memory_space<hbm>> -> memref<128x128xf32, #tpu.memory_space<hbm>>
      %dma_wait3A_103 = arith.constant 0 : i32
      %dma_wait3A_104 = tpu.memref_slice %arg5[%add3A_67, %dma_wait3A_103] : memref<5120x128xf32, #tpu.memory_space<hbm>> -> memref<128x128xf32, #tpu.memory_space<hbm>>
      tpu.wait_dma2 semaphore(%run_scoped3A : memref<!tpu.dma_semaphore, #tpu.memory_space<semaphore_mem>>) src(%arg7 : memref<128x128xf32, #tpu.memory_space<vmem>>) dst(%dma_wait3A_104 : memref<128x128xf32, #tpu.memory_space<hbm>>)
      tpu.yield
    }) : () -> ()
    %scan3A_68 = arith.constant 0 : i32
    %scan3A_69 = arith.constant 1 : i32
    %add3A_70 = arith.constant 128 : i32
    %add3A_71 = arith.addi %mul3A_2, %add3A_70 : i32
    %dma_start3A_72 = arith.constant 0 : i32
    %dma_start3A_73 = arith.constant 0 : i32
    %dma_start3A_74 = tpu.memref_slice %arg7[%dma_start3A_72, %dma_start3A_73] : memref<128x128xf32, #tpu.memory_space<vmem>> -> memref<32x128xf32, #tpu.memory_space<vmem>>
    %dma_start3A_75 = arith.constant 0 : i32
    %dma_start3A_76 = tpu.memref_slice %arg8[%add3A_71, %dma_start3A_75] : memref<2560x128xf32, #tpu.memory_space<vmem_shared>> -> memref<32x128xf32, #tpu.memory_space<vmem_shared>>
    %dma_start3A_77 = arith.constant 0 : i32
    %dma_start3A_78 = arith.constant 0 : i32
    %dma_start3A_79 = tpu.memref_slice %arg7[%dma_start3A_77, %dma_start3A_78] : memref<128x128xf32, #tpu.memory_space<vmem>> -> memref<32x128xf32, #tpu.memory_space<vmem>>
    %dma_start3A_80 = arith.constant 0 : i32
    %dma_start3A_81 = tpu.memref_slice %arg8[%add3A_71, %dma_start3A_80] : memref<2560x128xf32, #tpu.memory_space<vmem_shared>> -> memref<32x128xf32, #tpu.memory_space<vmem_shared>>
    tpu.enqueue_dma source(%dma_start3A_81 : memref<32x128xf32, #tpu.memory_space<vmem_shared>>) target(%dma_start3A_79 : memref<32x128xf32, #tpu.memory_space<vmem>>) target_semaphore(%arg9 : memref<!tpu.dma_semaphore, #tpu.memory_space<semaphore_mem>>)
    %dma_wait3A_82 = arith.constant 0 : i32
    %dma_wait3A_83 = arith.constant 0 : i32
    %dma_wait3A_84 = tpu.memref_slice %arg7[%dma_wait3A_82, %dma_wait3A_83] : memref<128x128xf32, #tpu.memory_space<vmem>> -> memref<32x128xf32, #tpu.memory_space<vmem>>
    %dma_wait3A_85 = arith.constant 0 : i32
    %dma_wait3A_86 = tpu.memref_slice %arg8[%add3A_71, %dma_wait3A_85] : memref<2560x128xf32, #tpu.memory_space<vmem_shared>> -> memref<32x128xf32, #tpu.memory_space<vmem_shared>>
    %dma_wait3A_87 = arith.constant 0 : i32
    %dma_wait3A_88 = arith.constant 0 : i32
    %dma_wait3A_89 = tpu.memref_slice %arg7[%dma_wait3A_87, %dma_wait3A_88] : memref<128x128xf32, #tpu.memory_space<vmem>> -> memref<32x128xf32, #tpu.memory_space<vmem>>
    %dma_wait3A_90 = arith.constant 0 : i32
    %dma_wait3A_91 = tpu.memref_slice %arg8[%add3A_71, %dma_wait3A_90] : memref<2560x128xf32, #tpu.memory_space<vmem_shared>> -> memref<32x128xf32, #tpu.memory_space<vmem_shared>>
    tpu.wait_dma2 semaphore(%arg9 : memref<!tpu.dma_semaphore, #tpu.memory_space<semaphore_mem>>) src(%dma_wait3A_91 : memref<32x128xf32, #tpu.memory_space<vmem_shared>>) dst(%dma_wait3A_89 : memref<32x128xf32, #tpu.memory_space<vmem>>)
    %mul3A_92 = arith.constant 2560 : i32
    %mul3A_93 = arith.muli %arg0, %mul3A_92 : i32
    %add3A_94 = arith.addi %mul3A_93, %mul3A_2 : i32
    %add3A_95 = arith.constant 128 : i32
    %add3A_96 = arith.addi %add3A_94, %add3A_95 : i32
    "tpu.region"() ({
      %run_scoped3A = tpu.sem_alloc : memref<!tpu.dma_semaphore, #tpu.memory_space<semaphore_mem>>
      %dma_start3A_97 = arith.constant 0 : i32
      %dma_start3A_98 = arith.constant 0 : i32
      %dma_start3A_99 = tpu.memref_slice %arg7[%dma_start3A_97, %dma_start3A_98] : memref<128x128xf32, #tpu.memory_space<vmem>> -> memref<32x128xf32, #tpu.memory_space<vmem>>
      %dma_start3A_100 = arith.constant 0 : i32
      %dma_start3A_101 = tpu.memref_slice %arg5[%add3A_96, %dma_start3A_100] : memref<5120x128xf32, #tpu.memory_space<hbm>> -> memref<32x128xf32, #tpu.memory_space<hbm>>
      %dma_start3A_102 = arith.constant 0 : i32
      %dma_start3A_103 = tpu.memref_slice %arg5[%add3A_96, %dma_start3A_102] : memref<5120x128xf32, #tpu.memory_space<hbm>> -> memref<32x128xf32, #tpu.memory_space<hbm>>
      %dma_start3A_104 = arith.constant 0 : i32
      %dma_start3A_105 = arith.constant 0 : i32
      %dma_start3A_106 = tpu.memref_slice %arg7[%dma_start3A_104, %dma_start3A_105] : memref<128x128xf32, #tpu.memory_space<vmem>> -> memref<32x128xf32, #tpu.memory_space<vmem>>
      tpu.enqueue_dma source(%dma_start3A_106 : memref<32x128xf32, #tpu.memory_space<vmem>>) target(%dma_start3A_103 : memref<32x128xf32, #tpu.memory_space<hbm>>) target_semaphore(%run_scoped3A : memref<!tpu.dma_semaphore, #tpu.memory_space<semaphore_mem>>)
      %dma_wait3A_107 = arith.constant 0 : i32
      %dma_wait3A_108 = arith.constant 0 : i32
      %dma_wait3A_109 = tpu.memref_slice %arg7[%dma_wait3A_107, %dma_wait3A_108] : memref<128x128xf32, #tpu.memory_space<vmem>> -> memref<32x128xf32, #tpu.memory_space<vmem>>
      %dma_wait3A_110 = arith.constant 0 : i32
      %dma_wait3A_111 = tpu.memref_slice %arg5[%add3A_96, %dma_wait3A_110] : memref<5120x128xf32, #tpu.memory_space<hbm>> -> memref<32x128xf32, #tpu.memory_space<hbm>>
      %dma_wait3A_112 = arith.constant 0 : i32
      %dma_wait3A_113 = tpu.memref_slice %arg5[%add3A_96, %dma_wait3A_112] : memref<5120x128xf32, #tpu.memory_space<hbm>> -> memref<32x128xf32, #tpu.memory_space<hbm>>
      %dma_wait3A_114 = arith.constant 0 : i32
      %dma_wait3A_115 = arith.constant 0 : i32
      %dma_wait3A_116 = tpu.memref_slice %arg7[%dma_wait3A_114, %dma_wait3A_115] : memref<128x128xf32, #tpu.memory_space<vmem>> -> memref<32x128xf32, #tpu.memory_space<vmem>>
      tpu.wait_dma2 semaphore(%run_scoped3A : memref<!tpu.dma_semaphore, #tpu.memory_space<semaphore_mem>>) src(%dma_wait3A_116 : memref<32x128xf32, #tpu.memory_space<vmem>>) dst(%dma_wait3A_113 : memref<32x128xf32, #tpu.memory_space<hbm>>)
      tpu.yield
    }) : () -> ()
    return
  }
}

#map = affine_map<(d0, d1) -> (0, 0)>
#map1 = affine_map<(d0, d1) -> (0, 0, 0)>
module attributes {stable_mosaic.version = 14 : i64} {
  func.func @k(%arg0: i32, %arg1: i32, %arg2: memref<61440x128xf32, #tpu.memory_space<hbm>>, %arg3: memref<32x15x128xi32, #tpu.memory_space<hbm>>, %arg4: memref<128x128xf32, #tpu.memory_space<hbm>>, %arg5: memref<20480x128xf32, #tpu.memory_space<hbm>>, %arg6: memref<15x128xi32, #tpu.memory_space<vmem>>, %arg7: memref<128x128xf32, #tpu.memory_space<vmem>>, %arg8: memref<10240x128xf32, #tpu.memory_space<vmem_shared>>, %arg9: memref<!tpu.dma_semaphore, #tpu.memory_space<semaphore_mem>>) attributes {dimension_semantics = [#tpu.dimension_semantics<core_parallel>, #tpu.dimension_semantics<subcore_parallel>], iteration_bounds = array<i64: 2, 16>, scalar_prefetch = 0 : i64, scratch_operands = 4 : i64, tpu.core_type = #tpu.core_type<sc_vector_subcore>, window_params = [{transform_indices = #map}, {transform_indices = #map1}, {transform_indices = #map}, {transform_indices = #map}]} {
    %mul3A = arith.constant 2 : i32
    %mul3A_0 = arith.muli %arg1, %mul3A : i32
    %add3A = arith.addi %mul3A_0, %arg0 : i32
    %mul3A_1 = arith.constant 640 : i32
    %mul3A_2 = arith.muli %arg1, %mul3A_1 : i32
    "tpu.region"() ({
      %run_scoped3A = tpu.sem_alloc : memref<!tpu.dma_semaphore, #tpu.memory_space<semaphore_mem>>
      tpu.enqueue_dma source(%arg4 : memref<128x128xf32, #tpu.memory_space<hbm>>) target(%arg7 : memref<128x128xf32, #tpu.memory_space<vmem>>) target_semaphore(%run_scoped3A : memref<!tpu.dma_semaphore, #tpu.memory_space<semaphore_mem>>)
      tpu.wait_dma2 semaphore(%run_scoped3A : memref<!tpu.dma_semaphore, #tpu.memory_space<semaphore_mem>>) src(%arg4 : memref<128x128xf32, #tpu.memory_space<hbm>>) dst(%arg7 : memref<128x128xf32, #tpu.memory_space<vmem>>)
      tpu.yield
    }) : () -> ()
    %scan3A = arith.constant 0 : i32
    %scan3A_3 = arith.constant 0 : i32
    %scan3A_4 = arith.constant 5 : i32
    %scan3A_5 = arith.addi %scan3A_3, %scan3A_4 : i32
    %scan3A_6 = arith.constant 1 : i32
    %scan3A_7 = scf.for %scan3A_28 = %scan3A_3 to %scan3A_5 step %scan3A_6 iter_args(%scan3A_29 = %scan3A) -> (i32)  : i32 {
      %mul3A_30 = arith.constant 128 : i32
      %mul3A_31 = arith.muli %scan3A_28, %mul3A_30 : i32
      %add3A_32 = arith.addi %mul3A_2, %mul3A_31 : i32
      %dma_start3A = arith.constant 0 : i32
      %dma_start3A_33 = tpu.memref_slice %arg8[%add3A_32, %dma_start3A] : memref<10240x128xf32, #tpu.memory_space<vmem_shared>> -> memref<128x128xf32, #tpu.memory_space<vmem_shared>>
      %dma_start3A_34 = arith.constant 0 : i32
      %dma_start3A_35 = tpu.memref_slice %arg8[%add3A_32, %dma_start3A_34] : memref<10240x128xf32, #tpu.memory_space<vmem_shared>> -> memref<128x128xf32, #tpu.memory_space<vmem_shared>>
      tpu.enqueue_dma source(%arg7 : memref<128x128xf32, #tpu.memory_space<vmem>>) target(%dma_start3A_35 : memref<128x128xf32, #tpu.memory_space<vmem_shared>>) target_semaphore(%arg9 : memref<!tpu.dma_semaphore, #tpu.memory_space<semaphore_mem>>)
      %dma_wait3A = arith.constant 0 : i32
      %dma_wait3A_36 = tpu.memref_slice %arg8[%add3A_32, %dma_wait3A] : memref<10240x128xf32, #tpu.memory_space<vmem_shared>> -> memref<128x128xf32, #tpu.memory_space<vmem_shared>>
      %dma_wait3A_37 = arith.constant 0 : i32
      %dma_wait3A_38 = tpu.memref_slice %arg8[%add3A_32, %dma_wait3A_37] : memref<10240x128xf32, #tpu.memory_space<vmem_shared>> -> memref<128x128xf32, #tpu.memory_space<vmem_shared>>
      tpu.wait_dma2 semaphore(%arg9 : memref<!tpu.dma_semaphore, #tpu.memory_space<semaphore_mem>>) src(%arg7 : memref<128x128xf32, #tpu.memory_space<vmem>>) dst(%dma_wait3A_38 : memref<128x128xf32, #tpu.memory_space<vmem_shared>>)
      %scan3A_39 = arith.constant 0 : i32
      scf.yield %scan3A_39 : i32
    }
    %scan3A_8 = arith.constant 5 : i32
    %mul3A_9 = arith.constant 15 : i32
    %mul3A_10 = arith.muli %add3A, %mul3A_9 : i32
    %mul3A_11 = arith.constant 128 : i32
    %mul3A_12 = arith.muli %mul3A_10, %mul3A_11 : i32
    "tpu.region"() ({
      %run_scoped3A = tpu.sem_alloc : memref<!tpu.dma_semaphore, #tpu.memory_space<semaphore_mem>>
      %dma_start3A = arith.constant 0 : i32
      %dma_start3A_28 = arith.constant 0 : i32
      %dma_start3A_29 = tpu.memref_slice %arg3[%add3A, %dma_start3A, %dma_start3A_28] : memref<32x15x128xi32, #tpu.memory_space<hbm>> -> memref<1x15x128xi32, #tpu.memory_space<hbm>>
      %dma_start3A_30 = tpu.memref_squeeze %dma_start3A_29 : memref<1x15x128xi32, #tpu.memory_space<hbm>> -> memref<15x128xi32, #tpu.memory_space<hbm>>
      %dma_start3A_31 = arith.constant 0 : i32
      %dma_start3A_32 = arith.constant 0 : i32
      %dma_start3A_33 = tpu.memref_slice %arg3[%add3A, %dma_start3A_31, %dma_start3A_32] : memref<32x15x128xi32, #tpu.memory_space<hbm>> -> memref<1x15x128xi32, #tpu.memory_space<hbm>>
      %dma_start3A_34 = tpu.memref_squeeze %dma_start3A_33 : memref<1x15x128xi32, #tpu.memory_space<hbm>> -> memref<15x128xi32, #tpu.memory_space<hbm>>
      tpu.enqueue_dma source(%dma_start3A_34 : memref<15x128xi32, #tpu.memory_space<hbm>>) target(%arg6 : memref<15x128xi32, #tpu.memory_space<vmem>>) target_semaphore(%run_scoped3A : memref<!tpu.dma_semaphore, #tpu.memory_space<semaphore_mem>>)
      %dma_wait3A = arith.constant 0 : i32
      %dma_wait3A_35 = arith.constant 0 : i32
      %dma_wait3A_36 = tpu.memref_slice %arg3[%add3A, %dma_wait3A, %dma_wait3A_35] : memref<32x15x128xi32, #tpu.memory_space<hbm>> -> memref<1x15x128xi32, #tpu.memory_space<hbm>>
      %dma_wait3A_37 = tpu.memref_squeeze %dma_wait3A_36 : memref<1x15x128xi32, #tpu.memory_space<hbm>> -> memref<15x128xi32, #tpu.memory_space<hbm>>
      %dma_wait3A_38 = arith.constant 0 : i32
      %dma_wait3A_39 = arith.constant 0 : i32
      %dma_wait3A_40 = tpu.memref_slice %arg3[%add3A, %dma_wait3A_38, %dma_wait3A_39] : memref<32x15x128xi32, #tpu.memory_space<hbm>> -> memref<1x15x128xi32, #tpu.memory_space<hbm>>
      %dma_wait3A_41 = tpu.memref_squeeze %dma_wait3A_40 : memref<1x15x128xi32, #tpu.memory_space<hbm>> -> memref<15x128xi32, #tpu.memory_space<hbm>>
      tpu.wait_dma2 semaphore(%run_scoped3A : memref<!tpu.dma_semaphore, #tpu.memory_space<semaphore_mem>>) src(%dma_wait3A_41 : memref<15x128xi32, #tpu.memory_space<hbm>>) dst(%arg6 : memref<15x128xi32, #tpu.memory_space<vmem>>)
      tpu.yield
    }) : () -> ()
    %barrier3A = arith.constant 0 : index
    tpu.barrier barrier_id(%barrier3A)
    %scan3A_13 = arith.constant 0 : i32
    %scan3A_14 = arith.constant 0 : i32
    %scan3A_15 = arith.constant 15 : i32
    %scan3A_16 = arith.addi %scan3A_14, %scan3A_15 : i32
    %scan3A_17 = arith.constant 1 : i32
    %scan3A_18 = scf.for %scan3A_28 = %scan3A_14 to %scan3A_16 step %scan3A_17 iter_args(%scan3A_29 = %scan3A_13) -> (i32)  : i32 {
      %mul3A_30 = arith.constant 128 : i32
      %mul3A_31 = arith.muli %scan3A_28, %mul3A_30 : i32
      %add3A_32 = arith.addi %mul3A_12, %mul3A_31 : i32
      "tpu.region"() ({
        %run_scoped3A = tpu.sem_alloc : memref<!tpu.dma_semaphore, #tpu.memory_space<semaphore_mem>>
        %dma_start3A = arith.constant 0 : i32
        %dma_start3A_34 = tpu.memref_slice %arg2[%add3A_32, %dma_start3A] : memref<61440x128xf32, #tpu.memory_space<hbm>> -> memref<128x128xf32, #tpu.memory_space<hbm>>
        %dma_start3A_35 = arith.constant 0 : i32
        %dma_start3A_36 = tpu.memref_slice %arg2[%add3A_32, %dma_start3A_35] : memref<61440x128xf32, #tpu.memory_space<hbm>> -> memref<128x128xf32, #tpu.memory_space<hbm>>
        tpu.enqueue_dma source(%dma_start3A_36 : memref<128x128xf32, #tpu.memory_space<hbm>>) target(%arg7 : memref<128x128xf32, #tpu.memory_space<vmem>>) target_semaphore(%run_scoped3A : memref<!tpu.dma_semaphore, #tpu.memory_space<semaphore_mem>>)
        %dma_wait3A = arith.constant 0 : i32
        %dma_wait3A_37 = tpu.memref_slice %arg2[%add3A_32, %dma_wait3A] : memref<61440x128xf32, #tpu.memory_space<hbm>> -> memref<128x128xf32, #tpu.memory_space<hbm>>
        %dma_wait3A_38 = arith.constant 0 : i32
        %dma_wait3A_39 = tpu.memref_slice %arg2[%add3A_32, %dma_wait3A_38] : memref<61440x128xf32, #tpu.memory_space<hbm>> -> memref<128x128xf32, #tpu.memory_space<hbm>>
        tpu.wait_dma2 semaphore(%run_scoped3A : memref<!tpu.dma_semaphore, #tpu.memory_space<semaphore_mem>>) src(%dma_wait3A_39 : memref<128x128xf32, #tpu.memory_space<hbm>>) dst(%arg7 : memref<128x128xf32, #tpu.memory_space<vmem>>)
        tpu.yield
      }) : () -> ()
      "tpu.region"() ({
        %run_scoped3A = tpu.sem_alloc : memref<!tpu.dma_semaphore, #tpu.memory_space<semaphore_mem>>
        %dma_start3A = arith.constant 0 : i32
        %dma_start3A_34 = tpu.memref_slice %arg6[%scan3A_28, %dma_start3A] : memref<15x128xi32, #tpu.memory_space<vmem>> -> memref<1x128xi32, #tpu.memory_space<vmem>>
        %dma_start3A_35 = tpu.memref_squeeze %dma_start3A_34 : memref<1x128xi32, #tpu.memory_space<vmem>> -> memref<128xi32, #tpu.memory_space<vmem>>
        %dma_start3A_36 = arith.constant 0 : i32
        %dma_start3A_37 = arith.constant 0 : i32
        %dma_start3A_38 = tpu.memref_slice %arg8[%dma_start3A_36, %dma_start3A_37] : memref<10240x128xf32, #tpu.memory_space<vmem_shared>> -> memref<10240x128xf32, #tpu.memory_space<vmem_shared>>
        tpu.enqueue_indirect_dma source(%arg7 : memref<128x128xf32, #tpu.memory_space<vmem>>) target(%dma_start3A_38 : memref<10240x128xf32, #tpu.memory_space<vmem_shared>>) offsets(%dma_start3A_35 : memref<128xi32, #tpu.memory_space<vmem>>) semaphore(%run_scoped3A : memref<!tpu.dma_semaphore, #tpu.memory_space<semaphore_mem>>) {add = true}
        %dma_wait3A = arith.constant 0 : i32
        %dma_wait3A_39 = tpu.memref_slice %arg6[%scan3A_28, %dma_wait3A] : memref<15x128xi32, #tpu.memory_space<vmem>> -> memref<1x128xi32, #tpu.memory_space<vmem>>
        %dma_wait3A_40 = tpu.memref_squeeze %dma_wait3A_39 : memref<1x128xi32, #tpu.memory_space<vmem>> -> memref<128xi32, #tpu.memory_space<vmem>>
        %dma_wait3A_41 = arith.constant 0 : i32
        %dma_wait3A_42 = arith.constant 0 : i32
        %dma_wait3A_43 = tpu.memref_slice %arg8[%dma_wait3A_41, %dma_wait3A_42] : memref<10240x128xf32, #tpu.memory_space<vmem_shared>> -> memref<10240x128xf32, #tpu.memory_space<vmem_shared>>
        tpu.wait_indirect_dma semaphore(%run_scoped3A : memref<!tpu.dma_semaphore, #tpu.memory_space<semaphore_mem>>) src(%arg7 : memref<128x128xf32, #tpu.memory_space<vmem>>) dst(%dma_wait3A_43 : memref<10240x128xf32, #tpu.memory_space<vmem_shared>>)
        tpu.yield
      }) : () -> ()
      %scan3A_33 = arith.constant 0 : i32
      scf.yield %scan3A_33 : i32
    }
    %scan3A_19 = arith.constant 15 : i32
    %barrier3A_20 = arith.constant 0 : index
    tpu.barrier barrier_id(%barrier3A_20)
    %scan3A_21 = arith.constant 0 : i32
    %scan3A_22 = arith.constant 0 : i32
    %scan3A_23 = arith.constant 5 : i32
    %scan3A_24 = arith.addi %scan3A_22, %scan3A_23 : i32
    %scan3A_25 = arith.constant 1 : i32
    %scan3A_26 = scf.for %scan3A_28 = %scan3A_22 to %scan3A_24 step %scan3A_25 iter_args(%scan3A_29 = %scan3A_21) -> (i32)  : i32 {
      %mul3A_30 = arith.constant 128 : i32
      %mul3A_31 = arith.muli %scan3A_28, %mul3A_30 : i32
      %add3A_32 = arith.addi %mul3A_2, %mul3A_31 : i32
      %dma_start3A = arith.constant 0 : i32
      %dma_start3A_33 = tpu.memref_slice %arg8[%add3A_32, %dma_start3A] : memref<10240x128xf32, #tpu.memory_space<vmem_shared>> -> memref<128x128xf32, #tpu.memory_space<vmem_shared>>
      %dma_start3A_34 = arith.constant 0 : i32
      %dma_start3A_35 = tpu.memref_slice %arg8[%add3A_32, %dma_start3A_34] : memref<10240x128xf32, #tpu.memory_space<vmem_shared>> -> memref<128x128xf32, #tpu.memory_space<vmem_shared>>
      tpu.enqueue_dma source(%dma_start3A_35 : memref<128x128xf32, #tpu.memory_space<vmem_shared>>) target(%arg7 : memref<128x128xf32, #tpu.memory_space<vmem>>) target_semaphore(%arg9 : memref<!tpu.dma_semaphore, #tpu.memory_space<semaphore_mem>>)
      %dma_wait3A = arith.constant 0 : i32
      %dma_wait3A_36 = tpu.memref_slice %arg8[%add3A_32, %dma_wait3A] : memref<10240x128xf32, #tpu.memory_space<vmem_shared>> -> memref<128x128xf32, #tpu.memory_space<vmem_shared>>
      %dma_wait3A_37 = arith.constant 0 : i32
      %dma_wait3A_38 = tpu.memref_slice %arg8[%add3A_32, %dma_wait3A_37] : memref<10240x128xf32, #tpu.memory_space<vmem_shared>> -> memref<128x128xf32, #tpu.memory_space<vmem_shared>>
      tpu.wait_dma2 semaphore(%arg9 : memref<!tpu.dma_semaphore, #tpu.memory_space<semaphore_mem>>) src(%dma_wait3A_38 : memref<128x128xf32, #tpu.memory_space<vmem_shared>>) dst(%arg7 : memref<128x128xf32, #tpu.memory_space<vmem>>)
      %mul3A_39 = arith.constant 10240 : i32
      %mul3A_40 = arith.muli %arg0, %mul3A_39 : i32
      %add3A_41 = arith.addi %mul3A_40, %mul3A_2 : i32
      %mul3A_42 = arith.constant 128 : i32
      %mul3A_43 = arith.muli %scan3A_28, %mul3A_42 : i32
      %add3A_44 = arith.addi %add3A_41, %mul3A_43 : i32
      "tpu.region"() ({
        %run_scoped3A = tpu.sem_alloc : memref<!tpu.dma_semaphore, #tpu.memory_space<semaphore_mem>>
        %dma_start3A_46 = arith.constant 0 : i32
        %dma_start3A_47 = tpu.memref_slice %arg5[%add3A_44, %dma_start3A_46] : memref<20480x128xf32, #tpu.memory_space<hbm>> -> memref<128x128xf32, #tpu.memory_space<hbm>>
        %dma_start3A_48 = arith.constant 0 : i32
        %dma_start3A_49 = tpu.memref_slice %arg5[%add3A_44, %dma_start3A_48] : memref<20480x128xf32, #tpu.memory_space<hbm>> -> memref<128x128xf32, #tpu.memory_space<hbm>>
        tpu.enqueue_dma source(%arg7 : memref<128x128xf32, #tpu.memory_space<vmem>>) target(%dma_start3A_49 : memref<128x128xf32, #tpu.memory_space<hbm>>) target_semaphore(%run_scoped3A : memref<!tpu.dma_semaphore, #tpu.memory_space<semaphore_mem>>)
        %dma_wait3A_50 = arith.constant 0 : i32
        %dma_wait3A_51 = tpu.memref_slice %arg5[%add3A_44, %dma_wait3A_50] : memref<20480x128xf32, #tpu.memory_space<hbm>> -> memref<128x128xf32, #tpu.memory_space<hbm>>
        %dma_wait3A_52 = arith.constant 0 : i32
        %dma_wait3A_53 = tpu.memref_slice %arg5[%add3A_44, %dma_wait3A_52] : memref<20480x128xf32, #tpu.memory_space<hbm>> -> memref<128x128xf32, #tpu.memory_space<hbm>>
        tpu.wait_dma2 semaphore(%run_scoped3A : memref<!tpu.dma_semaphore, #tpu.memory_space<semaphore_mem>>) src(%arg7 : memref<128x128xf32, #tpu.memory_space<vmem>>) dst(%dma_wait3A_53 : memref<128x128xf32, #tpu.memory_space<hbm>>)
        tpu.yield
      }) : () -> ()
      %scan3A_45 = arith.constant 0 : i32
      scf.yield %scan3A_45 : i32
    }
    %scan3A_27 = arith.constant 5 : i32
    return
  }
}

#map = affine_map<(d0, d1) -> (0, 0)>
#map1 = affine_map<(d0, d1) -> (0, 0, 0)>
module attributes {stable_mosaic.version = 14 : i64} {
  func.func @k(%arg0: i32, %arg1: i32, %arg2: memref<61440x128xf32, #tpu.memory_space<hbm>>, %arg3: memref<32x15x128xi32, #tpu.memory_space<hbm>>, %arg4: memref<128x128xf32, #tpu.memory_space<hbm>>, %arg5: memref<20480x128xf32, #tpu.memory_space<hbm>>, %arg6: memref<15x128xi32, #tpu.memory_space<vmem>>, %arg7: memref<128x128xf32, #tpu.memory_space<vmem>>, %arg8: memref<10240x128xf32, #tpu.memory_space<vmem_shared>>, %arg9: memref<!tpu.dma_semaphore, #tpu.memory_space<semaphore_mem>>) attributes {dimension_semantics = [#tpu.dimension_semantics<core_parallel>, #tpu.dimension_semantics<subcore_parallel>], iteration_bounds = array<i64: 2, 16>, scalar_prefetch = 0 : i64, scratch_operands = 4 : i64, tpu.core_type = #tpu.core_type<sc_vector_subcore>, window_params = [{transform_indices = #map}, {transform_indices = #map1}, {transform_indices = #map}, {transform_indices = #map}]} {
    %mul3A = arith.constant 2 : i32
    %mul3A_0 = arith.muli %arg1, %mul3A : i32
    %add3A = arith.addi %mul3A_0, %arg0 : i32
    %mul3A_1 = arith.constant 640 : i32
    %mul3A_2 = arith.muli %arg1, %mul3A_1 : i32
    "tpu.region"() ({
      %run_scoped3A = tpu.sem_alloc : memref<!tpu.dma_semaphore, #tpu.memory_space<semaphore_mem>>
      tpu.enqueue_dma source(%arg4 : memref<128x128xf32, #tpu.memory_space<hbm>>) target(%arg7 : memref<128x128xf32, #tpu.memory_space<vmem>>) target_semaphore(%run_scoped3A : memref<!tpu.dma_semaphore, #tpu.memory_space<semaphore_mem>>)
      tpu.wait_dma2 semaphore(%run_scoped3A : memref<!tpu.dma_semaphore, #tpu.memory_space<semaphore_mem>>) src(%arg4 : memref<128x128xf32, #tpu.memory_space<hbm>>) dst(%arg7 : memref<128x128xf32, #tpu.memory_space<vmem>>)
      tpu.yield
    }) : () -> ()
    %scan3A = arith.constant 0 : i32
    %scan3A_3 = arith.constant 0 : i32
    %scan3A_4 = arith.constant 5 : i32
    %scan3A_5 = arith.addi %scan3A_3, %scan3A_4 : i32
    %scan3A_6 = arith.constant 1 : i32
    %scan3A_7 = scf.for %scan3A_28 = %scan3A_3 to %scan3A_5 step %scan3A_6 iter_args(%scan3A_29 = %scan3A) -> (i32)  : i32 {
      %mul3A_30 = arith.constant 128 : i32
      %mul3A_31 = arith.muli %scan3A_28, %mul3A_30 : i32
      %add3A_32 = arith.addi %mul3A_2, %mul3A_31 : i32
      %dma_start3A = arith.constant 0 : i32
      %dma_start3A_33 = tpu.memref_slice %arg8[%add3A_32, %dma_start3A] : memref<10240x128xf32, #tpu.memory_space<vmem_shared>> -> memref<128x128xf32, #tpu.memory_space<vmem_shared>>
      %dma_start3A_34 = arith.constant 0 : i32
      %dma_start3A_35 = tpu.memref_slice %arg8[%add3A_32, %dma_start3A_34] : memref<10240x128xf32, #tpu.memory_space<vmem_shared>> -> memref<128x128xf32, #tpu.memory_space<vmem_shared>>
      tpu.enqueue_dma source(%arg7 : memref<128x128xf32, #tpu.memory_space<vmem>>) target(%dma_start3A_35 : memref<128x128xf32, #tpu.memory_space<vmem_shared>>) target_semaphore(%arg9 : memref<!tpu.dma_semaphore, #tpu.memory_space<semaphore_mem>>)
      %dma_wait3A = arith.constant 0 : i32
      %dma_wait3A_36 = tpu.memref_slice %arg8[%add3A_32, %dma_wait3A] : memref<10240x128xf32, #tpu.memory_space<vmem_shared>> -> memref<128x128xf32, #tpu.memory_space<vmem_shared>>
      %dma_wait3A_37 = arith.constant 0 : i32
      %dma_wait3A_38 = tpu.memref_slice %arg8[%add3A_32, %dma_wait3A_37] : memref<10240x128xf32, #tpu.memory_space<vmem_shared>> -> memref<128x128xf32, #tpu.memory_space<vmem_shared>>
      tpu.wait_dma2 semaphore(%arg9 : memref<!tpu.dma_semaphore, #tpu.memory_space<semaphore_mem>>) src(%arg7 : memref<128x128xf32, #tpu.memory_space<vmem>>) dst(%dma_wait3A_38 : memref<128x128xf32, #tpu.memory_space<vmem_shared>>)
      %scan3A_39 = arith.constant 0 : i32
      scf.yield %scan3A_39 : i32
    }
    %scan3A_8 = arith.constant 5 : i32
    %mul3A_9 = arith.constant 15 : i32
    %mul3A_10 = arith.muli %add3A, %mul3A_9 : i32
    %mul3A_11 = arith.constant 128 : i32
    %mul3A_12 = arith.muli %mul3A_10, %mul3A_11 : i32
    "tpu.region"() ({
      %run_scoped3A = tpu.sem_alloc : memref<!tpu.dma_semaphore, #tpu.memory_space<semaphore_mem>>
      %dma_start3A = arith.constant 0 : i32
      %dma_start3A_28 = arith.constant 0 : i32
      %dma_start3A_29 = tpu.memref_slice %arg3[%add3A, %dma_start3A, %dma_start3A_28] : memref<32x15x128xi32, #tpu.memory_space<hbm>> -> memref<1x15x128xi32, #tpu.memory_space<hbm>>
      %dma_start3A_30 = tpu.memref_squeeze %dma_start3A_29 : memref<1x15x128xi32, #tpu.memory_space<hbm>> -> memref<15x128xi32, #tpu.memory_space<hbm>>
      %dma_start3A_31 = arith.constant 0 : i32
      %dma_start3A_32 = arith.constant 0 : i32
      %dma_start3A_33 = tpu.memref_slice %arg3[%add3A, %dma_start3A_31, %dma_start3A_32] : memref<32x15x128xi32, #tpu.memory_space<hbm>> -> memref<1x15x128xi32, #tpu.memory_space<hbm>>
      %dma_start3A_34 = tpu.memref_squeeze %dma_start3A_33 : memref<1x15x128xi32, #tpu.memory_space<hbm>> -> memref<15x128xi32, #tpu.memory_space<hbm>>
      tpu.enqueue_dma source(%dma_start3A_34 : memref<15x128xi32, #tpu.memory_space<hbm>>) target(%arg6 : memref<15x128xi32, #tpu.memory_space<vmem>>) target_semaphore(%run_scoped3A : memref<!tpu.dma_semaphore, #tpu.memory_space<semaphore_mem>>)
      %dma_wait3A = arith.constant 0 : i32
      %dma_wait3A_35 = arith.constant 0 : i32
      %dma_wait3A_36 = tpu.memref_slice %arg3[%add3A, %dma_wait3A, %dma_wait3A_35] : memref<32x15x128xi32, #tpu.memory_space<hbm>> -> memref<1x15x128xi32, #tpu.memory_space<hbm>>
      %dma_wait3A_37 = tpu.memref_squeeze %dma_wait3A_36 : memref<1x15x128xi32, #tpu.memory_space<hbm>> -> memref<15x128xi32, #tpu.memory_space<hbm>>
      %dma_wait3A_38 = arith.constant 0 : i32
      %dma_wait3A_39 = arith.constant 0 : i32
      %dma_wait3A_40 = tpu.memref_slice %arg3[%add3A, %dma_wait3A_38, %dma_wait3A_39] : memref<32x15x128xi32, #tpu.memory_space<hbm>> -> memref<1x15x128xi32, #tpu.memory_space<hbm>>
      %dma_wait3A_41 = tpu.memref_squeeze %dma_wait3A_40 : memref<1x15x128xi32, #tpu.memory_space<hbm>> -> memref<15x128xi32, #tpu.memory_space<hbm>>
      tpu.wait_dma2 semaphore(%run_scoped3A : memref<!tpu.dma_semaphore, #tpu.memory_space<semaphore_mem>>) src(%dma_wait3A_41 : memref<15x128xi32, #tpu.memory_space<hbm>>) dst(%arg6 : memref<15x128xi32, #tpu.memory_space<vmem>>)
      tpu.yield
    }) : () -> ()
    %barrier3A = arith.constant 0 : index
    tpu.barrier barrier_id(%barrier3A)
    %scan3A_13 = arith.constant 0 : i32
    %scan3A_14 = arith.constant 0 : i32
    %scan3A_15 = arith.constant 15 : i32
    %scan3A_16 = arith.addi %scan3A_14, %scan3A_15 : i32
    %scan3A_17 = arith.constant 1 : i32
    %scan3A_18 = scf.for %scan3A_28 = %scan3A_14 to %scan3A_16 step %scan3A_17 iter_args(%scan3A_29 = %scan3A_13) -> (i32)  : i32 {
      %mul3A_30 = arith.constant 128 : i32
      %mul3A_31 = arith.muli %scan3A_28, %mul3A_30 : i32
      %add3A_32 = arith.addi %mul3A_12, %mul3A_31 : i32
      "tpu.region"() ({
        %run_scoped3A = tpu.sem_alloc : memref<!tpu.dma_semaphore, #tpu.memory_space<semaphore_mem>>
        %dma_start3A = arith.constant 0 : i32
        %dma_start3A_34 = tpu.memref_slice %arg2[%add3A_32, %dma_start3A] : memref<61440x128xf32, #tpu.memory_space<hbm>> -> memref<128x128xf32, #tpu.memory_space<hbm>>
        %dma_start3A_35 = arith.constant 0 : i32
        %dma_start3A_36 = tpu.memref_slice %arg2[%add3A_32, %dma_start3A_35] : memref<61440x128xf32, #tpu.memory_space<hbm>> -> memref<128x128xf32, #tpu.memory_space<hbm>>
        tpu.enqueue_dma source(%dma_start3A_36 : memref<128x128xf32, #tpu.memory_space<hbm>>) target(%arg7 : memref<128x128xf32, #tpu.memory_space<vmem>>) target_semaphore(%run_scoped3A : memref<!tpu.dma_semaphore, #tpu.memory_space<semaphore_mem>>)
        %dma_wait3A = arith.constant 0 : i32
        %dma_wait3A_37 = tpu.memref_slice %arg2[%add3A_32, %dma_wait3A] : memref<61440x128xf32, #tpu.memory_space<hbm>> -> memref<128x128xf32, #tpu.memory_space<hbm>>
        %dma_wait3A_38 = arith.constant 0 : i32
        %dma_wait3A_39 = tpu.memref_slice %arg2[%add3A_32, %dma_wait3A_38] : memref<61440x128xf32, #tpu.memory_space<hbm>> -> memref<128x128xf32, #tpu.memory_space<hbm>>
        tpu.wait_dma2 semaphore(%run_scoped3A : memref<!tpu.dma_semaphore, #tpu.memory_space<semaphore_mem>>) src(%dma_wait3A_39 : memref<128x128xf32, #tpu.memory_space<hbm>>) dst(%arg7 : memref<128x128xf32, #tpu.memory_space<vmem>>)
        tpu.yield
      }) : () -> ()
      "tpu.region"() ({
        %run_scoped3A = tpu.sem_alloc : memref<!tpu.dma_semaphore, #tpu.memory_space<semaphore_mem>>
        %dma_start3A = arith.constant 0 : i32
        %dma_start3A_34 = tpu.memref_slice %arg6[%scan3A_28, %dma_start3A] : memref<15x128xi32, #tpu.memory_space<vmem>> -> memref<1x128xi32, #tpu.memory_space<vmem>>
        %dma_start3A_35 = tpu.memref_squeeze %dma_start3A_34 : memref<1x128xi32, #tpu.memory_space<vmem>> -> memref<128xi32, #tpu.memory_space<vmem>>
        %dma_start3A_36 = arith.constant 0 : i32
        %dma_start3A_37 = arith.constant 0 : i32
        %dma_start3A_38 = tpu.memref_slice %arg8[%dma_start3A_36, %dma_start3A_37] : memref<10240x128xf32, #tpu.memory_space<vmem_shared>> -> memref<10240x128xf32, #tpu.memory_space<vmem_shared>>
        tpu.enqueue_indirect_dma source(%arg7 : memref<128x128xf32, #tpu.memory_space<vmem>>) target(%dma_start3A_38 : memref<10240x128xf32, #tpu.memory_space<vmem_shared>>) offsets(%dma_start3A_35 : memref<128xi32, #tpu.memory_space<vmem>>) semaphore(%run_scoped3A : memref<!tpu.dma_semaphore, #tpu.memory_space<semaphore_mem>>) {add = true}
        %dma_wait3A = arith.constant 0 : i32
        %dma_wait3A_39 = tpu.memref_slice %arg6[%scan3A_28, %dma_wait3A] : memref<15x128xi32, #tpu.memory_space<vmem>> -> memref<1x128xi32, #tpu.memory_space<vmem>>
        %dma_wait3A_40 = tpu.memref_squeeze %dma_wait3A_39 : memref<1x128xi32, #tpu.memory_space<vmem>> -> memref<128xi32, #tpu.memory_space<vmem>>
        %dma_wait3A_41 = arith.constant 0 : i32
        %dma_wait3A_42 = arith.constant 0 : i32
        %dma_wait3A_43 = tpu.memref_slice %arg8[%dma_wait3A_41, %dma_wait3A_42] : memref<10240x128xf32, #tpu.memory_space<vmem_shared>> -> memref<10240x128xf32, #tpu.memory_space<vmem_shared>>
        tpu.wait_indirect_dma semaphore(%run_scoped3A : memref<!tpu.dma_semaphore, #tpu.memory_space<semaphore_mem>>) src(%arg7 : memref<128x128xf32, #tpu.memory_space<vmem>>) dst(%dma_wait3A_43 : memref<10240x128xf32, #tpu.memory_space<vmem_shared>>)
        tpu.yield
      }) : () -> ()
      %scan3A_33 = arith.constant 0 : i32
      scf.yield %scan3A_33 : i32
    }
    %scan3A_19 = arith.constant 15 : i32
    %barrier3A_20 = arith.constant 0 : index
    tpu.barrier barrier_id(%barrier3A_20)
    %scan3A_21 = arith.constant 0 : i32
    %scan3A_22 = arith.constant 0 : i32
    %scan3A_23 = arith.constant 5 : i32
    %scan3A_24 = arith.addi %scan3A_22, %scan3A_23 : i32
    %scan3A_25 = arith.constant 1 : i32
    %scan3A_26 = scf.for %scan3A_28 = %scan3A_22 to %scan3A_24 step %scan3A_25 iter_args(%scan3A_29 = %scan3A_21) -> (i32)  : i32 {
      %mul3A_30 = arith.constant 128 : i32
      %mul3A_31 = arith.muli %scan3A_28, %mul3A_30 : i32
      %add3A_32 = arith.addi %mul3A_2, %mul3A_31 : i32
      %dma_start3A = arith.constant 0 : i32
      %dma_start3A_33 = tpu.memref_slice %arg8[%add3A_32, %dma_start3A] : memref<10240x128xf32, #tpu.memory_space<vmem_shared>> -> memref<128x128xf32, #tpu.memory_space<vmem_shared>>
      %dma_start3A_34 = arith.constant 0 : i32
      %dma_start3A_35 = tpu.memref_slice %arg8[%add3A_32, %dma_start3A_34] : memref<10240x128xf32, #tpu.memory_space<vmem_shared>> -> memref<128x128xf32, #tpu.memory_space<vmem_shared>>
      tpu.enqueue_dma source(%dma_start3A_35 : memref<128x128xf32, #tpu.memory_space<vmem_shared>>) target(%arg7 : memref<128x128xf32, #tpu.memory_space<vmem>>) target_semaphore(%arg9 : memref<!tpu.dma_semaphore, #tpu.memory_space<semaphore_mem>>)
      %dma_wait3A = arith.constant 0 : i32
      %dma_wait3A_36 = tpu.memref_slice %arg8[%add3A_32, %dma_wait3A] : memref<10240x128xf32, #tpu.memory_space<vmem_shared>> -> memref<128x128xf32, #tpu.memory_space<vmem_shared>>
      %dma_wait3A_37 = arith.constant 0 : i32
      %dma_wait3A_38 = tpu.memref_slice %arg8[%add3A_32, %dma_wait3A_37] : memref<10240x128xf32, #tpu.memory_space<vmem_shared>> -> memref<128x128xf32, #tpu.memory_space<vmem_shared>>
      tpu.wait_dma2 semaphore(%arg9 : memref<!tpu.dma_semaphore, #tpu.memory_space<semaphore_mem>>) src(%dma_wait3A_38 : memref<128x128xf32, #tpu.memory_space<vmem_shared>>) dst(%arg7 : memref<128x128xf32, #tpu.memory_space<vmem>>)
      %mul3A_39 = arith.constant 10240 : i32
      %mul3A_40 = arith.muli %arg0, %mul3A_39 : i32
      %add3A_41 = arith.addi %mul3A_40, %mul3A_2 : i32
      %mul3A_42 = arith.constant 128 : i32
      %mul3A_43 = arith.muli %scan3A_28, %mul3A_42 : i32
      %add3A_44 = arith.addi %add3A_41, %mul3A_43 : i32
      "tpu.region"() ({
        %run_scoped3A = tpu.sem_alloc : memref<!tpu.dma_semaphore, #tpu.memory_space<semaphore_mem>>
        %dma_start3A_46 = arith.constant 0 : i32
        %dma_start3A_47 = tpu.memref_slice %arg5[%add3A_44, %dma_start3A_46] : memref<20480x128xf32, #tpu.memory_space<hbm>> -> memref<128x128xf32, #tpu.memory_space<hbm>>
        %dma_start3A_48 = arith.constant 0 : i32
        %dma_start3A_49 = tpu.memref_slice %arg5[%add3A_44, %dma_start3A_48] : memref<20480x128xf32, #tpu.memory_space<hbm>> -> memref<128x128xf32, #tpu.memory_space<hbm>>
        tpu.enqueue_dma source(%arg7 : memref<128x128xf32, #tpu.memory_space<vmem>>) target(%dma_start3A_49 : memref<128x128xf32, #tpu.memory_space<hbm>>) target_semaphore(%run_scoped3A : memref<!tpu.dma_semaphore, #tpu.memory_space<semaphore_mem>>)
        %dma_wait3A_50 = arith.constant 0 : i32
        %dma_wait3A_51 = tpu.memref_slice %arg5[%add3A_44, %dma_wait3A_50] : memref<20480x128xf32, #tpu.memory_space<hbm>> -> memref<128x128xf32, #tpu.memory_space<hbm>>
        %dma_wait3A_52 = arith.constant 0 : i32
        %dma_wait3A_53 = tpu.memref_slice %arg5[%add3A_44, %dma_wait3A_52] : memref<20480x128xf32, #tpu.memory_space<hbm>> -> memref<128x128xf32, #tpu.memory_space<hbm>>
        tpu.wait_dma2 semaphore(%run_scoped3A : memref<!tpu.dma_semaphore, #tpu.memory_space<semaphore_mem>>) src(%arg7 : memref<128x128xf32, #tpu.memory_space<vmem>>) dst(%dma_wait3A_53 : memref<128x128xf32, #tpu.memory_space<hbm>>)
        tpu.yield
      }) : () -> ()
      %scan3A_45 = arith.constant 0 : i32
      scf.yield %scan3A_45 : i32
    }
    %scan3A_27 = arith.constant 5 : i32
    return
  }
}

#map = affine_map<(d0, d1) -> (0, 0)>
#map1 = affine_map<(d0, d1) -> (0, 0, 0)>
module attributes {stable_mosaic.version = 14 : i64} {
  func.func @k(%arg0: i32, %arg1: i32, %arg2: memref<20480x128xf32, #tpu.memory_space<hbm>>, %arg3: memref<32x15x128xi32, #tpu.memory_space<hbm>>, %arg4: memref<61440x128xf32, #tpu.memory_space<hbm>>, %arg5: memref<15x128xi32, #tpu.memory_space<vmem>>, %arg6: memref<128x128xf32, #tpu.memory_space<vmem>>, %arg7: memref<!tpu.dma_semaphore, #tpu.memory_space<semaphore_mem>>) attributes {dimension_semantics = [#tpu.dimension_semantics<core_parallel>, #tpu.dimension_semantics<subcore_parallel>], iteration_bounds = array<i64: 2, 16>, scalar_prefetch = 0 : i64, scratch_operands = 3 : i64, tpu.core_type = #tpu.core_type<sc_vector_subcore>, window_params = [{transform_indices = #map}, {transform_indices = #map1}, {transform_indices = #map}]} {
    %mul3A = arith.constant 2 : i32
    %mul3A_0 = arith.muli %arg1, %mul3A : i32
    %add3A = arith.addi %mul3A_0, %arg0 : i32
    %mul3A_1 = arith.constant 15 : i32
    %mul3A_2 = arith.muli %add3A, %mul3A_1 : i32
    %mul3A_3 = arith.constant 128 : i32
    %mul3A_4 = arith.muli %mul3A_2, %mul3A_3 : i32
    "tpu.region"() ({
      %run_scoped3A = tpu.sem_alloc : memref<!tpu.dma_semaphore, #tpu.memory_space<semaphore_mem>>
      %dma_start3A = arith.constant 0 : i32
      %dma_start3A_11 = arith.constant 0 : i32
      %dma_start3A_12 = tpu.memref_slice %arg3[%add3A, %dma_start3A, %dma_start3A_11] : memref<32x15x128xi32, #tpu.memory_space<hbm>> -> memref<1x15x128xi32, #tpu.memory_space<hbm>>
      %dma_start3A_13 = tpu.memref_squeeze %dma_start3A_12 : memref<1x15x128xi32, #tpu.memory_space<hbm>> -> memref<15x128xi32, #tpu.memory_space<hbm>>
      %dma_start3A_14 = arith.constant 0 : i32
      %dma_start3A_15 = arith.constant 0 : i32
      %dma_start3A_16 = tpu.memref_slice %arg3[%add3A, %dma_start3A_14, %dma_start3A_15] : memref<32x15x128xi32, #tpu.memory_space<hbm>> -> memref<1x15x128xi32, #tpu.memory_space<hbm>>
      %dma_start3A_17 = tpu.memref_squeeze %dma_start3A_16 : memref<1x15x128xi32, #tpu.memory_space<hbm>> -> memref<15x128xi32, #tpu.memory_space<hbm>>
      tpu.enqueue_dma source(%dma_start3A_17 : memref<15x128xi32, #tpu.memory_space<hbm>>) target(%arg5 : memref<15x128xi32, #tpu.memory_space<vmem>>) target_semaphore(%run_scoped3A : memref<!tpu.dma_semaphore, #tpu.memory_space<semaphore_mem>>)
      %dma_wait3A = arith.constant 0 : i32
      %dma_wait3A_18 = arith.constant 0 : i32
      %dma_wait3A_19 = tpu.memref_slice %arg3[%add3A, %dma_wait3A, %dma_wait3A_18] : memref<32x15x128xi32, #tpu.memory_space<hbm>> -> memref<1x15x128xi32, #tpu.memory_space<hbm>>
      %dma_wait3A_20 = tpu.memref_squeeze %dma_wait3A_19 : memref<1x15x128xi32, #tpu.memory_space<hbm>> -> memref<15x128xi32, #tpu.memory_space<hbm>>
      %dma_wait3A_21 = arith.constant 0 : i32
      %dma_wait3A_22 = arith.constant 0 : i32
      %dma_wait3A_23 = tpu.memref_slice %arg3[%add3A, %dma_wait3A_21, %dma_wait3A_22] : memref<32x15x128xi32, #tpu.memory_space<hbm>> -> memref<1x15x128xi32, #tpu.memory_space<hbm>>
      %dma_wait3A_24 = tpu.memref_squeeze %dma_wait3A_23 : memref<1x15x128xi32, #tpu.memory_space<hbm>> -> memref<15x128xi32, #tpu.memory_space<hbm>>
      tpu.wait_dma2 semaphore(%run_scoped3A : memref<!tpu.dma_semaphore, #tpu.memory_space<semaphore_mem>>) src(%dma_wait3A_24 : memref<15x128xi32, #tpu.memory_space<hbm>>) dst(%arg5 : memref<15x128xi32, #tpu.memory_space<vmem>>)
      tpu.yield
    }) : () -> ()
    %scan3A = arith.constant 0 : i32
    %scan3A_5 = arith.constant 0 : i32
    %scan3A_6 = arith.constant 15 : i32
    %scan3A_7 = arith.addi %scan3A_5, %scan3A_6 : i32
    %scan3A_8 = arith.constant 1 : i32
    %scan3A_9 = scf.for %scan3A_11 = %scan3A_5 to %scan3A_7 step %scan3A_8 iter_args(%scan3A_12 = %scan3A) -> (i32)  : i32 {
      %dma_start3A = arith.constant 0 : i32
      %dma_start3A_13 = tpu.memref_slice %arg5[%scan3A_11, %dma_start3A] : memref<15x128xi32, #tpu.memory_space<vmem>> -> memref<1x128xi32, #tpu.memory_space<vmem>>
      %dma_start3A_14 = tpu.memref_squeeze %dma_start3A_13 : memref<1x128xi32, #tpu.memory_space<vmem>> -> memref<128xi32, #tpu.memory_space<vmem>>
      %dma_start3A_15 = arith.constant 0 : i32
      %dma_start3A_16 = arith.constant 0 : i32
      %dma_start3A_17 = tpu.memref_slice %arg2[%dma_start3A_15, %dma_start3A_16] : memref<20480x128xf32, #tpu.memory_space<hbm>> -> memref<20480x128xf32, #tpu.memory_space<hbm>>
      tpu.enqueue_indirect_dma source(%dma_start3A_17 : memref<20480x128xf32, #tpu.memory_space<hbm>>) target(%arg6 : memref<128x128xf32, #tpu.memory_space<vmem>>) offsets(%dma_start3A_14 : memref<128xi32, #tpu.memory_space<vmem>>) semaphore(%arg7 : memref<!tpu.dma_semaphore, #tpu.memory_space<semaphore_mem>>)
      %dma_wait3A = arith.constant 0 : i32
      %dma_wait3A_18 = tpu.memref_slice %arg5[%scan3A_11, %dma_wait3A] : memref<15x128xi32, #tpu.memory_space<vmem>> -> memref<1x128xi32, #tpu.memory_space<vmem>>
      %dma_wait3A_19 = tpu.memref_squeeze %dma_wait3A_18 : memref<1x128xi32, #tpu.memory_space<vmem>> -> memref<128xi32, #tpu.memory_space<vmem>>
      %dma_wait3A_20 = arith.constant 0 : i32
      %dma_wait3A_21 = arith.constant 0 : i32
      %dma_wait3A_22 = tpu.memref_slice %arg2[%dma_wait3A_20, %dma_wait3A_21] : memref<20480x128xf32, #tpu.memory_space<hbm>> -> memref<20480x128xf32, #tpu.memory_space<hbm>>
      tpu.wait_indirect_dma semaphore(%arg7 : memref<!tpu.dma_semaphore, #tpu.memory_space<semaphore_mem>>) src(%dma_wait3A_22 : memref<20480x128xf32, #tpu.memory_space<hbm>>) dst(%arg6 : memref<128x128xf32, #tpu.memory_space<vmem>>)
      %mul3A_23 = arith.constant 128 : i32
      %mul3A_24 = arith.muli %scan3A_11, %mul3A_23 : i32
      %add3A_25 = arith.addi %mul3A_4, %mul3A_24 : i32
      "tpu.region"() ({
        %run_scoped3A = tpu.sem_alloc : memref<!tpu.dma_semaphore, #tpu.memory_space<semaphore_mem>>
        %dma_start3A_27 = arith.constant 0 : i32
        %dma_start3A_28 = tpu.memref_slice %arg4[%add3A_25, %dma_start3A_27] : memref<61440x128xf32, #tpu.memory_space<hbm>> -> memref<128x128xf32, #tpu.memory_space<hbm>>
        %dma_start3A_29 = arith.constant 0 : i32
        %dma_start3A_30 = tpu.memref_slice %arg4[%add3A_25, %dma_start3A_29] : memref<61440x128xf32, #tpu.memory_space<hbm>> -> memref<128x128xf32, #tpu.memory_space<hbm>>
        tpu.enqueue_dma source(%arg6 : memref<128x128xf32, #tpu.memory_space<vmem>>) target(%dma_start3A_30 : memref<128x128xf32, #tpu.memory_space<hbm>>) target_semaphore(%run_scoped3A : memref<!tpu.dma_semaphore, #tpu.memory_space<semaphore_mem>>)
        %dma_wait3A_31 = arith.constant 0 : i32
        %dma_wait3A_32 = tpu.memref_slice %arg4[%add3A_25, %dma_wait3A_31] : memref<61440x128xf32, #tpu.memory_space<hbm>> -> memref<128x128xf32, #tpu.memory_space<hbm>>
        %dma_wait3A_33 = arith.constant 0 : i32
        %dma_wait3A_34 = tpu.memref_slice %arg4[%add3A_25, %dma_wait3A_33] : memref<61440x128xf32, #tpu.memory_space<hbm>> -> memref<128x128xf32, #tpu.memory_space<hbm>>
        tpu.wait_dma2 semaphore(%run_scoped3A : memref<!tpu.dma_semaphore, #tpu.memory_space<semaphore_mem>>) src(%arg6 : memref<128x128xf32, #tpu.memory_space<vmem>>) dst(%dma_wait3A_34 : memref<128x128xf32, #tpu.memory_space<hbm>>)
        tpu.yield
      }) : () -> ()
      %scan3A_26 = arith.constant 0 : i32
      scf.yield %scan3A_26 : i32
    }
    %scan3A_10 = arith.constant 15 : i32
    return
  }
}

#map = affine_map<(d0, d1) -> (0, 0)>
#map1 = affine_map<(d0, d1) -> (0, 0, 0)>
module attributes {stable_mosaic.version = 14 : i64} {
  func.func @k(%arg0: i32, %arg1: i32, %arg2: memref<61440x128xf32, #tpu.memory_space<hbm>>, %arg3: memref<32x15x128xi32, #tpu.memory_space<hbm>>, %arg4: memref<128x128xf32, #tpu.memory_space<hbm>>, %arg5: memref<5120x128xf32, #tpu.memory_space<hbm>>, %arg6: memref<15x128xi32, #tpu.memory_space<vmem>>, %arg7: memref<128x128xf32, #tpu.memory_space<vmem>>, %arg8: memref<2560x128xf32, #tpu.memory_space<vmem_shared>>, %arg9: memref<!tpu.dma_semaphore, #tpu.memory_space<semaphore_mem>>) attributes {dimension_semantics = [#tpu.dimension_semantics<core_parallel>, #tpu.dimension_semantics<subcore_parallel>], iteration_bounds = array<i64: 2, 16>, scalar_prefetch = 0 : i64, scratch_operands = 4 : i64, tpu.core_type = #tpu.core_type<sc_vector_subcore>, window_params = [{transform_indices = #map}, {transform_indices = #map1}, {transform_indices = #map}, {transform_indices = #map}]} {
    %mul3A = arith.constant 2 : i32
    %mul3A_0 = arith.muli %arg1, %mul3A : i32
    %add3A = arith.addi %mul3A_0, %arg0 : i32
    %mul3A_1 = arith.constant 160 : i32
    %mul3A_2 = arith.muli %arg1, %mul3A_1 : i32
    "tpu.region"() ({
      %run_scoped3A = tpu.sem_alloc : memref<!tpu.dma_semaphore, #tpu.memory_space<semaphore_mem>>
      tpu.enqueue_dma source(%arg4 : memref<128x128xf32, #tpu.memory_space<hbm>>) target(%arg7 : memref<128x128xf32, #tpu.memory_space<vmem>>) target_semaphore(%run_scoped3A : memref<!tpu.dma_semaphore, #tpu.memory_space<semaphore_mem>>)
      tpu.wait_dma2 semaphore(%run_scoped3A : memref<!tpu.dma_semaphore, #tpu.memory_space<semaphore_mem>>) src(%arg4 : memref<128x128xf32, #tpu.memory_space<hbm>>) dst(%arg7 : memref<128x128xf32, #tpu.memory_space<vmem>>)
      tpu.yield
    }) : () -> ()
    %scan3A = arith.constant 0 : i32
    %scan3A_3 = arith.constant 0 : i32
    %mul3A_4 = arith.constant 128 : i32
    %mul3A_5 = arith.muli %scan3A_3, %mul3A_4 : i32
    %add3A_6 = arith.addi %mul3A_2, %mul3A_5 : i32
    %dma_start3A = arith.constant 0 : i32
    %dma_start3A_7 = tpu.memref_slice %arg8[%add3A_6, %dma_start3A] : memref<2560x128xf32, #tpu.memory_space<vmem_shared>> -> memref<128x128xf32, #tpu.memory_space<vmem_shared>>
    %dma_start3A_8 = arith.constant 0 : i32
    %dma_start3A_9 = tpu.memref_slice %arg8[%add3A_6, %dma_start3A_8] : memref<2560x128xf32, #tpu.memory_space<vmem_shared>> -> memref<128x128xf32, #tpu.memory_space<vmem_shared>>
    tpu.enqueue_dma source(%arg7 : memref<128x128xf32, #tpu.memory_space<vmem>>) target(%dma_start3A_9 : memref<128x128xf32, #tpu.memory_space<vmem_shared>>) target_semaphore(%arg9 : memref<!tpu.dma_semaphore, #tpu.memory_space<semaphore_mem>>)
    %dma_wait3A = arith.constant 0 : i32
    %dma_wait3A_10 = tpu.memref_slice %arg8[%add3A_6, %dma_wait3A] : memref<2560x128xf32, #tpu.memory_space<vmem_shared>> -> memref<128x128xf32, #tpu.memory_space<vmem_shared>>
    %dma_wait3A_11 = arith.constant 0 : i32
    %dma_wait3A_12 = tpu.memref_slice %arg8[%add3A_6, %dma_wait3A_11] : memref<2560x128xf32, #tpu.memory_space<vmem_shared>> -> memref<128x128xf32, #tpu.memory_space<vmem_shared>>
    tpu.wait_dma2 semaphore(%arg9 : memref<!tpu.dma_semaphore, #tpu.memory_space<semaphore_mem>>) src(%arg7 : memref<128x128xf32, #tpu.memory_space<vmem>>) dst(%dma_wait3A_12 : memref<128x128xf32, #tpu.memory_space<vmem_shared>>)
    %scan3A_13 = arith.constant 0 : i32
    %scan3A_14 = arith.constant 1 : i32
    %add3A_15 = arith.constant 128 : i32
    %add3A_16 = arith.addi %mul3A_2, %add3A_15 : i32
    %dma_start3A_17 = arith.constant 0 : i32
    %dma_start3A_18 = arith.constant 0 : i32
    %dma_start3A_19 = tpu.memref_slice %arg7[%dma_start3A_17, %dma_start3A_18] : memref<128x128xf32, #tpu.memory_space<vmem>> -> memref<32x128xf32, #tpu.memory_space<vmem>>
    %dma_start3A_20 = arith.constant 0 : i32
    %dma_start3A_21 = tpu.memref_slice %arg8[%add3A_16, %dma_start3A_20] : memref<2560x128xf32, #tpu.memory_space<vmem_shared>> -> memref<32x128xf32, #tpu.memory_space<vmem_shared>>
    %dma_start3A_22 = arith.constant 0 : i32
    %dma_start3A_23 = tpu.memref_slice %arg8[%add3A_16, %dma_start3A_22] : memref<2560x128xf32, #tpu.memory_space<vmem_shared>> -> memref<32x128xf32, #tpu.memory_space<vmem_shared>>
    %dma_start3A_24 = arith.constant 0 : i32
    %dma_start3A_25 = arith.constant 0 : i32
    %dma_start3A_26 = tpu.memref_slice %arg7[%dma_start3A_24, %dma_start3A_25] : memref<128x128xf32, #tpu.memory_space<vmem>> -> memref<32x128xf32, #tpu.memory_space<vmem>>
    tpu.enqueue_dma source(%dma_start3A_26 : memref<32x128xf32, #tpu.memory_space<vmem>>) target(%dma_start3A_23 : memref<32x128xf32, #tpu.memory_space<vmem_shared>>) target_semaphore(%arg9 : memref<!tpu.dma_semaphore, #tpu.memory_space<semaphore_mem>>)
    %dma_wait3A_27 = arith.constant 0 : i32
    %dma_wait3A_28 = arith.constant 0 : i32
    %dma_wait3A_29 = tpu.memref_slice %arg7[%dma_wait3A_27, %dma_wait3A_28] : memref<128x128xf32, #tpu.memory_space<vmem>> -> memref<32x128xf32, #tpu.memory_space<vmem>>
    %dma_wait3A_30 = arith.constant 0 : i32
    %dma_wait3A_31 = tpu.memref_slice %arg8[%add3A_16, %dma_wait3A_30] : memref<2560x128xf32, #tpu.memory_space<vmem_shared>> -> memref<32x128xf32, #tpu.memory_space<vmem_shared>>
    %dma_wait3A_32 = arith.constant 0 : i32
    %dma_wait3A_33 = tpu.memref_slice %arg8[%add3A_16, %dma_wait3A_32] : memref<2560x128xf32, #tpu.memory_space<vmem_shared>> -> memref<32x128xf32, #tpu.memory_space<vmem_shared>>
    %dma_wait3A_34 = arith.constant 0 : i32
    %dma_wait3A_35 = arith.constant 0 : i32
    %dma_wait3A_36 = tpu.memref_slice %arg7[%dma_wait3A_34, %dma_wait3A_35] : memref<128x128xf32, #tpu.memory_space<vmem>> -> memref<32x128xf32, #tpu.memory_space<vmem>>
    tpu.wait_dma2 semaphore(%arg9 : memref<!tpu.dma_semaphore, #tpu.memory_space<semaphore_mem>>) src(%dma_wait3A_36 : memref<32x128xf32, #tpu.memory_space<vmem>>) dst(%dma_wait3A_33 : memref<32x128xf32, #tpu.memory_space<vmem_shared>>)
    %mul3A_37 = arith.constant 15 : i32
    %mul3A_38 = arith.muli %add3A, %mul3A_37 : i32
    %mul3A_39 = arith.constant 128 : i32
    %mul3A_40 = arith.muli %mul3A_38, %mul3A_39 : i32
    "tpu.region"() ({
      %run_scoped3A = tpu.sem_alloc : memref<!tpu.dma_semaphore, #tpu.memory_space<semaphore_mem>>
      %dma_start3A_97 = arith.constant 0 : i32
      %dma_start3A_98 = arith.constant 0 : i32
      %dma_start3A_99 = tpu.memref_slice %arg3[%add3A, %dma_start3A_97, %dma_start3A_98] : memref<32x15x128xi32, #tpu.memory_space<hbm>> -> memref<1x15x128xi32, #tpu.memory_space<hbm>>
      %dma_start3A_100 = tpu.memref_squeeze %dma_start3A_99 : memref<1x15x128xi32, #tpu.memory_space<hbm>> -> memref<15x128xi32, #tpu.memory_space<hbm>>
      %dma_start3A_101 = arith.constant 0 : i32
      %dma_start3A_102 = arith.constant 0 : i32
      %dma_start3A_103 = tpu.memref_slice %arg3[%add3A, %dma_start3A_101, %dma_start3A_102] : memref<32x15x128xi32, #tpu.memory_space<hbm>> -> memref<1x15x128xi32, #tpu.memory_space<hbm>>
      %dma_start3A_104 = tpu.memref_squeeze %dma_start3A_103 : memref<1x15x128xi32, #tpu.memory_space<hbm>> -> memref<15x128xi32, #tpu.memory_space<hbm>>
      tpu.enqueue_dma source(%dma_start3A_104 : memref<15x128xi32, #tpu.memory_space<hbm>>) target(%arg6 : memref<15x128xi32, #tpu.memory_space<vmem>>) target_semaphore(%run_scoped3A : memref<!tpu.dma_semaphore, #tpu.memory_space<semaphore_mem>>)
      %dma_wait3A_105 = arith.constant 0 : i32
      %dma_wait3A_106 = arith.constant 0 : i32
      %dma_wait3A_107 = tpu.memref_slice %arg3[%add3A, %dma_wait3A_105, %dma_wait3A_106] : memref<32x15x128xi32, #tpu.memory_space<hbm>> -> memref<1x15x128xi32, #tpu.memory_space<hbm>>
      %dma_wait3A_108 = tpu.memref_squeeze %dma_wait3A_107 : memref<1x15x128xi32, #tpu.memory_space<hbm>> -> memref<15x128xi32, #tpu.memory_space<hbm>>
      %dma_wait3A_109 = arith.constant 0 : i32
      %dma_wait3A_110 = arith.constant 0 : i32
      %dma_wait3A_111 = tpu.memref_slice %arg3[%add3A, %dma_wait3A_109, %dma_wait3A_110] : memref<32x15x128xi32, #tpu.memory_space<hbm>> -> memref<1x15x128xi32, #tpu.memory_space<hbm>>
      %dma_wait3A_112 = tpu.memref_squeeze %dma_wait3A_111 : memref<1x15x128xi32, #tpu.memory_space<hbm>> -> memref<15x128xi32, #tpu.memory_space<hbm>>
      tpu.wait_dma2 semaphore(%run_scoped3A : memref<!tpu.dma_semaphore, #tpu.memory_space<semaphore_mem>>) src(%dma_wait3A_112 : memref<15x128xi32, #tpu.memory_space<hbm>>) dst(%arg6 : memref<15x128xi32, #tpu.memory_space<vmem>>)
      tpu.yield
    }) : () -> ()
    %barrier3A = arith.constant 0 : index
    tpu.barrier barrier_id(%barrier3A)
    %scan3A_41 = arith.constant 0 : i32
    %scan3A_42 = arith.constant 0 : i32
    %scan3A_43 = arith.constant 15 : i32
    %scan3A_44 = arith.addi %scan3A_42, %scan3A_43 : i32
    %scan3A_45 = arith.constant 1 : i32
    %scan3A_46 = scf.for %scan3A_97 = %scan3A_42 to %scan3A_44 step %scan3A_45 iter_args(%scan3A_98 = %scan3A_41) -> (i32)  : i32 {
      %mul3A_99 = arith.constant 128 : i32
      %mul3A_100 = arith.muli %scan3A_97, %mul3A_99 : i32
      %add3A_101 = arith.addi %mul3A_40, %mul3A_100 : i32
      "tpu.region"() ({
        %run_scoped3A = tpu.sem_alloc : memref<!tpu.dma_semaphore, #tpu.memory_space<semaphore_mem>>
        %dma_start3A_103 = arith.constant 0 : i32
        %dma_start3A_104 = tpu.memref_slice %arg2[%add3A_101, %dma_start3A_103] : memref<61440x128xf32, #tpu.memory_space<hbm>> -> memref<128x128xf32, #tpu.memory_space<hbm>>
        %dma_start3A_105 = arith.constant 0 : i32
        %dma_start3A_106 = tpu.memref_slice %arg2[%add3A_101, %dma_start3A_105] : memref<61440x128xf32, #tpu.memory_space<hbm>> -> memref<128x128xf32, #tpu.memory_space<hbm>>
        tpu.enqueue_dma source(%dma_start3A_106 : memref<128x128xf32, #tpu.memory_space<hbm>>) target(%arg7 : memref<128x128xf32, #tpu.memory_space<vmem>>) target_semaphore(%run_scoped3A : memref<!tpu.dma_semaphore, #tpu.memory_space<semaphore_mem>>)
        %dma_wait3A_107 = arith.constant 0 : i32
        %dma_wait3A_108 = tpu.memref_slice %arg2[%add3A_101, %dma_wait3A_107] : memref<61440x128xf32, #tpu.memory_space<hbm>> -> memref<128x128xf32, #tpu.memory_space<hbm>>
        %dma_wait3A_109 = arith.constant 0 : i32
        %dma_wait3A_110 = tpu.memref_slice %arg2[%add3A_101, %dma_wait3A_109] : memref<61440x128xf32, #tpu.memory_space<hbm>> -> memref<128x128xf32, #tpu.memory_space<hbm>>
        tpu.wait_dma2 semaphore(%run_scoped3A : memref<!tpu.dma_semaphore, #tpu.memory_space<semaphore_mem>>) src(%dma_wait3A_110 : memref<128x128xf32, #tpu.memory_space<hbm>>) dst(%arg7 : memref<128x128xf32, #tpu.memory_space<vmem>>)
        tpu.yield
      }) : () -> ()
      "tpu.region"() ({
        %run_scoped3A = tpu.sem_alloc : memref<!tpu.dma_semaphore, #tpu.memory_space<semaphore_mem>>
        %dma_start3A_103 = arith.constant 0 : i32
        %dma_start3A_104 = tpu.memref_slice %arg6[%scan3A_97, %dma_start3A_103] : memref<15x128xi32, #tpu.memory_space<vmem>> -> memref<1x128xi32, #tpu.memory_space<vmem>>
        %dma_start3A_105 = tpu.memref_squeeze %dma_start3A_104 : memref<1x128xi32, #tpu.memory_space<vmem>> -> memref<128xi32, #tpu.memory_space<vmem>>
        %dma_start3A_106 = arith.constant 0 : i32
        %dma_start3A_107 = arith.constant 0 : i32
        %dma_start3A_108 = tpu.memref_slice %arg8[%dma_start3A_106, %dma_start3A_107] : memref<2560x128xf32, #tpu.memory_space<vmem_shared>> -> memref<2560x128xf32, #tpu.memory_space<vmem_shared>>
        tpu.enqueue_indirect_dma source(%arg7 : memref<128x128xf32, #tpu.memory_space<vmem>>) target(%dma_start3A_108 : memref<2560x128xf32, #tpu.memory_space<vmem_shared>>) offsets(%dma_start3A_105 : memref<128xi32, #tpu.memory_space<vmem>>) semaphore(%run_scoped3A : memref<!tpu.dma_semaphore, #tpu.memory_space<semaphore_mem>>) {add = true}
        %dma_wait3A_109 = arith.constant 0 : i32
        %dma_wait3A_110 = tpu.memref_slice %arg6[%scan3A_97, %dma_wait3A_109] : memref<15x128xi32, #tpu.memory_space<vmem>> -> memref<1x128xi32, #tpu.memory_space<vmem>>
        %dma_wait3A_111 = tpu.memref_squeeze %dma_wait3A_110 : memref<1x128xi32, #tpu.memory_space<vmem>> -> memref<128xi32, #tpu.memory_space<vmem>>
        %dma_wait3A_112 = arith.constant 0 : i32
        %dma_wait3A_113 = arith.constant 0 : i32
        %dma_wait3A_114 = tpu.memref_slice %arg8[%dma_wait3A_112, %dma_wait3A_113] : memref<2560x128xf32, #tpu.memory_space<vmem_shared>> -> memref<2560x128xf32, #tpu.memory_space<vmem_shared>>
        tpu.wait_indirect_dma semaphore(%run_scoped3A : memref<!tpu.dma_semaphore, #tpu.memory_space<semaphore_mem>>) src(%arg7 : memref<128x128xf32, #tpu.memory_space<vmem>>) dst(%dma_wait3A_114 : memref<2560x128xf32, #tpu.memory_space<vmem_shared>>)
        tpu.yield
      }) : () -> ()
      %scan3A_102 = arith.constant 0 : i32
      scf.yield %scan3A_102 : i32
    }
    %scan3A_47 = arith.constant 15 : i32
    %barrier3A_48 = arith.constant 0 : index
    tpu.barrier barrier_id(%barrier3A_48)
    %scan3A_49 = arith.constant 0 : i32
    %scan3A_50 = arith.constant 0 : i32
    %mul3A_51 = arith.constant 128 : i32
    %mul3A_52 = arith.muli %scan3A_50, %mul3A_51 : i32
    %add3A_53 = arith.addi %mul3A_2, %mul3A_52 : i32
    %dma_start3A_54 = arith.constant 0 : i32
    %dma_start3A_55 = tpu.memref_slice %arg8[%add3A_53, %dma_start3A_54] : memref<2560x128xf32, #tpu.memory_space<vmem_shared>> -> memref<128x128xf32, #tpu.memory_space<vmem_shared>>
    %dma_start3A_56 = arith.constant 0 : i32
    %dma_start3A_57 = tpu.memref_slice %arg8[%add3A_53, %dma_start3A_56] : memref<2560x128xf32, #tpu.memory_space<vmem_shared>> -> memref<128x128xf32, #tpu.memory_space<vmem_shared>>
    tpu.enqueue_dma source(%dma_start3A_57 : memref<128x128xf32, #tpu.memory_space<vmem_shared>>) target(%arg7 : memref<128x128xf32, #tpu.memory_space<vmem>>) target_semaphore(%arg9 : memref<!tpu.dma_semaphore, #tpu.memory_space<semaphore_mem>>)
    %dma_wait3A_58 = arith.constant 0 : i32
    %dma_wait3A_59 = tpu.memref_slice %arg8[%add3A_53, %dma_wait3A_58] : memref<2560x128xf32, #tpu.memory_space<vmem_shared>> -> memref<128x128xf32, #tpu.memory_space<vmem_shared>>
    %dma_wait3A_60 = arith.constant 0 : i32
    %dma_wait3A_61 = tpu.memref_slice %arg8[%add3A_53, %dma_wait3A_60] : memref<2560x128xf32, #tpu.memory_space<vmem_shared>> -> memref<128x128xf32, #tpu.memory_space<vmem_shared>>
    tpu.wait_dma2 semaphore(%arg9 : memref<!tpu.dma_semaphore, #tpu.memory_space<semaphore_mem>>) src(%dma_wait3A_61 : memref<128x128xf32, #tpu.memory_space<vmem_shared>>) dst(%arg7 : memref<128x128xf32, #tpu.memory_space<vmem>>)
    %mul3A_62 = arith.constant 2560 : i32
    %mul3A_63 = arith.muli %arg0, %mul3A_62 : i32
    %add3A_64 = arith.addi %mul3A_63, %mul3A_2 : i32
    %mul3A_65 = arith.constant 128 : i32
    %mul3A_66 = arith.muli %scan3A_50, %mul3A_65 : i32
    %add3A_67 = arith.addi %add3A_64, %mul3A_66 : i32
    "tpu.region"() ({
      %run_scoped3A = tpu.sem_alloc : memref<!tpu.dma_semaphore, #tpu.memory_space<semaphore_mem>>
      %dma_start3A_97 = arith.constant 0 : i32
      %dma_start3A_98 = tpu.memref_slice %arg5[%add3A_67, %dma_start3A_97] : memref<5120x128xf32, #tpu.memory_space<hbm>> -> memref<128x128xf32, #tpu.memory_space<hbm>>
      %dma_start3A_99 = arith.constant 0 : i32
      %dma_start3A_100 = tpu.memref_slice %arg5[%add3A_67, %dma_start3A_99] : memref<5120x128xf32, #tpu.memory_space<hbm>> -> memref<128x128xf32, #tpu.memory_space<hbm>>
      tpu.enqueue_dma source(%arg7 : memref<128x128xf32, #tpu.memory_space<vmem>>) target(%dma_start3A_100 : memref<128x128xf32, #tpu.memory_space<hbm>>) target_semaphore(%run_scoped3A : memref<!tpu.dma_semaphore, #tpu.memory_space<semaphore_mem>>)
      %dma_wait3A_101 = arith.constant 0 : i32
      %dma_wait3A_102 = tpu.memref_slice %arg5[%add3A_67, %dma_wait3A_101] : memref<5120x128xf32, #tpu.memory_space<hbm>> -> memref<128x128xf32, #tpu.memory_space<hbm>>
      %dma_wait3A_103 = arith.constant 0 : i32
      %dma_wait3A_104 = tpu.memref_slice %arg5[%add3A_67, %dma_wait3A_103] : memref<5120x128xf32, #tpu.memory_space<hbm>> -> memref<128x128xf32, #tpu.memory_space<hbm>>
      tpu.wait_dma2 semaphore(%run_scoped3A : memref<!tpu.dma_semaphore, #tpu.memory_space<semaphore_mem>>) src(%arg7 : memref<128x128xf32, #tpu.memory_space<vmem>>) dst(%dma_wait3A_104 : memref<128x128xf32, #tpu.memory_space<hbm>>)
      tpu.yield
    }) : () -> ()
    %scan3A_68 = arith.constant 0 : i32
    %scan3A_69 = arith.constant 1 : i32
    %add3A_70 = arith.constant 128 : i32
    %add3A_71 = arith.addi %mul3A_2, %add3A_70 : i32
    %dma_start3A_72 = arith.constant 0 : i32
    %dma_start3A_73 = arith.constant 0 : i32
    %dma_start3A_74 = tpu.memref_slice %arg7[%dma_start3A_72, %dma_start3A_73] : memref<128x128xf32, #tpu.memory_space<vmem>> -> memref<32x128xf32, #tpu.memory_space<vmem>>
    %dma_start3A_75 = arith.constant 0 : i32
    %dma_start3A_76 = tpu.memref_slice %arg8[%add3A_71, %dma_start3A_75] : memref<2560x128xf32, #tpu.memory_space<vmem_shared>> -> memref<32x128xf32, #tpu.memory_space<vmem_shared>>
    %dma_start3A_77 = arith.constant 0 : i32
    %dma_start3A_78 = arith.constant 0 : i32
    %dma_start3A_79 = tpu.memref_slice %arg7[%dma_start3A_77, %dma_start3A_78] : memref<128x128xf32, #tpu.memory_space<vmem>> -> memref<32x128xf32, #tpu.memory_space<vmem>>
    %dma_start3A_80 = arith.constant 0 : i32
    %dma_start3A_81 = tpu.memref_slice %arg8[%add3A_71, %dma_start3A_80] : memref<2560x128xf32, #tpu.memory_space<vmem_shared>> -> memref<32x128xf32, #tpu.memory_space<vmem_shared>>
    tpu.enqueue_dma source(%dma_start3A_81 : memref<32x128xf32, #tpu.memory_space<vmem_shared>>) target(%dma_start3A_79 : memref<32x128xf32, #tpu.memory_space<vmem>>) target_semaphore(%arg9 : memref<!tpu.dma_semaphore, #tpu.memory_space<semaphore_mem>>)
    %dma_wait3A_82 = arith.constant 0 : i32
    %dma_wait3A_83 = arith.constant 0 : i32
    %dma_wait3A_84 = tpu.memref_slice %arg7[%dma_wait3A_82, %dma_wait3A_83] : memref<128x128xf32, #tpu.memory_space<vmem>> -> memref<32x128xf32, #tpu.memory_space<vmem>>
    %dma_wait3A_85 = arith.constant 0 : i32
    %dma_wait3A_86 = tpu.memref_slice %arg8[%add3A_71, %dma_wait3A_85] : memref<2560x128xf32, #tpu.memory_space<vmem_shared>> -> memref<32x128xf32, #tpu.memory_space<vmem_shared>>
    %dma_wait3A_87 = arith.constant 0 : i32
    %dma_wait3A_88 = arith.constant 0 : i32
    %dma_wait3A_89 = tpu.memref_slice %arg7[%dma_wait3A_87, %dma_wait3A_88] : memref<128x128xf32, #tpu.memory_space<vmem>> -> memref<32x128xf32, #tpu.memory_space<vmem>>
    %dma_wait3A_90 = arith.constant 0 : i32
    %dma_wait3A_91 = tpu.memref_slice %arg8[%add3A_71, %dma_wait3A_90] : memref<2560x128xf32, #tpu.memory_space<vmem_shared>> -> memref<32x128xf32, #tpu.memory_space<vmem_shared>>
    tpu.wait_dma2 semaphore(%arg9 : memref<!tpu.dma_semaphore, #tpu.memory_space<semaphore_mem>>) src(%dma_wait3A_91 : memref<32x128xf32, #tpu.memory_space<vmem_shared>>) dst(%dma_wait3A_89 : memref<32x128xf32, #tpu.memory_space<vmem>>)
    %mul3A_92 = arith.constant 2560 : i32
    %mul3A_93 = arith.muli %arg0, %mul3A_92 : i32
    %add3A_94 = arith.addi %mul3A_93, %mul3A_2 : i32
    %add3A_95 = arith.constant 128 : i32
    %add3A_96 = arith.addi %add3A_94, %add3A_95 : i32
    "tpu.region"() ({
      %run_scoped3A = tpu.sem_alloc : memref<!tpu.dma_semaphore, #tpu.memory_space<semaphore_mem>>
      %dma_start3A_97 = arith.constant 0 : i32
      %dma_start3A_98 = arith.constant 0 : i32
      %dma_start3A_99 = tpu.memref_slice %arg7[%dma_start3A_97, %dma_start3A_98] : memref<128x128xf32, #tpu.memory_space<vmem>> -> memref<32x128xf32, #tpu.memory_space<vmem>>
      %dma_start3A_100 = arith.constant 0 : i32
      %dma_start3A_101 = tpu.memref_slice %arg5[%add3A_96, %dma_start3A_100] : memref<5120x128xf32, #tpu.memory_space<hbm>> -> memref<32x128xf32, #tpu.memory_space<hbm>>
      %dma_start3A_102 = arith.constant 0 : i32
      %dma_start3A_103 = tpu.memref_slice %arg5[%add3A_96, %dma_start3A_102] : memref<5120x128xf32, #tpu.memory_space<hbm>> -> memref<32x128xf32, #tpu.memory_space<hbm>>
      %dma_start3A_104 = arith.constant 0 : i32
      %dma_start3A_105 = arith.constant 0 : i32
      %dma_start3A_106 = tpu.memref_slice %arg7[%dma_start3A_104, %dma_start3A_105] : memref<128x128xf32, #tpu.memory_space<vmem>> -> memref<32x128xf32, #tpu.memory_space<vmem>>
      tpu.enqueue_dma source(%dma_start3A_106 : memref<32x128xf32, #tpu.memory_space<vmem>>) target(%dma_start3A_103 : memref<32x128xf32, #tpu.memory_space<hbm>>) target_semaphore(%run_scoped3A : memref<!tpu.dma_semaphore, #tpu.memory_space<semaphore_mem>>)
      %dma_wait3A_107 = arith.constant 0 : i32
      %dma_wait3A_108 = arith.constant 0 : i32
      %dma_wait3A_109 = tpu.memref_slice %arg7[%dma_wait3A_107, %dma_wait3A_108] : memref<128x128xf32, #tpu.memory_space<vmem>> -> memref<32x128xf32, #tpu.memory_space<vmem>>
      %dma_wait3A_110 = arith.constant 0 : i32
      %dma_wait3A_111 = tpu.memref_slice %arg5[%add3A_96, %dma_wait3A_110] : memref<5120x128xf32, #tpu.memory_space<hbm>> -> memref<32x128xf32, #tpu.memory_space<hbm>>
      %dma_wait3A_112 = arith.constant 0 : i32
      %dma_wait3A_113 = tpu.memref_slice %arg5[%add3A_96, %dma_wait3A_112] : memref<5120x128xf32, #tpu.memory_space<hbm>> -> memref<32x128xf32, #tpu.memory_space<hbm>>
      %dma_wait3A_114 = arith.constant 0 : i32
      %dma_wait3A_115 = arith.constant 0 : i32
      %dma_wait3A_116 = tpu.memref_slice %arg7[%dma_wait3A_114, %dma_wait3A_115] : memref<128x128xf32, #tpu.memory_space<vmem>> -> memref<32x128xf32, #tpu.memory_space<vmem>>
      tpu.wait_dma2 semaphore(%run_scoped3A : memref<!tpu.dma_semaphore, #tpu.memory_space<semaphore_mem>>) src(%dma_wait3A_116 : memref<32x128xf32, #tpu.memory_space<vmem>>) dst(%dma_wait3A_113 : memref<32x128xf32, #tpu.memory_space<hbm>>)
      tpu.yield
    }) : () -> ()
    return
  }
}

module attributes {stable_mosaic.version = 14 : i64} {
  func.func @body(%arg0: i32, %arg1: memref<256x16xbf16, #tpu.memory_space<vmem>>, %arg2: memref<256x128xf32, #tpu.memory_space<vmem>>, %arg3: memref<16x32xbf16, #tpu.memory_space<vmem>>, %arg4: memref<1x32xf32, #tpu.memory_space<vmem>>, %arg5: memref<32x1024xbf16, #tpu.memory_space<vmem>>, %arg6: memref<1x1024xf32, #tpu.memory_space<vmem>>, %arg7: memref<256x128xf32, #tpu.memory_space<vmem>>, %arg8: memref<256x128xf32, #tpu.memory_space<vmem>>) attributes {dimension_semantics = [#tpu.dimension_semantics<arbitrary>], iteration_bounds = array<i64: 240>, scalar_prefetch = 0 : i64, scratch_operands = 0 : i64, tpu.core_type = #tpu.core_type<tc>, window_params = [{transform_indices = @transform_0, window_bounds = array<i64: 256, 16>}, {transform_indices = @transform_1, window_bounds = array<i64: 256, 128>}, {pipeline_mode = #tpu.pipeline_mode<synchronous>, transform_indices = @transform_2, window_bounds = array<i64: 16, 32>}, {pipeline_mode = #tpu.pipeline_mode<synchronous>, transform_indices = @transform_3, window_bounds = array<i64: 1, 32>}, {pipeline_mode = #tpu.pipeline_mode<synchronous>, transform_indices = @transform_4, window_bounds = array<i64: 32, 1024>}, {pipeline_mode = #tpu.pipeline_mode<synchronous>, transform_indices = @transform_5, window_bounds = array<i64: 1, 1024>}, {transform_indices = @transform_6, window_bounds = array<i64: 256, 128>}, {transform_indices = @transform_7, window_bounds = array<i64: 256, 128>}]} {
    %get3A = arith.constant 0 : index
    %get3A_0 = arith.constant 0 : index
    %get3A_1 = vector.load %arg1[%get3A, %get3A_0] : memref<256x16xbf16, #tpu.memory_space<vmem>>, vector<256x16xbf16>
    %get3A_2 = arith.constant 0 : index
    %get3A_3 = arith.constant 0 : index
    %get3A_4 = vector.load %arg3[%get3A_2, %get3A_3] : memref<16x32xbf16, #tpu.memory_space<vmem>>, vector<16x32xbf16>
    %dot_general3A = arith.constant dense<0.000000e+00> : vector<256x32xf32>
    %dot_general3A_5 = tpu.matmul %get3A_1, %get3A_4, %dot_general3A {dimension_numbers = #tpu.dot_dimension_numbers<[1], [0], [0], [1], [0, 0, 1, 1], [], []>, transpose_lhs_hint = false} : vector<256x16xbf16>, vector<16x32xbf16>, vector<256x32xf32> -> vector<256x32xf32>
    %get3A_6 = arith.constant 0 : index
    %get3A_7 = arith.constant 0 : index
    %get3A_8 = vector.load %arg4[%get3A_6, %get3A_7] : memref<1x32xf32, #tpu.memory_space<vmem>>, vector<1x32xf32>
    %add3A = vector.broadcast %get3A_8 : vector<1x32xf32> to vector<256x32xf32>
    %add3A_9 = arith.addf %dot_general3A_5, %add3A : vector<256x32xf32>
    %ge3A = arith.constant 0.000000e+00 : f32
    %ge3A_10 = vector.broadcast %ge3A : f32 to vector<256x32xf32>
    %ge3A_11 = arith.cmpf oge, %add3A_9, %ge3A_10 : vector<256x32xf32>
    %mul3A = arith.constant 0.00999999977 : f32
    %mul3A_12 = vector.broadcast %mul3A : f32 to vector<256x32xf32>
    %mul3A_13 = arith.mulf %mul3A_12, %add3A_9 : vector<256x32xf32>
    %select_n3A = arith.select %ge3A_11, %add3A_9, %mul3A_13 : vector<256x32xi1>, vector<256x32xf32>
    %convert_element_type3A = arith.truncf %select_n3A : vector<256x32xf32> to vector<256x32xbf16>
    %get3A_14 = arith.constant 0 : index
    %get3A_15 = arith.constant 0 : index
    %get3A_16 = vector.load %arg5[%get3A_14, %get3A_15] : memref<32x1024xbf16, #tpu.memory_space<vmem>>, vector<32x1024xbf16>
    %dot_general3A_17 = arith.constant dense<0.000000e+00> : vector<256x1024xf32>
    %dot_general3A_18 = tpu.matmul %convert_element_type3A, %get3A_16, %dot_general3A_17 {dimension_numbers = #tpu.dot_dimension_numbers<[1], [0], [0], [1], [0, 0, 1, 1], [], []>, transpose_lhs_hint = false} : vector<256x32xbf16>, vector<32x1024xbf16>, vector<256x1024xf32> -> vector<256x1024xf32>
    %get3A_19 = arith.constant 0 : index
    %get3A_20 = arith.constant 0 : index
    %get3A_21 = vector.load %arg6[%get3A_19, %get3A_20] : memref<1x1024xf32, #tpu.memory_space<vmem>>, vector<1x1024xf32>
    %add3A_22 = vector.broadcast %get3A_21 : vector<1x1024xf32> to vector<256x1024xf32>
    %add3A_23 = arith.addf %dot_general3A_18, %add3A_22 : vector<256x1024xf32>
    %get3A_24 = arith.constant 0 : index
    %get3A_25 = arith.constant 0 : index
    %get3A_26 = vector.load %arg2[%get3A_24, %get3A_25] : memref<256x128xf32, #tpu.memory_space<vmem>>, vector<256x128xf32>
    %convert_element_type3A_27 = arith.truncf %add3A_23 : vector<256x1024xf32> to vector<256x1024xbf16>
    %convert_element_type3A_28 = arith.extf %convert_element_type3A_27 : vector<256x1024xbf16> to vector<256x1024xf32>
    %convert_element_type3A_29 = arith.truncf %get3A_26 : vector<256x128xf32> to vector<256x128xbf16>
    %convert_element_type3A_30 = arith.extf %convert_element_type3A_29 : vector<256x128xbf16> to vector<256x128xf32>
    %broadcast_in_dim3A = arith.constant 0.000000e+00 : f32
    %broadcast_in_dim3A_31 = vector.broadcast %broadcast_in_dim3A : f32 to vector<256x64xf32>
    %slice3A = vector.extract_strided_slice %convert_element_type3A_30 {offsets = [0, 0], sizes = [256, 1], strides = [1, 1]} : vector<256x128xf32> to vector<256x1xf32>
    %slice3A_32 = vector.extract_strided_slice %convert_element_type3A_28 {offsets = [0, 0], sizes = [256, 64], strides = [1, 1]} : vector<256x1024xf32> to vector<256x64xf32>
    %mul3A_33 = vector.broadcast %slice3A : vector<256x1xf32> to vector<256x64xf32>
    %mul3A_34 = arith.mulf %mul3A_33, %slice3A_32 : vector<256x64xf32>
    %add3A_35 = arith.addf %broadcast_in_dim3A_31, %mul3A_34 : vector<256x64xf32>
    %slice3A_36 = vector.extract_strided_slice %convert_element_type3A_30 {offsets = [0, 1], sizes = [256, 1], strides = [1, 1]} : vector<256x128xf32> to vector<256x1xf32>
    %slice3A_37 = vector.extract_strided_slice %convert_element_type3A_28 {offsets = [0, 64], sizes = [256, 64], strides = [1, 1]} : vector<256x1024xf32> to vector<256x64xf32>
    %mul3A_38 = vector.broadcast %slice3A_36 : vector<256x1xf32> to vector<256x64xf32>
    %mul3A_39 = arith.mulf %mul3A_38, %slice3A_37 : vector<256x64xf32>
    %add3A_40 = arith.addf %add3A_35, %mul3A_39 : vector<256x64xf32>
    %slice3A_41 = vector.extract_strided_slice %convert_element_type3A_30 {offsets = [0, 2], sizes = [256, 1], strides = [1, 1]} : vector<256x128xf32> to vector<256x1xf32>
    %slice3A_42 = vector.extract_strided_slice %convert_element_type3A_28 {offsets = [0, 128], sizes = [256, 64], strides = [1, 1]} : vector<256x1024xf32> to vector<256x64xf32>
    %mul3A_43 = vector.broadcast %slice3A_41 : vector<256x1xf32> to vector<256x64xf32>
    %mul3A_44 = arith.mulf %mul3A_43, %slice3A_42 : vector<256x64xf32>
    %add3A_45 = arith.addf %add3A_40, %mul3A_44 : vector<256x64xf32>
    %slice3A_46 = vector.extract_strided_slice %convert_element_type3A_30 {offsets = [0, 3], sizes = [256, 1], strides = [1, 1]} : vector<256x128xf32> to vector<256x1xf32>
    %slice3A_47 = vector.extract_strided_slice %convert_element_type3A_28 {offsets = [0, 192], sizes = [256, 64], strides = [1, 1]} : vector<256x1024xf32> to vector<256x64xf32>
    %mul3A_48 = vector.broadcast %slice3A_46 : vector<256x1xf32> to vector<256x64xf32>
    %mul3A_49 = arith.mulf %mul3A_48, %slice3A_47 : vector<256x64xf32>
    %add3A_50 = arith.addf %add3A_45, %mul3A_49 : vector<256x64xf32>
    %slice3A_51 = vector.extract_strided_slice %convert_element_type3A_30 {offsets = [0, 4], sizes = [256, 1], strides = [1, 1]} : vector<256x128xf32> to vector<256x1xf32>
    %slice3A_52 = vector.extract_strided_slice %convert_element_type3A_28 {offsets = [0, 256], sizes = [256, 64], strides = [1, 1]} : vector<256x1024xf32> to vector<256x64xf32>
    %mul3A_53 = vector.broadcast %slice3A_51 : vector<256x1xf32> to vector<256x64xf32>
    %mul3A_54 = arith.mulf %mul3A_53, %slice3A_52 : vector<256x64xf32>
    %add3A_55 = arith.addf %add3A_50, %mul3A_54 : vector<256x64xf32>
    %slice3A_56 = vector.extract_strided_slice %convert_element_type3A_30 {offsets = [0, 5], sizes = [256, 1], strides = [1, 1]} : vector<256x128xf32> to vector<256x1xf32>
    %slice3A_57 = vector.extract_strided_slice %convert_element_type3A_28 {offsets = [0, 320], sizes = [256, 64], strides = [1, 1]} : vector<256x1024xf32> to vector<256x64xf32>
    %mul3A_58 = vector.broadcast %slice3A_56 : vector<256x1xf32> to vector<256x64xf32>
    %mul3A_59 = arith.mulf %mul3A_58, %slice3A_57 : vector<256x64xf32>
    %add3A_60 = arith.addf %add3A_55, %mul3A_59 : vector<256x64xf32>
    %slice3A_61 = vector.extract_strided_slice %convert_element_type3A_30 {offsets = [0, 6], sizes = [256, 1], strides = [1, 1]} : vector<256x128xf32> to vector<256x1xf32>
    %slice3A_62 = vector.extract_strided_slice %convert_element_type3A_28 {offsets = [0, 384], sizes = [256, 64], strides = [1, 1]} : vector<256x1024xf32> to vector<256x64xf32>
    %mul3A_63 = vector.broadcast %slice3A_61 : vector<256x1xf32> to vector<256x64xf32>
    %mul3A_64 = arith.mulf %mul3A_63, %slice3A_62 : vector<256x64xf32>
    %add3A_65 = arith.addf %add3A_60, %mul3A_64 : vector<256x64xf32>
    %slice3A_66 = vector.extract_strided_slice %convert_element_type3A_30 {offsets = [0, 7], sizes = [256, 1], strides = [1, 1]} : vector<256x128xf32> to vector<256x1xf32>
    %slice3A_67 = vector.extract_strided_slice %convert_element_type3A_28 {offsets = [0, 448], sizes = [256, 64], strides = [1, 1]} : vector<256x1024xf32> to vector<256x64xf32>
    %mul3A_68 = vector.broadcast %slice3A_66 : vector<256x1xf32> to vector<256x64xf32>
    %mul3A_69 = arith.mulf %mul3A_68, %slice3A_67 : vector<256x64xf32>
    %add3A_70 = arith.addf %add3A_65, %mul3A_69 : vector<256x64xf32>
    %slice3A_71 = vector.extract_strided_slice %convert_element_type3A_30 {offsets = [0, 8], sizes = [256, 1], strides = [1, 1]} : vector<256x128xf32> to vector<256x1xf32>
    %slice3A_72 = vector.extract_strided_slice %convert_element_type3A_28 {offsets = [0, 512], sizes = [256, 64], strides = [1, 1]} : vector<256x1024xf32> to vector<256x64xf32>
    %mul3A_73 = vector.broadcast %slice3A_71 : vector<256x1xf32> to vector<256x64xf32>
    %mul3A_74 = arith.mulf %mul3A_73, %slice3A_72 : vector<256x64xf32>
    %add3A_75 = arith.addf %add3A_70, %mul3A_74 : vector<256x64xf32>
    %slice3A_76 = vector.extract_strided_slice %convert_element_type3A_30 {offsets = [0, 9], sizes = [256, 1], strides = [1, 1]} : vector<256x128xf32> to vector<256x1xf32>
    %slice3A_77 = vector.extract_strided_slice %convert_element_type3A_28 {offsets = [0, 576], sizes = [256, 64], strides = [1, 1]} : vector<256x1024xf32> to vector<256x64xf32>
    %mul3A_78 = vector.broadcast %slice3A_76 : vector<256x1xf32> to vector<256x64xf32>
    %mul3A_79 = arith.mulf %mul3A_78, %slice3A_77 : vector<256x64xf32>
    %add3A_80 = arith.addf %add3A_75, %mul3A_79 : vector<256x64xf32>
    %slice3A_81 = vector.extract_strided_slice %convert_element_type3A_30 {offsets = [0, 10], sizes = [256, 1], strides = [1, 1]} : vector<256x128xf32> to vector<256x1xf32>
    %slice3A_82 = vector.extract_strided_slice %convert_element_type3A_28 {offsets = [0, 640], sizes = [256, 64], strides = [1, 1]} : vector<256x1024xf32> to vector<256x64xf32>
    %mul3A_83 = vector.broadcast %slice3A_81 : vector<256x1xf32> to vector<256x64xf32>
    %mul3A_84 = arith.mulf %mul3A_83, %slice3A_82 : vector<256x64xf32>
    %add3A_85 = arith.addf %add3A_80, %mul3A_84 : vector<256x64xf32>
    %slice3A_86 = vector.extract_strided_slice %convert_element_type3A_30 {offsets = [0, 11], sizes = [256, 1], strides = [1, 1]} : vector<256x128xf32> to vector<256x1xf32>
    %slice3A_87 = vector.extract_strided_slice %convert_element_type3A_28 {offsets = [0, 704], sizes = [256, 64], strides = [1, 1]} : vector<256x1024xf32> to vector<256x64xf32>
    %mul3A_88 = vector.broadcast %slice3A_86 : vector<256x1xf32> to vector<256x64xf32>
    %mul3A_89 = arith.mulf %mul3A_88, %slice3A_87 : vector<256x64xf32>
    %add3A_90 = arith.addf %add3A_85, %mul3A_89 : vector<256x64xf32>
    %slice3A_91 = vector.extract_strided_slice %convert_element_type3A_30 {offsets = [0, 12], sizes = [256, 1], strides = [1, 1]} : vector<256x128xf32> to vector<256x1xf32>
    %slice3A_92 = vector.extract_strided_slice %convert_element_type3A_28 {offsets = [0, 768], sizes = [256, 64], strides = [1, 1]} : vector<256x1024xf32> to vector<256x64xf32>
    %mul3A_93 = vector.broadcast %slice3A_91 : vector<256x1xf32> to vector<256x64xf32>
    %mul3A_94 = arith.mulf %mul3A_93, %slice3A_92 : vector<256x64xf32>
    %add3A_95 = arith.addf %add3A_90, %mul3A_94 : vector<256x64xf32>
    %slice3A_96 = vector.extract_strided_slice %convert_element_type3A_30 {offsets = [0, 13], sizes = [256, 1], strides = [1, 1]} : vector<256x128xf32> to vector<256x1xf32>
    %slice3A_97 = vector.extract_strided_slice %convert_element_type3A_28 {offsets = [0, 832], sizes = [256, 64], strides = [1, 1]} : vector<256x1024xf32> to vector<256x64xf32>
    %mul3A_98 = vector.broadcast %slice3A_96 : vector<256x1xf32> to vector<256x64xf32>
    %mul3A_99 = arith.mulf %mul3A_98, %slice3A_97 : vector<256x64xf32>
    %add3A_100 = arith.addf %add3A_95, %mul3A_99 : vector<256x64xf32>
    %slice3A_101 = vector.extract_strided_slice %convert_element_type3A_30 {offsets = [0, 14], sizes = [256, 1], strides = [1, 1]} : vector<256x128xf32> to vector<256x1xf32>
    %slice3A_102 = vector.extract_strided_slice %convert_element_type3A_28 {offsets = [0, 896], sizes = [256, 64], strides = [1, 1]} : vector<256x1024xf32> to vector<256x64xf32>
    %mul3A_103 = vector.broadcast %slice3A_101 : vector<256x1xf32> to vector<256x64xf32>
    %mul3A_104 = arith.mulf %mul3A_103, %slice3A_102 : vector<256x64xf32>
    %add3A_105 = arith.addf %add3A_100, %mul3A_104 : vector<256x64xf32>
    %slice3A_106 = vector.extract_strided_slice %convert_element_type3A_30 {offsets = [0, 15], sizes = [256, 1], strides = [1, 1]} : vector<256x128xf32> to vector<256x1xf32>
    %slice3A_107 = vector.extract_strided_slice %convert_element_type3A_28 {offsets = [0, 960], sizes = [256, 64], strides = [1, 1]} : vector<256x1024xf32> to vector<256x64xf32>
    %mul3A_108 = vector.broadcast %slice3A_106 : vector<256x1xf32> to vector<256x64xf32>
    %mul3A_109 = arith.mulf %mul3A_108, %slice3A_107 : vector<256x64xf32>
    %add3A_110 = arith.addf %add3A_105, %mul3A_109 : vector<256x64xf32>
    %tile3A = tpu.concatenate %add3A_110, %add3A_110 in 1 : vector<256x64xf32>, vector<256x64xf32> -> vector<256x128xf32>
    %get3A_111 = arith.constant 0 : index
    %get3A_112 = arith.constant 0 : index
    %get3A_113 = vector.load %arg7[%get3A_111, %get3A_112] : memref<256x128xf32, #tpu.memory_space<vmem>>, vector<256x128xf32>
    %mul3A_114 = arith.mulf %tile3A, %get3A_113 : vector<256x128xf32>
    %swap3A = arith.constant 0 : index
    %swap3A_115 = arith.constant 0 : index
    %swap3A_116 = vector.load %arg8[%swap3A, %swap3A_115] : memref<256x128xf32, #tpu.memory_space<vmem>>, vector<256x128xf32>
    tpu.vector_store %arg8[%swap3A, %swap3A_115], %mul3A_114 {strides = array<i32>} : memref<256x128xf32, #tpu.memory_space<vmem>>, vector<256x128xf32>,
    return
  }
  func.func @transform_0(%arg0: i32) -> (i32, i32) {
    %c0_i32 = arith.constant 0 : i32
    %c0_i32_0 = arith.constant 0 : i32
    return %arg0, %c0_i32 : i32, i32
  }
  func.func @transform_1(%arg0: i32) -> (i32, i32) {
    %c0_i32 = arith.constant 0 : i32
    %c0_i32_0 = arith.constant 0 : i32
    return %arg0, %c0_i32 : i32, i32
  }
  func.func @transform_2(%arg0: i32) -> (i32, i32) {
    %c0_i32 = arith.constant 0 : i32
    %c0_i32_0 = arith.constant 0 : i32
    %c0_i32_1 = arith.constant 0 : i32
    return %c0_i32, %c0_i32_0 : i32, i32
  }
  func.func @transform_3(%arg0: i32) -> (i32, i32) {
    %c0_i32 = arith.constant 0 : i32
    %c0_i32_0 = arith.constant 0 : i32
    %c0_i32_1 = arith.constant 0 : i32
    return %c0_i32, %c0_i32_0 : i32, i32
  }
  func.func @transform_4(%arg0: i32) -> (i32, i32) {
    %c0_i32 = arith.constant 0 : i32
    %c0_i32_0 = arith.constant 0 : i32
    %c0_i32_1 = arith.constant 0 : i32
    return %c0_i32, %c0_i32_0 : i32, i32
  }
  func.func @transform_5(%arg0: i32) -> (i32, i32) {
    %c0_i32 = arith.constant 0 : i32
    %c0_i32_0 = arith.constant 0 : i32
    %c0_i32_1 = arith.constant 0 : i32
    return %c0_i32, %c0_i32_0 : i32, i32
  }
  func.func @transform_6(%arg0: i32) -> (i32, i32) {
    %c0_i32 = arith.constant 0 : i32
    %c0_i32_0 = arith.constant 0 : i32
    return %arg0, %c0_i32 : i32, i32
  }
  func.func @transform_7(%arg0: i32) -> (i32, i32) {
    %c0_i32 = arith.constant 0 : i32
    %c0_i32_0 = arith.constant 0 : i32
    return %arg0, %c0_i32 : i32, i32
  }
}

module attributes {stable_mosaic.version = 14 : i64} {
  func.func @body(%arg0: i32, %arg1: memref<256x64xf32, #tpu.memory_space<vmem>>, %arg2: memref<256x64xf32, #tpu.memory_space<vmem>>, %arg3: memref<256x16xf32, #tpu.memory_space<vmem>>, %arg4: memref<256x16xf32, #tpu.memory_space<vmem>>, %arg5: memref<256x16xf32, #tpu.memory_space<vmem>>, %arg6: memref<256x16xf32, #tpu.memory_space<vmem>>, %arg7: memref<16x64xbf16, #tpu.memory_space<vmem>>, %arg8: memref<1x64xf32, #tpu.memory_space<vmem>>, %arg9: memref<256x128xf32, #tpu.memory_space<vmem>>) attributes {dimension_semantics = [#tpu.dimension_semantics<arbitrary>], iteration_bounds = array<i64: 80>, scalar_prefetch = 0 : i64, scratch_operands = 0 : i64, tpu.core_type = #tpu.core_type<tc>, window_params = [{transform_indices = @transform_0, window_bounds = array<i64: 256, 64>}, {transform_indices = @transform_1, window_bounds = array<i64: 256, 64>}, {transform_indices = @transform_2, window_bounds = array<i64: 256, 16>}, {transform_indices = @transform_3, window_bounds = array<i64: 256, 16>}, {transform_indices = @transform_4, window_bounds = array<i64: 256, 16>}, {transform_indices = @transform_5, window_bounds = array<i64: 256, 16>}, {pipeline_mode = #tpu.pipeline_mode<synchronous>, transform_indices = @transform_6, window_bounds = array<i64: 16, 64>}, {pipeline_mode = #tpu.pipeline_mode<synchronous>, transform_indices = @transform_7, window_bounds = array<i64: 1, 64>}, {transform_indices = @transform_8, window_bounds = array<i64: 256, 128>}]} {
    %get3A = arith.constant 0 : index
    %get3A_0 = arith.constant 0 : index
    %get3A_1 = vector.load %arg1[%get3A, %get3A_0] : memref<256x64xf32, #tpu.memory_space<vmem>>, vector<256x64xf32>
    %get3A_2 = arith.constant 0 : index
    %get3A_3 = arith.constant 0 : index
    %get3A_4 = vector.load %arg2[%get3A_2, %get3A_3] : memref<256x64xf32, #tpu.memory_space<vmem>>, vector<256x64xf32>
    %add3A = arith.addf %get3A_1, %get3A_4 : vector<256x64xf32>
    %get3A_5 = arith.constant 0 : index
    %get3A_6 = arith.constant 0 : index
    %get3A_7 = vector.load %arg3[%get3A_5, %get3A_6] : memref<256x16xf32, #tpu.memory_space<vmem>>, vector<256x1xf32>
    %get3A_8 = arith.constant 0 : index
    %get3A_9 = arith.constant 0 : index
    %get3A_10 = vector.load %arg4[%get3A_8, %get3A_9] : memref<256x16xf32, #tpu.memory_space<vmem>>, vector<256x1xf32>
    %add3A_11 = arith.addf %get3A_7, %get3A_10 : vector<256x1xf32>
    %max3A = arith.constant 1.000000e+00 : f32
    %max3A_12 = vector.broadcast %max3A : f32 to vector<256x1xf32>
    %max3A_13 = arith.maximumf %add3A_11, %max3A_12 : vector<256x1xf32>
    %div3A = vector.broadcast %max3A_13 : vector<256x1xf32> to vector<256x64xf32>
    %div3A_14 = arith.divf %add3A, %div3A : vector<256x64xf32>
    %get3A_15 = arith.constant 0 : index
    %get3A_16 = arith.constant 0 : index
    %get3A_17 = vector.load %arg5[%get3A_15, %get3A_16] : memref<256x16xf32, #tpu.memory_space<vmem>>, vector<256x16xf32>
    %convert_element_type3A = arith.truncf %get3A_17 : vector<256x16xf32> to vector<256x16xbf16>
    %get3A_18 = arith.constant 0 : index
    %get3A_19 = arith.constant 0 : index
    %get3A_20 = vector.load %arg7[%get3A_18, %get3A_19] : memref<16x64xbf16, #tpu.memory_space<vmem>>, vector<16x64xbf16>
    %dot_general3A = arith.constant dense<0.000000e+00> : vector<256x64xf32>
    %dot_general3A_21 = tpu.matmul %convert_element_type3A, %get3A_20, %dot_general3A {dimension_numbers = #tpu.dot_dimension_numbers<[1], [0], [0], [1], [0, 0, 1, 1], [], []>, transpose_lhs_hint = false} : vector<256x16xbf16>, vector<16x64xbf16>, vector<256x64xf32> -> vector<256x64xf32>
    %add3A_22 = arith.addf %div3A_14, %dot_general3A_21 : vector<256x64xf32>
    %get3A_23 = arith.constant 0 : index
    %get3A_24 = arith.constant 0 : index
    %get3A_25 = vector.load %arg8[%get3A_23, %get3A_24] : memref<1x64xf32, #tpu.memory_space<vmem>>, vector<1x64xf32>
    %add3A_26 = vector.broadcast %get3A_25 : vector<1x64xf32> to vector<256x64xf32>
    %add3A_27 = arith.addf %add3A_22, %add3A_26 : vector<256x64xf32>
    %ge3A = arith.constant 0.000000e+00 : f32
    %ge3A_28 = vector.broadcast %ge3A : f32 to vector<256x64xf32>
    %ge3A_29 = arith.cmpf oge, %add3A_27, %ge3A_28 : vector<256x64xf32>
    %mul3A = arith.constant 0.00999999977 : f32
    %mul3A_30 = vector.broadcast %mul3A : f32 to vector<256x64xf32>
    %mul3A_31 = arith.mulf %mul3A_30, %add3A_27 : vector<256x64xf32>
    %select_n3A = arith.select %ge3A_29, %add3A_27, %mul3A_31 : vector<256x64xi1>, vector<256x64xf32>
    %broadcast_in_dim3A = arith.constant 0.000000e+00 : f32
    %broadcast_in_dim3A_32 = vector.broadcast %broadcast_in_dim3A : f32 to vector<256x48xf32>
    %get3A_33 = arith.constant 0 : index
    %get3A_34 = arith.constant 0 : index
    %get3A_35 = vector.load %arg6[%get3A_33, %get3A_34] : memref<256x16xf32, #tpu.memory_space<vmem>>, vector<256x16xf32>
    %concatenate3A = tpu.concatenate %select_n3A, %get3A_35, %broadcast_in_dim3A_32 in 1 : vector<256x64xf32>, vector<256x16xf32>, vector<256x48xf32> -> vector<256x128xf32>
    %swap3A = arith.constant 0 : index
    %swap3A_36 = arith.constant 0 : index
    %swap3A_37 = vector.load %arg9[%swap3A, %swap3A_36] : memref<256x128xf32, #tpu.memory_space<vmem>>, vector<256x128xf32>
    tpu.vector_store %arg9[%swap3A, %swap3A_36], %concatenate3A {strides = array<i32>} : memref<256x128xf32, #tpu.memory_space<vmem>>, vector<256x128xf32>,
    return
  }
  func.func @transform_0(%arg0: i32) -> (i32, i32) {
    %c0_i32 = arith.constant 0 : i32
    %c0_i32_0 = arith.constant 0 : i32
    return %arg0, %c0_i32 : i32, i32
  }
  func.func @transform_1(%arg0: i32) -> (i32, i32) {
    %c0_i32 = arith.constant 0 : i32
    %c0_i32_0 = arith.constant 0 : i32
    return %arg0, %c0_i32 : i32, i32
  }
  func.func @transform_2(%arg0: i32) -> (i32, i32) {
    %c0_i32 = arith.constant 0 : i32
    %c0_i32_0 = arith.constant 0 : i32
    return %arg0, %c0_i32 : i32, i32
  }
  func.func @transform_3(%arg0: i32) -> (i32, i32) {
    %c0_i32 = arith.constant 0 : i32
    %c0_i32_0 = arith.constant 0 : i32
    return %arg0, %c0_i32 : i32, i32
  }
  func.func @transform_4(%arg0: i32) -> (i32, i32) {
    %c0_i32 = arith.constant 0 : i32
    %c0_i32_0 = arith.constant 0 : i32
    return %arg0, %c0_i32 : i32, i32
  }
  func.func @transform_5(%arg0: i32) -> (i32, i32) {
    %c0_i32 = arith.constant 0 : i32
    %c0_i32_0 = arith.constant 0 : i32
    return %arg0, %c0_i32 : i32, i32
  }
  func.func @transform_6(%arg0: i32) -> (i32, i32) {
    %c0_i32 = arith.constant 0 : i32
    %c0_i32_0 = arith.constant 0 : i32
    %c0_i32_1 = arith.constant 0 : i32
    return %c0_i32, %c0_i32_0 : i32, i32
  }
  func.func @transform_7(%arg0: i32) -> (i32, i32) {
    %c0_i32 = arith.constant 0 : i32
    %c0_i32_0 = arith.constant 0 : i32
    %c0_i32_1 = arith.constant 0 : i32
    return %c0_i32, %c0_i32_0 : i32, i32
  }
  func.func @transform_8(%arg0: i32) -> (i32, i32) {
    %c0_i32 = arith.constant 0 : i32
    %c0_i32_0 = arith.constant 0 : i32
    return %arg0, %c0_i32 : i32, i32
  }
}

module attributes {stable_mosaic.version = 14 : i64} {
  func.func @body(%arg0: i32, %arg1: memref<256x16xbf16, #tpu.memory_space<vmem>>, %arg2: memref<256x128xf32, #tpu.memory_space<vmem>>, %arg3: memref<16x48xbf16, #tpu.memory_space<vmem>>, %arg4: memref<1x48xf32, #tpu.memory_space<vmem>>, %arg5: memref<48x5120xbf16, #tpu.memory_space<vmem>>, %arg6: memref<1x5120xf32, #tpu.memory_space<vmem>>, %arg7: memref<256x128xf32, #tpu.memory_space<vmem>>, %arg8: memref<256x128xf32, #tpu.memory_space<vmem>>) attributes {dimension_semantics = [#tpu.dimension_semantics<arbitrary>], iteration_bounds = array<i64: 240>, scalar_prefetch = 0 : i64, scratch_operands = 0 : i64, tpu.core_type = #tpu.core_type<tc>, window_params = [{transform_indices = @transform_0, window_bounds = array<i64: 256, 16>}, {transform_indices = @transform_1, window_bounds = array<i64: 256, 128>}, {pipeline_mode = #tpu.pipeline_mode<synchronous>, transform_indices = @transform_2, window_bounds = array<i64: 16, 48>}, {pipeline_mode = #tpu.pipeline_mode<synchronous>, transform_indices = @transform_3, window_bounds = array<i64: 1, 48>}, {pipeline_mode = #tpu.pipeline_mode<synchronous>, transform_indices = @transform_4, window_bounds = array<i64: 48, 5120>}, {pipeline_mode = #tpu.pipeline_mode<synchronous>, transform_indices = @transform_5, window_bounds = array<i64: 1, 5120>}, {transform_indices = @transform_6, window_bounds = array<i64: 256, 128>}, {transform_indices = @transform_7, window_bounds = array<i64: 256, 128>}]} {
    %get3A = arith.constant 0 : index
    %get3A_0 = arith.constant 0 : index
    %get3A_1 = vector.load %arg1[%get3A, %get3A_0] : memref<256x16xbf16, #tpu.memory_space<vmem>>, vector<256x16xbf16>
    %get3A_2 = arith.constant 0 : index
    %get3A_3 = arith.constant 0 : index
    %get3A_4 = vector.load %arg3[%get3A_2, %get3A_3] : memref<16x48xbf16, #tpu.memory_space<vmem>>, vector<16x48xbf16>
    %dot_general3A = arith.constant dense<0.000000e+00> : vector<256x48xf32>
    %dot_general3A_5 = tpu.matmul %get3A_1, %get3A_4, %dot_general3A {dimension_numbers = #tpu.dot_dimension_numbers<[1], [0], [0], [1], [0, 0, 1, 1], [], []>, transpose_lhs_hint = false} : vector<256x16xbf16>, vector<16x48xbf16>, vector<256x48xf32> -> vector<256x48xf32>
    %get3A_6 = arith.constant 0 : index
    %get3A_7 = arith.constant 0 : index
    %get3A_8 = vector.load %arg4[%get3A_6, %get3A_7] : memref<1x48xf32, #tpu.memory_space<vmem>>, vector<1x48xf32>
    %add3A = vector.broadcast %get3A_8 : vector<1x48xf32> to vector<256x48xf32>
    %add3A_9 = arith.addf %dot_general3A_5, %add3A : vector<256x48xf32>
    %ge3A = arith.constant 0.000000e+00 : f32
    %ge3A_10 = vector.broadcast %ge3A : f32 to vector<256x48xf32>
    %ge3A_11 = arith.cmpf oge, %add3A_9, %ge3A_10 : vector<256x48xf32>
    %mul3A = arith.constant 0.00999999977 : f32
    %mul3A_12 = vector.broadcast %mul3A : f32 to vector<256x48xf32>
    %mul3A_13 = arith.mulf %mul3A_12, %add3A_9 : vector<256x48xf32>
    %select_n3A = arith.select %ge3A_11, %add3A_9, %mul3A_13 : vector<256x48xi1>, vector<256x48xf32>
    %convert_element_type3A = arith.truncf %select_n3A : vector<256x48xf32> to vector<256x48xbf16>
    %get3A_14 = arith.constant 0 : index
    %get3A_15 = arith.constant 0 : index
    %get3A_16 = vector.load %arg5[%get3A_14, %get3A_15] : memref<48x5120xbf16, #tpu.memory_space<vmem>>, vector<48x5120xbf16>
    %dot_general3A_17 = arith.constant dense<0.000000e+00> : vector<256x5120xf32>
    %dot_general3A_18 = tpu.matmul %convert_element_type3A, %get3A_16, %dot_general3A_17 {dimension_numbers = #tpu.dot_dimension_numbers<[1], [0], [0], [1], [0, 0, 1, 1], [], []>, transpose_lhs_hint = false} : vector<256x48xbf16>, vector<48x5120xbf16>, vector<256x5120xf32> -> vector<256x5120xf32>
    %get3A_19 = arith.constant 0 : index
    %get3A_20 = arith.constant 0 : index
    %get3A_21 = vector.load %arg6[%get3A_19, %get3A_20] : memref<1x5120xf32, #tpu.memory_space<vmem>>, vector<1x5120xf32>
    %add3A_22 = vector.broadcast %get3A_21 : vector<1x5120xf32> to vector<256x5120xf32>
    %add3A_23 = arith.addf %dot_general3A_18, %add3A_22 : vector<256x5120xf32>
    %get3A_24 = arith.constant 0 : index
    %get3A_25 = arith.constant 0 : index
    %get3A_26 = vector.load %arg2[%get3A_24, %get3A_25] : memref<256x128xf32, #tpu.memory_space<vmem>>, vector<256x128xf32>
    %convert_element_type3A_27 = arith.truncf %add3A_23 : vector<256x5120xf32> to vector<256x5120xbf16>
    %convert_element_type3A_28 = arith.extf %convert_element_type3A_27 : vector<256x5120xbf16> to vector<256x5120xf32>
    %convert_element_type3A_29 = arith.truncf %get3A_26 : vector<256x128xf32> to vector<256x128xbf16>
    %convert_element_type3A_30 = arith.extf %convert_element_type3A_29 : vector<256x128xbf16> to vector<256x128xf32>
    %broadcast_in_dim3A = arith.constant 0.000000e+00 : f32
    %broadcast_in_dim3A_31 = vector.broadcast %broadcast_in_dim3A : f32 to vector<256x64xf32>
    %slice3A = vector.extract_strided_slice %convert_element_type3A_30 {offsets = [0, 0], sizes = [256, 1], strides = [1, 1]} : vector<256x128xf32> to vector<256x1xf32>
    %slice3A_32 = vector.extract_strided_slice %convert_element_type3A_28 {offsets = [0, 0], sizes = [256, 64], strides = [1, 1]} : vector<256x5120xf32> to vector<256x64xf32>
    %mul3A_33 = vector.broadcast %slice3A : vector<256x1xf32> to vector<256x64xf32>
    %mul3A_34 = arith.mulf %mul3A_33, %slice3A_32 : vector<256x64xf32>
    %add3A_35 = arith.addf %broadcast_in_dim3A_31, %mul3A_34 : vector<256x64xf32>
    %slice3A_36 = vector.extract_strided_slice %convert_element_type3A_30 {offsets = [0, 1], sizes = [256, 1], strides = [1, 1]} : vector<256x128xf32> to vector<256x1xf32>
    %slice3A_37 = vector.extract_strided_slice %convert_element_type3A_28 {offsets = [0, 64], sizes = [256, 64], strides = [1, 1]} : vector<256x5120xf32> to vector<256x64xf32>
    %mul3A_38 = vector.broadcast %slice3A_36 : vector<256x1xf32> to vector<256x64xf32>
    %mul3A_39 = arith.mulf %mul3A_38, %slice3A_37 : vector<256x64xf32>
    %add3A_40 = arith.addf %add3A_35, %mul3A_39 : vector<256x64xf32>
    %slice3A_41 = vector.extract_strided_slice %convert_element_type3A_30 {offsets = [0, 2], sizes = [256, 1], strides = [1, 1]} : vector<256x128xf32> to vector<256x1xf32>
    %slice3A_42 = vector.extract_strided_slice %convert_element_type3A_28 {offsets = [0, 128], sizes = [256, 64], strides = [1, 1]} : vector<256x5120xf32> to vector<256x64xf32>
    %mul3A_43 = vector.broadcast %slice3A_41 : vector<256x1xf32> to vector<256x64xf32>
    %mul3A_44 = arith.mulf %mul3A_43, %slice3A_42 : vector<256x64xf32>
    %add3A_45 = arith.addf %add3A_40, %mul3A_44 : vector<256x64xf32>
    %slice3A_46 = vector.extract_strided_slice %convert_element_type3A_30 {offsets = [0, 3], sizes = [256, 1], strides = [1, 1]} : vector<256x128xf32> to vector<256x1xf32>
    %slice3A_47 = vector.extract_strided_slice %convert_element_type3A_28 {offsets = [0, 192], sizes = [256, 64], strides = [1, 1]} : vector<256x5120xf32> to vector<256x64xf32>
    %mul3A_48 = vector.broadcast %slice3A_46 : vector<256x1xf32> to vector<256x64xf32>
    %mul3A_49 = arith.mulf %mul3A_48, %slice3A_47 : vector<256x64xf32>
    %add3A_50 = arith.addf %add3A_45, %mul3A_49 : vector<256x64xf32>
    %slice3A_51 = vector.extract_strided_slice %convert_element_type3A_30 {offsets = [0, 4], sizes = [256, 1], strides = [1, 1]} : vector<256x128xf32> to vector<256x1xf32>
    %slice3A_52 = vector.extract_strided_slice %convert_element_type3A_28 {offsets = [0, 256], sizes = [256, 64], strides = [1, 1]} : vector<256x5120xf32> to vector<256x64xf32>
    %mul3A_53 = vector.broadcast %slice3A_51 : vector<256x1xf32> to vector<256x64xf32>
    %mul3A_54 = arith.mulf %mul3A_53, %slice3A_52 : vector<256x64xf32>
    %add3A_55 = arith.addf %add3A_50, %mul3A_54 : vector<256x64xf32>
    %slice3A_56 = vector.extract_strided_slice %convert_element_type3A_30 {offsets = [0, 5], sizes = [256, 1], strides = [1, 1]} : vector<256x128xf32> to vector<256x1xf32>
    %slice3A_57 = vector.extract_strided_slice %convert_element_type3A_28 {offsets = [0, 320], sizes = [256, 64], strides = [1, 1]} : vector<256x5120xf32> to vector<256x64xf32>
    %mul3A_58 = vector.broadcast %slice3A_56 : vector<256x1xf32> to vector<256x64xf32>
    %mul3A_59 = arith.mulf %mul3A_58, %slice3A_57 : vector<256x64xf32>
    %add3A_60 = arith.addf %add3A_55, %mul3A_59 : vector<256x64xf32>
    %slice3A_61 = vector.extract_strided_slice %convert_element_type3A_30 {offsets = [0, 6], sizes = [256, 1], strides = [1, 1]} : vector<256x128xf32> to vector<256x1xf32>
    %slice3A_62 = vector.extract_strided_slice %convert_element_type3A_28 {offsets = [0, 384], sizes = [256, 64], strides = [1, 1]} : vector<256x5120xf32> to vector<256x64xf32>
    %mul3A_63 = vector.broadcast %slice3A_61 : vector<256x1xf32> to vector<256x64xf32>
    %mul3A_64 = arith.mulf %mul3A_63, %slice3A_62 : vector<256x64xf32>
    %add3A_65 = arith.addf %add3A_60, %mul3A_64 : vector<256x64xf32>
    %slice3A_66 = vector.extract_strided_slice %convert_element_type3A_30 {offsets = [0, 7], sizes = [256, 1], strides = [1, 1]} : vector<256x128xf32> to vector<256x1xf32>
    %slice3A_67 = vector.extract_strided_slice %convert_element_type3A_28 {offsets = [0, 448], sizes = [256, 64], strides = [1, 1]} : vector<256x5120xf32> to vector<256x64xf32>
    %mul3A_68 = vector.broadcast %slice3A_66 : vector<256x1xf32> to vector<256x64xf32>
    %mul3A_69 = arith.mulf %mul3A_68, %slice3A_67 : vector<256x64xf32>
    %add3A_70 = arith.addf %add3A_65, %mul3A_69 : vector<256x64xf32>
    %slice3A_71 = vector.extract_strided_slice %convert_element_type3A_30 {offsets = [0, 8], sizes = [256, 1], strides = [1, 1]} : vector<256x128xf32> to vector<256x1xf32>
    %slice3A_72 = vector.extract_strided_slice %convert_element_type3A_28 {offsets = [0, 512], sizes = [256, 64], strides = [1, 1]} : vector<256x5120xf32> to vector<256x64xf32>
    %mul3A_73 = vector.broadcast %slice3A_71 : vector<256x1xf32> to vector<256x64xf32>
    %mul3A_74 = arith.mulf %mul3A_73, %slice3A_72 : vector<256x64xf32>
    %add3A_75 = arith.addf %add3A_70, %mul3A_74 : vector<256x64xf32>
    %slice3A_76 = vector.extract_strided_slice %convert_element_type3A_30 {offsets = [0, 9], sizes = [256, 1], strides = [1, 1]} : vector<256x128xf32> to vector<256x1xf32>
    %slice3A_77 = vector.extract_strided_slice %convert_element_type3A_28 {offsets = [0, 576], sizes = [256, 64], strides = [1, 1]} : vector<256x5120xf32> to vector<256x64xf32>
    %mul3A_78 = vector.broadcast %slice3A_76 : vector<256x1xf32> to vector<256x64xf32>
    %mul3A_79 = arith.mulf %mul3A_78, %slice3A_77 : vector<256x64xf32>
    %add3A_80 = arith.addf %add3A_75, %mul3A_79 : vector<256x64xf32>
    %slice3A_81 = vector.extract_strided_slice %convert_element_type3A_30 {offsets = [0, 10], sizes = [256, 1], strides = [1, 1]} : vector<256x128xf32> to vector<256x1xf32>
    %slice3A_82 = vector.extract_strided_slice %convert_element_type3A_28 {offsets = [0, 640], sizes = [256, 64], strides = [1, 1]} : vector<256x5120xf32> to vector<256x64xf32>
    %mul3A_83 = vector.broadcast %slice3A_81 : vector<256x1xf32> to vector<256x64xf32>
    %mul3A_84 = arith.mulf %mul3A_83, %slice3A_82 : vector<256x64xf32>
    %add3A_85 = arith.addf %add3A_80, %mul3A_84 : vector<256x64xf32>
    %slice3A_86 = vector.extract_strided_slice %convert_element_type3A_30 {offsets = [0, 11], sizes = [256, 1], strides = [1, 1]} : vector<256x128xf32> to vector<256x1xf32>
    %slice3A_87 = vector.extract_strided_slice %convert_element_type3A_28 {offsets = [0, 704], sizes = [256, 64], strides = [1, 1]} : vector<256x5120xf32> to vector<256x64xf32>
    %mul3A_88 = vector.broadcast %slice3A_86 : vector<256x1xf32> to vector<256x64xf32>
    %mul3A_89 = arith.mulf %mul3A_88, %slice3A_87 : vector<256x64xf32>
    %add3A_90 = arith.addf %add3A_85, %mul3A_89 : vector<256x64xf32>
    %slice3A_91 = vector.extract_strided_slice %convert_element_type3A_30 {offsets = [0, 12], sizes = [256, 1], strides = [1, 1]} : vector<256x128xf32> to vector<256x1xf32>
    %slice3A_92 = vector.extract_strided_slice %convert_element_type3A_28 {offsets = [0, 768], sizes = [256, 64], strides = [1, 1]} : vector<256x5120xf32> to vector<256x64xf32>
    %mul3A_93 = vector.broadcast %slice3A_91 : vector<256x1xf32> to vector<256x64xf32>
    %mul3A_94 = arith.mulf %mul3A_93, %slice3A_92 : vector<256x64xf32>
    %add3A_95 = arith.addf %add3A_90, %mul3A_94 : vector<256x64xf32>
    %slice3A_96 = vector.extract_strided_slice %convert_element_type3A_30 {offsets = [0, 13], sizes = [256, 1], strides = [1, 1]} : vector<256x128xf32> to vector<256x1xf32>
    %slice3A_97 = vector.extract_strided_slice %convert_element_type3A_28 {offsets = [0, 832], sizes = [256, 64], strides = [1, 1]} : vector<256x5120xf32> to vector<256x64xf32>
    %mul3A_98 = vector.broadcast %slice3A_96 : vector<256x1xf32> to vector<256x64xf32>
    %mul3A_99 = arith.mulf %mul3A_98, %slice3A_97 : vector<256x64xf32>
    %add3A_100 = arith.addf %add3A_95, %mul3A_99 : vector<256x64xf32>
    %slice3A_101 = vector.extract_strided_slice %convert_element_type3A_30 {offsets = [0, 14], sizes = [256, 1], strides = [1, 1]} : vector<256x128xf32> to vector<256x1xf32>
    %slice3A_102 = vector.extract_strided_slice %convert_element_type3A_28 {offsets = [0, 896], sizes = [256, 64], strides = [1, 1]} : vector<256x5120xf32> to vector<256x64xf32>
    %mul3A_103 = vector.broadcast %slice3A_101 : vector<256x1xf32> to vector<256x64xf32>
    %mul3A_104 = arith.mulf %mul3A_103, %slice3A_102 : vector<256x64xf32>
    %add3A_105 = arith.addf %add3A_100, %mul3A_104 : vector<256x64xf32>
    %slice3A_106 = vector.extract_strided_slice %convert_element_type3A_30 {offsets = [0, 15], sizes = [256, 1], strides = [1, 1]} : vector<256x128xf32> to vector<256x1xf32>
    %slice3A_107 = vector.extract_strided_slice %convert_element_type3A_28 {offsets = [0, 960], sizes = [256, 64], strides = [1, 1]} : vector<256x5120xf32> to vector<256x64xf32>
    %mul3A_108 = vector.broadcast %slice3A_106 : vector<256x1xf32> to vector<256x64xf32>
    %mul3A_109 = arith.mulf %mul3A_108, %slice3A_107 : vector<256x64xf32>
    %add3A_110 = arith.addf %add3A_105, %mul3A_109 : vector<256x64xf32>
    %slice3A_111 = vector.extract_strided_slice %convert_element_type3A_30 {offsets = [0, 16], sizes = [256, 1], strides = [1, 1]} : vector<256x128xf32> to vector<256x1xf32>
    %slice3A_112 = vector.extract_strided_slice %convert_element_type3A_28 {offsets = [0, 1024], sizes = [256, 64], strides = [1, 1]} : vector<256x5120xf32> to vector<256x64xf32>
    %mul3A_113 = vector.broadcast %slice3A_111 : vector<256x1xf32> to vector<256x64xf32>
    %mul3A_114 = arith.mulf %mul3A_113, %slice3A_112 : vector<256x64xf32>
    %add3A_115 = arith.addf %add3A_110, %mul3A_114 : vector<256x64xf32>
    %slice3A_116 = vector.extract_strided_slice %convert_element_type3A_30 {offsets = [0, 17], sizes = [256, 1], strides = [1, 1]} : vector<256x128xf32> to vector<256x1xf32>
    %slice3A_117 = vector.extract_strided_slice %convert_element_type3A_28 {offsets = [0, 1088], sizes = [256, 64], strides = [1, 1]} : vector<256x5120xf32> to vector<256x64xf32>
    %mul3A_118 = vector.broadcast %slice3A_116 : vector<256x1xf32> to vector<256x64xf32>
    %mul3A_119 = arith.mulf %mul3A_118, %slice3A_117 : vector<256x64xf32>
    %add3A_120 = arith.addf %add3A_115, %mul3A_119 : vector<256x64xf32>
    %slice3A_121 = vector.extract_strided_slice %convert_element_type3A_30 {offsets = [0, 18], sizes = [256, 1], strides = [1, 1]} : vector<256x128xf32> to vector<256x1xf32>
    %slice3A_122 = vector.extract_strided_slice %convert_element_type3A_28 {offsets = [0, 1152], sizes = [256, 64], strides = [1, 1]} : vector<256x5120xf32> to vector<256x64xf32>
    %mul3A_123 = vector.broadcast %slice3A_121 : vector<256x1xf32> to vector<256x64xf32>
    %mul3A_124 = arith.mulf %mul3A_123, %slice3A_122 : vector<256x64xf32>
    %add3A_125 = arith.addf %add3A_120, %mul3A_124 : vector<256x64xf32>
    %slice3A_126 = vector.extract_strided_slice %convert_element_type3A_30 {offsets = [0, 19], sizes = [256, 1], strides = [1, 1]} : vector<256x128xf32> to vector<256x1xf32>
    %slice3A_127 = vector.extract_strided_slice %convert_element_type3A_28 {offsets = [0, 1216], sizes = [256, 64], strides = [1, 1]} : vector<256x5120xf32> to vector<256x64xf32>
    %mul3A_128 = vector.broadcast %slice3A_126 : vector<256x1xf32> to vector<256x64xf32>
    %mul3A_129 = arith.mulf %mul3A_128, %slice3A_127 : vector<256x64xf32>
    %add3A_130 = arith.addf %add3A_125, %mul3A_129 : vector<256x64xf32>
    %slice3A_131 = vector.extract_strided_slice %convert_element_type3A_30 {offsets = [0, 20], sizes = [256, 1], strides = [1, 1]} : vector<256x128xf32> to vector<256x1xf32>
    %slice3A_132 = vector.extract_strided_slice %convert_element_type3A_28 {offsets = [0, 1280], sizes = [256, 64], strides = [1, 1]} : vector<256x5120xf32> to vector<256x64xf32>
    %mul3A_133 = vector.broadcast %slice3A_131 : vector<256x1xf32> to vector<256x64xf32>
    %mul3A_134 = arith.mulf %mul3A_133, %slice3A_132 : vector<256x64xf32>
    %add3A_135 = arith.addf %add3A_130, %mul3A_134 : vector<256x64xf32>
    %slice3A_136 = vector.extract_strided_slice %convert_element_type3A_30 {offsets = [0, 21], sizes = [256, 1], strides = [1, 1]} : vector<256x128xf32> to vector<256x1xf32>
    %slice3A_137 = vector.extract_strided_slice %convert_element_type3A_28 {offsets = [0, 1344], sizes = [256, 64], strides = [1, 1]} : vector<256x5120xf32> to vector<256x64xf32>
    %mul3A_138 = vector.broadcast %slice3A_136 : vector<256x1xf32> to vector<256x64xf32>
    %mul3A_139 = arith.mulf %mul3A_138, %slice3A_137 : vector<256x64xf32>
    %add3A_140 = arith.addf %add3A_135, %mul3A_139 : vector<256x64xf32>
    %slice3A_141 = vector.extract_strided_slice %convert_element_type3A_30 {offsets = [0, 22], sizes = [256, 1], strides = [1, 1]} : vector<256x128xf32> to vector<256x1xf32>
    %slice3A_142 = vector.extract_strided_slice %convert_element_type3A_28 {offsets = [0, 1408], sizes = [256, 64], strides = [1, 1]} : vector<256x5120xf32> to vector<256x64xf32>
    %mul3A_143 = vector.broadcast %slice3A_141 : vector<256x1xf32> to vector<256x64xf32>
    %mul3A_144 = arith.mulf %mul3A_143, %slice3A_142 : vector<256x64xf32>
    %add3A_145 = arith.addf %add3A_140, %mul3A_144 : vector<256x64xf32>
    %slice3A_146 = vector.extract_strided_slice %convert_element_type3A_30 {offsets = [0, 23], sizes = [256, 1], strides = [1, 1]} : vector<256x128xf32> to vector<256x1xf32>
    %slice3A_147 = vector.extract_strided_slice %convert_element_type3A_28 {offsets = [0, 1472], sizes = [256, 64], strides = [1, 1]} : vector<256x5120xf32> to vector<256x64xf32>
    %mul3A_148 = vector.broadcast %slice3A_146 : vector<256x1xf32> to vector<256x64xf32>
    %mul3A_149 = arith.mulf %mul3A_148, %slice3A_147 : vector<256x64xf32>
    %add3A_150 = arith.addf %add3A_145, %mul3A_149 : vector<256x64xf32>
    %slice3A_151 = vector.extract_strided_slice %convert_element_type3A_30 {offsets = [0, 24], sizes = [256, 1], strides = [1, 1]} : vector<256x128xf32> to vector<256x1xf32>
    %slice3A_152 = vector.extract_strided_slice %convert_element_type3A_28 {offsets = [0, 1536], sizes = [256, 64], strides = [1, 1]} : vector<256x5120xf32> to vector<256x64xf32>
    %mul3A_153 = vector.broadcast %slice3A_151 : vector<256x1xf32> to vector<256x64xf32>
    %mul3A_154 = arith.mulf %mul3A_153, %slice3A_152 : vector<256x64xf32>
    %add3A_155 = arith.addf %add3A_150, %mul3A_154 : vector<256x64xf32>
    %slice3A_156 = vector.extract_strided_slice %convert_element_type3A_30 {offsets = [0, 25], sizes = [256, 1], strides = [1, 1]} : vector<256x128xf32> to vector<256x1xf32>
    %slice3A_157 = vector.extract_strided_slice %convert_element_type3A_28 {offsets = [0, 1600], sizes = [256, 64], strides = [1, 1]} : vector<256x5120xf32> to vector<256x64xf32>
    %mul3A_158 = vector.broadcast %slice3A_156 : vector<256x1xf32> to vector<256x64xf32>
    %mul3A_159 = arith.mulf %mul3A_158, %slice3A_157 : vector<256x64xf32>
    %add3A_160 = arith.addf %add3A_155, %mul3A_159 : vector<256x64xf32>
    %slice3A_161 = vector.extract_strided_slice %convert_element_type3A_30 {offsets = [0, 26], sizes = [256, 1], strides = [1, 1]} : vector<256x128xf32> to vector<256x1xf32>
    %slice3A_162 = vector.extract_strided_slice %convert_element_type3A_28 {offsets = [0, 1664], sizes = [256, 64], strides = [1, 1]} : vector<256x5120xf32> to vector<256x64xf32>
    %mul3A_163 = vector.broadcast %slice3A_161 : vector<256x1xf32> to vector<256x64xf32>
    %mul3A_164 = arith.mulf %mul3A_163, %slice3A_162 : vector<256x64xf32>
    %add3A_165 = arith.addf %add3A_160, %mul3A_164 : vector<256x64xf32>
    %slice3A_166 = vector.extract_strided_slice %convert_element_type3A_30 {offsets = [0, 27], sizes = [256, 1], strides = [1, 1]} : vector<256x128xf32> to vector<256x1xf32>
    %slice3A_167 = vector.extract_strided_slice %convert_element_type3A_28 {offsets = [0, 1728], sizes = [256, 64], strides = [1, 1]} : vector<256x5120xf32> to vector<256x64xf32>
    %mul3A_168 = vector.broadcast %slice3A_166 : vector<256x1xf32> to vector<256x64xf32>
    %mul3A_169 = arith.mulf %mul3A_168, %slice3A_167 : vector<256x64xf32>
    %add3A_170 = arith.addf %add3A_165, %mul3A_169 : vector<256x64xf32>
    %slice3A_171 = vector.extract_strided_slice %convert_element_type3A_30 {offsets = [0, 28], sizes = [256, 1], strides = [1, 1]} : vector<256x128xf32> to vector<256x1xf32>
    %slice3A_172 = vector.extract_strided_slice %convert_element_type3A_28 {offsets = [0, 1792], sizes = [256, 64], strides = [1, 1]} : vector<256x5120xf32> to vector<256x64xf32>
    %mul3A_173 = vector.broadcast %slice3A_171 : vector<256x1xf32> to vector<256x64xf32>
    %mul3A_174 = arith.mulf %mul3A_173, %slice3A_172 : vector<256x64xf32>
    %add3A_175 = arith.addf %add3A_170, %mul3A_174 : vector<256x64xf32>
    %slice3A_176 = vector.extract_strided_slice %convert_element_type3A_30 {offsets = [0, 29], sizes = [256, 1], strides = [1, 1]} : vector<256x128xf32> to vector<256x1xf32>
    %slice3A_177 = vector.extract_strided_slice %convert_element_type3A_28 {offsets = [0, 1856], sizes = [256, 64], strides = [1, 1]} : vector<256x5120xf32> to vector<256x64xf32>
    %mul3A_178 = vector.broadcast %slice3A_176 : vector<256x1xf32> to vector<256x64xf32>
    %mul3A_179 = arith.mulf %mul3A_178, %slice3A_177 : vector<256x64xf32>
    %add3A_180 = arith.addf %add3A_175, %mul3A_179 : vector<256x64xf32>
    %slice3A_181 = vector.extract_strided_slice %convert_element_type3A_30 {offsets = [0, 30], sizes = [256, 1], strides = [1, 1]} : vector<256x128xf32> to vector<256x1xf32>
    %slice3A_182 = vector.extract_strided_slice %convert_element_type3A_28 {offsets = [0, 1920], sizes = [256, 64], strides = [1, 1]} : vector<256x5120xf32> to vector<256x64xf32>
    %mul3A_183 = vector.broadcast %slice3A_181 : vector<256x1xf32> to vector<256x64xf32>
    %mul3A_184 = arith.mulf %mul3A_183, %slice3A_182 : vector<256x64xf32>
    %add3A_185 = arith.addf %add3A_180, %mul3A_184 : vector<256x64xf32>
    %slice3A_186 = vector.extract_strided_slice %convert_element_type3A_30 {offsets = [0, 31], sizes = [256, 1], strides = [1, 1]} : vector<256x128xf32> to vector<256x1xf32>
    %slice3A_187 = vector.extract_strided_slice %convert_element_type3A_28 {offsets = [0, 1984], sizes = [256, 64], strides = [1, 1]} : vector<256x5120xf32> to vector<256x64xf32>
    %mul3A_188 = vector.broadcast %slice3A_186 : vector<256x1xf32> to vector<256x64xf32>
    %mul3A_189 = arith.mulf %mul3A_188, %slice3A_187 : vector<256x64xf32>
    %add3A_190 = arith.addf %add3A_185, %mul3A_189 : vector<256x64xf32>
    %slice3A_191 = vector.extract_strided_slice %convert_element_type3A_30 {offsets = [0, 32], sizes = [256, 1], strides = [1, 1]} : vector<256x128xf32> to vector<256x1xf32>
    %slice3A_192 = vector.extract_strided_slice %convert_element_type3A_28 {offsets = [0, 2048], sizes = [256, 64], strides = [1, 1]} : vector<256x5120xf32> to vector<256x64xf32>
    %mul3A_193 = vector.broadcast %slice3A_191 : vector<256x1xf32> to vector<256x64xf32>
    %mul3A_194 = arith.mulf %mul3A_193, %slice3A_192 : vector<256x64xf32>
    %add3A_195 = arith.addf %add3A_190, %mul3A_194 : vector<256x64xf32>
    %slice3A_196 = vector.extract_strided_slice %convert_element_type3A_30 {offsets = [0, 33], sizes = [256, 1], strides = [1, 1]} : vector<256x128xf32> to vector<256x1xf32>
    %slice3A_197 = vector.extract_strided_slice %convert_element_type3A_28 {offsets = [0, 2112], sizes = [256, 64], strides = [1, 1]} : vector<256x5120xf32> to vector<256x64xf32>
    %mul3A_198 = vector.broadcast %slice3A_196 : vector<256x1xf32> to vector<256x64xf32>
    %mul3A_199 = arith.mulf %mul3A_198, %slice3A_197 : vector<256x64xf32>
    %add3A_200 = arith.addf %add3A_195, %mul3A_199 : vector<256x64xf32>
    %slice3A_201 = vector.extract_strided_slice %convert_element_type3A_30 {offsets = [0, 34], sizes = [256, 1], strides = [1, 1]} : vector<256x128xf32> to vector<256x1xf32>
    %slice3A_202 = vector.extract_strided_slice %convert_element_type3A_28 {offsets = [0, 2176], sizes = [256, 64], strides = [1, 1]} : vector<256x5120xf32> to vector<256x64xf32>
    %mul3A_203 = vector.broadcast %slice3A_201 : vector<256x1xf32> to vector<256x64xf32>
    %mul3A_204 = arith.mulf %mul3A_203, %slice3A_202 : vector<256x64xf32>
    %add3A_205 = arith.addf %add3A_200, %mul3A_204 : vector<256x64xf32>
    %slice3A_206 = vector.extract_strided_slice %convert_element_type3A_30 {offsets = [0, 35], sizes = [256, 1], strides = [1, 1]} : vector<256x128xf32> to vector<256x1xf32>
    %slice3A_207 = vector.extract_strided_slice %convert_element_type3A_28 {offsets = [0, 2240], sizes = [256, 64], strides = [1, 1]} : vector<256x5120xf32> to vector<256x64xf32>
    %mul3A_208 = vector.broadcast %slice3A_206 : vector<256x1xf32> to vector<256x64xf32>
    %mul3A_209 = arith.mulf %mul3A_208, %slice3A_207 : vector<256x64xf32>
    %add3A_210 = arith.addf %add3A_205, %mul3A_209 : vector<256x64xf32>
    %slice3A_211 = vector.extract_strided_slice %convert_element_type3A_30 {offsets = [0, 36], sizes = [256, 1], strides = [1, 1]} : vector<256x128xf32> to vector<256x1xf32>
    %slice3A_212 = vector.extract_strided_slice %convert_element_type3A_28 {offsets = [0, 2304], sizes = [256, 64], strides = [1, 1]} : vector<256x5120xf32> to vector<256x64xf32>
    %mul3A_213 = vector.broadcast %slice3A_211 : vector<256x1xf32> to vector<256x64xf32>
    %mul3A_214 = arith.mulf %mul3A_213, %slice3A_212 : vector<256x64xf32>
    %add3A_215 = arith.addf %add3A_210, %mul3A_214 : vector<256x64xf32>
    %slice3A_216 = vector.extract_strided_slice %convert_element_type3A_30 {offsets = [0, 37], sizes = [256, 1], strides = [1, 1]} : vector<256x128xf32> to vector<256x1xf32>
    %slice3A_217 = vector.extract_strided_slice %convert_element_type3A_28 {offsets = [0, 2368], sizes = [256, 64], strides = [1, 1]} : vector<256x5120xf32> to vector<256x64xf32>
    %mul3A_218 = vector.broadcast %slice3A_216 : vector<256x1xf32> to vector<256x64xf32>
    %mul3A_219 = arith.mulf %mul3A_218, %slice3A_217 : vector<256x64xf32>
    %add3A_220 = arith.addf %add3A_215, %mul3A_219 : vector<256x64xf32>
    %slice3A_221 = vector.extract_strided_slice %convert_element_type3A_30 {offsets = [0, 38], sizes = [256, 1], strides = [1, 1]} : vector<256x128xf32> to vector<256x1xf32>
    %slice3A_222 = vector.extract_strided_slice %convert_element_type3A_28 {offsets = [0, 2432], sizes = [256, 64], strides = [1, 1]} : vector<256x5120xf32> to vector<256x64xf32>
    %mul3A_223 = vector.broadcast %slice3A_221 : vector<256x1xf32> to vector<256x64xf32>
    %mul3A_224 = arith.mulf %mul3A_223, %slice3A_222 : vector<256x64xf32>
    %add3A_225 = arith.addf %add3A_220, %mul3A_224 : vector<256x64xf32>
    %slice3A_226 = vector.extract_strided_slice %convert_element_type3A_30 {offsets = [0, 39], sizes = [256, 1], strides = [1, 1]} : vector<256x128xf32> to vector<256x1xf32>
    %slice3A_227 = vector.extract_strided_slice %convert_element_type3A_28 {offsets = [0, 2496], sizes = [256, 64], strides = [1, 1]} : vector<256x5120xf32> to vector<256x64xf32>
    %mul3A_228 = vector.broadcast %slice3A_226 : vector<256x1xf32> to vector<256x64xf32>
    %mul3A_229 = arith.mulf %mul3A_228, %slice3A_227 : vector<256x64xf32>
    %add3A_230 = arith.addf %add3A_225, %mul3A_229 : vector<256x64xf32>
    %slice3A_231 = vector.extract_strided_slice %convert_element_type3A_30 {offsets = [0, 40], sizes = [256, 1], strides = [1, 1]} : vector<256x128xf32> to vector<256x1xf32>
    %slice3A_232 = vector.extract_strided_slice %convert_element_type3A_28 {offsets = [0, 2560], sizes = [256, 64], strides = [1, 1]} : vector<256x5120xf32> to vector<256x64xf32>
    %mul3A_233 = vector.broadcast %slice3A_231 : vector<256x1xf32> to vector<256x64xf32>
    %mul3A_234 = arith.mulf %mul3A_233, %slice3A_232 : vector<256x64xf32>
    %add3A_235 = arith.addf %add3A_230, %mul3A_234 : vector<256x64xf32>
    %slice3A_236 = vector.extract_strided_slice %convert_element_type3A_30 {offsets = [0, 41], sizes = [256, 1], strides = [1, 1]} : vector<256x128xf32> to vector<256x1xf32>
    %slice3A_237 = vector.extract_strided_slice %convert_element_type3A_28 {offsets = [0, 2624], sizes = [256, 64], strides = [1, 1]} : vector<256x5120xf32> to vector<256x64xf32>
    %mul3A_238 = vector.broadcast %slice3A_236 : vector<256x1xf32> to vector<256x64xf32>
    %mul3A_239 = arith.mulf %mul3A_238, %slice3A_237 : vector<256x64xf32>
    %add3A_240 = arith.addf %add3A_235, %mul3A_239 : vector<256x64xf32>
    %slice3A_241 = vector.extract_strided_slice %convert_element_type3A_30 {offsets = [0, 42], sizes = [256, 1], strides = [1, 1]} : vector<256x128xf32> to vector<256x1xf32>
    %slice3A_242 = vector.extract_strided_slice %convert_element_type3A_28 {offsets = [0, 2688], sizes = [256, 64], strides = [1, 1]} : vector<256x5120xf32> to vector<256x64xf32>
    %mul3A_243 = vector.broadcast %slice3A_241 : vector<256x1xf32> to vector<256x64xf32>
    %mul3A_244 = arith.mulf %mul3A_243, %slice3A_242 : vector<256x64xf32>
    %add3A_245 = arith.addf %add3A_240, %mul3A_244 : vector<256x64xf32>
    %slice3A_246 = vector.extract_strided_slice %convert_element_type3A_30 {offsets = [0, 43], sizes = [256, 1], strides = [1, 1]} : vector<256x128xf32> to vector<256x1xf32>
    %slice3A_247 = vector.extract_strided_slice %convert_element_type3A_28 {offsets = [0, 2752], sizes = [256, 64], strides = [1, 1]} : vector<256x5120xf32> to vector<256x64xf32>
    %mul3A_248 = vector.broadcast %slice3A_246 : vector<256x1xf32> to vector<256x64xf32>
    %mul3A_249 = arith.mulf %mul3A_248, %slice3A_247 : vector<256x64xf32>
    %add3A_250 = arith.addf %add3A_245, %mul3A_249 : vector<256x64xf32>
    %slice3A_251 = vector.extract_strided_slice %convert_element_type3A_30 {offsets = [0, 44], sizes = [256, 1], strides = [1, 1]} : vector<256x128xf32> to vector<256x1xf32>
    %slice3A_252 = vector.extract_strided_slice %convert_element_type3A_28 {offsets = [0, 2816], sizes = [256, 64], strides = [1, 1]} : vector<256x5120xf32> to vector<256x64xf32>
    %mul3A_253 = vector.broadcast %slice3A_251 : vector<256x1xf32> to vector<256x64xf32>
    %mul3A_254 = arith.mulf %mul3A_253, %slice3A_252 : vector<256x64xf32>
    %add3A_255 = arith.addf %add3A_250, %mul3A_254 : vector<256x64xf32>
    %slice3A_256 = vector.extract_strided_slice %convert_element_type3A_30 {offsets = [0, 45], sizes = [256, 1], strides = [1, 1]} : vector<256x128xf32> to vector<256x1xf32>
    %slice3A_257 = vector.extract_strided_slice %convert_element_type3A_28 {offsets = [0, 2880], sizes = [256, 64], strides = [1, 1]} : vector<256x5120xf32> to vector<256x64xf32>
    %mul3A_258 = vector.broadcast %slice3A_256 : vector<256x1xf32> to vector<256x64xf32>
    %mul3A_259 = arith.mulf %mul3A_258, %slice3A_257 : vector<256x64xf32>
    %add3A_260 = arith.addf %add3A_255, %mul3A_259 : vector<256x64xf32>
    %slice3A_261 = vector.extract_strided_slice %convert_element_type3A_30 {offsets = [0, 46], sizes = [256, 1], strides = [1, 1]} : vector<256x128xf32> to vector<256x1xf32>
    %slice3A_262 = vector.extract_strided_slice %convert_element_type3A_28 {offsets = [0, 2944], sizes = [256, 64], strides = [1, 1]} : vector<256x5120xf32> to vector<256x64xf32>
    %mul3A_263 = vector.broadcast %slice3A_261 : vector<256x1xf32> to vector<256x64xf32>
    %mul3A_264 = arith.mulf %mul3A_263, %slice3A_262 : vector<256x64xf32>
    %add3A_265 = arith.addf %add3A_260, %mul3A_264 : vector<256x64xf32>
    %slice3A_266 = vector.extract_strided_slice %convert_element_type3A_30 {offsets = [0, 47], sizes = [256, 1], strides = [1, 1]} : vector<256x128xf32> to vector<256x1xf32>
    %slice3A_267 = vector.extract_strided_slice %convert_element_type3A_28 {offsets = [0, 3008], sizes = [256, 64], strides = [1, 1]} : vector<256x5120xf32> to vector<256x64xf32>
    %mul3A_268 = vector.broadcast %slice3A_266 : vector<256x1xf32> to vector<256x64xf32>
    %mul3A_269 = arith.mulf %mul3A_268, %slice3A_267 : vector<256x64xf32>
    %add3A_270 = arith.addf %add3A_265, %mul3A_269 : vector<256x64xf32>
    %slice3A_271 = vector.extract_strided_slice %convert_element_type3A_30 {offsets = [0, 48], sizes = [256, 1], strides = [1, 1]} : vector<256x128xf32> to vector<256x1xf32>
    %slice3A_272 = vector.extract_strided_slice %convert_element_type3A_28 {offsets = [0, 3072], sizes = [256, 64], strides = [1, 1]} : vector<256x5120xf32> to vector<256x64xf32>
    %mul3A_273 = vector.broadcast %slice3A_271 : vector<256x1xf32> to vector<256x64xf32>
    %mul3A_274 = arith.mulf %mul3A_273, %slice3A_272 : vector<256x64xf32>
    %add3A_275 = arith.addf %add3A_270, %mul3A_274 : vector<256x64xf32>
    %slice3A_276 = vector.extract_strided_slice %convert_element_type3A_30 {offsets = [0, 49], sizes = [256, 1], strides = [1, 1]} : vector<256x128xf32> to vector<256x1xf32>
    %slice3A_277 = vector.extract_strided_slice %convert_element_type3A_28 {offsets = [0, 3136], sizes = [256, 64], strides = [1, 1]} : vector<256x5120xf32> to vector<256x64xf32>
    %mul3A_278 = vector.broadcast %slice3A_276 : vector<256x1xf32> to vector<256x64xf32>
    %mul3A_279 = arith.mulf %mul3A_278, %slice3A_277 : vector<256x64xf32>
    %add3A_280 = arith.addf %add3A_275, %mul3A_279 : vector<256x64xf32>
    %slice3A_281 = vector.extract_strided_slice %convert_element_type3A_30 {offsets = [0, 50], sizes = [256, 1], strides = [1, 1]} : vector<256x128xf32> to vector<256x1xf32>
    %slice3A_282 = vector.extract_strided_slice %convert_element_type3A_28 {offsets = [0, 3200], sizes = [256, 64], strides = [1, 1]} : vector<256x5120xf32> to vector<256x64xf32>
    %mul3A_283 = vector.broadcast %slice3A_281 : vector<256x1xf32> to vector<256x64xf32>
    %mul3A_284 = arith.mulf %mul3A_283, %slice3A_282 : vector<256x64xf32>
    %add3A_285 = arith.addf %add3A_280, %mul3A_284 : vector<256x64xf32>
    %slice3A_286 = vector.extract_strided_slice %convert_element_type3A_30 {offsets = [0, 51], sizes = [256, 1], strides = [1, 1]} : vector<256x128xf32> to vector<256x1xf32>
    %slice3A_287 = vector.extract_strided_slice %convert_element_type3A_28 {offsets = [0, 3264], sizes = [256, 64], strides = [1, 1]} : vector<256x5120xf32> to vector<256x64xf32>
    %mul3A_288 = vector.broadcast %slice3A_286 : vector<256x1xf32> to vector<256x64xf32>
    %mul3A_289 = arith.mulf %mul3A_288, %slice3A_287 : vector<256x64xf32>
    %add3A_290 = arith.addf %add3A_285, %mul3A_289 : vector<256x64xf32>
    %slice3A_291 = vector.extract_strided_slice %convert_element_type3A_30 {offsets = [0, 52], sizes = [256, 1], strides = [1, 1]} : vector<256x128xf32> to vector<256x1xf32>
    %slice3A_292 = vector.extract_strided_slice %convert_element_type3A_28 {offsets = [0, 3328], sizes = [256, 64], strides = [1, 1]} : vector<256x5120xf32> to vector<256x64xf32>
    %mul3A_293 = vector.broadcast %slice3A_291 : vector<256x1xf32> to vector<256x64xf32>
    %mul3A_294 = arith.mulf %mul3A_293, %slice3A_292 : vector<256x64xf32>
    %add3A_295 = arith.addf %add3A_290, %mul3A_294 : vector<256x64xf32>
    %slice3A_296 = vector.extract_strided_slice %convert_element_type3A_30 {offsets = [0, 53], sizes = [256, 1], strides = [1, 1]} : vector<256x128xf32> to vector<256x1xf32>
    %slice3A_297 = vector.extract_strided_slice %convert_element_type3A_28 {offsets = [0, 3392], sizes = [256, 64], strides = [1, 1]} : vector<256x5120xf32> to vector<256x64xf32>
    %mul3A_298 = vector.broadcast %slice3A_296 : vector<256x1xf32> to vector<256x64xf32>
    %mul3A_299 = arith.mulf %mul3A_298, %slice3A_297 : vector<256x64xf32>
    %add3A_300 = arith.addf %add3A_295, %mul3A_299 : vector<256x64xf32>
    %slice3A_301 = vector.extract_strided_slice %convert_element_type3A_30 {offsets = [0, 54], sizes = [256, 1], strides = [1, 1]} : vector<256x128xf32> to vector<256x1xf32>
    %slice3A_302 = vector.extract_strided_slice %convert_element_type3A_28 {offsets = [0, 3456], sizes = [256, 64], strides = [1, 1]} : vector<256x5120xf32> to vector<256x64xf32>
    %mul3A_303 = vector.broadcast %slice3A_301 : vector<256x1xf32> to vector<256x64xf32>
    %mul3A_304 = arith.mulf %mul3A_303, %slice3A_302 : vector<256x64xf32>
    %add3A_305 = arith.addf %add3A_300, %mul3A_304 : vector<256x64xf32>
    %slice3A_306 = vector.extract_strided_slice %convert_element_type3A_30 {offsets = [0, 55], sizes = [256, 1], strides = [1, 1]} : vector<256x128xf32> to vector<256x1xf32>
    %slice3A_307 = vector.extract_strided_slice %convert_element_type3A_28 {offsets = [0, 3520], sizes = [256, 64], strides = [1, 1]} : vector<256x5120xf32> to vector<256x64xf32>
    %mul3A_308 = vector.broadcast %slice3A_306 : vector<256x1xf32> to vector<256x64xf32>
    %mul3A_309 = arith.mulf %mul3A_308, %slice3A_307 : vector<256x64xf32>
    %add3A_310 = arith.addf %add3A_305, %mul3A_309 : vector<256x64xf32>
    %slice3A_311 = vector.extract_strided_slice %convert_element_type3A_30 {offsets = [0, 56], sizes = [256, 1], strides = [1, 1]} : vector<256x128xf32> to vector<256x1xf32>
    %slice3A_312 = vector.extract_strided_slice %convert_element_type3A_28 {offsets = [0, 3584], sizes = [256, 64], strides = [1, 1]} : vector<256x5120xf32> to vector<256x64xf32>
    %mul3A_313 = vector.broadcast %slice3A_311 : vector<256x1xf32> to vector<256x64xf32>
    %mul3A_314 = arith.mulf %mul3A_313, %slice3A_312 : vector<256x64xf32>
    %add3A_315 = arith.addf %add3A_310, %mul3A_314 : vector<256x64xf32>
    %slice3A_316 = vector.extract_strided_slice %convert_element_type3A_30 {offsets = [0, 57], sizes = [256, 1], strides = [1, 1]} : vector<256x128xf32> to vector<256x1xf32>
    %slice3A_317 = vector.extract_strided_slice %convert_element_type3A_28 {offsets = [0, 3648], sizes = [256, 64], strides = [1, 1]} : vector<256x5120xf32> to vector<256x64xf32>
    %mul3A_318 = vector.broadcast %slice3A_316 : vector<256x1xf32> to vector<256x64xf32>
    %mul3A_319 = arith.mulf %mul3A_318, %slice3A_317 : vector<256x64xf32>
    %add3A_320 = arith.addf %add3A_315, %mul3A_319 : vector<256x64xf32>
    %slice3A_321 = vector.extract_strided_slice %convert_element_type3A_30 {offsets = [0, 58], sizes = [256, 1], strides = [1, 1]} : vector<256x128xf32> to vector<256x1xf32>
    %slice3A_322 = vector.extract_strided_slice %convert_element_type3A_28 {offsets = [0, 3712], sizes = [256, 64], strides = [1, 1]} : vector<256x5120xf32> to vector<256x64xf32>
    %mul3A_323 = vector.broadcast %slice3A_321 : vector<256x1xf32> to vector<256x64xf32>
    %mul3A_324 = arith.mulf %mul3A_323, %slice3A_322 : vector<256x64xf32>
    %add3A_325 = arith.addf %add3A_320, %mul3A_324 : vector<256x64xf32>
    %slice3A_326 = vector.extract_strided_slice %convert_element_type3A_30 {offsets = [0, 59], sizes = [256, 1], strides = [1, 1]} : vector<256x128xf32> to vector<256x1xf32>
    %slice3A_327 = vector.extract_strided_slice %convert_element_type3A_28 {offsets = [0, 3776], sizes = [256, 64], strides = [1, 1]} : vector<256x5120xf32> to vector<256x64xf32>
    %mul3A_328 = vector.broadcast %slice3A_326 : vector<256x1xf32> to vector<256x64xf32>
    %mul3A_329 = arith.mulf %mul3A_328, %slice3A_327 : vector<256x64xf32>
    %add3A_330 = arith.addf %add3A_325, %mul3A_329 : vector<256x64xf32>
    %slice3A_331 = vector.extract_strided_slice %convert_element_type3A_30 {offsets = [0, 60], sizes = [256, 1], strides = [1, 1]} : vector<256x128xf32> to vector<256x1xf32>
    %slice3A_332 = vector.extract_strided_slice %convert_element_type3A_28 {offsets = [0, 3840], sizes = [256, 64], strides = [1, 1]} : vector<256x5120xf32> to vector<256x64xf32>
    %mul3A_333 = vector.broadcast %slice3A_331 : vector<256x1xf32> to vector<256x64xf32>
    %mul3A_334 = arith.mulf %mul3A_333, %slice3A_332 : vector<256x64xf32>
    %add3A_335 = arith.addf %add3A_330, %mul3A_334 : vector<256x64xf32>
    %slice3A_336 = vector.extract_strided_slice %convert_element_type3A_30 {offsets = [0, 61], sizes = [256, 1], strides = [1, 1]} : vector<256x128xf32> to vector<256x1xf32>
    %slice3A_337 = vector.extract_strided_slice %convert_element_type3A_28 {offsets = [0, 3904], sizes = [256, 64], strides = [1, 1]} : vector<256x5120xf32> to vector<256x64xf32>
    %mul3A_338 = vector.broadcast %slice3A_336 : vector<256x1xf32> to vector<256x64xf32>
    %mul3A_339 = arith.mulf %mul3A_338, %slice3A_337 : vector<256x64xf32>
    %add3A_340 = arith.addf %add3A_335, %mul3A_339 : vector<256x64xf32>
    %slice3A_341 = vector.extract_strided_slice %convert_element_type3A_30 {offsets = [0, 62], sizes = [256, 1], strides = [1, 1]} : vector<256x128xf32> to vector<256x1xf32>
    %slice3A_342 = vector.extract_strided_slice %convert_element_type3A_28 {offsets = [0, 3968], sizes = [256, 64], strides = [1, 1]} : vector<256x5120xf32> to vector<256x64xf32>
    %mul3A_343 = vector.broadcast %slice3A_341 : vector<256x1xf32> to vector<256x64xf32>
    %mul3A_344 = arith.mulf %mul3A_343, %slice3A_342 : vector<256x64xf32>
    %add3A_345 = arith.addf %add3A_340, %mul3A_344 : vector<256x64xf32>
    %slice3A_346 = vector.extract_strided_slice %convert_element_type3A_30 {offsets = [0, 63], sizes = [256, 1], strides = [1, 1]} : vector<256x128xf32> to vector<256x1xf32>
    %slice3A_347 = vector.extract_strided_slice %convert_element_type3A_28 {offsets = [0, 4032], sizes = [256, 64], strides = [1, 1]} : vector<256x5120xf32> to vector<256x64xf32>
    %mul3A_348 = vector.broadcast %slice3A_346 : vector<256x1xf32> to vector<256x64xf32>
    %mul3A_349 = arith.mulf %mul3A_348, %slice3A_347 : vector<256x64xf32>
    %add3A_350 = arith.addf %add3A_345, %mul3A_349 : vector<256x64xf32>
    %slice3A_351 = vector.extract_strided_slice %convert_element_type3A_30 {offsets = [0, 64], sizes = [256, 1], strides = [1, 1]} : vector<256x128xf32> to vector<256x1xf32>
    %slice3A_352 = vector.extract_strided_slice %convert_element_type3A_28 {offsets = [0, 4096], sizes = [256, 64], strides = [1, 1]} : vector<256x5120xf32> to vector<256x64xf32>
    %mul3A_353 = vector.broadcast %slice3A_351 : vector<256x1xf32> to vector<256x64xf32>
    %mul3A_354 = arith.mulf %mul3A_353, %slice3A_352 : vector<256x64xf32>
    %add3A_355 = arith.addf %add3A_350, %mul3A_354 : vector<256x64xf32>
    %slice3A_356 = vector.extract_strided_slice %convert_element_type3A_30 {offsets = [0, 65], sizes = [256, 1], strides = [1, 1]} : vector<256x128xf32> to vector<256x1xf32>
    %slice3A_357 = vector.extract_strided_slice %convert_element_type3A_28 {offsets = [0, 4160], sizes = [256, 64], strides = [1, 1]} : vector<256x5120xf32> to vector<256x64xf32>
    %mul3A_358 = vector.broadcast %slice3A_356 : vector<256x1xf32> to vector<256x64xf32>
    %mul3A_359 = arith.mulf %mul3A_358, %slice3A_357 : vector<256x64xf32>
    %add3A_360 = arith.addf %add3A_355, %mul3A_359 : vector<256x64xf32>
    %slice3A_361 = vector.extract_strided_slice %convert_element_type3A_30 {offsets = [0, 66], sizes = [256, 1], strides = [1, 1]} : vector<256x128xf32> to vector<256x1xf32>
    %slice3A_362 = vector.extract_strided_slice %convert_element_type3A_28 {offsets = [0, 4224], sizes = [256, 64], strides = [1, 1]} : vector<256x5120xf32> to vector<256x64xf32>
    %mul3A_363 = vector.broadcast %slice3A_361 : vector<256x1xf32> to vector<256x64xf32>
    %mul3A_364 = arith.mulf %mul3A_363, %slice3A_362 : vector<256x64xf32>
    %add3A_365 = arith.addf %add3A_360, %mul3A_364 : vector<256x64xf32>
    %slice3A_366 = vector.extract_strided_slice %convert_element_type3A_30 {offsets = [0, 67], sizes = [256, 1], strides = [1, 1]} : vector<256x128xf32> to vector<256x1xf32>
    %slice3A_367 = vector.extract_strided_slice %convert_element_type3A_28 {offsets = [0, 4288], sizes = [256, 64], strides = [1, 1]} : vector<256x5120xf32> to vector<256x64xf32>
    %mul3A_368 = vector.broadcast %slice3A_366 : vector<256x1xf32> to vector<256x64xf32>
    %mul3A_369 = arith.mulf %mul3A_368, %slice3A_367 : vector<256x64xf32>
    %add3A_370 = arith.addf %add3A_365, %mul3A_369 : vector<256x64xf32>
    %slice3A_371 = vector.extract_strided_slice %convert_element_type3A_30 {offsets = [0, 68], sizes = [256, 1], strides = [1, 1]} : vector<256x128xf32> to vector<256x1xf32>
    %slice3A_372 = vector.extract_strided_slice %convert_element_type3A_28 {offsets = [0, 4352], sizes = [256, 64], strides = [1, 1]} : vector<256x5120xf32> to vector<256x64xf32>
    %mul3A_373 = vector.broadcast %slice3A_371 : vector<256x1xf32> to vector<256x64xf32>
    %mul3A_374 = arith.mulf %mul3A_373, %slice3A_372 : vector<256x64xf32>
    %add3A_375 = arith.addf %add3A_370, %mul3A_374 : vector<256x64xf32>
    %slice3A_376 = vector.extract_strided_slice %convert_element_type3A_30 {offsets = [0, 69], sizes = [256, 1], strides = [1, 1]} : vector<256x128xf32> to vector<256x1xf32>
    %slice3A_377 = vector.extract_strided_slice %convert_element_type3A_28 {offsets = [0, 4416], sizes = [256, 64], strides = [1, 1]} : vector<256x5120xf32> to vector<256x64xf32>
    %mul3A_378 = vector.broadcast %slice3A_376 : vector<256x1xf32> to vector<256x64xf32>
    %mul3A_379 = arith.mulf %mul3A_378, %slice3A_377 : vector<256x64xf32>
    %add3A_380 = arith.addf %add3A_375, %mul3A_379 : vector<256x64xf32>
    %slice3A_381 = vector.extract_strided_slice %convert_element_type3A_30 {offsets = [0, 70], sizes = [256, 1], strides = [1, 1]} : vector<256x128xf32> to vector<256x1xf32>
    %slice3A_382 = vector.extract_strided_slice %convert_element_type3A_28 {offsets = [0, 4480], sizes = [256, 64], strides = [1, 1]} : vector<256x5120xf32> to vector<256x64xf32>
    %mul3A_383 = vector.broadcast %slice3A_381 : vector<256x1xf32> to vector<256x64xf32>
    %mul3A_384 = arith.mulf %mul3A_383, %slice3A_382 : vector<256x64xf32>
    %add3A_385 = arith.addf %add3A_380, %mul3A_384 : vector<256x64xf32>
    %slice3A_386 = vector.extract_strided_slice %convert_element_type3A_30 {offsets = [0, 71], sizes = [256, 1], strides = [1, 1]} : vector<256x128xf32> to vector<256x1xf32>
    %slice3A_387 = vector.extract_strided_slice %convert_element_type3A_28 {offsets = [0, 4544], sizes = [256, 64], strides = [1, 1]} : vector<256x5120xf32> to vector<256x64xf32>
    %mul3A_388 = vector.broadcast %slice3A_386 : vector<256x1xf32> to vector<256x64xf32>
    %mul3A_389 = arith.mulf %mul3A_388, %slice3A_387 : vector<256x64xf32>
    %add3A_390 = arith.addf %add3A_385, %mul3A_389 : vector<256x64xf32>
    %slice3A_391 = vector.extract_strided_slice %convert_element_type3A_30 {offsets = [0, 72], sizes = [256, 1], strides = [1, 1]} : vector<256x128xf32> to vector<256x1xf32>
    %slice3A_392 = vector.extract_strided_slice %convert_element_type3A_28 {offsets = [0, 4608], sizes = [256, 64], strides = [1, 1]} : vector<256x5120xf32> to vector<256x64xf32>
    %mul3A_393 = vector.broadcast %slice3A_391 : vector<256x1xf32> to vector<256x64xf32>
    %mul3A_394 = arith.mulf %mul3A_393, %slice3A_392 : vector<256x64xf32>
    %add3A_395 = arith.addf %add3A_390, %mul3A_394 : vector<256x64xf32>
    %slice3A_396 = vector.extract_strided_slice %convert_element_type3A_30 {offsets = [0, 73], sizes = [256, 1], strides = [1, 1]} : vector<256x128xf32> to vector<256x1xf32>
    %slice3A_397 = vector.extract_strided_slice %convert_element_type3A_28 {offsets = [0, 4672], sizes = [256, 64], strides = [1, 1]} : vector<256x5120xf32> to vector<256x64xf32>
    %mul3A_398 = vector.broadcast %slice3A_396 : vector<256x1xf32> to vector<256x64xf32>
    %mul3A_399 = arith.mulf %mul3A_398, %slice3A_397 : vector<256x64xf32>
    %add3A_400 = arith.addf %add3A_395, %mul3A_399 : vector<256x64xf32>
    %slice3A_401 = vector.extract_strided_slice %convert_element_type3A_30 {offsets = [0, 74], sizes = [256, 1], strides = [1, 1]} : vector<256x128xf32> to vector<256x1xf32>
    %slice3A_402 = vector.extract_strided_slice %convert_element_type3A_28 {offsets = [0, 4736], sizes = [256, 64], strides = [1, 1]} : vector<256x5120xf32> to vector<256x64xf32>
    %mul3A_403 = vector.broadcast %slice3A_401 : vector<256x1xf32> to vector<256x64xf32>
    %mul3A_404 = arith.mulf %mul3A_403, %slice3A_402 : vector<256x64xf32>
    %add3A_405 = arith.addf %add3A_400, %mul3A_404 : vector<256x64xf32>
    %slice3A_406 = vector.extract_strided_slice %convert_element_type3A_30 {offsets = [0, 75], sizes = [256, 1], strides = [1, 1]} : vector<256x128xf32> to vector<256x1xf32>
    %slice3A_407 = vector.extract_strided_slice %convert_element_type3A_28 {offsets = [0, 4800], sizes = [256, 64], strides = [1, 1]} : vector<256x5120xf32> to vector<256x64xf32>
    %mul3A_408 = vector.broadcast %slice3A_406 : vector<256x1xf32> to vector<256x64xf32>
    %mul3A_409 = arith.mulf %mul3A_408, %slice3A_407 : vector<256x64xf32>
    %add3A_410 = arith.addf %add3A_405, %mul3A_409 : vector<256x64xf32>
    %slice3A_411 = vector.extract_strided_slice %convert_element_type3A_30 {offsets = [0, 76], sizes = [256, 1], strides = [1, 1]} : vector<256x128xf32> to vector<256x1xf32>
    %slice3A_412 = vector.extract_strided_slice %convert_element_type3A_28 {offsets = [0, 4864], sizes = [256, 64], strides = [1, 1]} : vector<256x5120xf32> to vector<256x64xf32>
    %mul3A_413 = vector.broadcast %slice3A_411 : vector<256x1xf32> to vector<256x64xf32>
    %mul3A_414 = arith.mulf %mul3A_413, %slice3A_412 : vector<256x64xf32>
    %add3A_415 = arith.addf %add3A_410, %mul3A_414 : vector<256x64xf32>
    %slice3A_416 = vector.extract_strided_slice %convert_element_type3A_30 {offsets = [0, 77], sizes = [256, 1], strides = [1, 1]} : vector<256x128xf32> to vector<256x1xf32>
    %slice3A_417 = vector.extract_strided_slice %convert_element_type3A_28 {offsets = [0, 4928], sizes = [256, 64], strides = [1, 1]} : vector<256x5120xf32> to vector<256x64xf32>
    %mul3A_418 = vector.broadcast %slice3A_416 : vector<256x1xf32> to vector<256x64xf32>
    %mul3A_419 = arith.mulf %mul3A_418, %slice3A_417 : vector<256x64xf32>
    %add3A_420 = arith.addf %add3A_415, %mul3A_419 : vector<256x64xf32>
    %slice3A_421 = vector.extract_strided_slice %convert_element_type3A_30 {offsets = [0, 78], sizes = [256, 1], strides = [1, 1]} : vector<256x128xf32> to vector<256x1xf32>
    %slice3A_422 = vector.extract_strided_slice %convert_element_type3A_28 {offsets = [0, 4992], sizes = [256, 64], strides = [1, 1]} : vector<256x5120xf32> to vector<256x64xf32>
    %mul3A_423 = vector.broadcast %slice3A_421 : vector<256x1xf32> to vector<256x64xf32>
    %mul3A_424 = arith.mulf %mul3A_423, %slice3A_422 : vector<256x64xf32>
    %add3A_425 = arith.addf %add3A_420, %mul3A_424 : vector<256x64xf32>
    %slice3A_426 = vector.extract_strided_slice %convert_element_type3A_30 {offsets = [0, 79], sizes = [256, 1], strides = [1, 1]} : vector<256x128xf32> to vector<256x1xf32>
    %slice3A_427 = vector.extract_strided_slice %convert_element_type3A_28 {offsets = [0, 5056], sizes = [256, 64], strides = [1, 1]} : vector<256x5120xf32> to vector<256x64xf32>
    %mul3A_428 = vector.broadcast %slice3A_426 : vector<256x1xf32> to vector<256x64xf32>
    %mul3A_429 = arith.mulf %mul3A_428, %slice3A_427 : vector<256x64xf32>
    %add3A_430 = arith.addf %add3A_425, %mul3A_429 : vector<256x64xf32>
    %tile3A = tpu.concatenate %add3A_430, %add3A_430 in 1 : vector<256x64xf32>, vector<256x64xf32> -> vector<256x128xf32>
    %get3A_431 = arith.constant 0 : index
    %get3A_432 = arith.constant 0 : index
    %get3A_433 = vector.load %arg7[%get3A_431, %get3A_432] : memref<256x128xf32, #tpu.memory_space<vmem>>, vector<256x128xf32>
    %mul3A_434 = arith.mulf %tile3A, %get3A_433 : vector<256x128xf32>
    %swap3A = arith.constant 0 : index
    %swap3A_435 = arith.constant 0 : index
    %swap3A_436 = vector.load %arg8[%swap3A, %swap3A_435] : memref<256x128xf32, #tpu.memory_space<vmem>>, vector<256x128xf32>
    tpu.vector_store %arg8[%swap3A, %swap3A_435], %mul3A_434 {strides = array<i32>} : memref<256x128xf32, #tpu.memory_space<vmem>>, vector<256x128xf32>,
    return
  }
  func.func @transform_0(%arg0: i32) -> (i32, i32) {
    %c0_i32 = arith.constant 0 : i32
    %c0_i32_0 = arith.constant 0 : i32
    return %arg0, %c0_i32 : i32, i32
  }
  func.func @transform_1(%arg0: i32) -> (i32, i32) {
    %c0_i32 = arith.constant 0 : i32
    %c0_i32_0 = arith.constant 0 : i32
    return %arg0, %c0_i32 : i32, i32
  }
  func.func @transform_2(%arg0: i32) -> (i32, i32) {
    %c0_i32 = arith.constant 0 : i32
    %c0_i32_0 = arith.constant 0 : i32
    %c0_i32_1 = arith.constant 0 : i32
    return %c0_i32, %c0_i32_0 : i32, i32
  }
  func.func @transform_3(%arg0: i32) -> (i32, i32) {
    %c0_i32 = arith.constant 0 : i32
    %c0_i32_0 = arith.constant 0 : i32
    %c0_i32_1 = arith.constant 0 : i32
    return %c0_i32, %c0_i32_0 : i32, i32
  }
  func.func @transform_4(%arg0: i32) -> (i32, i32) {
    %c0_i32 = arith.constant 0 : i32
    %c0_i32_0 = arith.constant 0 : i32
    %c0_i32_1 = arith.constant 0 : i32
    return %c0_i32, %c0_i32_0 : i32, i32
  }
  func.func @transform_5(%arg0: i32) -> (i32, i32) {
    %c0_i32 = arith.constant 0 : i32
    %c0_i32_0 = arith.constant 0 : i32
    %c0_i32_1 = arith.constant 0 : i32
    return %c0_i32, %c0_i32_0 : i32, i32
  }
  func.func @transform_6(%arg0: i32) -> (i32, i32) {
    %c0_i32 = arith.constant 0 : i32
    %c0_i32_0 = arith.constant 0 : i32
    return %arg0, %c0_i32 : i32, i32
  }
  func.func @transform_7(%arg0: i32) -> (i32, i32) {
    %c0_i32 = arith.constant 0 : i32
    %c0_i32_0 = arith.constant 0 : i32
    return %arg0, %c0_i32 : i32, i32
  }
}

module attributes {stable_mosaic.version = 14 : i64} {
  func.func @body(%arg0: i32, %arg1: memref<256x64xf32, #tpu.memory_space<vmem>>, %arg2: memref<256x64xf32, #tpu.memory_space<vmem>>, %arg3: memref<256x16xf32, #tpu.memory_space<vmem>>, %arg4: memref<256x16xf32, #tpu.memory_space<vmem>>, %arg5: memref<256x128xf32, #tpu.memory_space<vmem>>, %arg6: memref<256x16xf32, #tpu.memory_space<vmem>>, %arg7: memref<80x64xbf16, #tpu.memory_space<vmem>>, %arg8: memref<1x64xf32, #tpu.memory_space<vmem>>, %arg9: memref<256x128xf32, #tpu.memory_space<vmem>>) attributes {dimension_semantics = [#tpu.dimension_semantics<arbitrary>], iteration_bounds = array<i64: 80>, scalar_prefetch = 0 : i64, scratch_operands = 0 : i64, tpu.core_type = #tpu.core_type<tc>, window_params = [{transform_indices = @transform_0, window_bounds = array<i64: 256, 64>}, {transform_indices = @transform_1, window_bounds = array<i64: 256, 64>}, {transform_indices = @transform_2, window_bounds = array<i64: 256, 16>}, {transform_indices = @transform_3, window_bounds = array<i64: 256, 16>}, {transform_indices = @transform_4, window_bounds = array<i64: 256, 128>}, {transform_indices = @transform_5, window_bounds = array<i64: 256, 16>}, {pipeline_mode = #tpu.pipeline_mode<synchronous>, transform_indices = @transform_6, window_bounds = array<i64: 80, 64>}, {pipeline_mode = #tpu.pipeline_mode<synchronous>, transform_indices = @transform_7, window_bounds = array<i64: 1, 64>}, {transform_indices = @transform_8, window_bounds = array<i64: 256, 128>}]} {
    %get3A = arith.constant 0 : index
    %get3A_0 = arith.constant 0 : index
    %get3A_1 = vector.load %arg1[%get3A, %get3A_0] : memref<256x64xf32, #tpu.memory_space<vmem>>, vector<256x64xf32>
    %get3A_2 = arith.constant 0 : index
    %get3A_3 = arith.constant 0 : index
    %get3A_4 = vector.load %arg2[%get3A_2, %get3A_3] : memref<256x64xf32, #tpu.memory_space<vmem>>, vector<256x64xf32>
    %add3A = arith.addf %get3A_1, %get3A_4 : vector<256x64xf32>
    %get3A_5 = arith.constant 0 : index
    %get3A_6 = arith.constant 0 : index
    %get3A_7 = vector.load %arg3[%get3A_5, %get3A_6] : memref<256x16xf32, #tpu.memory_space<vmem>>, vector<256x1xf32>
    %get3A_8 = arith.constant 0 : index
    %get3A_9 = arith.constant 0 : index
    %get3A_10 = vector.load %arg4[%get3A_8, %get3A_9] : memref<256x16xf32, #tpu.memory_space<vmem>>, vector<256x1xf32>
    %add3A_11 = arith.addf %get3A_7, %get3A_10 : vector<256x1xf32>
    %max3A = arith.constant 1.000000e+00 : f32
    %max3A_12 = vector.broadcast %max3A : f32 to vector<256x1xf32>
    %max3A_13 = arith.maximumf %add3A_11, %max3A_12 : vector<256x1xf32>
    %div3A = vector.broadcast %max3A_13 : vector<256x1xf32> to vector<256x64xf32>
    %div3A_14 = arith.divf %add3A, %div3A : vector<256x64xf32>
    %get3A_15 = arith.constant 0 : index
    %get3A_16 = arith.constant 0 : index
    %get3A_17 = vector.load %arg5[%get3A_15, %get3A_16] : memref<256x128xf32, #tpu.memory_space<vmem>>, vector<256x80xf32>
    %convert_element_type3A = arith.truncf %get3A_17 : vector<256x80xf32> to vector<256x80xbf16>
    %get3A_18 = arith.constant 0 : index
    %get3A_19 = arith.constant 0 : index
    %get3A_20 = vector.load %arg7[%get3A_18, %get3A_19] : memref<80x64xbf16, #tpu.memory_space<vmem>>, vector<80x64xbf16>
    %dot_general3A = arith.constant dense<0.000000e+00> : vector<256x64xf32>
    %dot_general3A_21 = tpu.matmul %convert_element_type3A, %get3A_20, %dot_general3A {dimension_numbers = #tpu.dot_dimension_numbers<[1], [0], [0], [1], [0, 0, 1, 1], [], []>, transpose_lhs_hint = false} : vector<256x80xbf16>, vector<80x64xbf16>, vector<256x64xf32> -> vector<256x64xf32>
    %add3A_22 = arith.addf %div3A_14, %dot_general3A_21 : vector<256x64xf32>
    %get3A_23 = arith.constant 0 : index
    %get3A_24 = arith.constant 0 : index
    %get3A_25 = vector.load %arg8[%get3A_23, %get3A_24] : memref<1x64xf32, #tpu.memory_space<vmem>>, vector<1x64xf32>
    %add3A_26 = vector.broadcast %get3A_25 : vector<1x64xf32> to vector<256x64xf32>
    %add3A_27 = arith.addf %add3A_22, %add3A_26 : vector<256x64xf32>
    %ge3A = arith.constant 0.000000e+00 : f32
    %ge3A_28 = vector.broadcast %ge3A : f32 to vector<256x64xf32>
    %ge3A_29 = arith.cmpf oge, %add3A_27, %ge3A_28 : vector<256x64xf32>
    %mul3A = arith.constant 0.00999999977 : f32
    %mul3A_30 = vector.broadcast %mul3A : f32 to vector<256x64xf32>
    %mul3A_31 = arith.mulf %mul3A_30, %add3A_27 : vector<256x64xf32>
    %select_n3A = arith.select %ge3A_29, %add3A_27, %mul3A_31 : vector<256x64xi1>, vector<256x64xf32>
    %broadcast_in_dim3A = arith.constant 0.000000e+00 : f32
    %broadcast_in_dim3A_32 = vector.broadcast %broadcast_in_dim3A : f32 to vector<256x48xf32>
    %get3A_33 = arith.constant 0 : index
    %get3A_34 = arith.constant 0 : index
    %get3A_35 = vector.load %arg6[%get3A_33, %get3A_34] : memref<256x16xf32, #tpu.memory_space<vmem>>, vector<256x16xf32>
    %concatenate3A = tpu.concatenate %select_n3A, %get3A_35, %broadcast_in_dim3A_32 in 1 : vector<256x64xf32>, vector<256x16xf32>, vector<256x48xf32> -> vector<256x128xf32>
    %swap3A = arith.constant 0 : index
    %swap3A_36 = arith.constant 0 : index
    %swap3A_37 = vector.load %arg9[%swap3A, %swap3A_36] : memref<256x128xf32, #tpu.memory_space<vmem>>, vector<256x128xf32>
    tpu.vector_store %arg9[%swap3A, %swap3A_36], %concatenate3A {strides = array<i32>} : memref<256x128xf32, #tpu.memory_space<vmem>>, vector<256x128xf32>,
    return
  }
  func.func @transform_0(%arg0: i32) -> (i32, i32) {
    %c0_i32 = arith.constant 0 : i32
    %c0_i32_0 = arith.constant 0 : i32
    return %arg0, %c0_i32 : i32, i32
  }
  func.func @transform_1(%arg0: i32) -> (i32, i32) {
    %c0_i32 = arith.constant 0 : i32
    %c0_i32_0 = arith.constant 0 : i32
    return %arg0, %c0_i32 : i32, i32
  }
  func.func @transform_2(%arg0: i32) -> (i32, i32) {
    %c0_i32 = arith.constant 0 : i32
    %c0_i32_0 = arith.constant 0 : i32
    return %arg0, %c0_i32 : i32, i32
  }
  func.func @transform_3(%arg0: i32) -> (i32, i32) {
    %c0_i32 = arith.constant 0 : i32
    %c0_i32_0 = arith.constant 0 : i32
    return %arg0, %c0_i32 : i32, i32
  }
  func.func @transform_4(%arg0: i32) -> (i32, i32) {
    %c0_i32 = arith.constant 0 : i32
    %c0_i32_0 = arith.constant 0 : i32
    return %arg0, %c0_i32 : i32, i32
  }
  func.func @transform_5(%arg0: i32) -> (i32, i32) {
    %c0_i32 = arith.constant 0 : i32
    %c0_i32_0 = arith.constant 0 : i32
    return %arg0, %c0_i32 : i32, i32
  }
  func.func @transform_6(%arg0: i32) -> (i32, i32) {
    %c0_i32 = arith.constant 0 : i32
    %c0_i32_0 = arith.constant 0 : i32
    %c0_i32_1 = arith.constant 0 : i32
    return %c0_i32, %c0_i32_0 : i32, i32
  }
  func.func @transform_7(%arg0: i32) -> (i32, i32) {
    %c0_i32 = arith.constant 0 : i32
    %c0_i32_0 = arith.constant 0 : i32
    %c0_i32_1 = arith.constant 0 : i32
    return %c0_i32, %c0_i32_0 : i32, i32
  }
  func.func @transform_8(%arg0: i32) -> (i32, i32) {
    %c0_i32 = arith.constant 0 : i32
    %c0_i32_0 = arith.constant 0 : i32
    return %arg0, %c0_i32 : i32, i32
  }
}

module attributes {stable_mosaic.version = 14 : i64} {
  func.func @body(%arg0: i32, %arg1: memref<256x16xbf16, #tpu.memory_space<vmem>>, %arg2: memref<256x128xf32, #tpu.memory_space<vmem>>, %arg3: memref<16x64xbf16, #tpu.memory_space<vmem>>, %arg4: memref<1x64xf32, #tpu.memory_space<vmem>>, %arg5: memref<64x1280xbf16, #tpu.memory_space<vmem>>, %arg6: memref<1x1280xf32, #tpu.memory_space<vmem>>, %arg7: memref<256x128xf32, #tpu.memory_space<vmem>>, %arg8: memref<256x128xf32, #tpu.memory_space<vmem>>) attributes {dimension_semantics = [#tpu.dimension_semantics<arbitrary>], iteration_bounds = array<i64: 240>, scalar_prefetch = 0 : i64, scratch_operands = 0 : i64, tpu.core_type = #tpu.core_type<tc>, window_params = [{transform_indices = @transform_0, window_bounds = array<i64: 256, 16>}, {transform_indices = @transform_1, window_bounds = array<i64: 256, 128>}, {pipeline_mode = #tpu.pipeline_mode<synchronous>, transform_indices = @transform_2, window_bounds = array<i64: 16, 64>}, {pipeline_mode = #tpu.pipeline_mode<synchronous>, transform_indices = @transform_3, window_bounds = array<i64: 1, 64>}, {pipeline_mode = #tpu.pipeline_mode<synchronous>, transform_indices = @transform_4, window_bounds = array<i64: 64, 1280>}, {pipeline_mode = #tpu.pipeline_mode<synchronous>, transform_indices = @transform_5, window_bounds = array<i64: 1, 1280>}, {transform_indices = @transform_6, window_bounds = array<i64: 256, 128>}, {transform_indices = @transform_7, window_bounds = array<i64: 256, 128>}]} {
    %get3A = arith.constant 0 : index
    %get3A_0 = arith.constant 0 : index
    %get3A_1 = vector.load %arg1[%get3A, %get3A_0] : memref<256x16xbf16, #tpu.memory_space<vmem>>, vector<256x16xbf16>
    %get3A_2 = arith.constant 0 : index
    %get3A_3 = arith.constant 0 : index
    %get3A_4 = vector.load %arg3[%get3A_2, %get3A_3] : memref<16x64xbf16, #tpu.memory_space<vmem>>, vector<16x64xbf16>
    %dot_general3A = arith.constant dense<0.000000e+00> : vector<256x64xf32>
    %dot_general3A_5 = tpu.matmul %get3A_1, %get3A_4, %dot_general3A {dimension_numbers = #tpu.dot_dimension_numbers<[1], [0], [0], [1], [0, 0, 1, 1], [], []>, transpose_lhs_hint = false} : vector<256x16xbf16>, vector<16x64xbf16>, vector<256x64xf32> -> vector<256x64xf32>
    %get3A_6 = arith.constant 0 : index
    %get3A_7 = arith.constant 0 : index
    %get3A_8 = vector.load %arg4[%get3A_6, %get3A_7] : memref<1x64xf32, #tpu.memory_space<vmem>>, vector<1x64xf32>
    %add3A = vector.broadcast %get3A_8 : vector<1x64xf32> to vector<256x64xf32>
    %add3A_9 = arith.addf %dot_general3A_5, %add3A : vector<256x64xf32>
    %ge3A = arith.constant 0.000000e+00 : f32
    %ge3A_10 = vector.broadcast %ge3A : f32 to vector<256x64xf32>
    %ge3A_11 = arith.cmpf oge, %add3A_9, %ge3A_10 : vector<256x64xf32>
    %mul3A = arith.constant 0.00999999977 : f32
    %mul3A_12 = vector.broadcast %mul3A : f32 to vector<256x64xf32>
    %mul3A_13 = arith.mulf %mul3A_12, %add3A_9 : vector<256x64xf32>
    %select_n3A = arith.select %ge3A_11, %add3A_9, %mul3A_13 : vector<256x64xi1>, vector<256x64xf32>
    %convert_element_type3A = arith.truncf %select_n3A : vector<256x64xf32> to vector<256x64xbf16>
    %get3A_14 = arith.constant 0 : index
    %get3A_15 = arith.constant 0 : index
    %get3A_16 = vector.load %arg5[%get3A_14, %get3A_15] : memref<64x1280xbf16, #tpu.memory_space<vmem>>, vector<64x1280xbf16>
    %dot_general3A_17 = arith.constant dense<0.000000e+00> : vector<256x1280xf32>
    %dot_general3A_18 = tpu.matmul %convert_element_type3A, %get3A_16, %dot_general3A_17 {dimension_numbers = #tpu.dot_dimension_numbers<[1], [0], [0], [1], [0, 0, 1, 1], [], []>, transpose_lhs_hint = false} : vector<256x64xbf16>, vector<64x1280xbf16>, vector<256x1280xf32> -> vector<256x1280xf32>
    %get3A_19 = arith.constant 0 : index
    %get3A_20 = arith.constant 0 : index
    %get3A_21 = vector.load %arg6[%get3A_19, %get3A_20] : memref<1x1280xf32, #tpu.memory_space<vmem>>, vector<1x1280xf32>
    %add3A_22 = vector.broadcast %get3A_21 : vector<1x1280xf32> to vector<256x1280xf32>
    %add3A_23 = arith.addf %dot_general3A_18, %add3A_22 : vector<256x1280xf32>
    %get3A_24 = arith.constant 0 : index
    %get3A_25 = arith.constant 0 : index
    %get3A_26 = vector.load %arg2[%get3A_24, %get3A_25] : memref<256x128xf32, #tpu.memory_space<vmem>>, vector<256x128xf32>
    %convert_element_type3A_27 = arith.truncf %add3A_23 : vector<256x1280xf32> to vector<256x1280xbf16>
    %convert_element_type3A_28 = arith.extf %convert_element_type3A_27 : vector<256x1280xbf16> to vector<256x1280xf32>
    %convert_element_type3A_29 = arith.truncf %get3A_26 : vector<256x128xf32> to vector<256x128xbf16>
    %convert_element_type3A_30 = arith.extf %convert_element_type3A_29 : vector<256x128xbf16> to vector<256x128xf32>
    %broadcast_in_dim3A = arith.constant 0.000000e+00 : f32
    %broadcast_in_dim3A_31 = vector.broadcast %broadcast_in_dim3A : f32 to vector<256x16xf32>
    %slice3A = vector.extract_strided_slice %convert_element_type3A_30 {offsets = [0, 0], sizes = [256, 1], strides = [1, 1]} : vector<256x128xf32> to vector<256x1xf32>
    %slice3A_32 = vector.extract_strided_slice %convert_element_type3A_28 {offsets = [0, 0], sizes = [256, 16], strides = [1, 1]} : vector<256x1280xf32> to vector<256x16xf32>
    %mul3A_33 = vector.broadcast %slice3A : vector<256x1xf32> to vector<256x16xf32>
    %mul3A_34 = arith.mulf %mul3A_33, %slice3A_32 : vector<256x16xf32>
    %add3A_35 = arith.addf %broadcast_in_dim3A_31, %mul3A_34 : vector<256x16xf32>
    %slice3A_36 = vector.extract_strided_slice %convert_element_type3A_30 {offsets = [0, 1], sizes = [256, 1], strides = [1, 1]} : vector<256x128xf32> to vector<256x1xf32>
    %slice3A_37 = vector.extract_strided_slice %convert_element_type3A_28 {offsets = [0, 16], sizes = [256, 16], strides = [1, 1]} : vector<256x1280xf32> to vector<256x16xf32>
    %mul3A_38 = vector.broadcast %slice3A_36 : vector<256x1xf32> to vector<256x16xf32>
    %mul3A_39 = arith.mulf %mul3A_38, %slice3A_37 : vector<256x16xf32>
    %add3A_40 = arith.addf %add3A_35, %mul3A_39 : vector<256x16xf32>
    %slice3A_41 = vector.extract_strided_slice %convert_element_type3A_30 {offsets = [0, 2], sizes = [256, 1], strides = [1, 1]} : vector<256x128xf32> to vector<256x1xf32>
    %slice3A_42 = vector.extract_strided_slice %convert_element_type3A_28 {offsets = [0, 32], sizes = [256, 16], strides = [1, 1]} : vector<256x1280xf32> to vector<256x16xf32>
    %mul3A_43 = vector.broadcast %slice3A_41 : vector<256x1xf32> to vector<256x16xf32>
    %mul3A_44 = arith.mulf %mul3A_43, %slice3A_42 : vector<256x16xf32>
    %add3A_45 = arith.addf %add3A_40, %mul3A_44 : vector<256x16xf32>
    %slice3A_46 = vector.extract_strided_slice %convert_element_type3A_30 {offsets = [0, 3], sizes = [256, 1], strides = [1, 1]} : vector<256x128xf32> to vector<256x1xf32>
    %slice3A_47 = vector.extract_strided_slice %convert_element_type3A_28 {offsets = [0, 48], sizes = [256, 16], strides = [1, 1]} : vector<256x1280xf32> to vector<256x16xf32>
    %mul3A_48 = vector.broadcast %slice3A_46 : vector<256x1xf32> to vector<256x16xf32>
    %mul3A_49 = arith.mulf %mul3A_48, %slice3A_47 : vector<256x16xf32>
    %add3A_50 = arith.addf %add3A_45, %mul3A_49 : vector<256x16xf32>
    %slice3A_51 = vector.extract_strided_slice %convert_element_type3A_30 {offsets = [0, 4], sizes = [256, 1], strides = [1, 1]} : vector<256x128xf32> to vector<256x1xf32>
    %slice3A_52 = vector.extract_strided_slice %convert_element_type3A_28 {offsets = [0, 64], sizes = [256, 16], strides = [1, 1]} : vector<256x1280xf32> to vector<256x16xf32>
    %mul3A_53 = vector.broadcast %slice3A_51 : vector<256x1xf32> to vector<256x16xf32>
    %mul3A_54 = arith.mulf %mul3A_53, %slice3A_52 : vector<256x16xf32>
    %add3A_55 = arith.addf %add3A_50, %mul3A_54 : vector<256x16xf32>
    %slice3A_56 = vector.extract_strided_slice %convert_element_type3A_30 {offsets = [0, 5], sizes = [256, 1], strides = [1, 1]} : vector<256x128xf32> to vector<256x1xf32>
    %slice3A_57 = vector.extract_strided_slice %convert_element_type3A_28 {offsets = [0, 80], sizes = [256, 16], strides = [1, 1]} : vector<256x1280xf32> to vector<256x16xf32>
    %mul3A_58 = vector.broadcast %slice3A_56 : vector<256x1xf32> to vector<256x16xf32>
    %mul3A_59 = arith.mulf %mul3A_58, %slice3A_57 : vector<256x16xf32>
    %add3A_60 = arith.addf %add3A_55, %mul3A_59 : vector<256x16xf32>
    %slice3A_61 = vector.extract_strided_slice %convert_element_type3A_30 {offsets = [0, 6], sizes = [256, 1], strides = [1, 1]} : vector<256x128xf32> to vector<256x1xf32>
    %slice3A_62 = vector.extract_strided_slice %convert_element_type3A_28 {offsets = [0, 96], sizes = [256, 16], strides = [1, 1]} : vector<256x1280xf32> to vector<256x16xf32>
    %mul3A_63 = vector.broadcast %slice3A_61 : vector<256x1xf32> to vector<256x16xf32>
    %mul3A_64 = arith.mulf %mul3A_63, %slice3A_62 : vector<256x16xf32>
    %add3A_65 = arith.addf %add3A_60, %mul3A_64 : vector<256x16xf32>
    %slice3A_66 = vector.extract_strided_slice %convert_element_type3A_30 {offsets = [0, 7], sizes = [256, 1], strides = [1, 1]} : vector<256x128xf32> to vector<256x1xf32>
    %slice3A_67 = vector.extract_strided_slice %convert_element_type3A_28 {offsets = [0, 112], sizes = [256, 16], strides = [1, 1]} : vector<256x1280xf32> to vector<256x16xf32>
    %mul3A_68 = vector.broadcast %slice3A_66 : vector<256x1xf32> to vector<256x16xf32>
    %mul3A_69 = arith.mulf %mul3A_68, %slice3A_67 : vector<256x16xf32>
    %add3A_70 = arith.addf %add3A_65, %mul3A_69 : vector<256x16xf32>
    %slice3A_71 = vector.extract_strided_slice %convert_element_type3A_30 {offsets = [0, 8], sizes = [256, 1], strides = [1, 1]} : vector<256x128xf32> to vector<256x1xf32>
    %slice3A_72 = vector.extract_strided_slice %convert_element_type3A_28 {offsets = [0, 128], sizes = [256, 16], strides = [1, 1]} : vector<256x1280xf32> to vector<256x16xf32>
    %mul3A_73 = vector.broadcast %slice3A_71 : vector<256x1xf32> to vector<256x16xf32>
    %mul3A_74 = arith.mulf %mul3A_73, %slice3A_72 : vector<256x16xf32>
    %add3A_75 = arith.addf %add3A_70, %mul3A_74 : vector<256x16xf32>
    %slice3A_76 = vector.extract_strided_slice %convert_element_type3A_30 {offsets = [0, 9], sizes = [256, 1], strides = [1, 1]} : vector<256x128xf32> to vector<256x1xf32>
    %slice3A_77 = vector.extract_strided_slice %convert_element_type3A_28 {offsets = [0, 144], sizes = [256, 16], strides = [1, 1]} : vector<256x1280xf32> to vector<256x16xf32>
    %mul3A_78 = vector.broadcast %slice3A_76 : vector<256x1xf32> to vector<256x16xf32>
    %mul3A_79 = arith.mulf %mul3A_78, %slice3A_77 : vector<256x16xf32>
    %add3A_80 = arith.addf %add3A_75, %mul3A_79 : vector<256x16xf32>
    %slice3A_81 = vector.extract_strided_slice %convert_element_type3A_30 {offsets = [0, 10], sizes = [256, 1], strides = [1, 1]} : vector<256x128xf32> to vector<256x1xf32>
    %slice3A_82 = vector.extract_strided_slice %convert_element_type3A_28 {offsets = [0, 160], sizes = [256, 16], strides = [1, 1]} : vector<256x1280xf32> to vector<256x16xf32>
    %mul3A_83 = vector.broadcast %slice3A_81 : vector<256x1xf32> to vector<256x16xf32>
    %mul3A_84 = arith.mulf %mul3A_83, %slice3A_82 : vector<256x16xf32>
    %add3A_85 = arith.addf %add3A_80, %mul3A_84 : vector<256x16xf32>
    %slice3A_86 = vector.extract_strided_slice %convert_element_type3A_30 {offsets = [0, 11], sizes = [256, 1], strides = [1, 1]} : vector<256x128xf32> to vector<256x1xf32>
    %slice3A_87 = vector.extract_strided_slice %convert_element_type3A_28 {offsets = [0, 176], sizes = [256, 16], strides = [1, 1]} : vector<256x1280xf32> to vector<256x16xf32>
    %mul3A_88 = vector.broadcast %slice3A_86 : vector<256x1xf32> to vector<256x16xf32>
    %mul3A_89 = arith.mulf %mul3A_88, %slice3A_87 : vector<256x16xf32>
    %add3A_90 = arith.addf %add3A_85, %mul3A_89 : vector<256x16xf32>
    %slice3A_91 = vector.extract_strided_slice %convert_element_type3A_30 {offsets = [0, 12], sizes = [256, 1], strides = [1, 1]} : vector<256x128xf32> to vector<256x1xf32>
    %slice3A_92 = vector.extract_strided_slice %convert_element_type3A_28 {offsets = [0, 192], sizes = [256, 16], strides = [1, 1]} : vector<256x1280xf32> to vector<256x16xf32>
    %mul3A_93 = vector.broadcast %slice3A_91 : vector<256x1xf32> to vector<256x16xf32>
    %mul3A_94 = arith.mulf %mul3A_93, %slice3A_92 : vector<256x16xf32>
    %add3A_95 = arith.addf %add3A_90, %mul3A_94 : vector<256x16xf32>
    %slice3A_96 = vector.extract_strided_slice %convert_element_type3A_30 {offsets = [0, 13], sizes = [256, 1], strides = [1, 1]} : vector<256x128xf32> to vector<256x1xf32>
    %slice3A_97 = vector.extract_strided_slice %convert_element_type3A_28 {offsets = [0, 208], sizes = [256, 16], strides = [1, 1]} : vector<256x1280xf32> to vector<256x16xf32>
    %mul3A_98 = vector.broadcast %slice3A_96 : vector<256x1xf32> to vector<256x16xf32>
    %mul3A_99 = arith.mulf %mul3A_98, %slice3A_97 : vector<256x16xf32>
    %add3A_100 = arith.addf %add3A_95, %mul3A_99 : vector<256x16xf32>
    %slice3A_101 = vector.extract_strided_slice %convert_element_type3A_30 {offsets = [0, 14], sizes = [256, 1], strides = [1, 1]} : vector<256x128xf32> to vector<256x1xf32>
    %slice3A_102 = vector.extract_strided_slice %convert_element_type3A_28 {offsets = [0, 224], sizes = [256, 16], strides = [1, 1]} : vector<256x1280xf32> to vector<256x16xf32>
    %mul3A_103 = vector.broadcast %slice3A_101 : vector<256x1xf32> to vector<256x16xf32>
    %mul3A_104 = arith.mulf %mul3A_103, %slice3A_102 : vector<256x16xf32>
    %add3A_105 = arith.addf %add3A_100, %mul3A_104 : vector<256x16xf32>
    %slice3A_106 = vector.extract_strided_slice %convert_element_type3A_30 {offsets = [0, 15], sizes = [256, 1], strides = [1, 1]} : vector<256x128xf32> to vector<256x1xf32>
    %slice3A_107 = vector.extract_strided_slice %convert_element_type3A_28 {offsets = [0, 240], sizes = [256, 16], strides = [1, 1]} : vector<256x1280xf32> to vector<256x16xf32>
    %mul3A_108 = vector.broadcast %slice3A_106 : vector<256x1xf32> to vector<256x16xf32>
    %mul3A_109 = arith.mulf %mul3A_108, %slice3A_107 : vector<256x16xf32>
    %add3A_110 = arith.addf %add3A_105, %mul3A_109 : vector<256x16xf32>
    %slice3A_111 = vector.extract_strided_slice %convert_element_type3A_30 {offsets = [0, 16], sizes = [256, 1], strides = [1, 1]} : vector<256x128xf32> to vector<256x1xf32>
    %slice3A_112 = vector.extract_strided_slice %convert_element_type3A_28 {offsets = [0, 256], sizes = [256, 16], strides = [1, 1]} : vector<256x1280xf32> to vector<256x16xf32>
    %mul3A_113 = vector.broadcast %slice3A_111 : vector<256x1xf32> to vector<256x16xf32>
    %mul3A_114 = arith.mulf %mul3A_113, %slice3A_112 : vector<256x16xf32>
    %add3A_115 = arith.addf %add3A_110, %mul3A_114 : vector<256x16xf32>
    %slice3A_116 = vector.extract_strided_slice %convert_element_type3A_30 {offsets = [0, 17], sizes = [256, 1], strides = [1, 1]} : vector<256x128xf32> to vector<256x1xf32>
    %slice3A_117 = vector.extract_strided_slice %convert_element_type3A_28 {offsets = [0, 272], sizes = [256, 16], strides = [1, 1]} : vector<256x1280xf32> to vector<256x16xf32>
    %mul3A_118 = vector.broadcast %slice3A_116 : vector<256x1xf32> to vector<256x16xf32>
    %mul3A_119 = arith.mulf %mul3A_118, %slice3A_117 : vector<256x16xf32>
    %add3A_120 = arith.addf %add3A_115, %mul3A_119 : vector<256x16xf32>
    %slice3A_121 = vector.extract_strided_slice %convert_element_type3A_30 {offsets = [0, 18], sizes = [256, 1], strides = [1, 1]} : vector<256x128xf32> to vector<256x1xf32>
    %slice3A_122 = vector.extract_strided_slice %convert_element_type3A_28 {offsets = [0, 288], sizes = [256, 16], strides = [1, 1]} : vector<256x1280xf32> to vector<256x16xf32>
    %mul3A_123 = vector.broadcast %slice3A_121 : vector<256x1xf32> to vector<256x16xf32>
    %mul3A_124 = arith.mulf %mul3A_123, %slice3A_122 : vector<256x16xf32>
    %add3A_125 = arith.addf %add3A_120, %mul3A_124 : vector<256x16xf32>
    %slice3A_126 = vector.extract_strided_slice %convert_element_type3A_30 {offsets = [0, 19], sizes = [256, 1], strides = [1, 1]} : vector<256x128xf32> to vector<256x1xf32>
    %slice3A_127 = vector.extract_strided_slice %convert_element_type3A_28 {offsets = [0, 304], sizes = [256, 16], strides = [1, 1]} : vector<256x1280xf32> to vector<256x16xf32>
    %mul3A_128 = vector.broadcast %slice3A_126 : vector<256x1xf32> to vector<256x16xf32>
    %mul3A_129 = arith.mulf %mul3A_128, %slice3A_127 : vector<256x16xf32>
    %add3A_130 = arith.addf %add3A_125, %mul3A_129 : vector<256x16xf32>
    %slice3A_131 = vector.extract_strided_slice %convert_element_type3A_30 {offsets = [0, 20], sizes = [256, 1], strides = [1, 1]} : vector<256x128xf32> to vector<256x1xf32>
    %slice3A_132 = vector.extract_strided_slice %convert_element_type3A_28 {offsets = [0, 320], sizes = [256, 16], strides = [1, 1]} : vector<256x1280xf32> to vector<256x16xf32>
    %mul3A_133 = vector.broadcast %slice3A_131 : vector<256x1xf32> to vector<256x16xf32>
    %mul3A_134 = arith.mulf %mul3A_133, %slice3A_132 : vector<256x16xf32>
    %add3A_135 = arith.addf %add3A_130, %mul3A_134 : vector<256x16xf32>
    %slice3A_136 = vector.extract_strided_slice %convert_element_type3A_30 {offsets = [0, 21], sizes = [256, 1], strides = [1, 1]} : vector<256x128xf32> to vector<256x1xf32>
    %slice3A_137 = vector.extract_strided_slice %convert_element_type3A_28 {offsets = [0, 336], sizes = [256, 16], strides = [1, 1]} : vector<256x1280xf32> to vector<256x16xf32>
    %mul3A_138 = vector.broadcast %slice3A_136 : vector<256x1xf32> to vector<256x16xf32>
    %mul3A_139 = arith.mulf %mul3A_138, %slice3A_137 : vector<256x16xf32>
    %add3A_140 = arith.addf %add3A_135, %mul3A_139 : vector<256x16xf32>
    %slice3A_141 = vector.extract_strided_slice %convert_element_type3A_30 {offsets = [0, 22], sizes = [256, 1], strides = [1, 1]} : vector<256x128xf32> to vector<256x1xf32>
    %slice3A_142 = vector.extract_strided_slice %convert_element_type3A_28 {offsets = [0, 352], sizes = [256, 16], strides = [1, 1]} : vector<256x1280xf32> to vector<256x16xf32>
    %mul3A_143 = vector.broadcast %slice3A_141 : vector<256x1xf32> to vector<256x16xf32>
    %mul3A_144 = arith.mulf %mul3A_143, %slice3A_142 : vector<256x16xf32>
    %add3A_145 = arith.addf %add3A_140, %mul3A_144 : vector<256x16xf32>
    %slice3A_146 = vector.extract_strided_slice %convert_element_type3A_30 {offsets = [0, 23], sizes = [256, 1], strides = [1, 1]} : vector<256x128xf32> to vector<256x1xf32>
    %slice3A_147 = vector.extract_strided_slice %convert_element_type3A_28 {offsets = [0, 368], sizes = [256, 16], strides = [1, 1]} : vector<256x1280xf32> to vector<256x16xf32>
    %mul3A_148 = vector.broadcast %slice3A_146 : vector<256x1xf32> to vector<256x16xf32>
    %mul3A_149 = arith.mulf %mul3A_148, %slice3A_147 : vector<256x16xf32>
    %add3A_150 = arith.addf %add3A_145, %mul3A_149 : vector<256x16xf32>
    %slice3A_151 = vector.extract_strided_slice %convert_element_type3A_30 {offsets = [0, 24], sizes = [256, 1], strides = [1, 1]} : vector<256x128xf32> to vector<256x1xf32>
    %slice3A_152 = vector.extract_strided_slice %convert_element_type3A_28 {offsets = [0, 384], sizes = [256, 16], strides = [1, 1]} : vector<256x1280xf32> to vector<256x16xf32>
    %mul3A_153 = vector.broadcast %slice3A_151 : vector<256x1xf32> to vector<256x16xf32>
    %mul3A_154 = arith.mulf %mul3A_153, %slice3A_152 : vector<256x16xf32>
    %add3A_155 = arith.addf %add3A_150, %mul3A_154 : vector<256x16xf32>
    %slice3A_156 = vector.extract_strided_slice %convert_element_type3A_30 {offsets = [0, 25], sizes = [256, 1], strides = [1, 1]} : vector<256x128xf32> to vector<256x1xf32>
    %slice3A_157 = vector.extract_strided_slice %convert_element_type3A_28 {offsets = [0, 400], sizes = [256, 16], strides = [1, 1]} : vector<256x1280xf32> to vector<256x16xf32>
    %mul3A_158 = vector.broadcast %slice3A_156 : vector<256x1xf32> to vector<256x16xf32>
    %mul3A_159 = arith.mulf %mul3A_158, %slice3A_157 : vector<256x16xf32>
    %add3A_160 = arith.addf %add3A_155, %mul3A_159 : vector<256x16xf32>
    %slice3A_161 = vector.extract_strided_slice %convert_element_type3A_30 {offsets = [0, 26], sizes = [256, 1], strides = [1, 1]} : vector<256x128xf32> to vector<256x1xf32>
    %slice3A_162 = vector.extract_strided_slice %convert_element_type3A_28 {offsets = [0, 416], sizes = [256, 16], strides = [1, 1]} : vector<256x1280xf32> to vector<256x16xf32>
    %mul3A_163 = vector.broadcast %slice3A_161 : vector<256x1xf32> to vector<256x16xf32>
    %mul3A_164 = arith.mulf %mul3A_163, %slice3A_162 : vector<256x16xf32>
    %add3A_165 = arith.addf %add3A_160, %mul3A_164 : vector<256x16xf32>
    %slice3A_166 = vector.extract_strided_slice %convert_element_type3A_30 {offsets = [0, 27], sizes = [256, 1], strides = [1, 1]} : vector<256x128xf32> to vector<256x1xf32>
    %slice3A_167 = vector.extract_strided_slice %convert_element_type3A_28 {offsets = [0, 432], sizes = [256, 16], strides = [1, 1]} : vector<256x1280xf32> to vector<256x16xf32>
    %mul3A_168 = vector.broadcast %slice3A_166 : vector<256x1xf32> to vector<256x16xf32>
    %mul3A_169 = arith.mulf %mul3A_168, %slice3A_167 : vector<256x16xf32>
    %add3A_170 = arith.addf %add3A_165, %mul3A_169 : vector<256x16xf32>
    %slice3A_171 = vector.extract_strided_slice %convert_element_type3A_30 {offsets = [0, 28], sizes = [256, 1], strides = [1, 1]} : vector<256x128xf32> to vector<256x1xf32>
    %slice3A_172 = vector.extract_strided_slice %convert_element_type3A_28 {offsets = [0, 448], sizes = [256, 16], strides = [1, 1]} : vector<256x1280xf32> to vector<256x16xf32>
    %mul3A_173 = vector.broadcast %slice3A_171 : vector<256x1xf32> to vector<256x16xf32>
    %mul3A_174 = arith.mulf %mul3A_173, %slice3A_172 : vector<256x16xf32>
    %add3A_175 = arith.addf %add3A_170, %mul3A_174 : vector<256x16xf32>
    %slice3A_176 = vector.extract_strided_slice %convert_element_type3A_30 {offsets = [0, 29], sizes = [256, 1], strides = [1, 1]} : vector<256x128xf32> to vector<256x1xf32>
    %slice3A_177 = vector.extract_strided_slice %convert_element_type3A_28 {offsets = [0, 464], sizes = [256, 16], strides = [1, 1]} : vector<256x1280xf32> to vector<256x16xf32>
    %mul3A_178 = vector.broadcast %slice3A_176 : vector<256x1xf32> to vector<256x16xf32>
    %mul3A_179 = arith.mulf %mul3A_178, %slice3A_177 : vector<256x16xf32>
    %add3A_180 = arith.addf %add3A_175, %mul3A_179 : vector<256x16xf32>
    %slice3A_181 = vector.extract_strided_slice %convert_element_type3A_30 {offsets = [0, 30], sizes = [256, 1], strides = [1, 1]} : vector<256x128xf32> to vector<256x1xf32>
    %slice3A_182 = vector.extract_strided_slice %convert_element_type3A_28 {offsets = [0, 480], sizes = [256, 16], strides = [1, 1]} : vector<256x1280xf32> to vector<256x16xf32>
    %mul3A_183 = vector.broadcast %slice3A_181 : vector<256x1xf32> to vector<256x16xf32>
    %mul3A_184 = arith.mulf %mul3A_183, %slice3A_182 : vector<256x16xf32>
    %add3A_185 = arith.addf %add3A_180, %mul3A_184 : vector<256x16xf32>
    %slice3A_186 = vector.extract_strided_slice %convert_element_type3A_30 {offsets = [0, 31], sizes = [256, 1], strides = [1, 1]} : vector<256x128xf32> to vector<256x1xf32>
    %slice3A_187 = vector.extract_strided_slice %convert_element_type3A_28 {offsets = [0, 496], sizes = [256, 16], strides = [1, 1]} : vector<256x1280xf32> to vector<256x16xf32>
    %mul3A_188 = vector.broadcast %slice3A_186 : vector<256x1xf32> to vector<256x16xf32>
    %mul3A_189 = arith.mulf %mul3A_188, %slice3A_187 : vector<256x16xf32>
    %add3A_190 = arith.addf %add3A_185, %mul3A_189 : vector<256x16xf32>
    %slice3A_191 = vector.extract_strided_slice %convert_element_type3A_30 {offsets = [0, 32], sizes = [256, 1], strides = [1, 1]} : vector<256x128xf32> to vector<256x1xf32>
    %slice3A_192 = vector.extract_strided_slice %convert_element_type3A_28 {offsets = [0, 512], sizes = [256, 16], strides = [1, 1]} : vector<256x1280xf32> to vector<256x16xf32>
    %mul3A_193 = vector.broadcast %slice3A_191 : vector<256x1xf32> to vector<256x16xf32>
    %mul3A_194 = arith.mulf %mul3A_193, %slice3A_192 : vector<256x16xf32>
    %add3A_195 = arith.addf %add3A_190, %mul3A_194 : vector<256x16xf32>
    %slice3A_196 = vector.extract_strided_slice %convert_element_type3A_30 {offsets = [0, 33], sizes = [256, 1], strides = [1, 1]} : vector<256x128xf32> to vector<256x1xf32>
    %slice3A_197 = vector.extract_strided_slice %convert_element_type3A_28 {offsets = [0, 528], sizes = [256, 16], strides = [1, 1]} : vector<256x1280xf32> to vector<256x16xf32>
    %mul3A_198 = vector.broadcast %slice3A_196 : vector<256x1xf32> to vector<256x16xf32>
    %mul3A_199 = arith.mulf %mul3A_198, %slice3A_197 : vector<256x16xf32>
    %add3A_200 = arith.addf %add3A_195, %mul3A_199 : vector<256x16xf32>
    %slice3A_201 = vector.extract_strided_slice %convert_element_type3A_30 {offsets = [0, 34], sizes = [256, 1], strides = [1, 1]} : vector<256x128xf32> to vector<256x1xf32>
    %slice3A_202 = vector.extract_strided_slice %convert_element_type3A_28 {offsets = [0, 544], sizes = [256, 16], strides = [1, 1]} : vector<256x1280xf32> to vector<256x16xf32>
    %mul3A_203 = vector.broadcast %slice3A_201 : vector<256x1xf32> to vector<256x16xf32>
    %mul3A_204 = arith.mulf %mul3A_203, %slice3A_202 : vector<256x16xf32>
    %add3A_205 = arith.addf %add3A_200, %mul3A_204 : vector<256x16xf32>
    %slice3A_206 = vector.extract_strided_slice %convert_element_type3A_30 {offsets = [0, 35], sizes = [256, 1], strides = [1, 1]} : vector<256x128xf32> to vector<256x1xf32>
    %slice3A_207 = vector.extract_strided_slice %convert_element_type3A_28 {offsets = [0, 560], sizes = [256, 16], strides = [1, 1]} : vector<256x1280xf32> to vector<256x16xf32>
    %mul3A_208 = vector.broadcast %slice3A_206 : vector<256x1xf32> to vector<256x16xf32>
    %mul3A_209 = arith.mulf %mul3A_208, %slice3A_207 : vector<256x16xf32>
    %add3A_210 = arith.addf %add3A_205, %mul3A_209 : vector<256x16xf32>
    %slice3A_211 = vector.extract_strided_slice %convert_element_type3A_30 {offsets = [0, 36], sizes = [256, 1], strides = [1, 1]} : vector<256x128xf32> to vector<256x1xf32>
    %slice3A_212 = vector.extract_strided_slice %convert_element_type3A_28 {offsets = [0, 576], sizes = [256, 16], strides = [1, 1]} : vector<256x1280xf32> to vector<256x16xf32>
    %mul3A_213 = vector.broadcast %slice3A_211 : vector<256x1xf32> to vector<256x16xf32>
    %mul3A_214 = arith.mulf %mul3A_213, %slice3A_212 : vector<256x16xf32>
    %add3A_215 = arith.addf %add3A_210, %mul3A_214 : vector<256x16xf32>
    %slice3A_216 = vector.extract_strided_slice %convert_element_type3A_30 {offsets = [0, 37], sizes = [256, 1], strides = [1, 1]} : vector<256x128xf32> to vector<256x1xf32>
    %slice3A_217 = vector.extract_strided_slice %convert_element_type3A_28 {offsets = [0, 592], sizes = [256, 16], strides = [1, 1]} : vector<256x1280xf32> to vector<256x16xf32>
    %mul3A_218 = vector.broadcast %slice3A_216 : vector<256x1xf32> to vector<256x16xf32>
    %mul3A_219 = arith.mulf %mul3A_218, %slice3A_217 : vector<256x16xf32>
    %add3A_220 = arith.addf %add3A_215, %mul3A_219 : vector<256x16xf32>
    %slice3A_221 = vector.extract_strided_slice %convert_element_type3A_30 {offsets = [0, 38], sizes = [256, 1], strides = [1, 1]} : vector<256x128xf32> to vector<256x1xf32>
    %slice3A_222 = vector.extract_strided_slice %convert_element_type3A_28 {offsets = [0, 608], sizes = [256, 16], strides = [1, 1]} : vector<256x1280xf32> to vector<256x16xf32>
    %mul3A_223 = vector.broadcast %slice3A_221 : vector<256x1xf32> to vector<256x16xf32>
    %mul3A_224 = arith.mulf %mul3A_223, %slice3A_222 : vector<256x16xf32>
    %add3A_225 = arith.addf %add3A_220, %mul3A_224 : vector<256x16xf32>
    %slice3A_226 = vector.extract_strided_slice %convert_element_type3A_30 {offsets = [0, 39], sizes = [256, 1], strides = [1, 1]} : vector<256x128xf32> to vector<256x1xf32>
    %slice3A_227 = vector.extract_strided_slice %convert_element_type3A_28 {offsets = [0, 624], sizes = [256, 16], strides = [1, 1]} : vector<256x1280xf32> to vector<256x16xf32>
    %mul3A_228 = vector.broadcast %slice3A_226 : vector<256x1xf32> to vector<256x16xf32>
    %mul3A_229 = arith.mulf %mul3A_228, %slice3A_227 : vector<256x16xf32>
    %add3A_230 = arith.addf %add3A_225, %mul3A_229 : vector<256x16xf32>
    %slice3A_231 = vector.extract_strided_slice %convert_element_type3A_30 {offsets = [0, 40], sizes = [256, 1], strides = [1, 1]} : vector<256x128xf32> to vector<256x1xf32>
    %slice3A_232 = vector.extract_strided_slice %convert_element_type3A_28 {offsets = [0, 640], sizes = [256, 16], strides = [1, 1]} : vector<256x1280xf32> to vector<256x16xf32>
    %mul3A_233 = vector.broadcast %slice3A_231 : vector<256x1xf32> to vector<256x16xf32>
    %mul3A_234 = arith.mulf %mul3A_233, %slice3A_232 : vector<256x16xf32>
    %add3A_235 = arith.addf %add3A_230, %mul3A_234 : vector<256x16xf32>
    %slice3A_236 = vector.extract_strided_slice %convert_element_type3A_30 {offsets = [0, 41], sizes = [256, 1], strides = [1, 1]} : vector<256x128xf32> to vector<256x1xf32>
    %slice3A_237 = vector.extract_strided_slice %convert_element_type3A_28 {offsets = [0, 656], sizes = [256, 16], strides = [1, 1]} : vector<256x1280xf32> to vector<256x16xf32>
    %mul3A_238 = vector.broadcast %slice3A_236 : vector<256x1xf32> to vector<256x16xf32>
    %mul3A_239 = arith.mulf %mul3A_238, %slice3A_237 : vector<256x16xf32>
    %add3A_240 = arith.addf %add3A_235, %mul3A_239 : vector<256x16xf32>
    %slice3A_241 = vector.extract_strided_slice %convert_element_type3A_30 {offsets = [0, 42], sizes = [256, 1], strides = [1, 1]} : vector<256x128xf32> to vector<256x1xf32>
    %slice3A_242 = vector.extract_strided_slice %convert_element_type3A_28 {offsets = [0, 672], sizes = [256, 16], strides = [1, 1]} : vector<256x1280xf32> to vector<256x16xf32>
    %mul3A_243 = vector.broadcast %slice3A_241 : vector<256x1xf32> to vector<256x16xf32>
    %mul3A_244 = arith.mulf %mul3A_243, %slice3A_242 : vector<256x16xf32>
    %add3A_245 = arith.addf %add3A_240, %mul3A_244 : vector<256x16xf32>
    %slice3A_246 = vector.extract_strided_slice %convert_element_type3A_30 {offsets = [0, 43], sizes = [256, 1], strides = [1, 1]} : vector<256x128xf32> to vector<256x1xf32>
    %slice3A_247 = vector.extract_strided_slice %convert_element_type3A_28 {offsets = [0, 688], sizes = [256, 16], strides = [1, 1]} : vector<256x1280xf32> to vector<256x16xf32>
    %mul3A_248 = vector.broadcast %slice3A_246 : vector<256x1xf32> to vector<256x16xf32>
    %mul3A_249 = arith.mulf %mul3A_248, %slice3A_247 : vector<256x16xf32>
    %add3A_250 = arith.addf %add3A_245, %mul3A_249 : vector<256x16xf32>
    %slice3A_251 = vector.extract_strided_slice %convert_element_type3A_30 {offsets = [0, 44], sizes = [256, 1], strides = [1, 1]} : vector<256x128xf32> to vector<256x1xf32>
    %slice3A_252 = vector.extract_strided_slice %convert_element_type3A_28 {offsets = [0, 704], sizes = [256, 16], strides = [1, 1]} : vector<256x1280xf32> to vector<256x16xf32>
    %mul3A_253 = vector.broadcast %slice3A_251 : vector<256x1xf32> to vector<256x16xf32>
    %mul3A_254 = arith.mulf %mul3A_253, %slice3A_252 : vector<256x16xf32>
    %add3A_255 = arith.addf %add3A_250, %mul3A_254 : vector<256x16xf32>
    %slice3A_256 = vector.extract_strided_slice %convert_element_type3A_30 {offsets = [0, 45], sizes = [256, 1], strides = [1, 1]} : vector<256x128xf32> to vector<256x1xf32>
    %slice3A_257 = vector.extract_strided_slice %convert_element_type3A_28 {offsets = [0, 720], sizes = [256, 16], strides = [1, 1]} : vector<256x1280xf32> to vector<256x16xf32>
    %mul3A_258 = vector.broadcast %slice3A_256 : vector<256x1xf32> to vector<256x16xf32>
    %mul3A_259 = arith.mulf %mul3A_258, %slice3A_257 : vector<256x16xf32>
    %add3A_260 = arith.addf %add3A_255, %mul3A_259 : vector<256x16xf32>
    %slice3A_261 = vector.extract_strided_slice %convert_element_type3A_30 {offsets = [0, 46], sizes = [256, 1], strides = [1, 1]} : vector<256x128xf32> to vector<256x1xf32>
    %slice3A_262 = vector.extract_strided_slice %convert_element_type3A_28 {offsets = [0, 736], sizes = [256, 16], strides = [1, 1]} : vector<256x1280xf32> to vector<256x16xf32>
    %mul3A_263 = vector.broadcast %slice3A_261 : vector<256x1xf32> to vector<256x16xf32>
    %mul3A_264 = arith.mulf %mul3A_263, %slice3A_262 : vector<256x16xf32>
    %add3A_265 = arith.addf %add3A_260, %mul3A_264 : vector<256x16xf32>
    %slice3A_266 = vector.extract_strided_slice %convert_element_type3A_30 {offsets = [0, 47], sizes = [256, 1], strides = [1, 1]} : vector<256x128xf32> to vector<256x1xf32>
    %slice3A_267 = vector.extract_strided_slice %convert_element_type3A_28 {offsets = [0, 752], sizes = [256, 16], strides = [1, 1]} : vector<256x1280xf32> to vector<256x16xf32>
    %mul3A_268 = vector.broadcast %slice3A_266 : vector<256x1xf32> to vector<256x16xf32>
    %mul3A_269 = arith.mulf %mul3A_268, %slice3A_267 : vector<256x16xf32>
    %add3A_270 = arith.addf %add3A_265, %mul3A_269 : vector<256x16xf32>
    %slice3A_271 = vector.extract_strided_slice %convert_element_type3A_30 {offsets = [0, 48], sizes = [256, 1], strides = [1, 1]} : vector<256x128xf32> to vector<256x1xf32>
    %slice3A_272 = vector.extract_strided_slice %convert_element_type3A_28 {offsets = [0, 768], sizes = [256, 16], strides = [1, 1]} : vector<256x1280xf32> to vector<256x16xf32>
    %mul3A_273 = vector.broadcast %slice3A_271 : vector<256x1xf32> to vector<256x16xf32>
    %mul3A_274 = arith.mulf %mul3A_273, %slice3A_272 : vector<256x16xf32>
    %add3A_275 = arith.addf %add3A_270, %mul3A_274 : vector<256x16xf32>
    %slice3A_276 = vector.extract_strided_slice %convert_element_type3A_30 {offsets = [0, 49], sizes = [256, 1], strides = [1, 1]} : vector<256x128xf32> to vector<256x1xf32>
    %slice3A_277 = vector.extract_strided_slice %convert_element_type3A_28 {offsets = [0, 784], sizes = [256, 16], strides = [1, 1]} : vector<256x1280xf32> to vector<256x16xf32>
    %mul3A_278 = vector.broadcast %slice3A_276 : vector<256x1xf32> to vector<256x16xf32>
    %mul3A_279 = arith.mulf %mul3A_278, %slice3A_277 : vector<256x16xf32>
    %add3A_280 = arith.addf %add3A_275, %mul3A_279 : vector<256x16xf32>
    %slice3A_281 = vector.extract_strided_slice %convert_element_type3A_30 {offsets = [0, 50], sizes = [256, 1], strides = [1, 1]} : vector<256x128xf32> to vector<256x1xf32>
    %slice3A_282 = vector.extract_strided_slice %convert_element_type3A_28 {offsets = [0, 800], sizes = [256, 16], strides = [1, 1]} : vector<256x1280xf32> to vector<256x16xf32>
    %mul3A_283 = vector.broadcast %slice3A_281 : vector<256x1xf32> to vector<256x16xf32>
    %mul3A_284 = arith.mulf %mul3A_283, %slice3A_282 : vector<256x16xf32>
    %add3A_285 = arith.addf %add3A_280, %mul3A_284 : vector<256x16xf32>
    %slice3A_286 = vector.extract_strided_slice %convert_element_type3A_30 {offsets = [0, 51], sizes = [256, 1], strides = [1, 1]} : vector<256x128xf32> to vector<256x1xf32>
    %slice3A_287 = vector.extract_strided_slice %convert_element_type3A_28 {offsets = [0, 816], sizes = [256, 16], strides = [1, 1]} : vector<256x1280xf32> to vector<256x16xf32>
    %mul3A_288 = vector.broadcast %slice3A_286 : vector<256x1xf32> to vector<256x16xf32>
    %mul3A_289 = arith.mulf %mul3A_288, %slice3A_287 : vector<256x16xf32>
    %add3A_290 = arith.addf %add3A_285, %mul3A_289 : vector<256x16xf32>
    %slice3A_291 = vector.extract_strided_slice %convert_element_type3A_30 {offsets = [0, 52], sizes = [256, 1], strides = [1, 1]} : vector<256x128xf32> to vector<256x1xf32>
    %slice3A_292 = vector.extract_strided_slice %convert_element_type3A_28 {offsets = [0, 832], sizes = [256, 16], strides = [1, 1]} : vector<256x1280xf32> to vector<256x16xf32>
    %mul3A_293 = vector.broadcast %slice3A_291 : vector<256x1xf32> to vector<256x16xf32>
    %mul3A_294 = arith.mulf %mul3A_293, %slice3A_292 : vector<256x16xf32>
    %add3A_295 = arith.addf %add3A_290, %mul3A_294 : vector<256x16xf32>
    %slice3A_296 = vector.extract_strided_slice %convert_element_type3A_30 {offsets = [0, 53], sizes = [256, 1], strides = [1, 1]} : vector<256x128xf32> to vector<256x1xf32>
    %slice3A_297 = vector.extract_strided_slice %convert_element_type3A_28 {offsets = [0, 848], sizes = [256, 16], strides = [1, 1]} : vector<256x1280xf32> to vector<256x16xf32>
    %mul3A_298 = vector.broadcast %slice3A_296 : vector<256x1xf32> to vector<256x16xf32>
    %mul3A_299 = arith.mulf %mul3A_298, %slice3A_297 : vector<256x16xf32>
    %add3A_300 = arith.addf %add3A_295, %mul3A_299 : vector<256x16xf32>
    %slice3A_301 = vector.extract_strided_slice %convert_element_type3A_30 {offsets = [0, 54], sizes = [256, 1], strides = [1, 1]} : vector<256x128xf32> to vector<256x1xf32>
    %slice3A_302 = vector.extract_strided_slice %convert_element_type3A_28 {offsets = [0, 864], sizes = [256, 16], strides = [1, 1]} : vector<256x1280xf32> to vector<256x16xf32>
    %mul3A_303 = vector.broadcast %slice3A_301 : vector<256x1xf32> to vector<256x16xf32>
    %mul3A_304 = arith.mulf %mul3A_303, %slice3A_302 : vector<256x16xf32>
    %add3A_305 = arith.addf %add3A_300, %mul3A_304 : vector<256x16xf32>
    %slice3A_306 = vector.extract_strided_slice %convert_element_type3A_30 {offsets = [0, 55], sizes = [256, 1], strides = [1, 1]} : vector<256x128xf32> to vector<256x1xf32>
    %slice3A_307 = vector.extract_strided_slice %convert_element_type3A_28 {offsets = [0, 880], sizes = [256, 16], strides = [1, 1]} : vector<256x1280xf32> to vector<256x16xf32>
    %mul3A_308 = vector.broadcast %slice3A_306 : vector<256x1xf32> to vector<256x16xf32>
    %mul3A_309 = arith.mulf %mul3A_308, %slice3A_307 : vector<256x16xf32>
    %add3A_310 = arith.addf %add3A_305, %mul3A_309 : vector<256x16xf32>
    %slice3A_311 = vector.extract_strided_slice %convert_element_type3A_30 {offsets = [0, 56], sizes = [256, 1], strides = [1, 1]} : vector<256x128xf32> to vector<256x1xf32>
    %slice3A_312 = vector.extract_strided_slice %convert_element_type3A_28 {offsets = [0, 896], sizes = [256, 16], strides = [1, 1]} : vector<256x1280xf32> to vector<256x16xf32>
    %mul3A_313 = vector.broadcast %slice3A_311 : vector<256x1xf32> to vector<256x16xf32>
    %mul3A_314 = arith.mulf %mul3A_313, %slice3A_312 : vector<256x16xf32>
    %add3A_315 = arith.addf %add3A_310, %mul3A_314 : vector<256x16xf32>
    %slice3A_316 = vector.extract_strided_slice %convert_element_type3A_30 {offsets = [0, 57], sizes = [256, 1], strides = [1, 1]} : vector<256x128xf32> to vector<256x1xf32>
    %slice3A_317 = vector.extract_strided_slice %convert_element_type3A_28 {offsets = [0, 912], sizes = [256, 16], strides = [1, 1]} : vector<256x1280xf32> to vector<256x16xf32>
    %mul3A_318 = vector.broadcast %slice3A_316 : vector<256x1xf32> to vector<256x16xf32>
    %mul3A_319 = arith.mulf %mul3A_318, %slice3A_317 : vector<256x16xf32>
    %add3A_320 = arith.addf %add3A_315, %mul3A_319 : vector<256x16xf32>
    %slice3A_321 = vector.extract_strided_slice %convert_element_type3A_30 {offsets = [0, 58], sizes = [256, 1], strides = [1, 1]} : vector<256x128xf32> to vector<256x1xf32>
    %slice3A_322 = vector.extract_strided_slice %convert_element_type3A_28 {offsets = [0, 928], sizes = [256, 16], strides = [1, 1]} : vector<256x1280xf32> to vector<256x16xf32>
    %mul3A_323 = vector.broadcast %slice3A_321 : vector<256x1xf32> to vector<256x16xf32>
    %mul3A_324 = arith.mulf %mul3A_323, %slice3A_322 : vector<256x16xf32>
    %add3A_325 = arith.addf %add3A_320, %mul3A_324 : vector<256x16xf32>
    %slice3A_326 = vector.extract_strided_slice %convert_element_type3A_30 {offsets = [0, 59], sizes = [256, 1], strides = [1, 1]} : vector<256x128xf32> to vector<256x1xf32>
    %slice3A_327 = vector.extract_strided_slice %convert_element_type3A_28 {offsets = [0, 944], sizes = [256, 16], strides = [1, 1]} : vector<256x1280xf32> to vector<256x16xf32>
    %mul3A_328 = vector.broadcast %slice3A_326 : vector<256x1xf32> to vector<256x16xf32>
    %mul3A_329 = arith.mulf %mul3A_328, %slice3A_327 : vector<256x16xf32>
    %add3A_330 = arith.addf %add3A_325, %mul3A_329 : vector<256x16xf32>
    %slice3A_331 = vector.extract_strided_slice %convert_element_type3A_30 {offsets = [0, 60], sizes = [256, 1], strides = [1, 1]} : vector<256x128xf32> to vector<256x1xf32>
    %slice3A_332 = vector.extract_strided_slice %convert_element_type3A_28 {offsets = [0, 960], sizes = [256, 16], strides = [1, 1]} : vector<256x1280xf32> to vector<256x16xf32>
    %mul3A_333 = vector.broadcast %slice3A_331 : vector<256x1xf32> to vector<256x16xf32>
    %mul3A_334 = arith.mulf %mul3A_333, %slice3A_332 : vector<256x16xf32>
    %add3A_335 = arith.addf %add3A_330, %mul3A_334 : vector<256x16xf32>
    %slice3A_336 = vector.extract_strided_slice %convert_element_type3A_30 {offsets = [0, 61], sizes = [256, 1], strides = [1, 1]} : vector<256x128xf32> to vector<256x1xf32>
    %slice3A_337 = vector.extract_strided_slice %convert_element_type3A_28 {offsets = [0, 976], sizes = [256, 16], strides = [1, 1]} : vector<256x1280xf32> to vector<256x16xf32>
    %mul3A_338 = vector.broadcast %slice3A_336 : vector<256x1xf32> to vector<256x16xf32>
    %mul3A_339 = arith.mulf %mul3A_338, %slice3A_337 : vector<256x16xf32>
    %add3A_340 = arith.addf %add3A_335, %mul3A_339 : vector<256x16xf32>
    %slice3A_341 = vector.extract_strided_slice %convert_element_type3A_30 {offsets = [0, 62], sizes = [256, 1], strides = [1, 1]} : vector<256x128xf32> to vector<256x1xf32>
    %slice3A_342 = vector.extract_strided_slice %convert_element_type3A_28 {offsets = [0, 992], sizes = [256, 16], strides = [1, 1]} : vector<256x1280xf32> to vector<256x16xf32>
    %mul3A_343 = vector.broadcast %slice3A_341 : vector<256x1xf32> to vector<256x16xf32>
    %mul3A_344 = arith.mulf %mul3A_343, %slice3A_342 : vector<256x16xf32>
    %add3A_345 = arith.addf %add3A_340, %mul3A_344 : vector<256x16xf32>
    %slice3A_346 = vector.extract_strided_slice %convert_element_type3A_30 {offsets = [0, 63], sizes = [256, 1], strides = [1, 1]} : vector<256x128xf32> to vector<256x1xf32>
    %slice3A_347 = vector.extract_strided_slice %convert_element_type3A_28 {offsets = [0, 1008], sizes = [256, 16], strides = [1, 1]} : vector<256x1280xf32> to vector<256x16xf32>
    %mul3A_348 = vector.broadcast %slice3A_346 : vector<256x1xf32> to vector<256x16xf32>
    %mul3A_349 = arith.mulf %mul3A_348, %slice3A_347 : vector<256x16xf32>
    %add3A_350 = arith.addf %add3A_345, %mul3A_349 : vector<256x16xf32>
    %slice3A_351 = vector.extract_strided_slice %convert_element_type3A_30 {offsets = [0, 64], sizes = [256, 1], strides = [1, 1]} : vector<256x128xf32> to vector<256x1xf32>
    %slice3A_352 = vector.extract_strided_slice %convert_element_type3A_28 {offsets = [0, 1024], sizes = [256, 16], strides = [1, 1]} : vector<256x1280xf32> to vector<256x16xf32>
    %mul3A_353 = vector.broadcast %slice3A_351 : vector<256x1xf32> to vector<256x16xf32>
    %mul3A_354 = arith.mulf %mul3A_353, %slice3A_352 : vector<256x16xf32>
    %add3A_355 = arith.addf %add3A_350, %mul3A_354 : vector<256x16xf32>
    %slice3A_356 = vector.extract_strided_slice %convert_element_type3A_30 {offsets = [0, 65], sizes = [256, 1], strides = [1, 1]} : vector<256x128xf32> to vector<256x1xf32>
    %slice3A_357 = vector.extract_strided_slice %convert_element_type3A_28 {offsets = [0, 1040], sizes = [256, 16], strides = [1, 1]} : vector<256x1280xf32> to vector<256x16xf32>
    %mul3A_358 = vector.broadcast %slice3A_356 : vector<256x1xf32> to vector<256x16xf32>
    %mul3A_359 = arith.mulf %mul3A_358, %slice3A_357 : vector<256x16xf32>
    %add3A_360 = arith.addf %add3A_355, %mul3A_359 : vector<256x16xf32>
    %slice3A_361 = vector.extract_strided_slice %convert_element_type3A_30 {offsets = [0, 66], sizes = [256, 1], strides = [1, 1]} : vector<256x128xf32> to vector<256x1xf32>
    %slice3A_362 = vector.extract_strided_slice %convert_element_type3A_28 {offsets = [0, 1056], sizes = [256, 16], strides = [1, 1]} : vector<256x1280xf32> to vector<256x16xf32>
    %mul3A_363 = vector.broadcast %slice3A_361 : vector<256x1xf32> to vector<256x16xf32>
    %mul3A_364 = arith.mulf %mul3A_363, %slice3A_362 : vector<256x16xf32>
    %add3A_365 = arith.addf %add3A_360, %mul3A_364 : vector<256x16xf32>
    %slice3A_366 = vector.extract_strided_slice %convert_element_type3A_30 {offsets = [0, 67], sizes = [256, 1], strides = [1, 1]} : vector<256x128xf32> to vector<256x1xf32>
    %slice3A_367 = vector.extract_strided_slice %convert_element_type3A_28 {offsets = [0, 1072], sizes = [256, 16], strides = [1, 1]} : vector<256x1280xf32> to vector<256x16xf32>
    %mul3A_368 = vector.broadcast %slice3A_366 : vector<256x1xf32> to vector<256x16xf32>
    %mul3A_369 = arith.mulf %mul3A_368, %slice3A_367 : vector<256x16xf32>
    %add3A_370 = arith.addf %add3A_365, %mul3A_369 : vector<256x16xf32>
    %slice3A_371 = vector.extract_strided_slice %convert_element_type3A_30 {offsets = [0, 68], sizes = [256, 1], strides = [1, 1]} : vector<256x128xf32> to vector<256x1xf32>
    %slice3A_372 = vector.extract_strided_slice %convert_element_type3A_28 {offsets = [0, 1088], sizes = [256, 16], strides = [1, 1]} : vector<256x1280xf32> to vector<256x16xf32>
    %mul3A_373 = vector.broadcast %slice3A_371 : vector<256x1xf32> to vector<256x16xf32>
    %mul3A_374 = arith.mulf %mul3A_373, %slice3A_372 : vector<256x16xf32>
    %add3A_375 = arith.addf %add3A_370, %mul3A_374 : vector<256x16xf32>
    %slice3A_376 = vector.extract_strided_slice %convert_element_type3A_30 {offsets = [0, 69], sizes = [256, 1], strides = [1, 1]} : vector<256x128xf32> to vector<256x1xf32>
    %slice3A_377 = vector.extract_strided_slice %convert_element_type3A_28 {offsets = [0, 1104], sizes = [256, 16], strides = [1, 1]} : vector<256x1280xf32> to vector<256x16xf32>
    %mul3A_378 = vector.broadcast %slice3A_376 : vector<256x1xf32> to vector<256x16xf32>
    %mul3A_379 = arith.mulf %mul3A_378, %slice3A_377 : vector<256x16xf32>
    %add3A_380 = arith.addf %add3A_375, %mul3A_379 : vector<256x16xf32>
    %slice3A_381 = vector.extract_strided_slice %convert_element_type3A_30 {offsets = [0, 70], sizes = [256, 1], strides = [1, 1]} : vector<256x128xf32> to vector<256x1xf32>
    %slice3A_382 = vector.extract_strided_slice %convert_element_type3A_28 {offsets = [0, 1120], sizes = [256, 16], strides = [1, 1]} : vector<256x1280xf32> to vector<256x16xf32>
    %mul3A_383 = vector.broadcast %slice3A_381 : vector<256x1xf32> to vector<256x16xf32>
    %mul3A_384 = arith.mulf %mul3A_383, %slice3A_382 : vector<256x16xf32>
    %add3A_385 = arith.addf %add3A_380, %mul3A_384 : vector<256x16xf32>
    %slice3A_386 = vector.extract_strided_slice %convert_element_type3A_30 {offsets = [0, 71], sizes = [256, 1], strides = [1, 1]} : vector<256x128xf32> to vector<256x1xf32>
    %slice3A_387 = vector.extract_strided_slice %convert_element_type3A_28 {offsets = [0, 1136], sizes = [256, 16], strides = [1, 1]} : vector<256x1280xf32> to vector<256x16xf32>
    %mul3A_388 = vector.broadcast %slice3A_386 : vector<256x1xf32> to vector<256x16xf32>
    %mul3A_389 = arith.mulf %mul3A_388, %slice3A_387 : vector<256x16xf32>
    %add3A_390 = arith.addf %add3A_385, %mul3A_389 : vector<256x16xf32>
    %slice3A_391 = vector.extract_strided_slice %convert_element_type3A_30 {offsets = [0, 72], sizes = [256, 1], strides = [1, 1]} : vector<256x128xf32> to vector<256x1xf32>
    %slice3A_392 = vector.extract_strided_slice %convert_element_type3A_28 {offsets = [0, 1152], sizes = [256, 16], strides = [1, 1]} : vector<256x1280xf32> to vector<256x16xf32>
    %mul3A_393 = vector.broadcast %slice3A_391 : vector<256x1xf32> to vector<256x16xf32>
    %mul3A_394 = arith.mulf %mul3A_393, %slice3A_392 : vector<256x16xf32>
    %add3A_395 = arith.addf %add3A_390, %mul3A_394 : vector<256x16xf32>
    %slice3A_396 = vector.extract_strided_slice %convert_element_type3A_30 {offsets = [0, 73], sizes = [256, 1], strides = [1, 1]} : vector<256x128xf32> to vector<256x1xf32>
    %slice3A_397 = vector.extract_strided_slice %convert_element_type3A_28 {offsets = [0, 1168], sizes = [256, 16], strides = [1, 1]} : vector<256x1280xf32> to vector<256x16xf32>
    %mul3A_398 = vector.broadcast %slice3A_396 : vector<256x1xf32> to vector<256x16xf32>
    %mul3A_399 = arith.mulf %mul3A_398, %slice3A_397 : vector<256x16xf32>
    %add3A_400 = arith.addf %add3A_395, %mul3A_399 : vector<256x16xf32>
    %slice3A_401 = vector.extract_strided_slice %convert_element_type3A_30 {offsets = [0, 74], sizes = [256, 1], strides = [1, 1]} : vector<256x128xf32> to vector<256x1xf32>
    %slice3A_402 = vector.extract_strided_slice %convert_element_type3A_28 {offsets = [0, 1184], sizes = [256, 16], strides = [1, 1]} : vector<256x1280xf32> to vector<256x16xf32>
    %mul3A_403 = vector.broadcast %slice3A_401 : vector<256x1xf32> to vector<256x16xf32>
    %mul3A_404 = arith.mulf %mul3A_403, %slice3A_402 : vector<256x16xf32>
    %add3A_405 = arith.addf %add3A_400, %mul3A_404 : vector<256x16xf32>
    %slice3A_406 = vector.extract_strided_slice %convert_element_type3A_30 {offsets = [0, 75], sizes = [256, 1], strides = [1, 1]} : vector<256x128xf32> to vector<256x1xf32>
    %slice3A_407 = vector.extract_strided_slice %convert_element_type3A_28 {offsets = [0, 1200], sizes = [256, 16], strides = [1, 1]} : vector<256x1280xf32> to vector<256x16xf32>
    %mul3A_408 = vector.broadcast %slice3A_406 : vector<256x1xf32> to vector<256x16xf32>
    %mul3A_409 = arith.mulf %mul3A_408, %slice3A_407 : vector<256x16xf32>
    %add3A_410 = arith.addf %add3A_405, %mul3A_409 : vector<256x16xf32>
    %slice3A_411 = vector.extract_strided_slice %convert_element_type3A_30 {offsets = [0, 76], sizes = [256, 1], strides = [1, 1]} : vector<256x128xf32> to vector<256x1xf32>
    %slice3A_412 = vector.extract_strided_slice %convert_element_type3A_28 {offsets = [0, 1216], sizes = [256, 16], strides = [1, 1]} : vector<256x1280xf32> to vector<256x16xf32>
    %mul3A_413 = vector.broadcast %slice3A_411 : vector<256x1xf32> to vector<256x16xf32>
    %mul3A_414 = arith.mulf %mul3A_413, %slice3A_412 : vector<256x16xf32>
    %add3A_415 = arith.addf %add3A_410, %mul3A_414 : vector<256x16xf32>
    %slice3A_416 = vector.extract_strided_slice %convert_element_type3A_30 {offsets = [0, 77], sizes = [256, 1], strides = [1, 1]} : vector<256x128xf32> to vector<256x1xf32>
    %slice3A_417 = vector.extract_strided_slice %convert_element_type3A_28 {offsets = [0, 1232], sizes = [256, 16], strides = [1, 1]} : vector<256x1280xf32> to vector<256x16xf32>
    %mul3A_418 = vector.broadcast %slice3A_416 : vector<256x1xf32> to vector<256x16xf32>
    %mul3A_419 = arith.mulf %mul3A_418, %slice3A_417 : vector<256x16xf32>
    %add3A_420 = arith.addf %add3A_415, %mul3A_419 : vector<256x16xf32>
    %slice3A_421 = vector.extract_strided_slice %convert_element_type3A_30 {offsets = [0, 78], sizes = [256, 1], strides = [1, 1]} : vector<256x128xf32> to vector<256x1xf32>
    %slice3A_422 = vector.extract_strided_slice %convert_element_type3A_28 {offsets = [0, 1248], sizes = [256, 16], strides = [1, 1]} : vector<256x1280xf32> to vector<256x16xf32>
    %mul3A_423 = vector.broadcast %slice3A_421 : vector<256x1xf32> to vector<256x16xf32>
    %mul3A_424 = arith.mulf %mul3A_423, %slice3A_422 : vector<256x16xf32>
    %add3A_425 = arith.addf %add3A_420, %mul3A_424 : vector<256x16xf32>
    %slice3A_426 = vector.extract_strided_slice %convert_element_type3A_30 {offsets = [0, 79], sizes = [256, 1], strides = [1, 1]} : vector<256x128xf32> to vector<256x1xf32>
    %slice3A_427 = vector.extract_strided_slice %convert_element_type3A_28 {offsets = [0, 1264], sizes = [256, 16], strides = [1, 1]} : vector<256x1280xf32> to vector<256x16xf32>
    %mul3A_428 = vector.broadcast %slice3A_426 : vector<256x1xf32> to vector<256x16xf32>
    %mul3A_429 = arith.mulf %mul3A_428, %slice3A_427 : vector<256x16xf32>
    %add3A_430 = arith.addf %add3A_425, %mul3A_429 : vector<256x16xf32>
    %tile3A = tpu.concatenate %add3A_430, %add3A_430, %add3A_430, %add3A_430, %add3A_430, %add3A_430, %add3A_430, %add3A_430 in 1 : vector<256x16xf32>, vector<256x16xf32>, vector<256x16xf32>, vector<256x16xf32>, vector<256x16xf32>, vector<256x16xf32>, vector<256x16xf32>, vector<256x16xf32> -> vector<256x128xf32>
    %get3A_431 = arith.constant 0 : index
    %get3A_432 = arith.constant 0 : index
    %get3A_433 = vector.load %arg7[%get3A_431, %get3A_432] : memref<256x128xf32, #tpu.memory_space<vmem>>, vector<256x128xf32>
    %mul3A_434 = arith.mulf %tile3A, %get3A_433 : vector<256x128xf32>
    %swap3A = arith.constant 0 : index
    %swap3A_435 = arith.constant 0 : index
    %swap3A_436 = vector.load %arg8[%swap3A, %swap3A_435] : memref<256x128xf32, #tpu.memory_space<vmem>>, vector<256x128xf32>
    tpu.vector_store %arg8[%swap3A, %swap3A_435], %mul3A_434 {strides = array<i32>} : memref<256x128xf32, #tpu.memory_space<vmem>>, vector<256x128xf32>,
    return
  }
  func.func @transform_0(%arg0: i32) -> (i32, i32) {
    %c0_i32 = arith.constant 0 : i32
    %c0_i32_0 = arith.constant 0 : i32
    return %arg0, %c0_i32 : i32, i32
  }
  func.func @transform_1(%arg0: i32) -> (i32, i32) {
    %c0_i32 = arith.constant 0 : i32
    %c0_i32_0 = arith.constant 0 : i32
    return %arg0, %c0_i32 : i32, i32
  }
  func.func @transform_2(%arg0: i32) -> (i32, i32) {
    %c0_i32 = arith.constant 0 : i32
    %c0_i32_0 = arith.constant 0 : i32
    %c0_i32_1 = arith.constant 0 : i32
    return %c0_i32, %c0_i32_0 : i32, i32
  }
  func.func @transform_3(%arg0: i32) -> (i32, i32) {
    %c0_i32 = arith.constant 0 : i32
    %c0_i32_0 = arith.constant 0 : i32
    %c0_i32_1 = arith.constant 0 : i32
    return %c0_i32, %c0_i32_0 : i32, i32
  }
  func.func @transform_4(%arg0: i32) -> (i32, i32) {
    %c0_i32 = arith.constant 0 : i32
    %c0_i32_0 = arith.constant 0 : i32
    %c0_i32_1 = arith.constant 0 : i32
    return %c0_i32, %c0_i32_0 : i32, i32
  }
  func.func @transform_5(%arg0: i32) -> (i32, i32) {
    %c0_i32 = arith.constant 0 : i32
    %c0_i32_0 = arith.constant 0 : i32
    %c0_i32_1 = arith.constant 0 : i32
    return %c0_i32, %c0_i32_0 : i32, i32
  }
  func.func @transform_6(%arg0: i32) -> (i32, i32) {
    %c0_i32 = arith.constant 0 : i32
    %c0_i32_0 = arith.constant 0 : i32
    return %arg0, %c0_i32 : i32, i32
  }
  func.func @transform_7(%arg0: i32) -> (i32, i32) {
    %c0_i32 = arith.constant 0 : i32
    %c0_i32_0 = arith.constant 0 : i32
    return %arg0, %c0_i32 : i32, i32
  }
}

module attributes {stable_mosaic.version = 14 : i64} {
  func.func @body(%arg0: i32, %arg1: memref<256x16xf32, #tpu.memory_space<vmem>>, %arg2: memref<256x16xf32, #tpu.memory_space<vmem>>, %arg3: memref<256x16xf32, #tpu.memory_space<vmem>>, %arg4: memref<256x16xf32, #tpu.memory_space<vmem>>, %arg5: memref<256x128xf32, #tpu.memory_space<vmem>>, %arg6: memref<256x16xf32, #tpu.memory_space<vmem>>, %arg7: memref<80x16xbf16, #tpu.memory_space<vmem>>, %arg8: memref<1x16xf32, #tpu.memory_space<vmem>>, %arg9: memref<256x16xf32, #tpu.memory_space<vmem>>) attributes {dimension_semantics = [#tpu.dimension_semantics<arbitrary>], iteration_bounds = array<i64: 80>, scalar_prefetch = 0 : i64, scratch_operands = 0 : i64, tpu.core_type = #tpu.core_type<tc>, window_params = [{transform_indices = @transform_0, window_bounds = array<i64: 256, 16>}, {transform_indices = @transform_1, window_bounds = array<i64: 256, 16>}, {transform_indices = @transform_2, window_bounds = array<i64: 256, 16>}, {transform_indices = @transform_3, window_bounds = array<i64: 256, 16>}, {transform_indices = @transform_4, window_bounds = array<i64: 256, 128>}, {transform_indices = @transform_5, window_bounds = array<i64: 256, 16>}, {pipeline_mode = #tpu.pipeline_mode<synchronous>, transform_indices = @transform_6, window_bounds = array<i64: 80, 16>}, {pipeline_mode = #tpu.pipeline_mode<synchronous>, transform_indices = @transform_7, window_bounds = array<i64: 1, 16>}, {transform_indices = @transform_8, window_bounds = array<i64: 256, 16>}]} {
    %get3A = arith.constant 0 : index
    %get3A_0 = arith.constant 0 : index
    %get3A_1 = vector.load %arg1[%get3A, %get3A_0] : memref<256x16xf32, #tpu.memory_space<vmem>>, vector<256x16xf32>
    %get3A_2 = arith.constant 0 : index
    %get3A_3 = arith.constant 0 : index
    %get3A_4 = vector.load %arg2[%get3A_2, %get3A_3] : memref<256x16xf32, #tpu.memory_space<vmem>>, vector<256x16xf32>
    %add3A = arith.addf %get3A_1, %get3A_4 : vector<256x16xf32>
    %get3A_5 = arith.constant 0 : index
    %get3A_6 = arith.constant 0 : index
    %get3A_7 = vector.load %arg3[%get3A_5, %get3A_6] : memref<256x16xf32, #tpu.memory_space<vmem>>, vector<256x1xf32>
    %get3A_8 = arith.constant 0 : index
    %get3A_9 = arith.constant 0 : index
    %get3A_10 = vector.load %arg4[%get3A_8, %get3A_9] : memref<256x16xf32, #tpu.memory_space<vmem>>, vector<256x1xf32>
    %add3A_11 = arith.addf %get3A_7, %get3A_10 : vector<256x1xf32>
    %max3A = arith.constant 1.000000e+00 : f32
    %max3A_12 = vector.broadcast %max3A : f32 to vector<256x1xf32>
    %max3A_13 = arith.maximumf %add3A_11, %max3A_12 : vector<256x1xf32>
    %div3A = vector.broadcast %max3A_13 : vector<256x1xf32> to vector<256x16xf32>
    %div3A_14 = arith.divf %add3A, %div3A : vector<256x16xf32>
    %get3A_15 = arith.constant 0 : index
    %get3A_16 = arith.constant 0 : index
    %get3A_17 = vector.load %arg5[%get3A_15, %get3A_16] : memref<256x128xf32, #tpu.memory_space<vmem>>, vector<256x80xf32>
    %convert_element_type3A = arith.truncf %get3A_17 : vector<256x80xf32> to vector<256x80xbf16>
    %get3A_18 = arith.constant 0 : index
    %get3A_19 = arith.constant 0 : index
    %get3A_20 = vector.load %arg7[%get3A_18, %get3A_19] : memref<80x16xbf16, #tpu.memory_space<vmem>>, vector<80x16xbf16>
    %dot_general3A = arith.constant dense<0.000000e+00> : vector<256x16xf32>
    %dot_general3A_21 = tpu.matmul %convert_element_type3A, %get3A_20, %dot_general3A {dimension_numbers = #tpu.dot_dimension_numbers<[1], [0], [0], [1], [0, 0, 1, 1], [], []>, transpose_lhs_hint = false} : vector<256x80xbf16>, vector<80x16xbf16>, vector<256x16xf32> -> vector<256x16xf32>
    %add3A_22 = arith.addf %div3A_14, %dot_general3A_21 : vector<256x16xf32>
    %get3A_23 = arith.constant 0 : index
    %get3A_24 = arith.constant 0 : index
    %get3A_25 = vector.load %arg8[%get3A_23, %get3A_24] : memref<1x16xf32, #tpu.memory_space<vmem>>, vector<1x16xf32>
    %add3A_26 = vector.broadcast %get3A_25 : vector<1x16xf32> to vector<256x16xf32>
    %add3A_27 = arith.addf %add3A_22, %add3A_26 : vector<256x16xf32>
    %ge3A = arith.constant 0.000000e+00 : f32
    %ge3A_28 = vector.broadcast %ge3A : f32 to vector<256x16xf32>
    %ge3A_29 = arith.cmpf oge, %add3A_27, %ge3A_28 : vector<256x16xf32>
    %mul3A = arith.constant 0.00999999977 : f32
    %mul3A_30 = vector.broadcast %mul3A : f32 to vector<256x16xf32>
    %mul3A_31 = arith.mulf %mul3A_30, %add3A_27 : vector<256x16xf32>
    %select_n3A = arith.select %ge3A_29, %add3A_27, %mul3A_31 : vector<256x16xi1>, vector<256x16xf32>
    %get3A_32 = arith.constant 0 : index
    %get3A_33 = arith.constant 0 : index
    %get3A_34 = vector.load %arg6[%get3A_32, %get3A_33] : memref<256x16xf32, #tpu.memory_space<vmem>>, vector<256x16xf32>
    %add3A_35 = arith.addf %select_n3A, %get3A_34 : vector<256x16xf32>
    %reduce_min3A = arith.constant dense<0x7F800000> : vector<256xf32>
    %reduce_min3A_36 = vector.multi_reduction <minimumf>, %add3A_35, %reduce_min3A [1] : vector<256x16xf32> to vector<256xf32>
    %broadcast_in_dim3A = vector.shape_cast %reduce_min3A_36 : vector<256xf32> to vector<256x1xf32>
    %iota3A = tpu.iota {dimensions = array<i32: 1>} : vector<256x16xi32>
    %le3A = vector.broadcast %broadcast_in_dim3A : vector<256x1xf32> to vector<256x16xf32>
    %le3A_37 = arith.cmpf ole, %add3A_35, %le3A : vector<256x16xf32>
    %jit3A = arith.constant 16 : i32
    %broadcast_in_dim3A_38 = vector.broadcast %jit3A : i32 to vector<256x16xi32>
    %select_n3A_39 = arith.select %le3A_37, %iota3A, %broadcast_in_dim3A_38 : vector<256x16xi1>, vector<256x16xi32>
    %reduce_min3A_40 = arith.constant dense<2147483647> : vector<256xi32>
    %reduce_min3A_41 = vector.multi_reduction <minsi>, %select_n3A_39, %reduce_min3A_40 [1] : vector<256x16xi32> to vector<256xi32>
    %broadcast_in_dim3A_42 = vector.shape_cast %reduce_min3A_41 : vector<256xi32> to vector<256x1xi32>
    %eq3A = vector.broadcast %broadcast_in_dim3A_42 : vector<256x1xi32> to vector<256x16xi32>
    %eq3A_43 = arith.cmpi eq, %iota3A, %eq3A : vector<256x16xi32>
    %convert_element_type3A_44 = arith.extui %eq3A_43 : vector<256x16xi1> to vector<256x16xi32>
    %convert_element_type3A_45 = arith.sitofp %convert_element_type3A_44 : vector<256x16xi32> to vector<256x16xf32>
    %swap3A = arith.constant 0 : index
    %swap3A_46 = arith.constant 0 : index
    %swap3A_47 = vector.load %arg9[%swap3A, %swap3A_46] : memref<256x16xf32, #tpu.memory_space<vmem>>, vector<256x16xf32>
    tpu.vector_store %arg9[%swap3A, %swap3A_46], %convert_element_type3A_45 {strides = array<i32>} : memref<256x16xf32, #tpu.memory_space<vmem>>, vector<256x16xf32>,
    return
  }
  func.func @transform_0(%arg0: i32) -> (i32, i32) {
    %c0_i32 = arith.constant 0 : i32
    %c0_i32_0 = arith.constant 0 : i32
    return %arg0, %c0_i32 : i32, i32
  }
  func.func @transform_1(%arg0: i32) -> (i32, i32) {
    %c0_i32 = arith.constant 0 : i32
    %c0_i32_0 = arith.constant 0 : i32
    return %arg0, %c0_i32 : i32, i32
  }
  func.func @transform_2(%arg0: i32) -> (i32, i32) {
    %c0_i32 = arith.constant 0 : i32
    %c0_i32_0 = arith.constant 0 : i32
    return %arg0, %c0_i32 : i32, i32
  }
  func.func @transform_3(%arg0: i32) -> (i32, i32) {
    %c0_i32 = arith.constant 0 : i32
    %c0_i32_0 = arith.constant 0 : i32
    return %arg0, %c0_i32 : i32, i32
  }
  func.func @transform_4(%arg0: i32) -> (i32, i32) {
    %c0_i32 = arith.constant 0 : i32
    %c0_i32_0 = arith.constant 0 : i32
    return %arg0, %c0_i32 : i32, i32
  }
  func.func @transform_5(%arg0: i32) -> (i32, i32) {
    %c0_i32 = arith.constant 0 : i32
    %c0_i32_0 = arith.constant 0 : i32
    return %arg0, %c0_i32 : i32, i32
  }
  func.func @transform_6(%arg0: i32) -> (i32, i32) {
    %c0_i32 = arith.constant 0 : i32
    %c0_i32_0 = arith.constant 0 : i32
    %c0_i32_1 = arith.constant 0 : i32
    return %c0_i32, %c0_i32_0 : i32, i32
  }
  func.func @transform_7(%arg0: i32) -> (i32, i32) {
    %c0_i32 = arith.constant 0 : i32
    %c0_i32_0 = arith.constant 0 : i32
    %c0_i32_1 = arith.constant 0 : i32
    return %c0_i32, %c0_i32_0 : i32, i32
  }
  func.func @transform_8(%arg0: i32) -> (i32, i32) {
    %c0_i32 = arith.constant 0 : i32
    %c0_i32_0 = arith.constant 0 : i32
    return %arg0, %c0_i32 : i32, i32
  }
}

</mosaic_0001>

<sc_bundles>
// kernel: kernel.15.cloned.1.call-start
scs
__scs_entry_jumppad:
0x0: {  	(pc) =	sbr.rel $0x88, $3  }
0x1: {  	(tag) =	ssettag $0x0;
	lr =	simm.s32 $0x1  }
0x2: {  	[smem:$0x3F8C] =	sst lr;
	_ =	strace $0xD0000000  }
0x3: {  	_ = 	snop  }
0x4: {  	_ = 	snop  }
0x5: {  	_ = 	snop  }
0x6: {  	_ = 	snop  }
0x7: {  	_ = 	snop  }
__scs_overlays_trampoline_lowered:
0x8: {  	[smem:$0x3F9B] =	sst s0  }
0x9: {  	[smem:$0x3F9C] =	sst s1  }
0xa: {  	[smem:$0x3F9D] =	sst s2  }
0xb: {  	[smem:$0x3F9E] =	sst s3  }
0xc: {  	[smem:$0x3F9F] =	sst s4  }
0xd: {  	[smem:$0x3FA0] =	sst s5  }
0xe: {  	[smem:$0x3FA1] =	sst s6  }
0xf: {  	[smem:$0x3FA2] =	sst s7  }
0x10: {  	[smem:$0x3FA3] =	sst s8  }
0x11: {  	[smem:$0x3FA4] =	sst s9;
	s0 =	simm.s32 @!p0 $0x0  }
0x12: {  	s1 =	sld [smem:$0x3F8A];
	s0 =	simm.s32 @p0 $0x1  }
0x13: {  	[smem:$0x3FA5] =	sst s0;
	s0 =	simm.s32 @!p1 $0x0  }
0x14: {  	s2 =	sld [smem:$0x3F89];
	s0 =	simm.s32 @p1 $0x1  }
0x15: {  	[smem:$0x3FA6] =	sst s0;
	s0 =	simm.s32 @!p2 $0x0  }
0x16: {  	s3 =	sld [smem:$0x3FDB];
	s0 =	simm.s32 @p2 $0x1  }
0x17: {  	s4 =	simm.s32 $0x1BF5;
	[smem:$0x3FA8] =	sst s0  }
0x18: {  	s0 =	sld [smem:$0x3F8B];
	_ =	swait.ge [sflag:s4], $0x0  }
0x19: {  	s7 =	sld [smem:$0x3F8C]  }
0x1a: {  	s8 =	sadd.s32 $0xFFFFE003, lr  }
0x1b: {  	s9 =	sadd.s32 $0xFFFFFEF7, lr;
	s5 =	simm.s32 $0xFFFFFFFF;
	p2 =	slt.u32 s8, $0xFFFFF086  }
0x1c: {  	p1 =	slt.u32 s9, $0xF7A;
	s5 =	simm.s32 @!p2 $0x0  }
0x1d: {  	s5 =	simm.s32 @p1 $0x1;
	p0 =	seq.s32 s7, s2  }
0x1e: {  	s7 =	smul.u32 @!p0 $0xF7A, s2;
	p2 =	seq.s32 @!p0 s5, $0x0  }
0x1f: {  	s9 =	smul.u32 $0xF7A, s1;
	s8 =	simm.s32 @!p0 $0x1BF5;
	p2 =	por !p2, p0  }
0x20: {  	[sflag:s8] =	ssyncset.s32 @!p0 $0xFFFFF086;
	s6 =	sadd.s32 @!p0 s3, s7;
	s7 =	simm.s32 @!p0 $0x108  }
0x21: {  	s3 =	sadd.s32 s3, s9;
	s6 =	sadd.s32 @!p0 $0x88, s6;
	s7 =	simm.s32 @p2 $0x1082  }
0x22: {  	[simem:s7], [sflag:s8] =	dma.local @!p0 [hbm:s6], $0xF7A  }
0x23: {  	s9 =	sor.u32 $0xD0000000, s2;
	s6 =	simm.s32 $0x108;
	_ =	swait.ge @!p0 [sflag:s8], $0x0  }
0x24: {  	s3 =	sadd.s32 $0x88, s3;
	s6 =	simm.s32 @!p1 $0x1082;
	[sflag:s4] =	ssyncset.s32 $0xFFFFF086  }
0x25: {  	[simem:s6], [sflag:s4] =	dma.local [hbm:s3], $0xF7A  }
0x26: {  	[smem:$0x3F8C] =	sst s1;
	(tag) =	ssettag s2;
	_ =	strace s9  }
0x27: {  	s1 =	sld [smem:$0x3F9C]  }
0x28: {  	s2 =	sld [smem:$0x3F9D]  }
0x29: {  	s4 =	sld [smem:$0x3F9F]  }
0x2a: {  	p0 =	seq.s32 s5, $0x0;
	s5 =	sld [smem:$0x3FA0]  }
0x2b: {  	s6 =	sld [smem:$0x3FA1]  }
0x2c: {  	s7 =	sld [smem:$0x3FA2]  }
0x2d: {  	s3 =	simm.s32 $0x108;
	s8 =	sld [smem:$0x3FA3]  }
0x2e: {  	s3 =	simm.s32 @!p0 $0x1082;
	s9 =	sld [smem:$0x3FA4]  }
0x2f: {  	lr =	sadd.s32 s0, s3;
	s0 =	sld [smem:$0x3F9B]  }
0x30: {  	s3 =	sld [smem:$0x3F9E]  }
0x31: {  	[smem:$0x3FA7] =	sst s10  }
0x32: {  	s10 =	sld [smem:$0x3FA5];
	_ =	sdelay $0x3  }
0x33: {  	p0 =	seq.s32 s10, $0x1;
	s10 =	sld [smem:$0x3FA7];
	_ =	sdelay $0x3  }
0x34: {  	[smem:$0x3FA7] =	sst s10  }
0x35: {  	s10 =	sld [smem:$0x3FA6];
	_ =	sdelay $0x3  }
0x36: {  	p1 =	seq.s32 s10, $0x1;
	s10 =	sld [smem:$0x3FA7];
	_ =	sdelay $0x3  }
0x37: {  	[smem:$0x3FA7] =	sst s10  }
0x38: {  	s10 =	sld [smem:$0x3FA8]  }
0x39: {  	_ = 	snop;
	(pc) =	sbr.ind lr, $3  }
0x3a: {  	_ = 	snop  }
0x3b: {  	_ = 	snop  }
0x3c: {  	p2 =	seq.s32 s10, $0x1;
	s10 =	sld [smem:$0x3FA7]  }
0x3d: {  	_ =	shalt  }
0x3e: {  	_ =	shalt  }
0x3f: {  	_ =	shalt  }
0x40: {  	_ =	shalt  }
0x41: {  	_ =	shalt  }
0x42: {  	_ =	shalt  }
0x43: {  	_ =	shalt  }
0x44: {  	_ =	shalt  }
0x45: {  	_ =	shalt  }
0x46: {  	_ =	shalt  }
0x47: {  	_ =	shalt  }
0x48: {  	_ =	shalt  }
0x49: {  	_ =	shalt  }
0x4a: {  	_ =	shalt  }
0x4b: {  	_ =	shalt  }
0x4c: {  	_ =	shalt  }
0x4d: {  	_ =	shalt  }
0x4e: {  	_ =	shalt  }
0x4f: {  	_ =	shalt  }
0x50: {  	_ =	shalt  }
0x51: {  	_ =	shalt  }
0x52: {  	_ =	shalt  }
0x53: {  	_ =	shalt  }
0x54: {  	_ =	shalt  }
0x55: {  	_ =	shalt  }
0x56: {  	_ =	shalt  }
0x57: {  	_ =	shalt  }
0x58: {  	_ =	shalt  }
0x59: {  	_ =	shalt  }
0x5a: {  	_ =	shalt  }
0x5b: {  	_ =	shalt  }
0x5c: {  	_ =	shalt  }
0x5d: {  	_ =	shalt  }
0x5e: {  	_ =	shalt  }
0x5f: {  	_ =	shalt  }
0x60: {  	_ =	shalt  }
0x61: {  	_ =	shalt  }
0x62: {  	_ =	shalt  }
0x63: {  	_ =	shalt  }
0x64: {  	_ =	shalt  }
0x65: {  	_ =	shalt  }
0x66: {  	_ =	shalt  }
0x67: {  	_ =	shalt  }
0x68: {  	_ =	shalt  }
0x69: {  	_ =	shalt  }
0x6a: {  	_ =	shalt  }
0x6b: {  	_ =	shalt  }
0x6c: {  	_ =	shalt  }
0x6d: {  	_ =	shalt  }
0x6e: {  	_ =	shalt  }
0x6f: {  	_ =	shalt  }
0x70: {  	_ =	shalt  }
0x71: {  	_ =	shalt  }
0x72: {  	_ =	shalt  }
0x73: {  	_ =	shalt  }
0x74: {  	_ =	shalt  }
0x75: {  	_ =	shalt  }
0x76: {  	_ =	shalt  }
0x77: {  	_ =	shalt  }
0x78: {  	_ =	shalt  }
0x79: {  	_ =	shalt  }
0x7a: {  	_ =	shalt  }
0x7b: {  	_ =	shalt  }
0x7c: {  	_ =	shalt  }
0x7d: {  	_ =	shalt  }
0x7e: {  	_ =	shalt  }
0x7f: {  	_ =	shalt  }
0x80: {  	_ =	shalt  }
0x81: {  	_ =	shalt  }
0x82: {  	_ =	shalt  }
0x83: {  	_ =	shalt  }
0x84: {  	_ =	shalt  }
0x85: {  	_ =	shalt  }
0x86: {  	_ =	shalt  }
0x87: {  	_ =	shalt  }
.Lfunc_end0:
.L_simem_size_0:
called_computation_lowered:
.L_overlay_start_0:
0x88: {  	s2 =	sld [smem:$0x3FD9]  }
0x89: {  	s3 =	sld [smem:$0x3FFE];
	_ =	sdelay $0x1  }
0x8a: {  	s1 =	srdreg.scid  }
0x8b: {  	s0 =	sand.u32 $0x1, s1  }
0x8c: {  	s17 =	sshll.u32 s0, $0xA;
	s2 =	sadd.s32 s3, s2  }
0x8d: {  	s2 =	sadd.s32 s2, s17  }
0x8e: {  	[smem:$0x3FB3] =	sst s2  }
0x8f: {  	_ = 	snop  }
0x90: {  	s2 =	sld [smem:$0x3FD0];
	(tm) =	ssettm $0x1  }
0x91: {  	s18 =	sld [smem:$0x3FFB];
	_ =	sdelay $0x3  }
0x92: {  	_ =	strace s18  }
0x93: {  	s3 =	sld [smem:$0x3FFC];
	_ =	sdelay $0x3  }
0x94: {  	_ =	strace s3  }
0x95: {  	s3 =	sld [smem:$0x3FFD];
	_ =	sdelay $0x3  }
0x96: {  	_ =	strace s3  }
0x97: {  	_ =	strace $0x8FFFFFFF  }
0x98: {  	s19 =	sld [smem:$0x3FDB];
	_ =	sdelay $0x1  }
0x99: {  	s4 =	simm.s32 $_scs_section_size  }
0x9a: {  	s5 =	simm.s32 $_size__tile_overlayer_lowered;
	s6 =	simm.s32 $_tile_overlayer_lowered  }
0x9b: {  	s22 =	simm.s32 $0x1BFF;
	s21 =	sshll.u32 s6, $0x1;
	s3 =	sadd.s32 s4, s19  }
0x9c: {  	s7 =	simm.s32 $0x0;
	s20 =	sshll.u32 s5, $0x1;
	s5 =	sadd.s32 s21, s3  }
0x9d: {  	[timem:s7], [sflag:s22] =	dma.local [hbm:s5], s20  }
0x9e: {  	_ =	swait.ge [sflag:s22], s20  }
0x9f: {  	s4 =	ssub.s32 $0x0, s20;
	[sflag:s22] =	ssyncset.done $0x0  }
0xa0: {  	[sflag:s22] =	ssyncadd.s32 s4;
	_ =	sdelay $0x1  }
0xa1: {  	s23 =	simm.s32 $0x1B8B  }
0xa2: {  	_ =	swait.ge [sflag:s23], $0x1  }
0xa3: {  	[sflag:s23] =	ssyncset.done $0x0  }
0xa4: {  	s25 =	simm.s32 $0x1B8E;
	s24 =	sld [smem:$0x3FFE];
	[sflag:s23] =	ssyncadd.s32 $0xFFFFFFFF  }
0xa5: {  	s26 =	simm.s32 $execute0_lowered;
	[smem:$0x3FD2] =	sst s25  }
0xa6: {  	s5 =	sshll.u32 s26, $0x1;
	_ =	strace $0x80000046;
	[dreg:$0x1] =	wrdreg $0xFFFFFFFF  }
0xa7: {  	s28 =	simm.s32 $_size_execute0_lowered;
	s3 =	sadd.s32 s3, s5;
	[dreg:$0x0] =	wrdreg $0x0  }
0xa8: {  	s5 =	sshll.u32 s28, $0x1;
	[dreg:$0x2] =	wrdreg s3  }
0xa9: {  	[dreg:$0x3] =	wrdreg s5  }
0xaa: {  	[dreg:$0x4] =	wrdreg $0xC0  }
0xab: {  	_ =	task [dreg:s7], $0x5FFFF  }
0xac: {  	[dreg:$0x1] =	wrdreg $0xFFFFFFFF  }
0xad: {  	[dreg:$0x0] =	wrdreg $0x60  }
0xae: {  	[dreg:$0x2] =	wrdreg s24  }
0xaf: {  	[dreg:$0x3] =	wrdreg s2  }
0xb0: {  	[dreg:$0x4] =	wrdreg $0xA  }
0xb1: {  	_ =	task.clear_ibuf [dreg:s7], $0x5FFFF;
	_ =	strace $0x90000046  }
0xb2: {  	s29 =	simm.s32 $0xA;
	_ =	strace $0x80000048  }
0xb3: {  	_ =	swait.ge [sflag:s29], $0x1  }
0xb4: {  	[sflag:s29] =	ssyncadd.s32 $0xFFFFFFFF  }
0xb5: {  	_ =	strace $0x90000048  }
0xb6: {  	_ =	sfence  }
0xb7: {  	s30 =	sld [smem:$0x0];
	_ =	sdelay $0x2  }
0xb8: {  	s31 =	sshll.u32 s1, $0xD;
	s1 =	sshrl.u32 s1, $0x2  }
0xb9: {  	s3 =	sand.u32 $0x4000, s31;
	s1 =	sadd.s32 s1, s30  }
0xba: {  	s0 =	sor.u32 s3, s0;
	s1 =	sshll.u32 s1, $0x11  }
0xbb: {  	s0 =	sor.u32 s1, s0  }
0xbc: {  	s0 =	sadd.s32 $0x8F2B, s0  }
0xbd: {  	[sflag:s0] =	ssyncadd.remote.s32 $0x1  }
0xbe: {  	_ =	sfence.sel $0xFFFF  }
0xbf: {  	[dreg:$0x0] =	wrdreg $0xFFFFFFFF;
	(pc) =	sbr.abs _section_cstart, $3  }
0xc0: {  	[dreg:$0x1] =	wrdreg $0xFFFFFFFF  }
0xc1: {  	_ =	task.clear_ibuf [dreg:s7], $0x2FFFF;
	_ =	strace $0x9FFFFFFF  }
0xc2: {  	(tm) =	ssettm $0x7FFFFFFF  }
0xc3: {  	_ =	shalt  }
tec
execute0_lowered:
.L_overlay_start_1:
0x0: {  	(tag) =	ssettag $0x1  }
0x1: {  	s4 =	rddreg [dreg:$0x0]  }
0x2: {  	s5 =	rddreg [dreg:$0x1]  }
0x3: {  	s0 =	rddreg [dreg:$0x2];
	s1 =	simm.s32 $0x0;
	s2 =	srdreg.scid  }
0x4: {  	[smem:$0x7FF] =	sst s1;
	s6 =	sand.u32 $0x1, s2  }
0x5: {  	s2 =	stileid.u32;
	s3 =	sadd.s32 $0x56E00, s4;
	_ =	strace $0x80000047  }
0x6: {  	s7 =	ssub.s32 $0x2, s6;
	s8 =	smul.u32 $0xF000, s2;
	s10 =	sshll.u32 s2, $0x9  }
0x7: {  	s11 =	sshll.u32 s6, $0x8;
	s6 =	smul.u32 $0x7800, s6;
	s9 =	sshrl.u32 s7, $0x1  }
0x8: {  	s31 =	sor.u32 s11, s10;
	s10 =	simm.s32 $0x1;
	s11 =	simm.s32 $0x0  }
0x9: {  	s8 =	sadd.s32 s8, s4;
	s7 =	ssub.s32 s7, s9;
	s4 =	sadd.s32 s5, s31  }
0xa: {  	s9 =	simm.s32 $0x800;
	s5 =	smax.u32 s7, $0x1;
	s6 =	sadd.s32 s6, s8  }
0xb: {  	s7 =	simm.s32 $0x2;
	s8 =	simm.s32 $0x80;
	s6 =	sadd.s32 $0xA6E00, s6  }
.LBB2_1:
0xc: {  	[tilespmem:s1], [sflag:$0x2] =	stream.linear.gather [hbm4b:s4+s1], $0x780, $0x38;
	[tilespmem:$0x4800] =	vst v63  }
0xd: {  	_ =	swait.ge [sflag:s7], $0x780  }
0xe: {  	[sflag:s7] =	ssyncset.done $0x0  }
0xf: {  	s12 =	simm.s32 $0x0;
	[sflag:s7] =	ssyncadd.s32 $0xFFFFF880  }
0x10: {  	[tilespmem:s9], [sflag:$0x1] =	stream.indirect.gather [hbm4b:s3+s8], $0x80, s12, s8, $0xb8;
	[tilespmem:$0x4800] =	vst v63  }
0x11: {  	_ =	swait.ge [sflag:s10], $0x4000  }
0x12: {  	[sflag:s10] =	ssyncset.done $0x0  }
0x13: {  	[sflag:s10] =	ssyncadd.s32 $0xFFFFC000  }
0x14: {  	[hbm4b:s6+s1] =	stream.linear.scatter [tilespmem:s9], [sflag:$0x2], $0x4000, $0x38;
	[tilespmem:$0x4800] =	vst v63  }
0x15: {  	s13 =	simm.s32 $0x200;
	_ =	swait.ge [sflag:s7], $0x4000  }
0x16: {  	s14 =	simm.s32 $0x400;
	s12 =	sadd.s32 $0x800, s6;
	[sflag:s7] =	ssyncset.done $0x0  }
.LBB2_2:
0x17: {  	s15 =	sshra.s32 s13, $0x2  }
0x18: {  	[sflag:s7] =	ssyncadd.s32 $0xFFFFC000;
	s13 =	smov.u32 s14;
	s16 =	sadd.s32 $0x200, s14  }
0x19: {  	[tilespmem:s9], [sflag:$0x1] =	stream.indirect.gather [hbm4b:s3+s8], $0x80, s15, s8, $0xb8;
	[tilespmem:$0x4800] =	vst v63  }
0x1a: {  	p0 =	sne.s32 s14, $0x1C00;
	_ =	swait.ge [sflag:s10], $0x4000  }
.Ltmp0:
0x1b: {  	[sflag:s10] =	ssyncset.done $0x0;
	(pc) =	sbr.rel @p0 .LBB2_2-.Ltmp0, $4  }
0x1c: {  	[sflag:s10] =	ssyncadd.s32 $0xFFFFC000  }
0x1d: {  	[hbm4b:s12+s1] =	stream.linear.scatter [tilespmem:s9], [sflag:$0x2], $0x4000, $0x38;
	[tilespmem:$0x4800] =	vst v63  }
0x1e: {  	_ =	swait.ge [sflag:s7], $0x4000  }
0x1f: {  	s14 =	smov.u32 s16;
	s12 =	sadd.s32 $0x800, s12;
	[sflag:s7] =	ssyncset.done $0x0  }
0x20: {  	s13 =	sshra.s32 s13, $0x2;
	[sflag:s7] =	ssyncadd.s32 $0xFFFFC000  }
0x21: {  	[tilespmem:s9], [sflag:$0x1] =	stream.indirect.gather [hbm4b:s3+s8], $0x80, s13, s8, $0xb8;
	[tilespmem:$0x4800] =	vst v63  }
0x22: {  	s11 =	sadd.s32 $0x1, s11;
	_ =	swait.ge [sflag:s10], $0x4000  }
0x23: {  	p0 =	sne.s32 s11, s5;
	[sflag:s10] =	ssyncset.done $0x0  }
.Ltmp1:
0x24: {  	[sflag:s10] =	ssyncadd.s32 $0xFFFFC000;
	(pc) =	sbr.rel @p0 .LBB2_1-.Ltmp1, $4  }
0x25: {  	[hbm4b:s12+s1] =	stream.linear.scatter [tilespmem:s9], [sflag:$0x2], $0x4000, $0x38;
	[tilespmem:$0x4800] =	vst v63  }
0x26: {  	_ =	swait.ge [sflag:s7], $0x4000  }
0x27: {  	[sflag:s7] =	ssyncset.done $0x0  }
0x28: {  	[sflag:s7] =	ssyncadd.s32 $0xFFFFC000  }
0x29: {  	_ =	sfence.sel $0x180000  }
0x2a: {  	[bflag:$0x0] =	sbarrier.arrive $0xFFFF  }
0x2b: {  	p0 =	sne.s32 s2, $0x0;
	_ =	strace $0x90000047  }
0x2c: {  	s0 =	sadd.s32 @!p0 $0x100000, s0;
	[bflag:$0x2] =	sbarrier.arrive $0xFFFF  }
0x2d: {  	[sflag:s0] =	ssyncadd.tile.s32 @!p0 $0x1;
	_ =	shalt  }
.Lfunc_end2:
_tile_overlayer_lowered:
.L_overlay_start_2:
0x2e: {  	(tag) =	ssettag $0x2  }
0x2f: {  	s0 =	rddreg [dreg:$0x0];
	s2 =	stileid.u32  }
0x30: {  	s1 =	rddreg [dreg:$0x1];
	p0 =	sne.s32 s2, $0x0  }
0x31: {  	s3 =	rddreg [dreg:$0x2];
	[bflag:$0x3] =	sbarrier.arrive $0xFFFF;
	s2 =	simm.s32 @!p0 $0x1C02  }
0x32: {  	[timem:s3], [sflag:s2] =	dma.local @!p0 [hbm:s0], s1  }
0x33: {  	s0 =	simm.s32 @!p0 $0x2  }
0x34: {  	_ =	swait.ge @!p0 [sflag:s0], s1  }
0x35: {  	s1 =	ssub.s32 @!p0 $0x0, s1;
	[sflag:s0] =	ssyncset.done @!p0 $0x0  }
0x36: {  	[sflag:s0] =	ssyncadd.s32 @!p0 s1  }
0x37: {  	[bflag:$0x3] =	sbarrier.arrive $0xFFFF  }
0x38: {  	_ =	shalt  }

// kernel: kernel.18.cloned.1.call-start
scs
__scs_entry_jumppad:
0x0: {  	(pc) =	sbr.rel $0x88, $3  }
0x1: {  	(tag) =	ssettag $0x0;
	lr =	simm.s32 $0x1  }
0x2: {  	[smem:$0x3F8C] =	sst lr;
	_ =	strace $0xD0000000  }
0x3: {  	_ = 	snop  }
0x4: {  	_ = 	snop  }
0x5: {  	_ = 	snop  }
0x6: {  	_ = 	snop  }
0x7: {  	_ = 	snop  }
__scs_overlays_trampoline_lowered:
0x8: {  	[smem:$0x3F9B] =	sst s0  }
0x9: {  	[smem:$0x3F9C] =	sst s1  }
0xa: {  	[smem:$0x3F9D] =	sst s2  }
0xb: {  	[smem:$0x3F9E] =	sst s3  }
0xc: {  	[smem:$0x3F9F] =	sst s4  }
0xd: {  	[smem:$0x3FA0] =	sst s5  }
0xe: {  	[smem:$0x3FA1] =	sst s6  }
0xf: {  	[smem:$0x3FA2] =	sst s7  }
0x10: {  	[smem:$0x3FA3] =	sst s8  }
0x11: {  	[smem:$0x3FA4] =	sst s9;
	s0 =	simm.s32 @!p0 $0x0  }
0x12: {  	s1 =	sld [smem:$0x3F8A];
	s0 =	simm.s32 @p0 $0x1  }
0x13: {  	[smem:$0x3FA5] =	sst s0;
	s0 =	simm.s32 @!p1 $0x0  }
0x14: {  	s2 =	sld [smem:$0x3F89];
	s0 =	simm.s32 @p1 $0x1  }
0x15: {  	[smem:$0x3FA6] =	sst s0;
	s0 =	simm.s32 @!p2 $0x0  }
0x16: {  	s3 =	sld [smem:$0x3FDB];
	s0 =	simm.s32 @p2 $0x1  }
0x17: {  	s4 =	simm.s32 $0x1BF5;
	[smem:$0x3FA8] =	sst s0  }
0x18: {  	s0 =	sld [smem:$0x3F8B];
	_ =	swait.ge [sflag:s4], $0x0  }
0x19: {  	s7 =	sld [smem:$0x3F8C]  }
0x1a: {  	s8 =	sadd.s32 $0xFFFFE003, lr  }
0x1b: {  	s9 =	sadd.s32 $0xFFFFFEF7, lr;
	s5 =	simm.s32 $0xFFFFFFFF;
	p2 =	slt.u32 s8, $0xFFFFF086  }
0x1c: {  	p1 =	slt.u32 s9, $0xF7A;
	s5 =	simm.s32 @!p2 $0x0  }
0x1d: {  	s5 =	simm.s32 @p1 $0x1;
	p0 =	seq.s32 s7, s2  }
0x1e: {  	s7 =	smul.u32 @!p0 $0xF7A, s2;
	p2 =	seq.s32 @!p0 s5, $0x0  }
0x1f: {  	s9 =	smul.u32 $0xF7A, s1;
	s8 =	simm.s32 @!p0 $0x1BF5;
	p2 =	por !p2, p0  }
0x20: {  	[sflag:s8] =	ssyncset.s32 @!p0 $0xFFFFF086;
	s6 =	sadd.s32 @!p0 s3, s7;
	s7 =	simm.s32 @!p0 $0x108  }
0x21: {  	s3 =	sadd.s32 s3, s9;
	s6 =	sadd.s32 @!p0 $0x88, s6;
	s7 =	simm.s32 @p2 $0x1082  }
0x22: {  	[simem:s7], [sflag:s8] =	dma.local @!p0 [hbm:s6], $0xF7A  }
0x23: {  	s9 =	sor.u32 $0xD0000000, s2;
	s6 =	simm.s32 $0x108;
	_ =	swait.ge @!p0 [sflag:s8], $0x0  }
0x24: {  	s3 =	sadd.s32 $0x88, s3;
	s6 =	simm.s32 @!p1 $0x1082;
	[sflag:s4] =	ssyncset.s32 $0xFFFFF086  }
0x25: {  	[simem:s6], [sflag:s4] =	dma.local [hbm:s3], $0xF7A  }
0x26: {  	[smem:$0x3F8C] =	sst s1;
	(tag) =	ssettag s2;
	_ =	strace s9  }
0x27: {  	s1 =	sld [smem:$0x3F9C]  }
0x28: {  	s2 =	sld [smem:$0x3F9D]  }
0x29: {  	s4 =	sld [smem:$0x3F9F]  }
0x2a: {  	p0 =	seq.s32 s5, $0x0;
	s5 =	sld [smem:$0x3FA0]  }
0x2b: {  	s6 =	sld [smem:$0x3FA1]  }
0x2c: {  	s7 =	sld [smem:$0x3FA2]  }
0x2d: {  	s3 =	simm.s32 $0x108;
	s8 =	sld [smem:$0x3FA3]  }
0x2e: {  	s3 =	simm.s32 @!p0 $0x1082;
	s9 =	sld [smem:$0x3FA4]  }
0x2f: {  	lr =	sadd.s32 s0, s3;
	s0 =	sld [smem:$0x3F9B]  }
0x30: {  	s3 =	sld [smem:$0x3F9E]  }
0x31: {  	[smem:$0x3FA7] =	sst s10  }
0x32: {  	s10 =	sld [smem:$0x3FA5];
	_ =	sdelay $0x3  }
0x33: {  	p0 =	seq.s32 s10, $0x1;
	s10 =	sld [smem:$0x3FA7];
	_ =	sdelay $0x3  }
0x34: {  	[smem:$0x3FA7] =	sst s10  }
0x35: {  	s10 =	sld [smem:$0x3FA6];
	_ =	sdelay $0x3  }
0x36: {  	p1 =	seq.s32 s10, $0x1;
	s10 =	sld [smem:$0x3FA7];
	_ =	sdelay $0x3  }
0x37: {  	[smem:$0x3FA7] =	sst s10  }
0x38: {  	s10 =	sld [smem:$0x3FA8]  }
0x39: {  	_ = 	snop;
	(pc) =	sbr.ind lr, $3  }
0x3a: {  	_ = 	snop  }
0x3b: {  	_ = 	snop  }
0x3c: {  	p2 =	seq.s32 s10, $0x1;
	s10 =	sld [smem:$0x3FA7]  }
0x3d: {  	_ =	shalt  }
0x3e: {  	_ =	shalt  }
0x3f: {  	_ =	shalt  }
0x40: {  	_ =	shalt  }
0x41: {  	_ =	shalt  }
0x42: {  	_ =	shalt  }
0x43: {  	_ =	shalt  }
0x44: {  	_ =	shalt  }
0x45: {  	_ =	shalt  }
0x46: {  	_ =	shalt  }
0x47: {  	_ =	shalt  }
0x48: {  	_ =	shalt  }
0x49: {  	_ =	shalt  }
0x4a: {  	_ =	shalt  }
0x4b: {  	_ =	shalt  }
0x4c: {  	_ =	shalt  }
0x4d: {  	_ =	shalt  }
0x4e: {  	_ =	shalt  }
0x4f: {  	_ =	shalt  }
0x50: {  	_ =	shalt  }
0x51: {  	_ =	shalt  }
0x52: {  	_ =	shalt  }
0x53: {  	_ =	shalt  }
0x54: {  	_ =	shalt  }
0x55: {  	_ =	shalt  }
0x56: {  	_ =	shalt  }
0x57: {  	_ =	shalt  }
0x58: {  	_ =	shalt  }
0x59: {  	_ =	shalt  }
0x5a: {  	_ =	shalt  }
0x5b: {  	_ =	shalt  }
0x5c: {  	_ =	shalt  }
0x5d: {  	_ =	shalt  }
0x5e: {  	_ =	shalt  }
0x5f: {  	_ =	shalt  }
0x60: {  	_ =	shalt  }
0x61: {  	_ =	shalt  }
0x62: {  	_ =	shalt  }
0x63: {  	_ =	shalt  }
0x64: {  	_ =	shalt  }
0x65: {  	_ =	shalt  }
0x66: {  	_ =	shalt  }
0x67: {  	_ =	shalt  }
0x68: {  	_ =	shalt  }
0x69: {  	_ =	shalt  }
0x6a: {  	_ =	shalt  }
0x6b: {  	_ =	shalt  }
0x6c: {  	_ =	shalt  }
0x6d: {  	_ =	shalt  }
0x6e: {  	_ =	shalt  }
0x6f: {  	_ =	shalt  }
0x70: {  	_ =	shalt  }
0x71: {  	_ =	shalt  }
0x72: {  	_ =	shalt  }
0x73: {  	_ =	shalt  }
0x74: {  	_ =	shalt  }
0x75: {  	_ =	shalt  }
0x76: {  	_ =	shalt  }
0x77: {  	_ =	shalt  }
0x78: {  	_ =	shalt  }
0x79: {  	_ =	shalt  }
0x7a: {  	_ =	shalt  }
0x7b: {  	_ =	shalt  }
0x7c: {  	_ =	shalt  }
0x7d: {  	_ =	shalt  }
0x7e: {  	_ =	shalt  }
0x7f: {  	_ =	shalt  }
0x80: {  	_ =	shalt  }
0x81: {  	_ =	shalt  }
0x82: {  	_ =	shalt  }
0x83: {  	_ =	shalt  }
0x84: {  	_ =	shalt  }
0x85: {  	_ =	shalt  }
0x86: {  	_ =	shalt  }
0x87: {  	_ =	shalt  }
.Lfunc_end0:
.L_simem_size_0:
called_computation.1_lowered:
.L_overlay_start_0:
0x88: {  	s2 =	sld [smem:$0x3FD9]  }
0x89: {  	s3 =	sld [smem:$0x3FFE];
	_ =	sdelay $0x1  }
0x8a: {  	s1 =	srdreg.scid  }
0x8b: {  	s0 =	sand.u32 $0x1, s1  }
0x8c: {  	s17 =	sshll.u32 s0, $0xA;
	s2 =	sadd.s32 s3, s2  }
0x8d: {  	s2 =	sadd.s32 s2, s17  }
0x8e: {  	[smem:$0x3FB3] =	sst s2  }
0x8f: {  	_ = 	snop  }
0x90: {  	(tm) =	ssettm $0x1  }
0x91: {  	s18 =	sld [smem:$0x3FFB];
	_ =	sdelay $0x3  }
0x92: {  	_ =	strace s18  }
0x93: {  	s2 =	sld [smem:$0x3FFC];
	_ =	sdelay $0x3  }
0x94: {  	_ =	strace s2  }
0x95: {  	s2 =	sld [smem:$0x3FFD];
	_ =	sdelay $0x3  }
0x96: {  	_ =	strace s2  }
0x97: {  	_ =	strace $0x8FFFFFFF  }
0x98: {  	s19 =	sld [smem:$0x3FDB];
	_ =	sdelay $0x1  }
0x99: {  	s20 =	simm.s32 $_scs_section_size  }
0x9a: {  	s4 =	simm.s32 $_size__tile_overlayer_lowered;
	s5 =	simm.s32 $_tile_overlayer_lowered  }
0x9b: {  	s6 =	simm.s32 $0x1BFF;
	s21 =	sshll.u32 s5, $0x1;
	s3 =	sadd.s32 s20, s19  }
0x9c: {  	s22 =	simm.s32 $0x0;
	s4 =	sshll.u32 s4, $0x1;
	s5 =	sadd.s32 s21, s3  }
0x9d: {  	[timem:s22], [sflag:s6] =	dma.local [hbm:s5], s4  }
0x9e: {  	_ =	swait.ge [sflag:s6], s4  }
0x9f: {  	s4 =	ssub.s32 $0x0, s4;
	[sflag:s6] =	ssyncset.done $0x0  }
0xa0: {  	[sflag:s6] =	ssyncadd.s32 s4;
	_ =	sdelay $0x1  }
0xa1: {  	s23 =	simm.s32 $0x1B8B  }
0xa2: {  	_ =	swait.ge [sflag:s23], $0x1  }
0xa3: {  	[sflag:s23] =	ssyncset.done $0x0  }
0xa4: {  	[sflag:s23] =	ssyncadd.s32 $0xFFFFFFFF  }
0xa5: {  	s4 =	sld [smem:$0x0]  }
0xa6: {  	s5 =	sand.u32 $0xFFFFFFFE, s1  }
0xa7: {  	p0 =	sne.s32 s1, s5  }
0xa8: {  	s5 =	sshll.u32 @p0 s5, $0xE  }
0xa9: {  	s5 =	sadd.s32 @p0 $0x11B8D, s5;
	s6 =	sshll.u32 @p0 s4, $0x11  }
0xaa: {  	s5 =	sor.u32 @p0 s6, s5  }
0xab: {  	[sflag:s5] =	ssyncadd.remote.s32 @p0 $0x1;
	_ =	sdelay $0x1  }
0xac: {  	s5 =	simm.s32 @p0 $0x1B8D  }
0xad: {  	_ =	swait.eq @p0 [sflag:s5], $0x1  }
0xae: {  	[sflag:s5] =	ssyncadd.s32 @p0 $0xFFFFFFFF  }
0xaf: {  	s6 =	sshll.u32 @!p0 s1, $0xE  }
0xb0: {  	s6 =	sor.u32 @!p0 $0x4000, s6;
	s5 =	simm.s32 @!p0 $0x1B8D  }
0xb1: {  	s4 =	sshll.u32 @!p0 s4, $0x11;
	s6 =	sadd.s32 @!p0 $0x11B8D, s6;
	_ =	swait.eq @!p0 [sflag:s5], $0x1  }
0xb2: {  	s4 =	sor.u32 @!p0 s4, s6;
	[sflag:s5] =	ssyncadd.s32 @!p0 $0xFFFFFFFF  }
0xb3: {  	s25 =	simm.s32 $0x1B8E;
	s24 =	sld [smem:$0x3FFE];
	[sflag:s4] =	ssyncadd.remote.s32 @!p0 $0x1  }
0xb4: {  	s26 =	simm.s32 $execute0_lowered;
	[smem:$0x3FD2] =	sst s25  }
0xb5: {  	s5 =	sshll.u32 s26, $0x1;
	_ =	strace $0x8000004C;
	[dreg:$0x1] =	wrdreg $0xFFFFFFFF  }
0xb6: {  	s28 =	simm.s32 $_size_execute0_lowered;
	s3 =	sadd.s32 s3, s5;
	[dreg:$0x0] =	wrdreg $0x0  }
0xb7: {  	s5 =	sshll.u32 s28, $0x1;
	[dreg:$0x2] =	wrdreg s3  }
0xb8: {  	[dreg:$0x3] =	wrdreg s5  }
0xb9: {  	[dreg:$0x4] =	wrdreg $0xC0  }
0xba: {  	_ =	task [dreg:s22], $0x5FFFF  }
0xbb: {  	[dreg:$0x1] =	wrdreg $0xFFFFFFFF  }
0xbc: {  	[dreg:$0x0] =	wrdreg $0x60  }
0xbd: {  	[dreg:$0x2] =	wrdreg s24  }
0xbe: {  	[dreg:$0x3] =	wrdreg $0x48000  }
0xbf: {  	[dreg:$0x4] =	wrdreg $0xA  }
0xc0: {  	_ =	task.clear_ibuf [dreg:s22], $0x5FFFF;
	_ =	strace $0x9000004C  }
0xc1: {  	s29 =	simm.s32 $0xA;
	_ =	strace $0x8000004E  }
0xc2: {  	_ =	swait.ge [sflag:s29], $0x1  }
0xc3: {  	[sflag:s29] =	ssyncadd.s32 $0xFFFFFFFF  }
0xc4: {  	_ =	strace $0x9000004E  }
0xc5: {  	_ =	sfence  }
0xc6: {  	s30 =	sld [smem:$0x0];
	_ =	sdelay $0x2  }
0xc7: {  	s31 =	sshll.u32 s1, $0xD;
	s1 =	sshrl.u32 s1, $0x2  }
0xc8: {  	s4 =	sand.u32 $0x4000, s31;
	s1 =	sadd.s32 s1, s30  }
0xc9: {  	s0 =	sor.u32 s4, s0;
	s1 =	sshll.u32 s1, $0x11  }
0xca: {  	s0 =	sor.u32 s1, s0  }
0xcb: {  	s0 =	sadd.s32 $0x8F2B, s0  }
0xcc: {  	[sflag:s0] =	ssyncadd.remote.s32 $0x1  }
0xcd: {  	_ =	sfence.sel $0xFFFF  }
0xce: {  	[dreg:$0x0] =	wrdreg $0xFFFFFFFF;
	(pc) =	sbr.abs _section_cstart, $3  }
0xcf: {  	[dreg:$0x1] =	wrdreg $0xFFFFFFFF  }
0xd0: {  	_ =	task.clear_ibuf [dreg:s22], $0x2FFFF;
	_ =	strace $0x9FFFFFFF  }
0xd1: {  	(tm) =	ssettm $0x7FFFFFFF  }
tec
execute0_lowered:
.L_overlay_start_1:
0x0: {  	(tag) =	ssettag $0x1  }
0x1: {  	s5 =	rddreg [dreg:$0x0]  }
0x2: {  	s2 =	rddreg [dreg:$0x1]  }
0x3: {  	s0 =	rddreg [dreg:$0x2];
	s1 =	stileid.u32  }
0x4: {  	s3 =	simm.s32 $0x0;
	s6 =	srdreg.scid;
	s19 =	simm.s32 $0x2  }
0x5: {  	s20 =	simm.s32 $0x1;
	s21 =	simm.s32 $0x80;
	s4 =	smul.u32 $0xF000, s1  }
0x6: {  	s22 =	simm.s32 $0x0;
	[smem:$0x7FF] =	sst s3;
	s24 =	smul.u32 $0x280, s1  }
0x7: {  	s12 =	sand.u32 $0x1, s6;
	s7 =	sshll.u32 s1, $0x9;
	s26 =	smul.u32 $0x50000, s1  }
0x8: {  	s8 =	sshll.u32 s12, $0x8;
	s9 =	smul.u32 $0x2800, s12;
	_ =	strace $0x8000004D  }
0x9: {  	s28 =	ssub.s32 $0x2, s12;
	s18 =	smul.u32 $0x7800, s12;
	s17 =	sadd.s32 s4, s5  }
0xa: {  	s25 =	sor.u32 s8, s7;
	s4 =	sadd.s32 $0x196E00, s5;
	s29 =	sshrl.u32 s28, $0x1  }
0xb: {  	s30 =	sshrl.u32 s26, $0x2;
	s7 =	sadd.s32 s25, s5;
	s6 =	sadd.s32 s9, s24  }
0xc: {  	s31 =	ssub.s32 s28, s29;
	s17 =	sadd.s32 s18, s17;
	s6 =	sshll.u32 s6, $0x4  }
0xd: {  	s18 =	simm.s32 $0x800;
	s17 =	sadd.s32 $0x40A800, s17;
	s16 =	sadd.s32 s6, s5  }
0xe: {  	s5 =	sadd.s32 s30, s2;
	s6 =	sadd.s32 $0x197600, s7;
	s7 =	smax.u32 s31, $0x1  }
0xf: {  	s8 =	sadd.s32 $0x4000, s5;
	s9 =	sadd.s32 $0x8000, s5;
	s10 =	sadd.s32 $0xC000, s5  }
0x10: {  	s11 =	sadd.s32 $0x10000, s5;
	s12 =	sadd.s32 $0x56E00, s16;
	s13 =	sadd.s32 $0x57600, s16  }
0x11: {  	s14 =	sadd.s32 $0x57E00, s16;
	s15 =	sadd.s32 $0x58600, s16;
	s16 =	sadd.s32 $0x58E00, s16  }
.LBB2_1:
0x12: {  	[tilespmem:s18], [sflag:$0x2] =	stream.linear.gather [hbm4b:s4+s3], $0x4000, $0x38;
	[tilespmem:$0x18800] =	vst v63  }
0x13: {  	_ =	swait.ge [sflag:s19], $0x4000  }
0x14: {  	[sflag:s19] =	ssyncset.done $0x0  }
0x15: {  	[sflag:s19] =	ssyncadd.s32 $0xFFFFC000  }
0x16: {  	[spmem:s5] =	stream.linear.scatter [tilespmem:s18], [sflag:$0x1], $0x4000, $0x38;
	[tilespmem:$0x18800] =	vst v63  }
0x17: {  	_ =	swait.ge [sflag:s20], $0x4000  }
0x18: {  	[sflag:s20] =	ssyncset.done $0x0  }
0x19: {  	[sflag:s20] =	ssyncadd.s32 $0xFFFFC000  }
0x1a: {  	[spmem:s8] =	stream.linear.scatter [tilespmem:s18], [sflag:$0x1], $0x4000, $0x38;
	[tilespmem:$0x18800] =	vst v63  }
0x1b: {  	_ =	swait.ge [sflag:s20], $0x4000  }
0x1c: {  	[sflag:s20] =	ssyncset.done $0x0  }
0x1d: {  	[sflag:s20] =	ssyncadd.s32 $0xFFFFC000  }
0x1e: {  	[spmem:s9] =	stream.linear.scatter [tilespmem:s18], [sflag:$0x1], $0x4000, $0x38;
	[tilespmem:$0x18800] =	vst v63  }
0x1f: {  	_ =	swait.ge [sflag:s20], $0x4000  }
0x20: {  	[sflag:s20] =	ssyncset.done $0x0  }
0x21: {  	[sflag:s20] =	ssyncadd.s32 $0xFFFFC000  }
0x22: {  	[spmem:s10] =	stream.linear.scatter [tilespmem:s18], [sflag:$0x1], $0x4000, $0x38;
	[tilespmem:$0x18800] =	vst v63  }
0x23: {  	_ =	swait.ge [sflag:s20], $0x4000  }
0x24: {  	[sflag:s20] =	ssyncset.done $0x0  }
0x25: {  	[sflag:s20] =	ssyncadd.s32 $0xFFFFC000  }
0x26: {  	[spmem:s11] =	stream.linear.scatter [tilespmem:s18], [sflag:$0x1], $0x4000, $0x38;
	[tilespmem:$0x18800] =	vst v63  }
0x27: {  	_ =	swait.ge [sflag:s20], $0x4000  }
0x28: {  	[sflag:s20] =	ssyncset.done $0x0  }
0x29: {  	[sflag:s20] =	ssyncadd.s32 $0xFFFFC000  }
0x2a: {  	[tilespmem:s3], [sflag:$0x2] =	stream.linear.gather [hbm4b:s6+s3], $0x780, $0x38;
	[tilespmem:$0x18800] =	vst v63  }
0x2b: {  	_ =	swait.ge [sflag:s19], $0x780  }
0x2c: {  	[sflag:s19] =	ssyncset.done $0x0  }
0x2d: {  	[sflag:s19] =	ssyncadd.s32 $0xFFFFF880  }
0x2e: {  	[bflag:$0x0] =	sbarrier.arrive $0xFFFF  }
0x2f: {  	[tilespmem:s18], [sflag:$0x2] =	stream.linear.gather [hbm4b:s17+s3], $0x4000, $0x38;
	[tilespmem:$0x18800] =	vst v63  }
0x30: {  	_ =	swait.ge [sflag:s19], $0x4000  }
0x31: {  	[sflag:s19] =	ssyncset.done $0x0  }
0x32: {  	s23 =	simm.s32 $0x0;
	[sflag:s19] =	ssyncadd.s32 $0xFFFFC000  }
0x33: {  	[spmem:s2] =	stream.indirect.scatter.add.f32 [tilespmem:s18], [sflag:$0x2], $0x80, s23, s21, $0xb8;
	[tilespmem:$0x18800] =	vst v63  }
0x34: {  	_ =	swait.ge [sflag:s19], $0x4000  }
0x35: {  	s24 =	smov.u32 s17;
	s23 =	simm.s32 $0x200;
	[sflag:s19] =	ssyncset.done $0x0  }
.LBB2_2:
0x36: {  	p0 =	sne.s32 s23, $0x1C00;
	[sflag:s19] =	ssyncadd.s32 $0xFFFFC000;
	s24 =	sadd.s32 $0x800, s24  }
0x37: {  	[tilespmem:s18], [sflag:$0x2] =	stream.linear.gather [hbm4b:s24+s3], $0x4000, $0x38;
	[tilespmem:$0x18800] =	vst v63  }
0x38: {  	s25 =	smov.u32 s23;
	s23 =	sadd.s32 $0x200, s23;
	_ =	swait.ge [sflag:s19], $0x4000  }
.Ltmp0:
0x39: {  	[sflag:s19] =	ssyncset.done $0x0;
	(pc) =	sbr.rel @p0 .LBB2_2-.Ltmp0, $4  }
0x3a: {  	s25 =	sshra.s32 s25, $0x2;
	[sflag:s19] =	ssyncadd.s32 $0xFFFFC000  }
0x3b: {  	[spmem:s2] =	stream.indirect.scatter.add.f32 [tilespmem:s18], [sflag:$0x2], $0x80, s25, s21, $0xb8;
	[tilespmem:$0x18800] =	vst v63  }
0x3c: {  	_ =	swait.ge [sflag:s19], $0x4000  }
0x3d: {  	[sflag:s19] =	ssyncset.done $0x0  }
0x3e: {  	[sflag:s19] =	ssyncadd.s32 $0xFFFFC000  }
0x3f: {  	[bflag:$0x0] =	sbarrier.arrive $0xFFFF  }
0x40: {  	[tilespmem:s18], [sflag:$0x1] =	stream.linear.gather [spmem:s5], $0x4000, $0x38;
	[tilespmem:$0x18800] =	vst v63  }
0x41: {  	_ =	swait.ge [sflag:s20], $0x4000  }
0x42: {  	[sflag:s20] =	ssyncset.done $0x0  }
0x43: {  	[sflag:s20] =	ssyncadd.s32 $0xFFFFC000  }
0x44: {  	[hbm4b:s12+s3] =	stream.linear.scatter [tilespmem:s18], [sflag:$0x2], $0x4000, $0x38;
	[tilespmem:$0x18800] =	vst v63  }
0x45: {  	_ =	swait.ge [sflag:s19], $0x4000  }
0x46: {  	[sflag:s19] =	ssyncset.done $0x0  }
0x47: {  	[sflag:s19] =	ssyncadd.s32 $0xFFFFC000  }
0x48: {  	[tilespmem:s18], [sflag:$0x1] =	stream.linear.gather [spmem:s8], $0x4000, $0x38;
	[tilespmem:$0x18800] =	vst v63  }
0x49: {  	_ =	swait.ge [sflag:s20], $0x4000  }
0x4a: {  	[sflag:s20] =	ssyncset.done $0x0  }
0x4b: {  	[sflag:s20] =	ssyncadd.s32 $0xFFFFC000  }
0x4c: {  	[hbm4b:s13+s3] =	stream.linear.scatter [tilespmem:s18], [sflag:$0x2], $0x4000, $0x38;
	[tilespmem:$0x18800] =	vst v63  }
0x4d: {  	_ =	swait.ge [sflag:s19], $0x4000  }
0x4e: {  	[sflag:s19] =	ssyncset.done $0x0  }
0x4f: {  	[sflag:s19] =	ssyncadd.s32 $0xFFFFC000  }
0x50: {  	[tilespmem:s18], [sflag:$0x1] =	stream.linear.gather [spmem:s9], $0x4000, $0x38;
	[tilespmem:$0x18800] =	vst v63  }
0x51: {  	_ =	swait.ge [sflag:s20], $0x4000  }
0x52: {  	[sflag:s20] =	ssyncset.done $0x0  }
0x53: {  	[sflag:s20] =	ssyncadd.s32 $0xFFFFC000  }
0x54: {  	[hbm4b:s14+s3] =	stream.linear.scatter [tilespmem:s18], [sflag:$0x2], $0x4000, $0x38;
	[tilespmem:$0x18800] =	vst v63  }
0x55: {  	_ =	swait.ge [sflag:s19], $0x4000  }
0x56: {  	[sflag:s19] =	ssyncset.done $0x0  }
0x57: {  	[sflag:s19] =	ssyncadd.s32 $0xFFFFC000  }
0x58: {  	[tilespmem:s18], [sflag:$0x1] =	stream.linear.gather [spmem:s10], $0x4000, $0x38;
	[tilespmem:$0x18800] =	vst v63  }
0x59: {  	_ =	swait.ge [sflag:s20], $0x4000  }
0x5a: {  	[sflag:s20] =	ssyncset.done $0x0  }
0x5b: {  	[sflag:s20] =	ssyncadd.s32 $0xFFFFC000  }
0x5c: {  	[hbm4b:s15+s3] =	stream.linear.scatter [tilespmem:s18], [sflag:$0x2], $0x4000, $0x38;
	[tilespmem:$0x18800] =	vst v63  }
0x5d: {  	_ =	swait.ge [sflag:s19], $0x4000  }
0x5e: {  	[sflag:s19] =	ssyncset.done $0x0  }
0x5f: {  	[sflag:s19] =	ssyncadd.s32 $0xFFFFC000  }
0x60: {  	[tilespmem:s18], [sflag:$0x1] =	stream.linear.gather [spmem:s11], $0x4000, $0x38;
	[tilespmem:$0x18800] =	vst v63  }
0x61: {  	s22 =	sadd.s32 $0x1, s22;
	_ =	swait.ge [sflag:s20], $0x4000  }
0x62: {  	p0 =	sne.s32 s22, s7;
	[sflag:s20] =	ssyncset.done $0x0  }
.Ltmp1:
0x63: {  	[sflag:s20] =	ssyncadd.s32 $0xFFFFC000;
	(pc) =	sbr.rel @p0 .LBB2_1-.Ltmp1, $4  }
0x64: {  	[hbm4b:s16+s3] =	stream.linear.scatter [tilespmem:s18], [sflag:$0x2], $0x4000, $0x38;
	[tilespmem:$0x18800] =	vst v63  }
0x65: {  	_ =	swait.ge [sflag:s19], $0x4000  }
0x66: {  	[sflag:s19] =	ssyncset.done $0x0  }
0x67: {  	[sflag:s19] =	ssyncadd.s32 $0xFFFFC000  }
0x68: {  	_ =	sfence.sel $0x180000  }
0x69: {  	[bflag:$0x0] =	sbarrier.arrive $0xFFFF  }
0x6a: {  	p0 =	sne.s32 s1, $0x0;
	_ =	strace $0x9000004D  }
0x6b: {  	s0 =	sadd.s32 @!p0 $0x100000, s0;
	[bflag:$0x2] =	sbarrier.arrive $0xFFFF  }
0x6c: {  	[sflag:s0] =	ssyncadd.tile.s32 @!p0 $0x1;
	_ =	shalt  }
.Lfunc_end2:
_tile_overlayer_lowered:
.L_overlay_start_2:
0x6d: {  	(tag) =	ssettag $0x2  }
0x6e: {  	s0 =	rddreg [dreg:$0x0];
	s2 =	stileid.u32  }
0x6f: {  	s1 =	rddreg [dreg:$0x1];
	p0 =	sne.s32 s2, $0x0  }
0x70: {  	s3 =	rddreg [dreg:$0x2];
	[bflag:$0x3] =	sbarrier.arrive $0xFFFF;
	s2 =	simm.s32 @!p0 $0x1C02  }
0x71: {  	[timem:s3], [sflag:s2] =	dma.local @!p0 [hbm:s0], s1  }
0x72: {  	s0 =	simm.s32 @!p0 $0x2  }
0x73: {  	_ =	swait.ge @!p0 [sflag:s0], s1  }
0x74: {  	s1 =	ssub.s32 @!p0 $0x0, s1;
	[sflag:s0] =	ssyncset.done @!p0 $0x0  }
0x75: {  	[sflag:s0] =	ssyncadd.s32 @!p0 s1  }
0x76: {  	[bflag:$0x3] =	sbarrier.arrive $0xFFFF  }
0x77: {  	_ =	shalt  }

// kernel: kernel.21.cloned.1.call-start
scs
__scs_entry_jumppad:
0x0: {  	(pc) =	sbr.rel $0x88, $3  }
0x1: {  	(tag) =	ssettag $0x0;
	lr =	simm.s32 $0x1  }
0x2: {  	[smem:$0x3F8C] =	sst lr;
	_ =	strace $0xD0000000  }
0x3: {  	_ = 	snop  }
0x4: {  	_ = 	snop  }
0x5: {  	_ = 	snop  }
0x6: {  	_ = 	snop  }
0x7: {  	_ = 	snop  }
__scs_overlays_trampoline_lowered:
0x8: {  	[smem:$0x3F9B] =	sst s0  }
0x9: {  	[smem:$0x3F9C] =	sst s1  }
0xa: {  	[smem:$0x3F9D] =	sst s2  }
0xb: {  	[smem:$0x3F9E] =	sst s3  }
0xc: {  	[smem:$0x3F9F] =	sst s4  }
0xd: {  	[smem:$0x3FA0] =	sst s5  }
0xe: {  	[smem:$0x3FA1] =	sst s6  }
0xf: {  	[smem:$0x3FA2] =	sst s7  }
0x10: {  	[smem:$0x3FA3] =	sst s8  }
0x11: {  	[smem:$0x3FA4] =	sst s9;
	s0 =	simm.s32 @!p0 $0x0  }
0x12: {  	s1 =	sld [smem:$0x3F8A];
	s0 =	simm.s32 @p0 $0x1  }
0x13: {  	[smem:$0x3FA5] =	sst s0;
	s0 =	simm.s32 @!p1 $0x0  }
0x14: {  	s2 =	sld [smem:$0x3F89];
	s0 =	simm.s32 @p1 $0x1  }
0x15: {  	[smem:$0x3FA6] =	sst s0;
	s0 =	simm.s32 @!p2 $0x0  }
0x16: {  	s3 =	sld [smem:$0x3FDB];
	s0 =	simm.s32 @p2 $0x1  }
0x17: {  	s4 =	simm.s32 $0x1BF5;
	[smem:$0x3FA8] =	sst s0  }
0x18: {  	s0 =	sld [smem:$0x3F8B];
	_ =	swait.ge [sflag:s4], $0x0  }
0x19: {  	s7 =	sld [smem:$0x3F8C]  }
0x1a: {  	s8 =	sadd.s32 $0xFFFFE003, lr  }
0x1b: {  	s9 =	sadd.s32 $0xFFFFFEF7, lr;
	s5 =	simm.s32 $0xFFFFFFFF;
	p2 =	slt.u32 s8, $0xFFFFF086  }
0x1c: {  	p1 =	slt.u32 s9, $0xF7A;
	s5 =	simm.s32 @!p2 $0x0  }
0x1d: {  	s5 =	simm.s32 @p1 $0x1;
	p0 =	seq.s32 s7, s2  }
0x1e: {  	s7 =	smul.u32 @!p0 $0xF7A, s2;
	p2 =	seq.s32 @!p0 s5, $0x0  }
0x1f: {  	s9 =	smul.u32 $0xF7A, s1;
	s8 =	simm.s32 @!p0 $0x1BF5;
	p2 =	por !p2, p0  }
0x20: {  	[sflag:s8] =	ssyncset.s32 @!p0 $0xFFFFF086;
	s6 =	sadd.s32 @!p0 s3, s7;
	s7 =	simm.s32 @!p0 $0x108  }
0x21: {  	s3 =	sadd.s32 s3, s9;
	s6 =	sadd.s32 @!p0 $0x88, s6;
	s7 =	simm.s32 @p2 $0x1082  }
0x22: {  	[simem:s7], [sflag:s8] =	dma.local @!p0 [hbm:s6], $0xF7A  }
0x23: {  	s9 =	sor.u32 $0xD0000000, s2;
	s6 =	simm.s32 $0x108;
	_ =	swait.ge @!p0 [sflag:s8], $0x0  }
0x24: {  	s3 =	sadd.s32 $0x88, s3;
	s6 =	simm.s32 @!p1 $0x1082;
	[sflag:s4] =	ssyncset.s32 $0xFFFFF086  }
0x25: {  	[simem:s6], [sflag:s4] =	dma.local [hbm:s3], $0xF7A  }
0x26: {  	[smem:$0x3F8C] =	sst s1;
	(tag) =	ssettag s2;
	_ =	strace s9  }
0x27: {  	s1 =	sld [smem:$0x3F9C]  }
0x28: {  	s2 =	sld [smem:$0x3F9D]  }
0x29: {  	s4 =	sld [smem:$0x3F9F]  }
0x2a: {  	p0 =	seq.s32 s5, $0x0;
	s5 =	sld [smem:$0x3FA0]  }
0x2b: {  	s6 =	sld [smem:$0x3FA1]  }
0x2c: {  	s7 =	sld [smem:$0x3FA2]  }
0x2d: {  	s3 =	simm.s32 $0x108;
	s8 =	sld [smem:$0x3FA3]  }
0x2e: {  	s3 =	simm.s32 @!p0 $0x1082;
	s9 =	sld [smem:$0x3FA4]  }
0x2f: {  	lr =	sadd.s32 s0, s3;
	s0 =	sld [smem:$0x3F9B]  }
0x30: {  	s3 =	sld [smem:$0x3F9E]  }
0x31: {  	[smem:$0x3FA7] =	sst s10  }
0x32: {  	s10 =	sld [smem:$0x3FA5];
	_ =	sdelay $0x3  }
0x33: {  	p0 =	seq.s32 s10, $0x1;
	s10 =	sld [smem:$0x3FA7];
	_ =	sdelay $0x3  }
0x34: {  	[smem:$0x3FA7] =	sst s10  }
0x35: {  	s10 =	sld [smem:$0x3FA6];
	_ =	sdelay $0x3  }
0x36: {  	p1 =	seq.s32 s10, $0x1;
	s10 =	sld [smem:$0x3FA7];
	_ =	sdelay $0x3  }
0x37: {  	[smem:$0x3FA7] =	sst s10  }
0x38: {  	s10 =	sld [smem:$0x3FA8]  }
0x39: {  	_ = 	snop;
	(pc) =	sbr.ind lr, $3  }
0x3a: {  	_ = 	snop  }
0x3b: {  	_ = 	snop  }
0x3c: {  	p2 =	seq.s32 s10, $0x1;
	s10 =	sld [smem:$0x3FA7]  }
0x3d: {  	_ =	shalt  }
0x3e: {  	_ =	shalt  }
0x3f: {  	_ =	shalt  }
0x40: {  	_ =	shalt  }
0x41: {  	_ =	shalt  }
0x42: {  	_ =	shalt  }
0x43: {  	_ =	shalt  }
0x44: {  	_ =	shalt  }
0x45: {  	_ =	shalt  }
0x46: {  	_ =	shalt  }
0x47: {  	_ =	shalt  }
0x48: {  	_ =	shalt  }
0x49: {  	_ =	shalt  }
0x4a: {  	_ =	shalt  }
0x4b: {  	_ =	shalt  }
0x4c: {  	_ =	shalt  }
0x4d: {  	_ =	shalt  }
0x4e: {  	_ =	shalt  }
0x4f: {  	_ =	shalt  }
0x50: {  	_ =	shalt  }
0x51: {  	_ =	shalt  }
0x52: {  	_ =	shalt  }
0x53: {  	_ =	shalt  }
0x54: {  	_ =	shalt  }
0x55: {  	_ =	shalt  }
0x56: {  	_ =	shalt  }
0x57: {  	_ =	shalt  }
0x58: {  	_ =	shalt  }
0x59: {  	_ =	shalt  }
0x5a: {  	_ =	shalt  }
0x5b: {  	_ =	shalt  }
0x5c: {  	_ =	shalt  }
0x5d: {  	_ =	shalt  }
0x5e: {  	_ =	shalt  }
0x5f: {  	_ =	shalt  }
0x60: {  	_ =	shalt  }
0x61: {  	_ =	shalt  }
0x62: {  	_ =	shalt  }
0x63: {  	_ =	shalt  }
0x64: {  	_ =	shalt  }
0x65: {  	_ =	shalt  }
0x66: {  	_ =	shalt  }
0x67: {  	_ =	shalt  }
0x68: {  	_ =	shalt  }
0x69: {  	_ =	shalt  }
0x6a: {  	_ =	shalt  }
0x6b: {  	_ =	shalt  }
0x6c: {  	_ =	shalt  }
0x6d: {  	_ =	shalt  }
0x6e: {  	_ =	shalt  }
0x6f: {  	_ =	shalt  }
0x70: {  	_ =	shalt  }
0x71: {  	_ =	shalt  }
0x72: {  	_ =	shalt  }
0x73: {  	_ =	shalt  }
0x74: {  	_ =	shalt  }
0x75: {  	_ =	shalt  }
0x76: {  	_ =	shalt  }
0x77: {  	_ =	shalt  }
0x78: {  	_ =	shalt  }
0x79: {  	_ =	shalt  }
0x7a: {  	_ =	shalt  }
0x7b: {  	_ =	shalt  }
0x7c: {  	_ =	shalt  }
0x7d: {  	_ =	shalt  }
0x7e: {  	_ =	shalt  }
0x7f: {  	_ =	shalt  }
0x80: {  	_ =	shalt  }
0x81: {  	_ =	shalt  }
0x82: {  	_ =	shalt  }
0x83: {  	_ =	shalt  }
0x84: {  	_ =	shalt  }
0x85: {  	_ =	shalt  }
0x86: {  	_ =	shalt  }
0x87: {  	_ =	shalt  }
.Lfunc_end0:
.L_simem_size_0:
called_computation.2_lowered:
.L_overlay_start_0:
0x88: {  	s2 =	sld [smem:$0x3FD9]  }
0x89: {  	s3 =	sld [smem:$0x3FFE];
	_ =	sdelay $0x1  }
0x8a: {  	s1 =	srdreg.scid  }
0x8b: {  	s0 =	sand.u32 $0x1, s1  }
0x8c: {  	s17 =	sshll.u32 s0, $0xA;
	s2 =	sadd.s32 s3, s2  }
0x8d: {  	s2 =	sadd.s32 s2, s17  }
0x8e: {  	[smem:$0x3FB3] =	sst s2  }
0x8f: {  	_ = 	snop  }
0x90: {  	(tm) =	ssettm $0x1  }
0x91: {  	s18 =	sld [smem:$0x3FFB];
	_ =	sdelay $0x3  }
0x92: {  	_ =	strace s18  }
0x93: {  	s2 =	sld [smem:$0x3FFC];
	_ =	sdelay $0x3  }
0x94: {  	_ =	strace s2  }
0x95: {  	s2 =	sld [smem:$0x3FFD];
	_ =	sdelay $0x3  }
0x96: {  	_ =	strace s2  }
0x97: {  	_ =	strace $0x8FFFFFFF  }
0x98: {  	s19 =	sld [smem:$0x3FDB];
	_ =	sdelay $0x1  }
0x99: {  	s20 =	simm.s32 $_scs_section_size  }
0x9a: {  	s4 =	simm.s32 $_size__tile_overlayer_lowered;
	s5 =	simm.s32 $_tile_overlayer_lowered  }
0x9b: {  	s6 =	simm.s32 $0x1BFF;
	s21 =	sshll.u32 s5, $0x1;
	s3 =	sadd.s32 s20, s19  }
0x9c: {  	s22 =	simm.s32 $0x0;
	s4 =	sshll.u32 s4, $0x1;
	s5 =	sadd.s32 s21, s3  }
0x9d: {  	[timem:s22], [sflag:s6] =	dma.local [hbm:s5], s4  }
0x9e: {  	_ =	swait.ge [sflag:s6], s4  }
0x9f: {  	s4 =	ssub.s32 $0x0, s4;
	[sflag:s6] =	ssyncset.done $0x0  }
0xa0: {  	[sflag:s6] =	ssyncadd.s32 s4;
	_ =	sdelay $0x1  }
0xa1: {  	s23 =	simm.s32 $0x1B8B  }
0xa2: {  	_ =	swait.ge [sflag:s23], $0x1  }
0xa3: {  	[sflag:s23] =	ssyncset.done $0x0  }
0xa4: {  	[sflag:s23] =	ssyncadd.s32 $0xFFFFFFFF  }
0xa5: {  	s4 =	sld [smem:$0x0]  }
0xa6: {  	s5 =	sand.u32 $0xFFFFFFFE, s1  }
0xa7: {  	p0 =	sne.s32 s1, s5  }
0xa8: {  	s5 =	sshll.u32 @p0 s5, $0xE  }
0xa9: {  	s5 =	sadd.s32 @p0 $0x11B8D, s5;
	s6 =	sshll.u32 @p0 s4, $0x11  }
0xaa: {  	s5 =	sor.u32 @p0 s6, s5  }
0xab: {  	[sflag:s5] =	ssyncadd.remote.s32 @p0 $0x1;
	_ =	sdelay $0x1  }
0xac: {  	s5 =	simm.s32 @p0 $0x1B8D  }
0xad: {  	_ =	swait.eq @p0 [sflag:s5], $0x1  }
0xae: {  	[sflag:s5] =	ssyncadd.s32 @p0 $0xFFFFFFFF  }
0xaf: {  	s6 =	sshll.u32 @!p0 s1, $0xE  }
0xb0: {  	s6 =	sor.u32 @!p0 $0x4000, s6;
	s5 =	simm.s32 @!p0 $0x1B8D  }
0xb1: {  	s4 =	sshll.u32 @!p0 s4, $0x11;
	s6 =	sadd.s32 @!p0 $0x11B8D, s6;
	_ =	swait.eq @!p0 [sflag:s5], $0x1  }
0xb2: {  	s4 =	sor.u32 @!p0 s4, s6;
	[sflag:s5] =	ssyncadd.s32 @!p0 $0xFFFFFFFF  }
0xb3: {  	s25 =	simm.s32 $0x1B8E;
	s24 =	sld [smem:$0x3FFE];
	[sflag:s4] =	ssyncadd.remote.s32 @!p0 $0x1  }
0xb4: {  	s26 =	simm.s32 $execute0_lowered;
	[smem:$0x3FD2] =	sst s25  }
0xb5: {  	s5 =	sshll.u32 s26, $0x1;
	_ =	strace $0x80000049;
	[dreg:$0x1] =	wrdreg $0xFFFFFFFF  }
0xb6: {  	s28 =	simm.s32 $_size_execute0_lowered;
	s3 =	sadd.s32 s3, s5;
	[dreg:$0x0] =	wrdreg $0x0  }
0xb7: {  	s5 =	sshll.u32 s28, $0x1;
	[dreg:$0x2] =	wrdreg s3  }
0xb8: {  	[dreg:$0x3] =	wrdreg s5  }
0xb9: {  	[dreg:$0x4] =	wrdreg $0xC0  }
0xba: {  	_ =	task [dreg:s22], $0x5FFFF  }
0xbb: {  	[dreg:$0x1] =	wrdreg $0xFFFFFFFF  }
0xbc: {  	[dreg:$0x0] =	wrdreg $0x60  }
0xbd: {  	[dreg:$0x2] =	wrdreg s24  }
0xbe: {  	[dreg:$0x3] =	wrdreg $0x48000  }
0xbf: {  	[dreg:$0x4] =	wrdreg $0x9  }
0xc0: {  	_ =	task.clear_ibuf [dreg:s22], $0x5FFFF;
	_ =	strace $0x90000049  }
0xc1: {  	s29 =	simm.s32 $0x9;
	_ =	strace $0x8000004B  }
0xc2: {  	_ =	swait.ge [sflag:s29], $0x1  }
0xc3: {  	[sflag:s29] =	ssyncadd.s32 $0xFFFFFFFF  }
0xc4: {  	_ =	strace $0x9000004B  }
0xc5: {  	_ =	sfence  }
0xc6: {  	s30 =	sld [smem:$0x0];
	_ =	sdelay $0x2  }
0xc7: {  	s31 =	sshll.u32 s1, $0xD;
	s1 =	sshrl.u32 s1, $0x2  }
0xc8: {  	s4 =	sand.u32 $0x4000, s31;
	s1 =	sadd.s32 s1, s30  }
0xc9: {  	s0 =	sor.u32 s4, s0;
	s1 =	sshll.u32 s1, $0x11  }
0xca: {  	s0 =	sor.u32 s1, s0  }
0xcb: {  	s0 =	sadd.s32 $0x8F2B, s0  }
0xcc: {  	[sflag:s0] =	ssyncadd.remote.s32 $0x1  }
0xcd: {  	_ =	sfence.sel $0xFFFF  }
0xce: {  	[dreg:$0x0] =	wrdreg $0xFFFFFFFF;
	(pc) =	sbr.abs _section_cstart, $3  }
0xcf: {  	[dreg:$0x1] =	wrdreg $0xFFFFFFFF  }
0xd0: {  	_ =	task.clear_ibuf [dreg:s22], $0x2FFFF;
	_ =	strace $0x9FFFFFFF  }
0xd1: {  	(tm) =	ssettm $0x7FFFFFFF  }
tec
execute0_lowered:
.L_overlay_start_1:
0x0: {  	(tag) =	ssettag $0x1  }
0x1: {  	s5 =	rddreg [dreg:$0x0]  }
0x2: {  	s2 =	rddreg [dreg:$0x1]  }
0x3: {  	s0 =	rddreg [dreg:$0x2];
	s1 =	stileid.u32  }
0x4: {  	s3 =	simm.s32 $0x0;
	s6 =	srdreg.scid;
	s14 =	simm.s32 $0x1  }
0x5: {  	s15 =	simm.s32 $0x80;
	s16 =	simm.s32 $0x0;
	s4 =	smul.u32 $0xF000, s1  }
0x6: {  	[smem:$0x7FF] =	sst s3;
	s7 =	sand.u32 $0x1, s6;
	s28 =	smul.u32 $0xA0, s1  }
0x7: {  	s8 =	sshll.u32 s1, $0x9;
	s29 =	smul.u32 $0x14000, s1;
	s9 =	sshll.u32 s7, $0x8  }
0x8: {  	s10 =	smul.u32 $0xA00, s7;
	_ =	strace $0x8000004A;
	s12 =	ssub.s32 $0x2, s7  }
0x9: {  	s13 =	smul.u32 $0x7800, s7;
	s8 =	sor.u32 s9, s8;
	s11 =	sadd.s32 s4, s5  }
0xa: {  	s4 =	sadd.s32 $0x196E00, s5;
	s9 =	sshrl.u32 s29, $0x2;
	s31 =	sshrl.u32 s12, $0x1  }
0xb: {  	s8 =	sadd.s32 s8, s5;
	s6 =	sadd.s32 s28, s10;
	s12 =	ssub.s32 s12, s31  }
0xc: {  	s11 =	sadd.s32 s13, s11;
	s13 =	simm.s32 $0x2;
	s6 =	sshll.u32 s6, $0x4  }
0xd: {  	s7 =	sadd.s32 $0x28C800, s8;
	s10 =	smax.u32 s12, $0x1;
	s11 =	sadd.s32 $0x19C800, s11  }
0xe: {  	s12 =	simm.s32 $0x800;
	s30 =	sadd.s32 s6, s5;
	s5 =	sadd.s32 s9, s2  }
0xf: {  	s6 =	sadd.s32 $0x4000, s5;
	s8 =	sadd.s32 $0x28E800, s30;
	s9 =	sadd.s32 $0x28F000, s30  }
.LBB2_1:
0x10: {  	[tilespmem:s12], [sflag:$0x2] =	stream.linear.gather [hbm4b:s4+s3], $0x4000, $0x38;
	[tilespmem:$0x9800] =	vst v63  }
0x11: {  	_ =	swait.ge [sflag:s13], $0x4000  }
0x12: {  	[sflag:s13] =	ssyncset.done $0x0  }
0x13: {  	[sflag:s13] =	ssyncadd.s32 $0xFFFFC000  }
0x14: {  	[spmem:s5] =	stream.linear.scatter [tilespmem:s12], [sflag:$0x1], $0x4000, $0x38;
	[tilespmem:$0x9800] =	vst v63  }
0x15: {  	_ =	swait.ge [sflag:s14], $0x4000  }
0x16: {  	[sflag:s14] =	ssyncset.done $0x0  }
0x17: {  	[sflag:s14] =	ssyncadd.s32 $0xFFFFC000  }
0x18: {  	[spmem:s6] =	stream.linear.scatter [tilespmem:s12], [sflag:$0x1], $0x1000, $0x38;
	[tilespmem:$0x9800] =	vst v63  }
0x19: {  	_ =	swait.ge [sflag:s14], $0x1000  }
0x1a: {  	[sflag:s14] =	ssyncset.done $0x0  }
0x1b: {  	[sflag:s14] =	ssyncadd.s32 $0xFFFFF000  }
0x1c: {  	[tilespmem:s3], [sflag:$0x2] =	stream.linear.gather [hbm4b:s7+s3], $0x780, $0x38;
	[tilespmem:$0x9800] =	vst v63  }
0x1d: {  	_ =	swait.ge [sflag:s13], $0x780  }
0x1e: {  	[sflag:s13] =	ssyncset.done $0x0  }
0x1f: {  	[sflag:s13] =	ssyncadd.s32 $0xFFFFF880  }
0x20: {  	[bflag:$0x0] =	sbarrier.arrive $0xFFFF  }
0x21: {  	[tilespmem:s12], [sflag:$0x2] =	stream.linear.gather [hbm4b:s11+s3], $0x4000, $0x38;
	[tilespmem:$0x9800] =	vst v63  }
0x22: {  	_ =	swait.ge [sflag:s13], $0x4000  }
0x23: {  	[sflag:s13] =	ssyncset.done $0x0  }
0x24: {  	s17 =	simm.s32 $0x0;
	[sflag:s13] =	ssyncadd.s32 $0xFFFFC000  }
0x25: {  	[spmem:s2] =	stream.indirect.scatter.add.f32 [tilespmem:s12], [sflag:$0x2], $0x80, s17, s15, $0xb8;
	[tilespmem:$0x9800] =	vst v63  }
0x26: {  	_ =	swait.ge [sflag:s13], $0x4000  }
0x27: {  	s18 =	smov.u32 s11;
	s17 =	simm.s32 $0x200;
	[sflag:s13] =	ssyncset.done $0x0  }
.LBB2_2:
0x28: {  	p0 =	sne.s32 s17, $0x1C00;
	[sflag:s13] =	ssyncadd.s32 $0xFFFFC000;
	s18 =	sadd.s32 $0x800, s18  }
0x29: {  	[tilespmem:s12], [sflag:$0x2] =	stream.linear.gather [hbm4b:s18+s3], $0x4000, $0x38;
	[tilespmem:$0x9800] =	vst v63  }
0x2a: {  	s19 =	smov.u32 s17;
	s17 =	sadd.s32 $0x200, s17;
	_ =	swait.ge [sflag:s13], $0x4000  }
.Ltmp0:
0x2b: {  	[sflag:s13] =	ssyncset.done $0x0;
	(pc) =	sbr.rel @p0 .LBB2_2-.Ltmp0, $4  }
0x2c: {  	s19 =	sshra.s32 s19, $0x2;
	[sflag:s13] =	ssyncadd.s32 $0xFFFFC000  }
0x2d: {  	[spmem:s2] =	stream.indirect.scatter.add.f32 [tilespmem:s12], [sflag:$0x2], $0x80, s19, s15, $0xb8;
	[tilespmem:$0x9800] =	vst v63  }
0x2e: {  	_ =	swait.ge [sflag:s13], $0x4000  }
0x2f: {  	[sflag:s13] =	ssyncset.done $0x0  }
0x30: {  	[sflag:s13] =	ssyncadd.s32 $0xFFFFC000  }
0x31: {  	[bflag:$0x0] =	sbarrier.arrive $0xFFFF  }
0x32: {  	[tilespmem:s12], [sflag:$0x1] =	stream.linear.gather [spmem:s5], $0x4000, $0x38;
	[tilespmem:$0x9800] =	vst v63  }
0x33: {  	_ =	swait.ge [sflag:s14], $0x4000  }
0x34: {  	[sflag:s14] =	ssyncset.done $0x0  }
0x35: {  	[sflag:s14] =	ssyncadd.s32 $0xFFFFC000  }
0x36: {  	[hbm4b:s8+s3] =	stream.linear.scatter [tilespmem:s12], [sflag:$0x2], $0x4000, $0x38;
	[tilespmem:$0x9800] =	vst v63  }
0x37: {  	_ =	swait.ge [sflag:s13], $0x4000  }
0x38: {  	[sflag:s13] =	ssyncset.done $0x0  }
0x39: {  	[sflag:s13] =	ssyncadd.s32 $0xFFFFC000  }
0x3a: {  	[tilespmem:s12], [sflag:$0x1] =	stream.linear.gather [spmem:s6], $0x1000, $0x38;
	[tilespmem:$0x9800] =	vst v63  }
0x3b: {  	s16 =	sadd.s32 $0x1, s16;
	_ =	swait.ge [sflag:s14], $0x1000  }
0x3c: {  	p0 =	sne.s32 s16, s10;
	[sflag:s14] =	ssyncset.done $0x0  }
.Ltmp1:
0x3d: {  	[sflag:s14] =	ssyncadd.s32 $0xFFFFF000;
	(pc) =	sbr.rel @p0 .LBB2_1-.Ltmp1, $4  }
0x3e: {  	[hbm4b:s9+s3] =	stream.linear.scatter [tilespmem:s12], [sflag:$0x2], $0x1000, $0x38;
	[tilespmem:$0x9800] =	vst v63  }
0x3f: {  	_ =	swait.ge [sflag:s13], $0x1000  }
0x40: {  	[sflag:s13] =	ssyncset.done $0x0  }
0x41: {  	[sflag:s13] =	ssyncadd.s32 $0xFFFFF000  }
0x42: {  	_ =	sfence.sel $0x180000  }
0x43: {  	[bflag:$0x0] =	sbarrier.arrive $0xFFFF  }
0x44: {  	p0 =	sne.s32 s1, $0x0;
	_ =	strace $0x9000004A  }
0x45: {  	s0 =	sadd.s32 @!p0 $0x100000, s0;
	[bflag:$0x2] =	sbarrier.arrive $0xFFFF  }
0x46: {  	[sflag:s0] =	ssyncadd.tile.s32 @!p0 $0x1;
	_ =	shalt  }
.Lfunc_end2:
_tile_overlayer_lowered:
.L_overlay_start_2:
0x47: {  	(tag) =	ssettag $0x2  }
0x48: {  	s0 =	rddreg [dreg:$0x0];
	s2 =	stileid.u32  }
0x49: {  	s1 =	rddreg [dreg:$0x1];
	p0 =	sne.s32 s2, $0x0  }
0x4a: {  	s3 =	rddreg [dreg:$0x2];
	[bflag:$0x3] =	sbarrier.arrive $0xFFFF;
	s2 =	simm.s32 @!p0 $0x1C02  }
0x4b: {  	[timem:s3], [sflag:s2] =	dma.local @!p0 [hbm:s0], s1  }
0x4c: {  	s0 =	simm.s32 @!p0 $0x2  }
0x4d: {  	_ =	swait.ge @!p0 [sflag:s0], s1  }
0x4e: {  	s1 =	ssub.s32 @!p0 $0x0, s1;
	[sflag:s0] =	ssyncset.done @!p0 $0x0  }
0x4f: {  	[sflag:s0] =	ssyncadd.s32 @!p0 s1  }
0x50: {  	[bflag:$0x3] =	sbarrier.arrive $0xFFFF  }
0x51: {  	_ =	shalt  }

// kernel: kernel.24.cloned.1.call-start
scs
__scs_entry_jumppad:
0x0: {  	(pc) =	sbr.rel $0x88, $3  }
0x1: {  	(tag) =	ssettag $0x0;
	lr =	simm.s32 $0x1  }
0x2: {  	[smem:$0x3F8C] =	sst lr;
	_ =	strace $0xD0000000  }
0x3: {  	_ = 	snop  }
0x4: {  	_ = 	snop  }
0x5: {  	_ = 	snop  }
0x6: {  	_ = 	snop  }
0x7: {  	_ = 	snop  }
__scs_overlays_trampoline_lowered:
0x8: {  	[smem:$0x3F9B] =	sst s0  }
0x9: {  	[smem:$0x3F9C] =	sst s1  }
0xa: {  	[smem:$0x3F9D] =	sst s2  }
0xb: {  	[smem:$0x3F9E] =	sst s3  }
0xc: {  	[smem:$0x3F9F] =	sst s4  }
0xd: {  	[smem:$0x3FA0] =	sst s5  }
0xe: {  	[smem:$0x3FA1] =	sst s6  }
0xf: {  	[smem:$0x3FA2] =	sst s7  }
0x10: {  	[smem:$0x3FA3] =	sst s8  }
0x11: {  	[smem:$0x3FA4] =	sst s9;
	s0 =	simm.s32 @!p0 $0x0  }
0x12: {  	s1 =	sld [smem:$0x3F8A];
	s0 =	simm.s32 @p0 $0x1  }
0x13: {  	[smem:$0x3FA5] =	sst s0;
	s0 =	simm.s32 @!p1 $0x0  }
0x14: {  	s2 =	sld [smem:$0x3F89];
	s0 =	simm.s32 @p1 $0x1  }
0x15: {  	[smem:$0x3FA6] =	sst s0;
	s0 =	simm.s32 @!p2 $0x0  }
0x16: {  	s3 =	sld [smem:$0x3FDB];
	s0 =	simm.s32 @p2 $0x1  }
0x17: {  	s4 =	simm.s32 $0x1BF5;
	[smem:$0x3FA8] =	sst s0  }
0x18: {  	s0 =	sld [smem:$0x3F8B];
	_ =	swait.ge [sflag:s4], $0x0  }
0x19: {  	s7 =	sld [smem:$0x3F8C]  }
0x1a: {  	s8 =	sadd.s32 $0xFFFFE003, lr  }
0x1b: {  	s9 =	sadd.s32 $0xFFFFFEF7, lr;
	s5 =	simm.s32 $0xFFFFFFFF;
	p2 =	slt.u32 s8, $0xFFFFF086  }
0x1c: {  	p1 =	slt.u32 s9, $0xF7A;
	s5 =	simm.s32 @!p2 $0x0  }
0x1d: {  	s5 =	simm.s32 @p1 $0x1;
	p0 =	seq.s32 s7, s2  }
0x1e: {  	s7 =	smul.u32 @!p0 $0xF7A, s2;
	p2 =	seq.s32 @!p0 s5, $0x0  }
0x1f: {  	s9 =	smul.u32 $0xF7A, s1;
	s8 =	simm.s32 @!p0 $0x1BF5;
	p2 =	por !p2, p0  }
0x20: {  	[sflag:s8] =	ssyncset.s32 @!p0 $0xFFFFF086;
	s6 =	sadd.s32 @!p0 s3, s7;
	s7 =	simm.s32 @!p0 $0x108  }
0x21: {  	s3 =	sadd.s32 s3, s9;
	s6 =	sadd.s32 @!p0 $0x88, s6;
	s7 =	simm.s32 @p2 $0x1082  }
0x22: {  	[simem:s7], [sflag:s8] =	dma.local @!p0 [hbm:s6], $0xF7A  }
0x23: {  	s9 =	sor.u32 $0xD0000000, s2;
	s6 =	simm.s32 $0x108;
	_ =	swait.ge @!p0 [sflag:s8], $0x0  }
0x24: {  	s3 =	sadd.s32 $0x88, s3;
	s6 =	simm.s32 @!p1 $0x1082;
	[sflag:s4] =	ssyncset.s32 $0xFFFFF086  }
0x25: {  	[simem:s6], [sflag:s4] =	dma.local [hbm:s3], $0xF7A  }
0x26: {  	[smem:$0x3F8C] =	sst s1;
	(tag) =	ssettag s2;
	_ =	strace s9  }
0x27: {  	s1 =	sld [smem:$0x3F9C]  }
0x28: {  	s2 =	sld [smem:$0x3F9D]  }
0x29: {  	s4 =	sld [smem:$0x3F9F]  }
0x2a: {  	p0 =	seq.s32 s5, $0x0;
	s5 =	sld [smem:$0x3FA0]  }
0x2b: {  	s6 =	sld [smem:$0x3FA1]  }
0x2c: {  	s7 =	sld [smem:$0x3FA2]  }
0x2d: {  	s3 =	simm.s32 $0x108;
	s8 =	sld [smem:$0x3FA3]  }
0x2e: {  	s3 =	simm.s32 @!p0 $0x1082;
	s9 =	sld [smem:$0x3FA4]  }
0x2f: {  	lr =	sadd.s32 s0, s3;
	s0 =	sld [smem:$0x3F9B]  }
0x30: {  	s3 =	sld [smem:$0x3F9E]  }
0x31: {  	[smem:$0x3FA7] =	sst s10  }
0x32: {  	s10 =	sld [smem:$0x3FA5];
	_ =	sdelay $0x3  }
0x33: {  	p0 =	seq.s32 s10, $0x1;
	s10 =	sld [smem:$0x3FA7];
	_ =	sdelay $0x3  }
0x34: {  	[smem:$0x3FA7] =	sst s10  }
0x35: {  	s10 =	sld [smem:$0x3FA6];
	_ =	sdelay $0x3  }
0x36: {  	p1 =	seq.s32 s10, $0x1;
	s10 =	sld [smem:$0x3FA7];
	_ =	sdelay $0x3  }
0x37: {  	[smem:$0x3FA7] =	sst s10  }
0x38: {  	s10 =	sld [smem:$0x3FA8]  }
0x39: {  	_ = 	snop;
	(pc) =	sbr.ind lr, $3  }
0x3a: {  	_ = 	snop  }
0x3b: {  	_ = 	snop  }
0x3c: {  	p2 =	seq.s32 s10, $0x1;
	s10 =	sld [smem:$0x3FA7]  }
0x3d: {  	_ =	shalt  }
0x3e: {  	_ =	shalt  }
0x3f: {  	_ =	shalt  }
0x40: {  	_ =	shalt  }
0x41: {  	_ =	shalt  }
0x42: {  	_ =	shalt  }
0x43: {  	_ =	shalt  }
0x44: {  	_ =	shalt  }
0x45: {  	_ =	shalt  }
0x46: {  	_ =	shalt  }
0x47: {  	_ =	shalt  }
0x48: {  	_ =	shalt  }
0x49: {  	_ =	shalt  }
0x4a: {  	_ =	shalt  }
0x4b: {  	_ =	shalt  }
0x4c: {  	_ =	shalt  }
0x4d: {  	_ =	shalt  }
0x4e: {  	_ =	shalt  }
0x4f: {  	_ =	shalt  }
0x50: {  	_ =	shalt  }
0x51: {  	_ =	shalt  }
0x52: {  	_ =	shalt  }
0x53: {  	_ =	shalt  }
0x54: {  	_ =	shalt  }
0x55: {  	_ =	shalt  }
0x56: {  	_ =	shalt  }
0x57: {  	_ =	shalt  }
0x58: {  	_ =	shalt  }
0x59: {  	_ =	shalt  }
0x5a: {  	_ =	shalt  }
0x5b: {  	_ =	shalt  }
0x5c: {  	_ =	shalt  }
0x5d: {  	_ =	shalt  }
0x5e: {  	_ =	shalt  }
0x5f: {  	_ =	shalt  }
0x60: {  	_ =	shalt  }
0x61: {  	_ =	shalt  }
0x62: {  	_ =	shalt  }
0x63: {  	_ =	shalt  }
0x64: {  	_ =	shalt  }
0x65: {  	_ =	shalt  }
0x66: {  	_ =	shalt  }
0x67: {  	_ =	shalt  }
0x68: {  	_ =	shalt  }
0x69: {  	_ =	shalt  }
0x6a: {  	_ =	shalt  }
0x6b: {  	_ =	shalt  }
0x6c: {  	_ =	shalt  }
0x6d: {  	_ =	shalt  }
0x6e: {  	_ =	shalt  }
0x6f: {  	_ =	shalt  }
0x70: {  	_ =	shalt  }
0x71: {  	_ =	shalt  }
0x72: {  	_ =	shalt  }
0x73: {  	_ =	shalt  }
0x74: {  	_ =	shalt  }
0x75: {  	_ =	shalt  }
0x76: {  	_ =	shalt  }
0x77: {  	_ =	shalt  }
0x78: {  	_ =	shalt  }
0x79: {  	_ =	shalt  }
0x7a: {  	_ =	shalt  }
0x7b: {  	_ =	shalt  }
0x7c: {  	_ =	shalt  }
0x7d: {  	_ =	shalt  }
0x7e: {  	_ =	shalt  }
0x7f: {  	_ =	shalt  }
0x80: {  	_ =	shalt  }
0x81: {  	_ =	shalt  }
0x82: {  	_ =	shalt  }
0x83: {  	_ =	shalt  }
0x84: {  	_ =	shalt  }
0x85: {  	_ =	shalt  }
0x86: {  	_ =	shalt  }
0x87: {  	_ =	shalt  }
.Lfunc_end0:
.L_simem_size_0:
called_computation.3_lowered:
.L_overlay_start_0:
0x88: {  	s2 =	sld [smem:$0x3FD9]  }
0x89: {  	s3 =	sld [smem:$0x3FFE];
	_ =	sdelay $0x1  }
0x8a: {  	s1 =	srdreg.scid  }
0x8b: {  	s0 =	sand.u32 $0x1, s1  }
0x8c: {  	s17 =	sshll.u32 s0, $0xA;
	s2 =	sadd.s32 s3, s2  }
0x8d: {  	s2 =	sadd.s32 s2, s17  }
0x8e: {  	[smem:$0x3FB3] =	sst s2  }
0x8f: {  	_ = 	snop  }
0x90: {  	s2 =	sld [smem:$0x3FD0];
	(tm) =	ssettm $0x1  }
0x91: {  	s18 =	sld [smem:$0x3FFB];
	_ =	sdelay $0x3  }
0x92: {  	_ =	strace s18  }
0x93: {  	s3 =	sld [smem:$0x3FFC];
	_ =	sdelay $0x3  }
0x94: {  	_ =	strace s3  }
0x95: {  	s3 =	sld [smem:$0x3FFD];
	_ =	sdelay $0x3  }
0x96: {  	_ =	strace s3  }
0x97: {  	_ =	strace $0x8FFFFFFF  }
0x98: {  	s19 =	sld [smem:$0x3FDB];
	_ =	sdelay $0x1  }
0x99: {  	s4 =	simm.s32 $_scs_section_size  }
0x9a: {  	s5 =	simm.s32 $_size__tile_overlayer_lowered;
	s6 =	simm.s32 $_tile_overlayer_lowered  }
0x9b: {  	s22 =	simm.s32 $0x1BFF;
	s21 =	sshll.u32 s6, $0x1;
	s3 =	sadd.s32 s4, s19  }
0x9c: {  	s7 =	simm.s32 $0x0;
	s20 =	sshll.u32 s5, $0x1;
	s5 =	sadd.s32 s21, s3  }
0x9d: {  	[timem:s7], [sflag:s22] =	dma.local [hbm:s5], s20  }
0x9e: {  	_ =	swait.ge [sflag:s22], s20  }
0x9f: {  	s4 =	ssub.s32 $0x0, s20;
	[sflag:s22] =	ssyncset.done $0x0  }
0xa0: {  	[sflag:s22] =	ssyncadd.s32 s4;
	_ =	sdelay $0x1  }
0xa1: {  	s23 =	simm.s32 $0x1B8B  }
0xa2: {  	_ =	swait.ge [sflag:s23], $0x1  }
0xa3: {  	[sflag:s23] =	ssyncset.done $0x0  }
0xa4: {  	s25 =	simm.s32 $0x1B8E;
	s24 =	sld [smem:$0x3FFE];
	[sflag:s23] =	ssyncadd.s32 $0xFFFFFFFF  }
0xa5: {  	s26 =	simm.s32 $execute0_lowered;
	[smem:$0x3FD2] =	sst s25  }
0xa6: {  	s5 =	sshll.u32 s26, $0x1;
	_ =	strace $0x8000004F;
	[dreg:$0x1] =	wrdreg $0xFFFFFFFF  }
0xa7: {  	s28 =	simm.s32 $_size_execute0_lowered;
	s3 =	sadd.s32 s3, s5;
	[dreg:$0x0] =	wrdreg $0x0  }
0xa8: {  	s5 =	sshll.u32 s28, $0x1;
	[dreg:$0x2] =	wrdreg s3  }
0xa9: {  	[dreg:$0x3] =	wrdreg s5  }
0xaa: {  	[dreg:$0x4] =	wrdreg $0xC0  }
0xab: {  	_ =	task [dreg:s7], $0x5FFFF  }
0xac: {  	[dreg:$0x1] =	wrdreg $0xFFFFFFFF  }
0xad: {  	[dreg:$0x0] =	wrdreg $0x60  }
0xae: {  	[dreg:$0x2] =	wrdreg s24  }
0xaf: {  	[dreg:$0x3] =	wrdreg s2  }
0xb0: {  	[dreg:$0x4] =	wrdreg $0x9  }
0xb1: {  	_ =	task.clear_ibuf [dreg:s7], $0x5FFFF;
	_ =	strace $0x9000004F  }
0xb2: {  	s29 =	simm.s32 $0x9;
	_ =	strace $0x80000051  }
0xb3: {  	_ =	swait.ge [sflag:s29], $0x1  }
0xb4: {  	[sflag:s29] =	ssyncadd.s32 $0xFFFFFFFF  }
0xb5: {  	_ =	strace $0x90000051  }
0xb6: {  	_ =	sfence  }
0xb7: {  	s30 =	sld [smem:$0x0];
	_ =	sdelay $0x2  }
0xb8: {  	s31 =	sshll.u32 s1, $0xD;
	s1 =	sshrl.u32 s1, $0x2  }
0xb9: {  	s3 =	sand.u32 $0x4000, s31;
	s1 =	sadd.s32 s1, s30  }
0xba: {  	s0 =	sor.u32 s3, s0;
	s1 =	sshll.u32 s1, $0x11  }
0xbb: {  	s0 =	sor.u32 s1, s0  }
0xbc: {  	s0 =	sadd.s32 $0x8F2B, s0  }
0xbd: {  	[sflag:s0] =	ssyncadd.remote.s32 $0x1  }
0xbe: {  	_ =	sfence.sel $0xFFFF  }
0xbf: {  	[dreg:$0x0] =	wrdreg $0xFFFFFFFF;
	(pc) =	sbr.abs _section_cstart, $3  }
0xc0: {  	[dreg:$0x1] =	wrdreg $0xFFFFFFFF  }
0xc1: {  	_ =	task.clear_ibuf [dreg:s7], $0x2FFFF;
	_ =	strace $0x9FFFFFFF  }
0xc2: {  	(tm) =	ssettm $0x7FFFFFFF  }
0xc3: {  	_ =	shalt  }
tec
execute0_lowered:
.L_overlay_start_1:
0x0: {  	(tag) =	ssettag $0x1  }
0x1: {  	s4 =	rddreg [dreg:$0x0]  }
0x2: {  	s5 =	rddreg [dreg:$0x1]  }
0x3: {  	s0 =	rddreg [dreg:$0x2];
	s1 =	simm.s32 $0x0;
	s2 =	srdreg.scid  }
0x4: {  	[smem:$0x7FF] =	sst s1;
	s6 =	sand.u32 $0x1, s2  }
0x5: {  	s2 =	stileid.u32;
	s3 =	sadd.s32 $0x56E00, s4;
	_ =	strace $0x80000050  }
0x6: {  	s7 =	ssub.s32 $0x2, s6;
	s8 =	smul.u32 $0xF000, s2;
	s10 =	sshll.u32 s2, $0x9  }
0x7: {  	s11 =	sshll.u32 s6, $0x8;
	s6 =	smul.u32 $0x7800, s6;
	s9 =	sshrl.u32 s7, $0x1  }
0x8: {  	s31 =	sor.u32 s11, s10;
	s10 =	simm.s32 $0x1;
	s11 =	simm.s32 $0x0  }
0x9: {  	s8 =	sadd.s32 s8, s4;
	s7 =	ssub.s32 s7, s9;
	s4 =	sadd.s32 s5, s31  }
0xa: {  	s9 =	simm.s32 $0x800;
	s5 =	smax.u32 s7, $0x1;
	s6 =	sadd.s32 s6, s8  }
0xb: {  	s7 =	simm.s32 $0x2;
	s8 =	simm.s32 $0x80;
	s6 =	sadd.s32 $0x40A800, s6  }
.LBB2_1:
0xc: {  	[tilespmem:s1], [sflag:$0x2] =	stream.linear.gather [hbm4b:s4+s1], $0x780, $0x38;
	[tilespmem:$0x4800] =	vst v63  }
0xd: {  	_ =	swait.ge [sflag:s7], $0x780  }
0xe: {  	[sflag:s7] =	ssyncset.done $0x0  }
0xf: {  	s12 =	simm.s32 $0x0;
	[sflag:s7] =	ssyncadd.s32 $0xFFFFF880  }
0x10: {  	[tilespmem:s9], [sflag:$0x1] =	stream.indirect.gather [hbm4b:s3+s8], $0x80, s12, s8, $0xb8;
	[tilespmem:$0x4800] =	vst v63  }
0x11: {  	_ =	swait.ge [sflag:s10], $0x4000  }
0x12: {  	[sflag:s10] =	ssyncset.done $0x0  }
0x13: {  	[sflag:s10] =	ssyncadd.s32 $0xFFFFC000  }
0x14: {  	[hbm4b:s6+s1] =	stream.linear.scatter [tilespmem:s9], [sflag:$0x2], $0x4000, $0x38;
	[tilespmem:$0x4800] =	vst v63  }
0x15: {  	s13 =	simm.s32 $0x200;
	_ =	swait.ge [sflag:s7], $0x4000  }
0x16: {  	s14 =	simm.s32 $0x400;
	s12 =	sadd.s32 $0x800, s6;
	[sflag:s7] =	ssyncset.done $0x0  }
.LBB2_2:
0x17: {  	s15 =	sshra.s32 s13, $0x2  }
0x18: {  	[sflag:s7] =	ssyncadd.s32 $0xFFFFC000;
	s13 =	smov.u32 s14;
	s16 =	sadd.s32 $0x200, s14  }
0x19: {  	[tilespmem:s9], [sflag:$0x1] =	stream.indirect.gather [hbm4b:s3+s8], $0x80, s15, s8, $0xb8;
	[tilespmem:$0x4800] =	vst v63  }
0x1a: {  	p0 =	sne.s32 s14, $0x1C00;
	_ =	swait.ge [sflag:s10], $0x4000  }
.Ltmp0:
0x1b: {  	[sflag:s10] =	ssyncset.done $0x0;
	(pc) =	sbr.rel @p0 .LBB2_2-.Ltmp0, $4  }
0x1c: {  	[sflag:s10] =	ssyncadd.s32 $0xFFFFC000  }
0x1d: {  	[hbm4b:s12+s1] =	stream.linear.scatter [tilespmem:s9], [sflag:$0x2], $0x4000, $0x38;
	[tilespmem:$0x4800] =	vst v63  }
0x1e: {  	_ =	swait.ge [sflag:s7], $0x4000  }
0x1f: {  	s14 =	smov.u32 s16;
	s12 =	sadd.s32 $0x800, s12;
	[sflag:s7] =	ssyncset.done $0x0  }
0x20: {  	s13 =	sshra.s32 s13, $0x2;
	[sflag:s7] =	ssyncadd.s32 $0xFFFFC000  }
0x21: {  	[tilespmem:s9], [sflag:$0x1] =	stream.indirect.gather [hbm4b:s3+s8], $0x80, s13, s8, $0xb8;
	[tilespmem:$0x4800] =	vst v63  }
0x22: {  	s11 =	sadd.s32 $0x1, s11;
	_ =	swait.ge [sflag:s10], $0x4000  }
0x23: {  	p0 =	sne.s32 s11, s5;
	[sflag:s10] =	ssyncset.done $0x0  }
.Ltmp1:
0x24: {  	[sflag:s10] =	ssyncadd.s32 $0xFFFFC000;
	(pc) =	sbr.rel @p0 .LBB2_1-.Ltmp1, $4  }
0x25: {  	[hbm4b:s12+s1] =	stream.linear.scatter [tilespmem:s9], [sflag:$0x2], $0x4000, $0x38;
	[tilespmem:$0x4800] =	vst v63  }
0x26: {  	_ =	swait.ge [sflag:s7], $0x4000  }
0x27: {  	[sflag:s7] =	ssyncset.done $0x0  }
0x28: {  	[sflag:s7] =	ssyncadd.s32 $0xFFFFC000  }
0x29: {  	_ =	sfence.sel $0x180000  }
0x2a: {  	[bflag:$0x0] =	sbarrier.arrive $0xFFFF  }
0x2b: {  	p0 =	sne.s32 s2, $0x0;
	_ =	strace $0x90000050  }
0x2c: {  	s0 =	sadd.s32 @!p0 $0x100000, s0;
	[bflag:$0x2] =	sbarrier.arrive $0xFFFF  }
0x2d: {  	[sflag:s0] =	ssyncadd.tile.s32 @!p0 $0x1;
	_ =	shalt  }
.Lfunc_end2:
_tile_overlayer_lowered:
.L_overlay_start_2:
0x2e: {  	(tag) =	ssettag $0x2  }
0x2f: {  	s0 =	rddreg [dreg:$0x0];
	s2 =	stileid.u32  }
0x30: {  	s1 =	rddreg [dreg:$0x1];
	p0 =	sne.s32 s2, $0x0  }
0x31: {  	s3 =	rddreg [dreg:$0x2];
	[bflag:$0x3] =	sbarrier.arrive $0xFFFF;
	s2 =	simm.s32 @!p0 $0x1C02  }
0x32: {  	[timem:s3], [sflag:s2] =	dma.local @!p0 [hbm:s0], s1  }
0x33: {  	s0 =	simm.s32 @!p0 $0x2  }
0x34: {  	_ =	swait.ge @!p0 [sflag:s0], s1  }
0x35: {  	s1 =	ssub.s32 @!p0 $0x0, s1;
	[sflag:s0] =	ssyncset.done @!p0 $0x0  }
0x36: {  	[sflag:s0] =	ssyncadd.s32 @!p0 s1  }
0x37: {  	[bflag:$0x3] =	sbarrier.arrive $0xFFFF  }
0x38: {  	_ =	shalt  }

// kernel: kernel.27.cloned.1.call-start
scs
__scs_entry_jumppad:
0x0: {  	(pc) =	sbr.rel $0x88, $3  }
0x1: {  	(tag) =	ssettag $0x0;
	lr =	simm.s32 $0x1  }
0x2: {  	[smem:$0x3F8C] =	sst lr;
	_ =	strace $0xD0000000  }
0x3: {  	_ = 	snop  }
0x4: {  	_ = 	snop  }
0x5: {  	_ = 	snop  }
0x6: {  	_ = 	snop  }
0x7: {  	_ = 	snop  }
__scs_overlays_trampoline_lowered:
0x8: {  	[smem:$0x3F9B] =	sst s0  }
0x9: {  	[smem:$0x3F9C] =	sst s1  }
0xa: {  	[smem:$0x3F9D] =	sst s2  }
0xb: {  	[smem:$0x3F9E] =	sst s3  }
0xc: {  	[smem:$0x3F9F] =	sst s4  }
0xd: {  	[smem:$0x3FA0] =	sst s5  }
0xe: {  	[smem:$0x3FA1] =	sst s6  }
0xf: {  	[smem:$0x3FA2] =	sst s7  }
0x10: {  	[smem:$0x3FA3] =	sst s8  }
0x11: {  	[smem:$0x3FA4] =	sst s9;
	s0 =	simm.s32 @!p0 $0x0  }
0x12: {  	s1 =	sld [smem:$0x3F8A];
	s0 =	simm.s32 @p0 $0x1  }
0x13: {  	[smem:$0x3FA5] =	sst s0;
	s0 =	simm.s32 @!p1 $0x0  }
0x14: {  	s2 =	sld [smem:$0x3F89];
	s0 =	simm.s32 @p1 $0x1  }
0x15: {  	[smem:$0x3FA6] =	sst s0;
	s0 =	simm.s32 @!p2 $0x0  }
0x16: {  	s3 =	sld [smem:$0x3FDB];
	s0 =	simm.s32 @p2 $0x1  }
0x17: {  	s4 =	simm.s32 $0x1BF5;
	[smem:$0x3FA8] =	sst s0  }
0x18: {  	s0 =	sld [smem:$0x3F8B];
	_ =	swait.ge [sflag:s4], $0x0  }
0x19: {  	s7 =	sld [smem:$0x3F8C]  }
0x1a: {  	s8 =	sadd.s32 $0xFFFFE003, lr  }
0x1b: {  	s9 =	sadd.s32 $0xFFFFFEF7, lr;
	s5 =	simm.s32 $0xFFFFFFFF;
	p2 =	slt.u32 s8, $0xFFFFF086  }
0x1c: {  	p1 =	slt.u32 s9, $0xF7A;
	s5 =	simm.s32 @!p2 $0x0  }
0x1d: {  	s5 =	simm.s32 @p1 $0x1;
	p0 =	seq.s32 s7, s2  }
0x1e: {  	s7 =	smul.u32 @!p0 $0xF7A, s2;
	p2 =	seq.s32 @!p0 s5, $0x0  }
0x1f: {  	s9 =	smul.u32 $0xF7A, s1;
	s8 =	simm.s32 @!p0 $0x1BF5;
	p2 =	por !p2, p0  }
0x20: {  	[sflag:s8] =	ssyncset.s32 @!p0 $0xFFFFF086;
	s6 =	sadd.s32 @!p0 s3, s7;
	s7 =	simm.s32 @!p0 $0x108  }
0x21: {  	s3 =	sadd.s32 s3, s9;
	s6 =	sadd.s32 @!p0 $0x88, s6;
	s7 =	simm.s32 @p2 $0x1082  }
0x22: {  	[simem:s7], [sflag:s8] =	dma.local @!p0 [hbm:s6], $0xF7A  }
0x23: {  	s9 =	sor.u32 $0xD0000000, s2;
	s6 =	simm.s32 $0x108;
	_ =	swait.ge @!p0 [sflag:s8], $0x0  }
0x24: {  	s3 =	sadd.s32 $0x88, s3;
	s6 =	simm.s32 @!p1 $0x1082;
	[sflag:s4] =	ssyncset.s32 $0xFFFFF086  }
0x25: {  	[simem:s6], [sflag:s4] =	dma.local [hbm:s3], $0xF7A  }
0x26: {  	[smem:$0x3F8C] =	sst s1;
	(tag) =	ssettag s2;
	_ =	strace s9  }
0x27: {  	s1 =	sld [smem:$0x3F9C]  }
0x28: {  	s2 =	sld [smem:$0x3F9D]  }
0x29: {  	s4 =	sld [smem:$0x3F9F]  }
0x2a: {  	p0 =	seq.s32 s5, $0x0;
	s5 =	sld [smem:$0x3FA0]  }
0x2b: {  	s6 =	sld [smem:$0x3FA1]  }
0x2c: {  	s7 =	sld [smem:$0x3FA2]  }
0x2d: {  	s3 =	simm.s32 $0x108;
	s8 =	sld [smem:$0x3FA3]  }
0x2e: {  	s3 =	simm.s32 @!p0 $0x1082;
	s9 =	sld [smem:$0x3FA4]  }
0x2f: {  	lr =	sadd.s32 s0, s3;
	s0 =	sld [smem:$0x3F9B]  }
0x30: {  	s3 =	sld [smem:$0x3F9E]  }
0x31: {  	[smem:$0x3FA7] =	sst s10  }
0x32: {  	s10 =	sld [smem:$0x3FA5];
	_ =	sdelay $0x3  }
0x33: {  	p0 =	seq.s32 s10, $0x1;
	s10 =	sld [smem:$0x3FA7];
	_ =	sdelay $0x3  }
0x34: {  	[smem:$0x3FA7] =	sst s10  }
0x35: {  	s10 =	sld [smem:$0x3FA6];
	_ =	sdelay $0x3  }
0x36: {  	p1 =	seq.s32 s10, $0x1;
	s10 =	sld [smem:$0x3FA7];
	_ =	sdelay $0x3  }
0x37: {  	[smem:$0x3FA7] =	sst s10  }
0x38: {  	s10 =	sld [smem:$0x3FA8]  }
0x39: {  	_ = 	snop;
	(pc) =	sbr.ind lr, $3  }
0x3a: {  	_ = 	snop  }
0x3b: {  	_ = 	snop  }
0x3c: {  	p2 =	seq.s32 s10, $0x1;
	s10 =	sld [smem:$0x3FA7]  }
0x3d: {  	_ =	shalt  }
0x3e: {  	_ =	shalt  }
0x3f: {  	_ =	shalt  }
0x40: {  	_ =	shalt  }
0x41: {  	_ =	shalt  }
0x42: {  	_ =	shalt  }
0x43: {  	_ =	shalt  }
0x44: {  	_ =	shalt  }
0x45: {  	_ =	shalt  }
0x46: {  	_ =	shalt  }
0x47: {  	_ =	shalt  }
0x48: {  	_ =	shalt  }
0x49: {  	_ =	shalt  }
0x4a: {  	_ =	shalt  }
0x4b: {  	_ =	shalt  }
0x4c: {  	_ =	shalt  }
0x4d: {  	_ =	shalt  }
0x4e: {  	_ =	shalt  }
0x4f: {  	_ =	shalt  }
0x50: {  	_ =	shalt  }
0x51: {  	_ =	shalt  }
0x52: {  	_ =	shalt  }
0x53: {  	_ =	shalt  }
0x54: {  	_ =	shalt  }
0x55: {  	_ =	shalt  }
0x56: {  	_ =	shalt  }
0x57: {  	_ =	shalt  }
0x58: {  	_ =	shalt  }
0x59: {  	_ =	shalt  }
0x5a: {  	_ =	shalt  }
0x5b: {  	_ =	shalt  }
0x5c: {  	_ =	shalt  }
0x5d: {  	_ =	shalt  }
0x5e: {  	_ =	shalt  }
0x5f: {  	_ =	shalt  }
0x60: {  	_ =	shalt  }
0x61: {  	_ =	shalt  }
0x62: {  	_ =	shalt  }
0x63: {  	_ =	shalt  }
0x64: {  	_ =	shalt  }
0x65: {  	_ =	shalt  }
0x66: {  	_ =	shalt  }
0x67: {  	_ =	shalt  }
0x68: {  	_ =	shalt  }
0x69: {  	_ =	shalt  }
0x6a: {  	_ =	shalt  }
0x6b: {  	_ =	shalt  }
0x6c: {  	_ =	shalt  }
0x6d: {  	_ =	shalt  }
0x6e: {  	_ =	shalt  }
0x6f: {  	_ =	shalt  }
0x70: {  	_ =	shalt  }
0x71: {  	_ =	shalt  }
0x72: {  	_ =	shalt  }
0x73: {  	_ =	shalt  }
0x74: {  	_ =	shalt  }
0x75: {  	_ =	shalt  }
0x76: {  	_ =	shalt  }
0x77: {  	_ =	shalt  }
0x78: {  	_ =	shalt  }
0x79: {  	_ =	shalt  }
0x7a: {  	_ =	shalt  }
0x7b: {  	_ =	shalt  }
0x7c: {  	_ =	shalt  }
0x7d: {  	_ =	shalt  }
0x7e: {  	_ =	shalt  }
0x7f: {  	_ =	shalt  }
0x80: {  	_ =	shalt  }
0x81: {  	_ =	shalt  }
0x82: {  	_ =	shalt  }
0x83: {  	_ =	shalt  }
0x84: {  	_ =	shalt  }
0x85: {  	_ =	shalt  }
0x86: {  	_ =	shalt  }
0x87: {  	_ =	shalt  }
.Lfunc_end0:
.L_simem_size_0:
called_computation.4_lowered:
.L_overlay_start_0:
0x88: {  	s2 =	sld [smem:$0x3FD9]  }
0x89: {  	s3 =	sld [smem:$0x3FFE];
	_ =	sdelay $0x1  }
0x8a: {  	s1 =	srdreg.scid  }
0x8b: {  	s0 =	sand.u32 $0x1, s1  }
0x8c: {  	s16 =	sshll.u32 s0, $0xA;
	s2 =	sadd.s32 s3, s2  }
0x8d: {  	s2 =	sadd.s32 s2, s16  }
0x8e: {  	[smem:$0x3FB3] =	sst s2  }
0x8f: {  	_ = 	snop  }
0x90: {  	(tm) =	ssettm $0x1  }
0x91: {  	s17 =	sld [smem:$0x3FFB];
	_ =	sdelay $0x3  }
0x92: {  	_ =	strace s17  }
0x93: {  	s2 =	sld [smem:$0x3FFC];
	_ =	sdelay $0x3  }
0x94: {  	_ =	strace s2  }
0x95: {  	s2 =	sld [smem:$0x3FFD];
	_ =	sdelay $0x3  }
0x96: {  	_ =	strace s2  }
0x97: {  	_ =	strace $0x8FFFFFFF  }
0x98: {  	s18 =	sld [smem:$0x3FDB];
	_ =	sdelay $0x1  }
0x99: {  	s19 =	simm.s32 $_scs_section_size  }
0x9a: {  	s4 =	simm.s32 $_size__tile_overlayer_lowered;
	s5 =	simm.s32 $_tile_overlayer_lowered  }
0x9b: {  	s22 =	simm.s32 $0x1BFF;
	s21 =	sshll.u32 s5, $0x1;
	s2 =	sadd.s32 s19, s18  }
0x9c: {  	s6 =	simm.s32 $0x0;
	s20 =	sshll.u32 s4, $0x1;
	s4 =	sadd.s32 s21, s2  }
0x9d: {  	[timem:s6], [sflag:s22] =	dma.local [hbm:s4], s20  }
0x9e: {  	_ =	swait.ge [sflag:s22], s20  }
0x9f: {  	s3 =	ssub.s32 $0x0, s20;
	[sflag:s22] =	ssyncset.done $0x0  }
0xa0: {  	[sflag:s22] =	ssyncadd.s32 s3;
	_ =	sdelay $0x1  }
0xa1: {  	s23 =	simm.s32 $0x1B8B  }
0xa2: {  	_ =	swait.ge [sflag:s23], $0x1  }
0xa3: {  	[sflag:s23] =	ssyncset.done $0x0  }
0xa4: {  	s25 =	simm.s32 $0x1B8E;
	s24 =	sld [smem:$0x3FFE];
	[sflag:s23] =	ssyncadd.s32 $0xFFFFFFFF  }
0xa5: {  	s26 =	simm.s32 $execute0_lowered;
	[smem:$0x3FD2] =	sst s25  }
0xa6: {  	s4 =	sshll.u32 s26, $0x1;
	_ =	strace $0x80000052;
	[dreg:$0x1] =	wrdreg $0xFFFFFFFF  }
0xa7: {  	s28 =	simm.s32 $_size_execute0_lowered;
	s2 =	sadd.s32 s2, s4;
	[dreg:$0x0] =	wrdreg $0x0  }
0xa8: {  	s4 =	sshll.u32 s28, $0x1;
	[dreg:$0x2] =	wrdreg s2  }
0xa9: {  	[dreg:$0x3] =	wrdreg s4  }
0xaa: {  	[dreg:$0x4] =	wrdreg $0xC0  }
0xab: {  	_ =	task [dreg:s6], $0x5FFFF  }
0xac: {  	[dreg:$0x1] =	wrdreg $0xFFFFFFFF  }
0xad: {  	[dreg:$0x0] =	wrdreg $0x60  }
0xae: {  	[dreg:$0x2] =	wrdreg s24  }
0xaf: {  	[dreg:$0x3] =	wrdreg $0x48000  }
0xb0: {  	[dreg:$0x4] =	wrdreg $0x9  }
0xb1: {  	_ =	task.clear_ibuf [dreg:s6], $0x5FFFF;
	_ =	strace $0x90000052  }
0xb2: {  	s29 =	simm.s32 $0x9;
	_ =	strace $0x80000054  }
0xb3: {  	_ =	swait.ge [sflag:s29], $0x1  }
0xb4: {  	[sflag:s29] =	ssyncadd.s32 $0xFFFFFFFF  }
0xb5: {  	_ =	strace $0x90000054  }
0xb6: {  	_ =	sfence  }
0xb7: {  	s30 =	sld [smem:$0x0];
	_ =	sdelay $0x2  }
0xb8: {  	s31 =	sshll.u32 s1, $0xD;
	s1 =	sshrl.u32 s1, $0x2  }
0xb9: {  	s3 =	sand.u32 $0x4000, s31;
	s1 =	sadd.s32 s1, s30  }
0xba: {  	s0 =	sor.u32 s3, s0;
	s1 =	sshll.u32 s1, $0x11  }
0xbb: {  	s0 =	sor.u32 s1, s0  }
0xbc: {  	s0 =	sadd.s32 $0x8F2B, s0  }
0xbd: {  	[sflag:s0] =	ssyncadd.remote.s32 $0x1  }
0xbe: {  	_ =	sfence.sel $0xFFFF  }
0xbf: {  	[dreg:$0x0] =	wrdreg $0xFFFFFFFF;
	(pc) =	sbr.abs _section_cstart, $3  }
0xc0: {  	[dreg:$0x1] =	wrdreg $0xFFFFFFFF  }
0xc1: {  	_ =	task.clear_ibuf [dreg:s6], $0x2FFFF;
	_ =	strace $0x9FFFFFFF  }
0xc2: {  	(tm) =	ssettm $0x7FFFFFFF  }
0xc3: {  	_ =	shalt  }
tec
execute0_lowered:
.L_overlay_start_1:
0x0: {  	(tag) =	ssettag $0x1  }
0x1: {  	s5 =	rddreg [dreg:$0x0]  }
0x2: {  	s2 =	rddreg [dreg:$0x1]  }
0x3: {  	s0 =	rddreg [dreg:$0x2];
	s1 =	stileid.u32  }
0x4: {  	s3 =	simm.s32 $0x0;
	s6 =	srdreg.scid;
	s19 =	simm.s32 $0x2  }
0x5: {  	s20 =	simm.s32 $0x1;
	s21 =	simm.s32 $0x80;
	s4 =	smul.u32 $0xF000, s1  }
0x6: {  	[smem:$0x7FF] =	sst s3;
	s12 =	sand.u32 $0x1, s6;
	s25 =	smul.u32 $0x280, s1  }
0x7: {  	s7 =	sshll.u32 s1, $0x9;
	s28 =	smul.u32 $0x50000, s1;
	s8 =	sshll.u32 s12, $0x8  }
0x8: {  	s9 =	smul.u32 $0x2800, s12;
	_ =	strace $0x80000053;
	s29 =	ssub.s32 $0x2, s12  }
0x9: {  	s18 =	smul.u32 $0x7800, s12;
	s17 =	sadd.s32 s4, s5;
	s26 =	sor.u32 s8, s7  }
0xa: {  	s4 =	sadd.s32 $0x196E00, s5;
	s30 =	sshrl.u32 s29, $0x1;
	s31 =	sshrl.u32 s28, $0x2  }
0xb: {  	s7 =	sadd.s32 s26, s5;
	s6 =	sadd.s32 s9, s25;
	s13 =	ssub.s32 s29, s30  }
0xc: {  	s17 =	sadd.s32 s18, s17;
	s18 =	simm.s32 $0x800;
	s6 =	sshll.u32 s6, $0x4  }
0xd: {  	s17 =	sadd.s32 $0x4FA800, s17;
	s16 =	sadd.s32 s6, s5;
	s5 =	sadd.s32 s31, s2  }
0xe: {  	s6 =	sadd.s32 $0x197600, s7;
	s7 =	sadd.s32 $0x4000, s5;
	s8 =	sadd.s32 $0x8000, s5  }
0xf: {  	s9 =	sadd.s32 $0xC000, s5;
	s10 =	sadd.s32 $0x10000, s5;
	s11 =	sadd.s32 $0x146E00, s16  }
0x10: {  	s12 =	smax.u32 s13, $0x1;
	s13 =	sadd.s32 $0x147600, s16;
	s14 =	sadd.s32 $0x147E00, s16  }
0x11: {  	s22 =	simm.s32 $0x0;
	s15 =	sadd.s32 $0x148600, s16;
	s16 =	sadd.s32 $0x148E00, s16  }
.LBB2_1:
0x12: {  	[tilespmem:s18], [sflag:$0x2] =	stream.linear.gather [hbm4b:s4+s3], $0x4000, $0x38;
	[tilespmem:$0x18800] =	vst v63  }
0x13: {  	_ =	swait.ge [sflag:s19], $0x4000  }
0x14: {  	[sflag:s19] =	ssyncset.done $0x0  }
0x15: {  	[sflag:s19] =	ssyncadd.s32 $0xFFFFC000  }
0x16: {  	[spmem:s5] =	stream.linear.scatter [tilespmem:s18], [sflag:$0x1], $0x4000, $0x38;
	[tilespmem:$0x18800] =	vst v63  }
0x17: {  	_ =	swait.ge [sflag:s20], $0x4000  }
0x18: {  	[sflag:s20] =	ssyncset.done $0x0  }
0x19: {  	[sflag:s20] =	ssyncadd.s32 $0xFFFFC000  }
0x1a: {  	[spmem:s7] =	stream.linear.scatter [tilespmem:s18], [sflag:$0x1], $0x4000, $0x38;
	[tilespmem:$0x18800] =	vst v63  }
0x1b: {  	_ =	swait.ge [sflag:s20], $0x4000  }
0x1c: {  	[sflag:s20] =	ssyncset.done $0x0  }
0x1d: {  	[sflag:s20] =	ssyncadd.s32 $0xFFFFC000  }
0x1e: {  	[spmem:s8] =	stream.linear.scatter [tilespmem:s18], [sflag:$0x1], $0x4000, $0x38;
	[tilespmem:$0x18800] =	vst v63  }
0x1f: {  	_ =	swait.ge [sflag:s20], $0x4000  }
0x20: {  	[sflag:s20] =	ssyncset.done $0x0  }
0x21: {  	[sflag:s20] =	ssyncadd.s32 $0xFFFFC000  }
0x22: {  	[spmem:s9] =	stream.linear.scatter [tilespmem:s18], [sflag:$0x1], $0x4000, $0x38;
	[tilespmem:$0x18800] =	vst v63  }
0x23: {  	_ =	swait.ge [sflag:s20], $0x4000  }
0x24: {  	[sflag:s20] =	ssyncset.done $0x0  }
0x25: {  	[sflag:s20] =	ssyncadd.s32 $0xFFFFC000  }
0x26: {  	[spmem:s10] =	stream.linear.scatter [tilespmem:s18], [sflag:$0x1], $0x4000, $0x38;
	[tilespmem:$0x18800] =	vst v63  }
0x27: {  	_ =	swait.ge [sflag:s20], $0x4000  }
0x28: {  	[sflag:s20] =	ssyncset.done $0x0  }
0x29: {  	[sflag:s20] =	ssyncadd.s32 $0xFFFFC000  }
0x2a: {  	[tilespmem:s3], [sflag:$0x2] =	stream.linear.gather [hbm4b:s6+s3], $0x780, $0x38;
	[tilespmem:$0x18800] =	vst v63  }
0x2b: {  	_ =	swait.ge [sflag:s19], $0x780  }
0x2c: {  	[sflag:s19] =	ssyncset.done $0x0  }
0x2d: {  	[sflag:s19] =	ssyncadd.s32 $0xFFFFF880  }
0x2e: {  	[bflag:$0x0] =	sbarrier.arrive $0xFFFF  }
0x2f: {  	[tilespmem:s18], [sflag:$0x2] =	stream.linear.gather [hbm4b:s17+s3], $0x4000, $0x38;
	[tilespmem:$0x18800] =	vst v63  }
0x30: {  	_ =	swait.ge [sflag:s19], $0x4000  }
0x31: {  	[sflag:s19] =	ssyncset.done $0x0  }
0x32: {  	s23 =	simm.s32 $0x0;
	[sflag:s19] =	ssyncadd.s32 $0xFFFFC000  }
0x33: {  	[spmem:s2] =	stream.indirect.scatter.add.f32 [tilespmem:s18], [sflag:$0x2], $0x80, s23, s21, $0xb8;
	[tilespmem:$0x18800] =	vst v63  }
0x34: {  	_ =	swait.ge [sflag:s19], $0x4000  }
0x35: {  	s24 =	smov.u32 s17;
	s23 =	simm.s32 $0x200;
	[sflag:s19] =	ssyncset.done $0x0  }
.LBB2_2:
0x36: {  	p0 =	sne.s32 s23, $0x1C00;
	[sflag:s19] =	ssyncadd.s32 $0xFFFFC000;
	s24 =	sadd.s32 $0x800, s24  }
0x37: {  	[tilespmem:s18], [sflag:$0x2] =	stream.linear.gather [hbm4b:s24+s3], $0x4000, $0x38;
	[tilespmem:$0x18800] =	vst v63  }
0x38: {  	s25 =	smov.u32 s23;
	s23 =	sadd.s32 $0x200, s23;
	_ =	swait.ge [sflag:s19], $0x4000  }
.Ltmp0:
0x39: {  	[sflag:s19] =	ssyncset.done $0x0;
	(pc) =	sbr.rel @p0 .LBB2_2-.Ltmp0, $4  }
0x3a: {  	s25 =	sshra.s32 s25, $0x2;
	[sflag:s19] =	ssyncadd.s32 $0xFFFFC000  }
0x3b: {  	[spmem:s2] =	stream.indirect.scatter.add.f32 [tilespmem:s18], [sflag:$0x2], $0x80, s25, s21, $0xb8;
	[tilespmem:$0x18800] =	vst v63  }
0x3c: {  	_ =	swait.ge [sflag:s19], $0x4000  }
0x3d: {  	[sflag:s19] =	ssyncset.done $0x0  }
0x3e: {  	[sflag:s19] =	ssyncadd.s32 $0xFFFFC000  }
0x3f: {  	[bflag:$0x0] =	sbarrier.arrive $0xFFFF  }
0x40: {  	[tilespmem:s18], [sflag:$0x1] =	stream.linear.gather [spmem:s5], $0x4000, $0x38;
	[tilespmem:$0x18800] =	vst v63  }
0x41: {  	_ =	swait.ge [sflag:s20], $0x4000  }
0x42: {  	[sflag:s20] =	ssyncset.done $0x0  }
0x43: {  	[sflag:s20] =	ssyncadd.s32 $0xFFFFC000  }
0x44: {  	[hbm4b:s11+s3] =	stream.linear.scatter [tilespmem:s18], [sflag:$0x2], $0x4000, $0x38;
	[tilespmem:$0x18800] =	vst v63  }
0x45: {  	_ =	swait.ge [sflag:s19], $0x4000  }
0x46: {  	[sflag:s19] =	ssyncset.done $0x0  }
0x47: {  	[sflag:s19] =	ssyncadd.s32 $0xFFFFC000  }
0x48: {  	[tilespmem:s18], [sflag:$0x1] =	stream.linear.gather [spmem:s7], $0x4000, $0x38;
	[tilespmem:$0x18800] =	vst v63  }
0x49: {  	_ =	swait.ge [sflag:s20], $0x4000  }
0x4a: {  	[sflag:s20] =	ssyncset.done $0x0  }
0x4b: {  	[sflag:s20] =	ssyncadd.s32 $0xFFFFC000  }
0x4c: {  	[hbm4b:s13+s3] =	stream.linear.scatter [tilespmem:s18], [sflag:$0x2], $0x4000, $0x38;
	[tilespmem:$0x18800] =	vst v63  }
0x4d: {  	_ =	swait.ge [sflag:s19], $0x4000  }
0x4e: {  	[sflag:s19] =	ssyncset.done $0x0  }
0x4f: {  	[sflag:s19] =	ssyncadd.s32 $0xFFFFC000  }
0x50: {  	[tilespmem:s18], [sflag:$0x1] =	stream.linear.gather [spmem:s8], $0x4000, $0x38;
	[tilespmem:$0x18800] =	vst v63  }
0x51: {  	_ =	swait.ge [sflag:s20], $0x4000  }
0x52: {  	[sflag:s20] =	ssyncset.done $0x0  }
0x53: {  	[sflag:s20] =	ssyncadd.s32 $0xFFFFC000  }
0x54: {  	[hbm4b:s14+s3] =	stream.linear.scatter [tilespmem:s18], [sflag:$0x2], $0x4000, $0x38;
	[tilespmem:$0x18800] =	vst v63  }
0x55: {  	_ =	swait.ge [sflag:s19], $0x4000  }
0x56: {  	[sflag:s19] =	ssyncset.done $0x0  }
0x57: {  	[sflag:s19] =	ssyncadd.s32 $0xFFFFC000  }
0x58: {  	[tilespmem:s18], [sflag:$0x1] =	stream.linear.gather [spmem:s9], $0x4000, $0x38;
	[tilespmem:$0x18800] =	vst v63  }
0x59: {  	_ =	swait.ge [sflag:s20], $0x4000  }
0x5a: {  	[sflag:s20] =	ssyncset.done $0x0  }
0x5b: {  	[sflag:s20] =	ssyncadd.s32 $0xFFFFC000  }
0x5c: {  	[hbm4b:s15+s3] =	stream.linear.scatter [tilespmem:s18], [sflag:$0x2], $0x4000, $0x38;
	[tilespmem:$0x18800] =	vst v63  }
0x5d: {  	_ =	swait.ge [sflag:s19], $0x4000  }
0x5e: {  	[sflag:s19] =	ssyncset.done $0x0  }
0x5f: {  	[sflag:s19] =	ssyncadd.s32 $0xFFFFC000  }
0x60: {  	[tilespmem:s18], [sflag:$0x1] =	stream.linear.gather [spmem:s10], $0x4000, $0x38;
	[tilespmem:$0x18800] =	vst v63  }
0x61: {  	s22 =	sadd.s32 $0x1, s22;
	_ =	swait.ge [sflag:s20], $0x4000  }
0x62: {  	p0 =	sne.s32 s22, s12;
	[sflag:s20] =	ssyncset.done $0x0  }
.Ltmp1:
0x63: {  	[sflag:s20] =	ssyncadd.s32 $0xFFFFC000;
	(pc) =	sbr.rel @p0 .LBB2_1-.Ltmp1, $4  }
0x64: {  	[hbm4b:s16+s3] =	stream.linear.scatter [tilespmem:s18], [sflag:$0x2], $0x4000, $0x38;
	[tilespmem:$0x18800] =	vst v63  }
0x65: {  	_ =	swait.ge [sflag:s19], $0x4000  }
0x66: {  	[sflag:s19] =	ssyncset.done $0x0  }
0x67: {  	[sflag:s19] =	ssyncadd.s32 $0xFFFFC000  }
0x68: {  	_ =	sfence.sel $0x180000  }
0x69: {  	[bflag:$0x0] =	sbarrier.arrive $0xFFFF  }
0x6a: {  	p0 =	sne.s32 s1, $0x0;
	_ =	strace $0x90000053  }
0x6b: {  	s0 =	sadd.s32 @!p0 $0x100000, s0;
	[bflag:$0x2] =	sbarrier.arrive $0xFFFF  }
0x6c: {  	[sflag:s0] =	ssyncadd.tile.s32 @!p0 $0x1;
	_ =	shalt  }
.Lfunc_end2:
_tile_overlayer_lowered:
.L_overlay_start_2:
0x6d: {  	(tag) =	ssettag $0x2  }
0x6e: {  	s0 =	rddreg [dreg:$0x0];
	s2 =	stileid.u32  }
0x6f: {  	s1 =	rddreg [dreg:$0x1];
	p0 =	sne.s32 s2, $0x0  }
0x70: {  	s3 =	rddreg [dreg:$0x2];
	[bflag:$0x3] =	sbarrier.arrive $0xFFFF;
	s2 =	simm.s32 @!p0 $0x1C02  }
0x71: {  	[timem:s3], [sflag:s2] =	dma.local @!p0 [hbm:s0], s1  }
0x72: {  	s0 =	simm.s32 @!p0 $0x2  }
0x73: {  	_ =	swait.ge @!p0 [sflag:s0], s1  }
0x74: {  	s1 =	ssub.s32 @!p0 $0x0, s1;
	[sflag:s0] =	ssyncset.done @!p0 $0x0  }
0x75: {  	[sflag:s0] =	ssyncadd.s32 @!p0 s1  }
0x76: {  	[bflag:$0x3] =	sbarrier.arrive $0xFFFF  }
0x77: {  	_ =	shalt  }

// kernel: kernel.30.cloned.1.call-start
scs
__scs_entry_jumppad:
0x0: {  	(pc) =	sbr.rel $0x88, $3  }
0x1: {  	(tag) =	ssettag $0x0;
	lr =	simm.s32 $0x1  }
0x2: {  	[smem:$0x3F8C] =	sst lr;
	_ =	strace $0xD0000000  }
0x3: {  	_ = 	snop  }
0x4: {  	_ = 	snop  }
0x5: {  	_ = 	snop  }
0x6: {  	_ = 	snop  }
0x7: {  	_ = 	snop  }
__scs_overlays_trampoline_lowered:
0x8: {  	[smem:$0x3F9B] =	sst s0  }
0x9: {  	[smem:$0x3F9C] =	sst s1  }
0xa: {  	[smem:$0x3F9D] =	sst s2  }
0xb: {  	[smem:$0x3F9E] =	sst s3  }
0xc: {  	[smem:$0x3F9F] =	sst s4  }
0xd: {  	[smem:$0x3FA0] =	sst s5  }
0xe: {  	[smem:$0x3FA1] =	sst s6  }
0xf: {  	[smem:$0x3FA2] =	sst s7  }
0x10: {  	[smem:$0x3FA3] =	sst s8  }
0x11: {  	[smem:$0x3FA4] =	sst s9;
	s0 =	simm.s32 @!p0 $0x0  }
0x12: {  	s1 =	sld [smem:$0x3F8A];
	s0 =	simm.s32 @p0 $0x1  }
0x13: {  	[smem:$0x3FA5] =	sst s0;
	s0 =	simm.s32 @!p1 $0x0  }
0x14: {  	s2 =	sld [smem:$0x3F89];
	s0 =	simm.s32 @p1 $0x1  }
0x15: {  	[smem:$0x3FA6] =	sst s0;
	s0 =	simm.s32 @!p2 $0x0  }
0x16: {  	s3 =	sld [smem:$0x3FDB];
	s0 =	simm.s32 @p2 $0x1  }
0x17: {  	s4 =	simm.s32 $0x1BF5;
	[smem:$0x3FA8] =	sst s0  }
0x18: {  	s0 =	sld [smem:$0x3F8B];
	_ =	swait.ge [sflag:s4], $0x0  }
0x19: {  	s7 =	sld [smem:$0x3F8C]  }
0x1a: {  	s8 =	sadd.s32 $0xFFFFE003, lr  }
0x1b: {  	s9 =	sadd.s32 $0xFFFFFEF7, lr;
	s5 =	simm.s32 $0xFFFFFFFF;
	p2 =	slt.u32 s8, $0xFFFFF086  }
0x1c: {  	p1 =	slt.u32 s9, $0xF7A;
	s5 =	simm.s32 @!p2 $0x0  }
0x1d: {  	s5 =	simm.s32 @p1 $0x1;
	p0 =	seq.s32 s7, s2  }
0x1e: {  	s7 =	smul.u32 @!p0 $0xF7A, s2;
	p2 =	seq.s32 @!p0 s5, $0x0  }
0x1f: {  	s9 =	smul.u32 $0xF7A, s1;
	s8 =	simm.s32 @!p0 $0x1BF5;
	p2 =	por !p2, p0  }
0x20: {  	[sflag:s8] =	ssyncset.s32 @!p0 $0xFFFFF086;
	s6 =	sadd.s32 @!p0 s3, s7;
	s7 =	simm.s32 @!p0 $0x108  }
0x21: {  	s3 =	sadd.s32 s3, s9;
	s6 =	sadd.s32 @!p0 $0x88, s6;
	s7 =	simm.s32 @p2 $0x1082  }
0x22: {  	[simem:s7], [sflag:s8] =	dma.local @!p0 [hbm:s6], $0xF7A  }
0x23: {  	s9 =	sor.u32 $0xD0000000, s2;
	s6 =	simm.s32 $0x108;
	_ =	swait.ge @!p0 [sflag:s8], $0x0  }
0x24: {  	s3 =	sadd.s32 $0x88, s3;
	s6 =	simm.s32 @!p1 $0x1082;
	[sflag:s4] =	ssyncset.s32 $0xFFFFF086  }
0x25: {  	[simem:s6], [sflag:s4] =	dma.local [hbm:s3], $0xF7A  }
0x26: {  	[smem:$0x3F8C] =	sst s1;
	(tag) =	ssettag s2;
	_ =	strace s9  }
0x27: {  	s1 =	sld [smem:$0x3F9C]  }
0x28: {  	s2 =	sld [smem:$0x3F9D]  }
0x29: {  	s4 =	sld [smem:$0x3F9F]  }
0x2a: {  	p0 =	seq.s32 s5, $0x0;
	s5 =	sld [smem:$0x3FA0]  }
0x2b: {  	s6 =	sld [smem:$0x3FA1]  }
0x2c: {  	s7 =	sld [smem:$0x3FA2]  }
0x2d: {  	s3 =	simm.s32 $0x108;
	s8 =	sld [smem:$0x3FA3]  }
0x2e: {  	s3 =	simm.s32 @!p0 $0x1082;
	s9 =	sld [smem:$0x3FA4]  }
0x2f: {  	lr =	sadd.s32 s0, s3;
	s0 =	sld [smem:$0x3F9B]  }
0x30: {  	s3 =	sld [smem:$0x3F9E]  }
0x31: {  	[smem:$0x3FA7] =	sst s10  }
0x32: {  	s10 =	sld [smem:$0x3FA5];
	_ =	sdelay $0x3  }
0x33: {  	p0 =	seq.s32 s10, $0x1;
	s10 =	sld [smem:$0x3FA7];
	_ =	sdelay $0x3  }
0x34: {  	[smem:$0x3FA7] =	sst s10  }
0x35: {  	s10 =	sld [smem:$0x3FA6];
	_ =	sdelay $0x3  }
0x36: {  	p1 =	seq.s32 s10, $0x1;
	s10 =	sld [smem:$0x3FA7];
	_ =	sdelay $0x3  }
0x37: {  	[smem:$0x3FA7] =	sst s10  }
0x38: {  	s10 =	sld [smem:$0x3FA8]  }
0x39: {  	_ = 	snop;
	(pc) =	sbr.ind lr, $3  }
0x3a: {  	_ = 	snop  }
0x3b: {  	_ = 	snop  }
0x3c: {  	p2 =	seq.s32 s10, $0x1;
	s10 =	sld [smem:$0x3FA7]  }
0x3d: {  	_ =	shalt  }
0x3e: {  	_ =	shalt  }
0x3f: {  	_ =	shalt  }
0x40: {  	_ =	shalt  }
0x41: {  	_ =	shalt  }
0x42: {  	_ =	shalt  }
0x43: {  	_ =	shalt  }
0x44: {  	_ =	shalt  }
0x45: {  	_ =	shalt  }
0x46: {  	_ =	shalt  }
0x47: {  	_ =	shalt  }
0x48: {  	_ =	shalt  }
0x49: {  	_ =	shalt  }
0x4a: {  	_ =	shalt  }
0x4b: {  	_ =	shalt  }
0x4c: {  	_ =	shalt  }
0x4d: {  	_ =	shalt  }
0x4e: {  	_ =	shalt  }
0x4f: {  	_ =	shalt  }
0x50: {  	_ =	shalt  }
0x51: {  	_ =	shalt  }
0x52: {  	_ =	shalt  }
0x53: {  	_ =	shalt  }
0x54: {  	_ =	shalt  }
0x55: {  	_ =	shalt  }
0x56: {  	_ =	shalt  }
0x57: {  	_ =	shalt  }
0x58: {  	_ =	shalt  }
0x59: {  	_ =	shalt  }
0x5a: {  	_ =	shalt  }
0x5b: {  	_ =	shalt  }
0x5c: {  	_ =	shalt  }
0x5d: {  	_ =	shalt  }
0x5e: {  	_ =	shalt  }
0x5f: {  	_ =	shalt  }
0x60: {  	_ =	shalt  }
0x61: {  	_ =	shalt  }
0x62: {  	_ =	shalt  }
0x63: {  	_ =	shalt  }
0x64: {  	_ =	shalt  }
0x65: {  	_ =	shalt  }
0x66: {  	_ =	shalt  }
0x67: {  	_ =	shalt  }
0x68: {  	_ =	shalt  }
0x69: {  	_ =	shalt  }
0x6a: {  	_ =	shalt  }
0x6b: {  	_ =	shalt  }
0x6c: {  	_ =	shalt  }
0x6d: {  	_ =	shalt  }
0x6e: {  	_ =	shalt  }
0x6f: {  	_ =	shalt  }
0x70: {  	_ =	shalt  }
0x71: {  	_ =	shalt  }
0x72: {  	_ =	shalt  }
0x73: {  	_ =	shalt  }
0x74: {  	_ =	shalt  }
0x75: {  	_ =	shalt  }
0x76: {  	_ =	shalt  }
0x77: {  	_ =	shalt  }
0x78: {  	_ =	shalt  }
0x79: {  	_ =	shalt  }
0x7a: {  	_ =	shalt  }
0x7b: {  	_ =	shalt  }
0x7c: {  	_ =	shalt  }
0x7d: {  	_ =	shalt  }
0x7e: {  	_ =	shalt  }
0x7f: {  	_ =	shalt  }
0x80: {  	_ =	shalt  }
0x81: {  	_ =	shalt  }
0x82: {  	_ =	shalt  }
0x83: {  	_ =	shalt  }
0x84: {  	_ =	shalt  }
0x85: {  	_ =	shalt  }
0x86: {  	_ =	shalt  }
0x87: {  	_ =	shalt  }
.Lfunc_end0:
.L_simem_size_0:
called_computation.5_lowered:
.L_overlay_start_0:
0x88: {  	s2 =	sld [smem:$0x3FD9]  }
0x89: {  	s3 =	sld [smem:$0x3FFE];
	_ =	sdelay $0x1  }
0x8a: {  	s1 =	srdreg.scid  }
0x8b: {  	s0 =	sand.u32 $0x1, s1  }
0x8c: {  	s17 =	sshll.u32 s0, $0xA;
	s2 =	sadd.s32 s3, s2  }
0x8d: {  	s2 =	sadd.s32 s2, s17  }
0x8e: {  	[smem:$0x3FB3] =	sst s2  }
0x8f: {  	_ = 	snop  }
0x90: {  	s2 =	sld [smem:$0x3FD0];
	(tm) =	ssettm $0x1  }
0x91: {  	s18 =	sld [smem:$0x3FFB];
	_ =	sdelay $0x3  }
0x92: {  	_ =	strace s18  }
0x93: {  	s3 =	sld [smem:$0x3FFC];
	_ =	sdelay $0x3  }
0x94: {  	_ =	strace s3  }
0x95: {  	s3 =	sld [smem:$0x3FFD];
	_ =	sdelay $0x3  }
0x96: {  	_ =	strace s3  }
0x97: {  	_ =	strace $0x8FFFFFFF  }
0x98: {  	s19 =	sld [smem:$0x3FDB];
	_ =	sdelay $0x1  }
0x99: {  	s4 =	simm.s32 $_scs_section_size  }
0x9a: {  	s5 =	simm.s32 $_size__tile_overlayer_lowered;
	s6 =	simm.s32 $_tile_overlayer_lowered  }
0x9b: {  	s22 =	simm.s32 $0x1BFF;
	s21 =	sshll.u32 s6, $0x1;
	s3 =	sadd.s32 s4, s19  }
0x9c: {  	s7 =	simm.s32 $0x0;
	s20 =	sshll.u32 s5, $0x1;
	s5 =	sadd.s32 s21, s3  }
0x9d: {  	[timem:s7], [sflag:s22] =	dma.local [hbm:s5], s20  }
0x9e: {  	_ =	swait.ge [sflag:s22], s20  }
0x9f: {  	s4 =	ssub.s32 $0x0, s20;
	[sflag:s22] =	ssyncset.done $0x0  }
0xa0: {  	[sflag:s22] =	ssyncadd.s32 s4;
	_ =	sdelay $0x1  }
0xa1: {  	s23 =	simm.s32 $0x1B8B  }
0xa2: {  	_ =	swait.ge [sflag:s23], $0x1  }
0xa3: {  	[sflag:s23] =	ssyncset.done $0x0  }
0xa4: {  	s25 =	simm.s32 $0x1B8E;
	s24 =	sld [smem:$0x3FFE];
	[sflag:s23] =	ssyncadd.s32 $0xFFFFFFFF  }
0xa5: {  	s26 =	simm.s32 $execute0_lowered;
	[smem:$0x3FD2] =	sst s25  }
0xa6: {  	s5 =	sshll.u32 s26, $0x1;
	_ =	strace $0x80000055;
	[dreg:$0x1] =	wrdreg $0xFFFFFFFF  }
0xa7: {  	s28 =	simm.s32 $_size_execute0_lowered;
	s3 =	sadd.s32 s3, s5;
	[dreg:$0x0] =	wrdreg $0x0  }
0xa8: {  	s5 =	sshll.u32 s28, $0x1;
	[dreg:$0x2] =	wrdreg s3  }
0xa9: {  	[dreg:$0x3] =	wrdreg s5  }
0xaa: {  	[dreg:$0x4] =	wrdreg $0xC0  }
0xab: {  	_ =	task [dreg:s7], $0x5FFFF  }
0xac: {  	[dreg:$0x1] =	wrdreg $0xFFFFFFFF  }
0xad: {  	[dreg:$0x0] =	wrdreg $0x60  }
0xae: {  	[dreg:$0x2] =	wrdreg s24  }
0xaf: {  	[dreg:$0x3] =	wrdreg s2  }
0xb0: {  	[dreg:$0x4] =	wrdreg $0x9  }
0xb1: {  	_ =	task.clear_ibuf [dreg:s7], $0x5FFFF;
	_ =	strace $0x90000055  }
0xb2: {  	s29 =	simm.s32 $0x9;
	_ =	strace $0x80000057  }
0xb3: {  	_ =	swait.ge [sflag:s29], $0x1  }
0xb4: {  	[sflag:s29] =	ssyncadd.s32 $0xFFFFFFFF  }
0xb5: {  	_ =	strace $0x90000057  }
0xb6: {  	_ =	sfence  }
0xb7: {  	s30 =	sld [smem:$0x0];
	_ =	sdelay $0x2  }
0xb8: {  	s31 =	sshll.u32 s1, $0xD;
	s1 =	sshrl.u32 s1, $0x2  }
0xb9: {  	s3 =	sand.u32 $0x4000, s31;
	s1 =	sadd.s32 s1, s30  }
0xba: {  	s0 =	sor.u32 s3, s0;
	s1 =	sshll.u32 s1, $0x11  }
0xbb: {  	s0 =	sor.u32 s1, s0  }
0xbc: {  	s0 =	sadd.s32 $0x8F2B, s0  }
0xbd: {  	[sflag:s0] =	ssyncadd.remote.s32 $0x1  }
0xbe: {  	_ =	sfence.sel $0xFFFF  }
0xbf: {  	[dreg:$0x0] =	wrdreg $0xFFFFFFFF;
	(pc) =	sbr.abs _section_cstart, $3  }
0xc0: {  	[dreg:$0x1] =	wrdreg $0xFFFFFFFF  }
0xc1: {  	_ =	task.clear_ibuf [dreg:s7], $0x2FFFF;
	_ =	strace $0x9FFFFFFF  }
0xc2: {  	(tm) =	ssettm $0x7FFFFFFF  }
0xc3: {  	_ =	shalt  }
tec
execute0_lowered:
.L_overlay_start_1:
0x0: {  	(tag) =	ssettag $0x1  }
0x1: {  	s4 =	rddreg [dreg:$0x0]  }
0x2: {  	s5 =	rddreg [dreg:$0x1]  }
0x3: {  	s0 =	rddreg [dreg:$0x2];
	s1 =	simm.s32 $0x0;
	s2 =	srdreg.scid  }
0x4: {  	[smem:$0x7FF] =	sst s1;
	s6 =	sand.u32 $0x1, s2  }
0x5: {  	s2 =	stileid.u32;
	s3 =	sadd.s32 $0x146E00, s4;
	_ =	strace $0x80000056  }
0x6: {  	s7 =	ssub.s32 $0x2, s6;
	s8 =	smul.u32 $0xF000, s2;
	s10 =	sshll.u32 s2, $0x9  }
0x7: {  	s11 =	sshll.u32 s6, $0x8;
	s6 =	smul.u32 $0x7800, s6;
	s9 =	sshrl.u32 s7, $0x1  }
0x8: {  	s31 =	sor.u32 s11, s10;
	s10 =	simm.s32 $0x1;
	s11 =	simm.s32 $0x0  }
0x9: {  	s8 =	sadd.s32 s8, s4;
	s7 =	ssub.s32 s7, s9;
	s4 =	sadd.s32 s5, s31  }
0xa: {  	s9 =	simm.s32 $0x800;
	s5 =	smax.u32 s7, $0x1;
	s6 =	sadd.s32 s6, s8  }
0xb: {  	s7 =	simm.s32 $0x2;
	s8 =	simm.s32 $0x80;
	s6 =	sadd.s32 $0x28E800, s6  }
.LBB2_1:
0xc: {  	[tilespmem:s1], [sflag:$0x2] =	stream.linear.gather [hbm4b:s4+s1], $0x780, $0x38;
	[tilespmem:$0x4800] =	vst v63  }
0xd: {  	_ =	swait.ge [sflag:s7], $0x780  }
0xe: {  	[sflag:s7] =	ssyncset.done $0x0  }
0xf: {  	s12 =	simm.s32 $0x0;
	[sflag:s7] =	ssyncadd.s32 $0xFFFFF880  }
0x10: {  	[tilespmem:s9], [sflag:$0x1] =	stream.indirect.gather [hbm4b:s3+s8], $0x80, s12, s8, $0xb8;
	[tilespmem:$0x4800] =	vst v63  }
0x11: {  	_ =	swait.ge [sflag:s10], $0x4000  }
0x12: {  	[sflag:s10] =	ssyncset.done $0x0  }
0x13: {  	[sflag:s10] =	ssyncadd.s32 $0xFFFFC000  }
0x14: {  	[hbm4b:s6+s1] =	stream.linear.scatter [tilespmem:s9], [sflag:$0x2], $0x4000, $0x38;
	[tilespmem:$0x4800] =	vst v63  }
0x15: {  	s13 =	simm.s32 $0x200;
	_ =	swait.ge [sflag:s7], $0x4000  }
0x16: {  	s14 =	simm.s32 $0x400;
	s12 =	sadd.s32 $0x800, s6;
	[sflag:s7] =	ssyncset.done $0x0  }
.LBB2_2:
0x17: {  	s15 =	sshra.s32 s13, $0x2  }
0x18: {  	[sflag:s7] =	ssyncadd.s32 $0xFFFFC000;
	s13 =	smov.u32 s14;
	s16 =	sadd.s32 $0x200, s14  }
0x19: {  	[tilespmem:s9], [sflag:$0x1] =	stream.indirect.gather [hbm4b:s3+s8], $0x80, s15, s8, $0xb8;
	[tilespmem:$0x4800] =	vst v63  }
0x1a: {  	p0 =	sne.s32 s14, $0x1C00;
	_ =	swait.ge [sflag:s10], $0x4000  }
.Ltmp0:
0x1b: {  	[sflag:s10] =	ssyncset.done $0x0;
	(pc) =	sbr.rel @p0 .LBB2_2-.Ltmp0, $4  }
0x1c: {  	[sflag:s10] =	ssyncadd.s32 $0xFFFFC000  }
0x1d: {  	[hbm4b:s12+s1] =	stream.linear.scatter [tilespmem:s9], [sflag:$0x2], $0x4000, $0x38;
	[tilespmem:$0x4800] =	vst v63  }
0x1e: {  	_ =	swait.ge [sflag:s7], $0x4000  }
0x1f: {  	s14 =	smov.u32 s16;
	s12 =	sadd.s32 $0x800, s12;
	[sflag:s7] =	ssyncset.done $0x0  }
0x20: {  	s13 =	sshra.s32 s13, $0x2;
	[sflag:s7] =	ssyncadd.s32 $0xFFFFC000  }
0x21: {  	[tilespmem:s9], [sflag:$0x1] =	stream.indirect.gather [hbm4b:s3+s8], $0x80, s13, s8, $0xb8;
	[tilespmem:$0x4800] =	vst v63  }
0x22: {  	s11 =	sadd.s32 $0x1, s11;
	_ =	swait.ge [sflag:s10], $0x4000  }
0x23: {  	p0 =	sne.s32 s11, s5;
	[sflag:s10] =	ssyncset.done $0x0  }
.Ltmp1:
0x24: {  	[sflag:s10] =	ssyncadd.s32 $0xFFFFC000;
	(pc) =	sbr.rel @p0 .LBB2_1-.Ltmp1, $4  }
0x25: {  	[hbm4b:s12+s1] =	stream.linear.scatter [tilespmem:s9], [sflag:$0x2], $0x4000, $0x38;
	[tilespmem:$0x4800] =	vst v63  }
0x26: {  	_ =	swait.ge [sflag:s7], $0x4000  }
0x27: {  	[sflag:s7] =	ssyncset.done $0x0  }
0x28: {  	[sflag:s7] =	ssyncadd.s32 $0xFFFFC000  }
0x29: {  	_ =	sfence.sel $0x180000  }
0x2a: {  	[bflag:$0x0] =	sbarrier.arrive $0xFFFF  }
0x2b: {  	p0 =	sne.s32 s2, $0x0;
	_ =	strace $0x90000056  }
0x2c: {  	s0 =	sadd.s32 @!p0 $0x100000, s0;
	[bflag:$0x2] =	sbarrier.arrive $0xFFFF  }
0x2d: {  	[sflag:s0] =	ssyncadd.tile.s32 @!p0 $0x1;
	_ =	shalt  }
.Lfunc_end2:
_tile_overlayer_lowered:
.L_overlay_start_2:
0x2e: {  	(tag) =	ssettag $0x2  }
0x2f: {  	s0 =	rddreg [dreg:$0x0];
	s2 =	stileid.u32  }
0x30: {  	s1 =	rddreg [dreg:$0x1];
	p0 =	sne.s32 s2, $0x0  }
0x31: {  	s3 =	rddreg [dreg:$0x2];
	[bflag:$0x3] =	sbarrier.arrive $0xFFFF;
	s2 =	simm.s32 @!p0 $0x1C02  }
0x32: {  	[timem:s3], [sflag:s2] =	dma.local @!p0 [hbm:s0], s1  }
0x33: {  	s0 =	simm.s32 @!p0 $0x2  }
0x34: {  	_ =	swait.ge @!p0 [sflag:s0], s1  }
0x35: {  	s1 =	ssub.s32 @!p0 $0x0, s1;
	[sflag:s0] =	ssyncset.done @!p0 $0x0  }
0x36: {  	[sflag:s0] =	ssyncadd.s32 @!p0 s1  }
0x37: {  	[bflag:$0x3] =	sbarrier.arrive $0xFFFF  }
0x38: {  	_ =	shalt  }

// kernel: kernel.33.cloned.1.call-start
scs
__scs_entry_jumppad:
0x0: {  	(pc) =	sbr.rel $0x88, $3  }
0x1: {  	(tag) =	ssettag $0x0;
	lr =	simm.s32 $0x1  }
0x2: {  	[smem:$0x3F8C] =	sst lr;
	_ =	strace $0xD0000000  }
0x3: {  	_ = 	snop  }
0x4: {  	_ = 	snop  }
0x5: {  	_ = 	snop  }
0x6: {  	_ = 	snop  }
0x7: {  	_ = 	snop  }
__scs_overlays_trampoline_lowered:
0x8: {  	[smem:$0x3F9B] =	sst s0  }
0x9: {  	[smem:$0x3F9C] =	sst s1  }
0xa: {  	[smem:$0x3F9D] =	sst s2  }
0xb: {  	[smem:$0x3F9E] =	sst s3  }
0xc: {  	[smem:$0x3F9F] =	sst s4  }
0xd: {  	[smem:$0x3FA0] =	sst s5  }
0xe: {  	[smem:$0x3FA1] =	sst s6  }
0xf: {  	[smem:$0x3FA2] =	sst s7  }
0x10: {  	[smem:$0x3FA3] =	sst s8  }
0x11: {  	[smem:$0x3FA4] =	sst s9;
	s0 =	simm.s32 @!p0 $0x0  }
0x12: {  	s1 =	sld [smem:$0x3F8A];
	s0 =	simm.s32 @p0 $0x1  }
0x13: {  	[smem:$0x3FA5] =	sst s0;
	s0 =	simm.s32 @!p1 $0x0  }
0x14: {  	s2 =	sld [smem:$0x3F89];
	s0 =	simm.s32 @p1 $0x1  }
0x15: {  	[smem:$0x3FA6] =	sst s0;
	s0 =	simm.s32 @!p2 $0x0  }
0x16: {  	s3 =	sld [smem:$0x3FDB];
	s0 =	simm.s32 @p2 $0x1  }
0x17: {  	s4 =	simm.s32 $0x1BF5;
	[smem:$0x3FA8] =	sst s0  }
0x18: {  	s0 =	sld [smem:$0x3F8B];
	_ =	swait.ge [sflag:s4], $0x0  }
0x19: {  	s7 =	sld [smem:$0x3F8C]  }
0x1a: {  	s8 =	sadd.s32 $0xFFFFE003, lr  }
0x1b: {  	s9 =	sadd.s32 $0xFFFFFEF7, lr;
	s5 =	simm.s32 $0xFFFFFFFF;
	p2 =	slt.u32 s8, $0xFFFFF086  }
0x1c: {  	p1 =	slt.u32 s9, $0xF7A;
	s5 =	simm.s32 @!p2 $0x0  }
0x1d: {  	s5 =	simm.s32 @p1 $0x1;
	p0 =	seq.s32 s7, s2  }
0x1e: {  	s7 =	smul.u32 @!p0 $0xF7A, s2;
	p2 =	seq.s32 @!p0 s5, $0x0  }
0x1f: {  	s9 =	smul.u32 $0xF7A, s1;
	s8 =	simm.s32 @!p0 $0x1BF5;
	p2 =	por !p2, p0  }
0x20: {  	[sflag:s8] =	ssyncset.s32 @!p0 $0xFFFFF086;
	s6 =	sadd.s32 @!p0 s3, s7;
	s7 =	simm.s32 @!p0 $0x108  }
0x21: {  	s3 =	sadd.s32 s3, s9;
	s6 =	sadd.s32 @!p0 $0x88, s6;
	s7 =	simm.s32 @p2 $0x1082  }
0x22: {  	[simem:s7], [sflag:s8] =	dma.local @!p0 [hbm:s6], $0xF7A  }
0x23: {  	s9 =	sor.u32 $0xD0000000, s2;
	s6 =	simm.s32 $0x108;
	_ =	swait.ge @!p0 [sflag:s8], $0x0  }
0x24: {  	s3 =	sadd.s32 $0x88, s3;
	s6 =	simm.s32 @!p1 $0x1082;
	[sflag:s4] =	ssyncset.s32 $0xFFFFF086  }
0x25: {  	[simem:s6], [sflag:s4] =	dma.local [hbm:s3], $0xF7A  }
0x26: {  	[smem:$0x3F8C] =	sst s1;
	(tag) =	ssettag s2;
	_ =	strace s9  }
0x27: {  	s1 =	sld [smem:$0x3F9C]  }
0x28: {  	s2 =	sld [smem:$0x3F9D]  }
0x29: {  	s4 =	sld [smem:$0x3F9F]  }
0x2a: {  	p0 =	seq.s32 s5, $0x0;
	s5 =	sld [smem:$0x3FA0]  }
0x2b: {  	s6 =	sld [smem:$0x3FA1]  }
0x2c: {  	s7 =	sld [smem:$0x3FA2]  }
0x2d: {  	s3 =	simm.s32 $0x108;
	s8 =	sld [smem:$0x3FA3]  }
0x2e: {  	s3 =	simm.s32 @!p0 $0x1082;
	s9 =	sld [smem:$0x3FA4]  }
0x2f: {  	lr =	sadd.s32 s0, s3;
	s0 =	sld [smem:$0x3F9B]  }
0x30: {  	s3 =	sld [smem:$0x3F9E]  }
0x31: {  	[smem:$0x3FA7] =	sst s10  }
0x32: {  	s10 =	sld [smem:$0x3FA5];
	_ =	sdelay $0x3  }
0x33: {  	p0 =	seq.s32 s10, $0x1;
	s10 =	sld [smem:$0x3FA7];
	_ =	sdelay $0x3  }
0x34: {  	[smem:$0x3FA7] =	sst s10  }
0x35: {  	s10 =	sld [smem:$0x3FA6];
	_ =	sdelay $0x3  }
0x36: {  	p1 =	seq.s32 s10, $0x1;
	s10 =	sld [smem:$0x3FA7];
	_ =	sdelay $0x3  }
0x37: {  	[smem:$0x3FA7] =	sst s10  }
0x38: {  	s10 =	sld [smem:$0x3FA8]  }
0x39: {  	_ = 	snop;
	(pc) =	sbr.ind lr, $3  }
0x3a: {  	_ = 	snop  }
0x3b: {  	_ = 	snop  }
0x3c: {  	p2 =	seq.s32 s10, $0x1;
	s10 =	sld [smem:$0x3FA7]  }
0x3d: {  	_ =	shalt  }
0x3e: {  	_ =	shalt  }
0x3f: {  	_ =	shalt  }
0x40: {  	_ =	shalt  }
0x41: {  	_ =	shalt  }
0x42: {  	_ =	shalt  }
0x43: {  	_ =	shalt  }
0x44: {  	_ =	shalt  }
0x45: {  	_ =	shalt  }
0x46: {  	_ =	shalt  }
0x47: {  	_ =	shalt  }
0x48: {  	_ =	shalt  }
0x49: {  	_ =	shalt  }
0x4a: {  	_ =	shalt  }
0x4b: {  	_ =	shalt  }
0x4c: {  	_ =	shalt  }
0x4d: {  	_ =	shalt  }
0x4e: {  	_ =	shalt  }
0x4f: {  	_ =	shalt  }
0x50: {  	_ =	shalt  }
0x51: {  	_ =	shalt  }
0x52: {  	_ =	shalt  }
0x53: {  	_ =	shalt  }
0x54: {  	_ =	shalt  }
0x55: {  	_ =	shalt  }
0x56: {  	_ =	shalt  }
0x57: {  	_ =	shalt  }
0x58: {  	_ =	shalt  }
0x59: {  	_ =	shalt  }
0x5a: {  	_ =	shalt  }
0x5b: {  	_ =	shalt  }
0x5c: {  	_ =	shalt  }
0x5d: {  	_ =	shalt  }
0x5e: {  	_ =	shalt  }
0x5f: {  	_ =	shalt  }
0x60: {  	_ =	shalt  }
0x61: {  	_ =	shalt  }
0x62: {  	_ =	shalt  }
0x63: {  	_ =	shalt  }
0x64: {  	_ =	shalt  }
0x65: {  	_ =	shalt  }
0x66: {  	_ =	shalt  }
0x67: {  	_ =	shalt  }
0x68: {  	_ =	shalt  }
0x69: {  	_ =	shalt  }
0x6a: {  	_ =	shalt  }
0x6b: {  	_ =	shalt  }
0x6c: {  	_ =	shalt  }
0x6d: {  	_ =	shalt  }
0x6e: {  	_ =	shalt  }
0x6f: {  	_ =	shalt  }
0x70: {  	_ =	shalt  }
0x71: {  	_ =	shalt  }
0x72: {  	_ =	shalt  }
0x73: {  	_ =	shalt  }
0x74: {  	_ =	shalt  }
0x75: {  	_ =	shalt  }
0x76: {  	_ =	shalt  }
0x77: {  	_ =	shalt  }
0x78: {  	_ =	shalt  }
0x79: {  	_ =	shalt  }
0x7a: {  	_ =	shalt  }
0x7b: {  	_ =	shalt  }
0x7c: {  	_ =	shalt  }
0x7d: {  	_ =	shalt  }
0x7e: {  	_ =	shalt  }
0x7f: {  	_ =	shalt  }
0x80: {  	_ =	shalt  }
0x81: {  	_ =	shalt  }
0x82: {  	_ =	shalt  }
0x83: {  	_ =	shalt  }
0x84: {  	_ =	shalt  }
0x85: {  	_ =	shalt  }
0x86: {  	_ =	shalt  }
0x87: {  	_ =	shalt  }
.Lfunc_end0:
.L_simem_size_0:
called_computation.6_lowered:
.L_overlay_start_0:
0x88: {  	s2 =	sld [smem:$0x3FD9]  }
0x89: {  	s3 =	sld [smem:$0x3FFE];
	_ =	sdelay $0x1  }
0x8a: {  	s1 =	srdreg.scid  }
0x8b: {  	s0 =	sand.u32 $0x1, s1  }
0x8c: {  	s16 =	sshll.u32 s0, $0xA;
	s2 =	sadd.s32 s3, s2  }
0x8d: {  	s2 =	sadd.s32 s2, s16  }
0x8e: {  	[smem:$0x3FB3] =	sst s2  }
0x8f: {  	_ = 	snop  }
0x90: {  	(tm) =	ssettm $0x1  }
0x91: {  	s17 =	sld [smem:$0x3FFB];
	_ =	sdelay $0x3  }
0x92: {  	_ =	strace s17  }
0x93: {  	s2 =	sld [smem:$0x3FFC];
	_ =	sdelay $0x3  }
0x94: {  	_ =	strace s2  }
0x95: {  	s2 =	sld [smem:$0x3FFD];
	_ =	sdelay $0x3  }
0x96: {  	_ =	strace s2  }
0x97: {  	_ =	strace $0x8FFFFFFF  }
0x98: {  	s18 =	sld [smem:$0x3FDB];
	_ =	sdelay $0x1  }
0x99: {  	s19 =	simm.s32 $_scs_section_size  }
0x9a: {  	s4 =	simm.s32 $_size__tile_overlayer_lowered;
	s5 =	simm.s32 $_tile_overlayer_lowered  }
0x9b: {  	s22 =	simm.s32 $0x1BFF;
	s21 =	sshll.u32 s5, $0x1;
	s2 =	sadd.s32 s19, s18  }
0x9c: {  	s6 =	simm.s32 $0x0;
	s20 =	sshll.u32 s4, $0x1;
	s4 =	sadd.s32 s21, s2  }
0x9d: {  	[timem:s6], [sflag:s22] =	dma.local [hbm:s4], s20  }
0x9e: {  	_ =	swait.ge [sflag:s22], s20  }
0x9f: {  	s3 =	ssub.s32 $0x0, s20;
	[sflag:s22] =	ssyncset.done $0x0  }
0xa0: {  	[sflag:s22] =	ssyncadd.s32 s3;
	_ =	sdelay $0x1  }
0xa1: {  	s23 =	simm.s32 $0x1B8B  }
0xa2: {  	_ =	swait.ge [sflag:s23], $0x1  }
0xa3: {  	[sflag:s23] =	ssyncset.done $0x0  }
0xa4: {  	s25 =	simm.s32 $0x1B8E;
	s24 =	sld [smem:$0x3FFE];
	[sflag:s23] =	ssyncadd.s32 $0xFFFFFFFF  }
0xa5: {  	s26 =	simm.s32 $execute0_lowered;
	[smem:$0x3FD2] =	sst s25  }
0xa6: {  	s4 =	sshll.u32 s26, $0x1;
	_ =	strace $0x80000058;
	[dreg:$0x1] =	wrdreg $0xFFFFFFFF  }
0xa7: {  	s28 =	simm.s32 $_size_execute0_lowered;
	s2 =	sadd.s32 s2, s4;
	[dreg:$0x0] =	wrdreg $0x0  }
0xa8: {  	s4 =	sshll.u32 s28, $0x1;
	[dreg:$0x2] =	wrdreg s2  }
0xa9: {  	[dreg:$0x3] =	wrdreg s4  }
0xaa: {  	[dreg:$0x4] =	wrdreg $0xC0  }
0xab: {  	_ =	task [dreg:s6], $0x5FFFF  }
0xac: {  	[dreg:$0x1] =	wrdreg $0xFFFFFFFF  }
0xad: {  	[dreg:$0x0] =	wrdreg $0x60  }
0xae: {  	[dreg:$0x2] =	wrdreg s24  }
0xaf: {  	[dreg:$0x3] =	wrdreg $0x48000  }
0xb0: {  	[dreg:$0x4] =	wrdreg $0x9  }
0xb1: {  	_ =	task.clear_ibuf [dreg:s6], $0x5FFFF;
	_ =	strace $0x90000058  }
0xb2: {  	s29 =	simm.s32 $0x9;
	_ =	strace $0x8000005A  }
0xb3: {  	_ =	swait.ge [sflag:s29], $0x1  }
0xb4: {  	[sflag:s29] =	ssyncadd.s32 $0xFFFFFFFF  }
0xb5: {  	_ =	strace $0x9000005A  }
0xb6: {  	_ =	sfence  }
0xb7: {  	s30 =	sld [smem:$0x0];
	_ =	sdelay $0x2  }
0xb8: {  	s31 =	sshll.u32 s1, $0xD;
	s1 =	sshrl.u32 s1, $0x2  }
0xb9: {  	s3 =	sand.u32 $0x4000, s31;
	s1 =	sadd.s32 s1, s30  }
0xba: {  	s0 =	sor.u32 s3, s0;
	s1 =	sshll.u32 s1, $0x11  }
0xbb: {  	s0 =	sor.u32 s1, s0  }
0xbc: {  	s0 =	sadd.s32 $0x8F2B, s0  }
0xbd: {  	[sflag:s0] =	ssyncadd.remote.s32 $0x1  }
0xbe: {  	_ =	sfence.sel $0xFFFF  }
0xbf: {  	[dreg:$0x0] =	wrdreg $0xFFFFFFFF;
	(pc) =	sbr.abs _section_cstart, $3  }
0xc0: {  	[dreg:$0x1] =	wrdreg $0xFFFFFFFF  }
0xc1: {  	_ =	task.clear_ibuf [dreg:s6], $0x2FFFF;
	_ =	strace $0x9FFFFFFF  }
0xc2: {  	(tm) =	ssettm $0x7FFFFFFF  }
0xc3: {  	_ =	shalt  }
tec
execute0_lowered:
.L_overlay_start_1:
0x0: {  	(tag) =	ssettag $0x1  }
0x1: {  	s5 =	rddreg [dreg:$0x0]  }
0x2: {  	s2 =	rddreg [dreg:$0x1]  }
0x3: {  	s0 =	rddreg [dreg:$0x2];
	s1 =	stileid.u32  }
0x4: {  	s3 =	simm.s32 $0x0;
	s6 =	srdreg.scid;
	s14 =	simm.s32 $0x1  }
0x5: {  	s15 =	simm.s32 $0x80;
	s16 =	simm.s32 $0x0;
	s4 =	smul.u32 $0xF000, s1  }
0x6: {  	[smem:$0x7FF] =	sst s3;
	s6 =	sand.u32 $0x1, s6;
	s7 =	smul.u32 $0xA0, s1  }
0x7: {  	s8 =	sshll.u32 s1, $0x9;
	s28 =	smul.u32 $0x14000, s1;
	s9 =	sshll.u32 s6, $0x8  }
0x8: {  	s10 =	smul.u32 $0xA00, s6;
	_ =	strace $0x80000059;
	s29 =	ssub.s32 $0x2, s6  }
0x9: {  	s13 =	smul.u32 $0x7800, s6;
	s11 =	sadd.s32 s4, s5;
	s26 =	sor.u32 s9, s8  }
0xa: {  	s4 =	sadd.s32 $0x196E00, s5;
	s30 =	sshrl.u32 s29, $0x1;
	s31 =	sshrl.u32 s28, $0x2  }
0xb: {  	s8 =	sadd.s32 s26, s5;
	s7 =	sadd.s32 s7, s10;
	s10 =	ssub.s32 s29, s30  }
0xc: {  	s11 =	sadd.s32 s13, s11;
	s13 =	simm.s32 $0x2;
	s7 =	sshll.u32 s7, $0x4  }
0xd: {  	s11 =	sadd.s32 $0x37E800, s11;
	s12 =	sadd.s32 s7, s5;
	s5 =	sadd.s32 s31, s2  }
0xe: {  	s10 =	smax.u32 s10, $0x1;
	s7 =	sadd.s32 $0x28C800, s8;
	s6 =	sadd.s32 $0x4000, s5  }
0xf: {  	s8 =	sadd.s32 $0x6C00, s12;
	s9 =	sadd.s32 $0x7400, s12;
	s12 =	simm.s32 $0x800  }
.LBB2_1:
0x10: {  	[tilespmem:s12], [sflag:$0x2] =	stream.linear.gather [hbm4b:s4+s3], $0x4000, $0x38;
	[tilespmem:$0x9800] =	vst v63  }
0x11: {  	_ =	swait.ge [sflag:s13], $0x4000  }
0x12: {  	[sflag:s13] =	ssyncset.done $0x0  }
0x13: {  	[sflag:s13] =	ssyncadd.s32 $0xFFFFC000  }
0x14: {  	[spmem:s5] =	stream.linear.scatter [tilespmem:s12], [sflag:$0x1], $0x4000, $0x38;
	[tilespmem:$0x9800] =	vst v63  }
0x15: {  	_ =	swait.ge [sflag:s14], $0x4000  }
0x16: {  	[sflag:s14] =	ssyncset.done $0x0  }
0x17: {  	[sflag:s14] =	ssyncadd.s32 $0xFFFFC000  }
0x18: {  	[spmem:s6] =	stream.linear.scatter [tilespmem:s12], [sflag:$0x1], $0x1000, $0x38;
	[tilespmem:$0x9800] =	vst v63  }
0x19: {  	_ =	swait.ge [sflag:s14], $0x1000  }
0x1a: {  	[sflag:s14] =	ssyncset.done $0x0  }
0x1b: {  	[sflag:s14] =	ssyncadd.s32 $0xFFFFF000  }
0x1c: {  	[tilespmem:s3], [sflag:$0x2] =	stream.linear.gather [hbm4b:s7+s3], $0x780, $0x38;
	[tilespmem:$0x9800] =	vst v63  }
0x1d: {  	_ =	swait.ge [sflag:s13], $0x780  }
0x1e: {  	[sflag:s13] =	ssyncset.done $0x0  }
0x1f: {  	[sflag:s13] =	ssyncadd.s32 $0xFFFFF880  }
0x20: {  	[bflag:$0x0] =	sbarrier.arrive $0xFFFF  }
0x21: {  	[tilespmem:s12], [sflag:$0x2] =	stream.linear.gather [hbm4b:s11+s3], $0x4000, $0x38;
	[tilespmem:$0x9800] =	vst v63  }
0x22: {  	_ =	swait.ge [sflag:s13], $0x4000  }
0x23: {  	[sflag:s13] =	ssyncset.done $0x0  }
0x24: {  	s17 =	simm.s32 $0x0;
	[sflag:s13] =	ssyncadd.s32 $0xFFFFC000  }
0x25: {  	[spmem:s2] =	stream.indirect.scatter.add.f32 [tilespmem:s12], [sflag:$0x2], $0x80, s17, s15, $0xb8;
	[tilespmem:$0x9800] =	vst v63  }
0x26: {  	_ =	swait.ge [sflag:s13], $0x4000  }
0x27: {  	s18 =	smov.u32 s11;
	s17 =	simm.s32 $0x200;
	[sflag:s13] =	ssyncset.done $0x0  }
.LBB2_2:
0x28: {  	p0 =	sne.s32 s17, $0x1C00;
	[sflag:s13] =	ssyncadd.s32 $0xFFFFC000;
	s18 =	sadd.s32 $0x800, s18  }
0x29: {  	[tilespmem:s12], [sflag:$0x2] =	stream.linear.gather [hbm4b:s18+s3], $0x4000, $0x38;
	[tilespmem:$0x9800] =	vst v63  }
0x2a: {  	s19 =	smov.u32 s17;
	s17 =	sadd.s32 $0x200, s17;
	_ =	swait.ge [sflag:s13], $0x4000  }
.Ltmp0:
0x2b: {  	[sflag:s13] =	ssyncset.done $0x0;
	(pc) =	sbr.rel @p0 .LBB2_2-.Ltmp0, $4  }
0x2c: {  	s19 =	sshra.s32 s19, $0x2;
	[sflag:s13] =	ssyncadd.s32 $0xFFFFC000  }
0x2d: {  	[spmem:s2] =	stream.indirect.scatter.add.f32 [tilespmem:s12], [sflag:$0x2], $0x80, s19, s15, $0xb8;
	[tilespmem:$0x9800] =	vst v63  }
0x2e: {  	_ =	swait.ge [sflag:s13], $0x4000  }
0x2f: {  	[sflag:s13] =	ssyncset.done $0x0  }
0x30: {  	[sflag:s13] =	ssyncadd.s32 $0xFFFFC000  }
0x31: {  	[bflag:$0x0] =	sbarrier.arrive $0xFFFF  }
0x32: {  	[tilespmem:s12], [sflag:$0x1] =	stream.linear.gather [spmem:s5], $0x4000, $0x38;
	[tilespmem:$0x9800] =	vst v63  }
0x33: {  	_ =	swait.ge [sflag:s14], $0x4000  }
0x34: {  	[sflag:s14] =	ssyncset.done $0x0  }
0x35: {  	[sflag:s14] =	ssyncadd.s32 $0xFFFFC000  }
0x36: {  	[hbm4b:s8+s3] =	stream.linear.scatter [tilespmem:s12], [sflag:$0x2], $0x4000, $0x38;
	[tilespmem:$0x9800] =	vst v63  }
0x37: {  	_ =	swait.ge [sflag:s13], $0x4000  }
0x38: {  	[sflag:s13] =	ssyncset.done $0x0  }
0x39: {  	[sflag:s13] =	ssyncadd.s32 $0xFFFFC000  }
0x3a: {  	[tilespmem:s12], [sflag:$0x1] =	stream.linear.gather [spmem:s6], $0x1000, $0x38;
	[tilespmem:$0x9800] =	vst v63  }
0x3b: {  	s16 =	sadd.s32 $0x1, s16;
	_ =	swait.ge [sflag:s14], $0x1000  }
0x3c: {  	p0 =	sne.s32 s16, s10;
	[sflag:s14] =	ssyncset.done $0x0  }
.Ltmp1:
0x3d: {  	[sflag:s14] =	ssyncadd.s32 $0xFFFFF000;
	(pc) =	sbr.rel @p0 .LBB2_1-.Ltmp1, $4  }
0x3e: {  	[hbm4b:s9+s3] =	stream.linear.scatter [tilespmem:s12], [sflag:$0x2], $0x1000, $0x38;
	[tilespmem:$0x9800] =	vst v63  }
0x3f: {  	_ =	swait.ge [sflag:s13], $0x1000  }
0x40: {  	[sflag:s13] =	ssyncset.done $0x0  }
0x41: {  	[sflag:s13] =	ssyncadd.s32 $0xFFFFF000  }
0x42: {  	_ =	sfence.sel $0x180000  }
0x43: {  	[bflag:$0x0] =	sbarrier.arrive $0xFFFF  }
0x44: {  	p0 =	sne.s32 s1, $0x0;
	_ =	strace $0x90000059  }
0x45: {  	s0 =	sadd.s32 @!p0 $0x100000, s0;
	[bflag:$0x2] =	sbarrier.arrive $0xFFFF  }
0x46: {  	[sflag:s0] =	ssyncadd.tile.s32 @!p0 $0x1;
	_ =	shalt  }
.Lfunc_end2:
_tile_overlayer_lowered:
.L_overlay_start_2:
0x47: {  	(tag) =	ssettag $0x2  }
0x48: {  	s0 =	rddreg [dreg:$0x0];
	s2 =	stileid.u32  }
0x49: {  	s1 =	rddreg [dreg:$0x1];
	p0 =	sne.s32 s2, $0x0  }
0x4a: {  	s3 =	rddreg [dreg:$0x2];
	[bflag:$0x3] =	sbarrier.arrive $0xFFFF;
	s2 =	simm.s32 @!p0 $0x1C02  }
0x4b: {  	[timem:s3], [sflag:s2] =	dma.local @!p0 [hbm:s0], s1  }
0x4c: {  	s0 =	simm.s32 @!p0 $0x2  }
0x4d: {  	_ =	swait.ge @!p0 [sflag:s0], s1  }
0x4e: {  	s1 =	ssub.s32 @!p0 $0x0, s1;
	[sflag:s0] =	ssyncset.done @!p0 $0x0  }
0x4f: {  	[sflag:s0] =	ssyncadd.s32 @!p0 s1  }
0x50: {  	[bflag:$0x3] =	sbarrier.arrive $0xFFFF  }
0x51: {  	_ =	shalt  }

</sc_bundles>
